<compile_context>
chip_gen: v7x
topology: tpu7x:2x2x1
jax: 0.10.2.dev20260603
libtpu: 0.0.44.dev20260713+nightly
codegen_flags: <defaults>
</compile_context>

<pallas_src>
import functools

import jax
import jax.numpy as jnp
from jax import lax
from jax.experimental import pallas as pl
from jax.experimental.pallas import tpu as pltpu
from jax.experimental.pallas import tpu_sc as plsc

_B = 4096
_D = 1024
_NTOK = 7
_NC = 2
_NS = 16
_NW = _NC * _NS
_EPW = _B // _NW
_NPAIR = _EPW // 2
_PAIR_WORDS = 2 * _NTOK * _D

_CNT = (14, 14, 3, 16, 5, 16, 16)
_OFF = (0, 14, 28, 31, 47, 52, 68)
_VROWS = 84

_TIME_T = tuple(float.fromhex(h) for h in (
    "0x1.322c760000000p-1", "0x1.8db80a0000000p+0", "0x1.8a51e40000000p+1",
    "0x1.6155180000000p+2", "0x1.2d72980000000p+3", "0x1.f4d9080000000p+3",
    "0x1.99be820000000p+4", "0x1.4c2b2a0000000p+5", "0x1.0bcb400000000p+6",
    "0x1.ae53520000000p+6", "0x1.59066a0000000p+7", "0x1.1445b20000000p+8",
    "0x1.ba146a0000000p+8", "0x1.61850c0000000p+9", "0x1.1a9c680000000p+10",
))
_ELO_T = tuple(1200.0 + 100.0 * i for i in range(1, 14))


_I0 = functools.partial(jnp.zeros, (16,), jnp.int32)
_I1 = functools.partial(jnp.full, (16,), 1, jnp.int32)


def _elo_rows(v, off):
    ec = jnp.minimum(jnp.maximum(v, 1200.0), 2500.0)
    lo = _I0()
    one = _I1()
    zero = _I0()
    for a in _ELO_T:
        lo = lo + jnp.where(ec >= a, one, zero)
    lo = jnp.minimum(lo, 12)
    la = 1200.0 + lo.astype(jnp.float32) * 100.0
    tt = jnp.clip((ec - la) / 100.0, 0.0, 1.0)
    return (lo + off) * _D, tt


def _time_rows(v, off):
    u = _I0()
    one = _I1()
    zero = _I0()
    for t in _TIME_T:
        u = u + jnp.where(v >= t, one, zero)
    return (u + off) * _D


def _body(pe, oe, tcc, rt, inc, mt, ot, comb, pos, out,
          tab, stg, posv, f_pe, f_oe, f_rt, f_inc, f_mt, f_ot, tci,
          rowb, tb, sem0, sem1):
    wid = lax.axis_index("s") * _NC + lax.axis_index("c")
    base = wid * _EPW

    pltpu.sync_copy(comb, tab)
    pltpu.sync_copy(pos, posv)
    pltpu.sync_copy(pe.at[pl.ds(base, _EPW)], f_pe)
    pltpu.sync_copy(oe.at[pl.ds(base, _EPW)], f_oe)
    pltpu.sync_copy(rt.at[pl.ds(base, _EPW)], f_rt)
    pltpu.sync_copy(inc.at[pl.ds(base, _EPW)], f_inc)
    pltpu.sync_copy(mt.at[pl.ds(base, _EPW)], f_mt)
    pltpu.sync_copy(ot.at[pl.ds(base, _EPW)], f_ot)
    pltpu.sync_copy(tcc.at[pl.ds(base, _EPW)], tci)

    iota = lax.iota(jnp.int32, 16)

    for t in range(_NTOK):
        @pl.loop(0, _D // 16)
        def _fold_c(c, _t=t):
            pv = posv[pl.ds(_t * _D + c * 16, 16)]

            @plsc.parallel_loop(0, _CNT[_t], unroll=2)
            def _fold_r(r, _pv=pv, _c=c, _o=_OFF[_t]):
                a = pl.ds((_o + r) * _D + _c * 16, 16)
                tab[a] = tab[a] + _pv

    @pl.loop(0, _EPW // 16)
    def _idx(ch):
        s = pl.ds(ch * 16, 16)
        r0, t0 = _elo_rows(f_pe[s], _OFF[0])
        r1, t1 = _elo_rows(f_oe[s], _OFF[1])
        rowb[pl.ds(0 * _EPW + ch * 16, 16)] = r0
        rowb[pl.ds(1 * _EPW + ch * 16, 16)] = r1
        tb[pl.ds(0 * _EPW + ch * 16, 16)] = t0
        tb[pl.ds(1 * _EPW + ch * 16, 16)] = t1
        rowb[pl.ds(2 * _EPW + ch * 16, 16)] = (tci[s] + _OFF[2]) * _D
        rowb[pl.ds(3 * _EPW + ch * 16, 16)] = _time_rows(f_rt[s], _OFF[3])
        iv = f_inc[s]
        zero = _I0()
        ib = (jnp.where(iv == 1.0, _I1(), zero)
              + jnp.where(iv == 2.0, jnp.full((16,), 2, jnp.int32), zero)
              + jnp.where((iv >= 3.0) & (iv < 10.0),
                          jnp.full((16,), 3, jnp.int32), zero)
              + jnp.where(iv >= 10.0, jnp.full((16,), 4, jnp.int32), zero))
        rowb[pl.ds(4 * _EPW + ch * 16, 16)] = (ib + _OFF[4]) * _D
        rowb[pl.ds(5 * _EPW + ch * 16, 16)] = _time_rows(f_mt[s], _OFF[5])
        rowb[pl.ds(6 * _EPW + ch * 16, 16)] = _time_rows(f_ot[s], _OFF[6])

    @pl.loop(0, _NPAIR, step=2)
    def _pairs(g):
        for b in range(2):
            p = g + b
            sem = sem0 if b == 0 else sem1
            cps = [(stg.at[pl.ds((b * _NTOK + tok) * 2, 2)],
                    out.at[tok, pl.ds(base + p * 2, 2)])
                   for tok in range(_NTOK)]

            @pl.when(p >= 2)
            def _drain(_cps=cps, _sem=sem):
                for _s, _d in _cps:
                    pltpu.make_async_copy(_s, _d, _sem).wait()

            for es in range(2):
                e = p * 2 + es
                fe = jnp.zeros((16,), jnp.int32) + e
                bases = [plsc.load_gather(rowb, [fe + (tok * _EPW)])
                         for tok in range(_NTOK)]
                t0 = plsc.load_gather(tb, [fe])
                t1 = plsc.load_gather(tb, [fe + _EPW])
                om0 = 1.0 - t0
                om1 = 1.0 - t1
                u0 = bases[0] + _D
                u1 = bases[1] + _D

                rows = [(b * _NTOK + tok) * 2 + es
                        for tok in range(_NTOK)]

                @plsc.parallel_loop(0, _D // 16, carry=iota, unroll=8)
                def _chunks(c, col, _b=bases, _u0=u0, _u1=u1, _t0=t0,
                            _t1=t1, _om0=om0, _om1=om1, _rw=rows):
                    cw = c * 16
                    vl0 = plsc.load_gather(tab, [_b[0] + col])
                    vu0 = plsc.load_gather(tab, [_u0 + col])
                    stg[_rw[0], pl.ds(cw, 16)] = _om0 * vl0 + _t0 * vu0
                    vl1 = plsc.load_gather(tab, [_b[1] + col])
                    vu1 = plsc.load_gather(tab, [_u1 + col])
                    stg[_rw[1], pl.ds(cw, 16)] = _om1 * vl1 + _t1 * vu1
                    for tok in range(2, _NTOK):
                        v = plsc.load_gather(tab, [_b[tok] + col])
                        stg[_rw[tok], pl.ds(cw, 16)] = v
                    return col + 16

            for _s, _d in cps:
                pltpu.async_copy(_s, _d, sem)

    for b in range(2):
        p = _NPAIR - 2 + b
        sem = sem0 if b == 0 else sem1
        for tok in range(_NTOK):
            pltpu.make_async_copy(
                stg.at[pl.ds((b * _NTOK + tok) * 2, 2)],
                out.at[tok, pl.ds(base + p * 2, 2)], sem).wait()


_sc_call = functools.partial(
    pl.kernel,
    out_type=jax.ShapeDtypeStruct((_NTOK, _B, _D), jnp.float32),
    compiler_params=pltpu.CompilerParams(needs_layout_passes=False),
    mesh=plsc.VectorSubcoreMesh(
        core_axis_name="c", subcore_axis_name="s",
        num_cores=_NC, num_subcores=_NS),
    scratch_types=[
        pltpu.VMEM((_VROWS * _D,), jnp.float32),
        pltpu.VMEM((2 * 2 * _NTOK, _D), jnp.float32),
        pltpu.VMEM((_NTOK * _D,), jnp.float32),
        pltpu.VMEM((_EPW,), jnp.float32),
        pltpu.VMEM((_EPW,), jnp.float32),
        pltpu.VMEM((_EPW,), jnp.float32),
        pltpu.VMEM((_EPW,), jnp.float32),
        pltpu.VMEM((_EPW,), jnp.float32),
        pltpu.VMEM((_EPW,), jnp.float32),
        pltpu.VMEM((_EPW,), jnp.int32),
        pltpu.VMEM((_NTOK * _EPW,), jnp.int32),
        pltpu.VMEM((2 * _EPW,), jnp.float32),
        pltpu.SemaphoreType.DMA,
        pltpu.SemaphoreType.DMA,
    ],
)(_body)


def kernel(player_elo, opp_elo, tc_cat, remaining_time, increment,
           my_last_time, opp_last_time, elo_emb, opp_elo_emb, tc_emb,
           urgency_emb, inc_emb, my_time_emb, opp_time_emb, pos_emb):
    comb = jnp.concatenate(
        [elo_emb, opp_elo_emb, tc_emb, urgency_emb, inc_emb,
         my_time_emb, opp_time_emb], axis=0).reshape(-1)
    out = _sc_call(player_elo, opp_elo, tc_cat.astype(jnp.int32),
                   remaining_time, increment, my_last_time, opp_last_time,
                   comb, pos_emb.reshape(-1))
    return out.transpose(1, 0, 2)

# --- scband reference (transcript-rebuilt; emitter-appended) ---
"""Pipeline reference for scband-token-conditioning-encoder-32847909880327 (READ-ONLY COPY).

The authoritative reference and input builder live on the scoring server;
editing this copy changes nothing except your own understanding.
"""

import jax, jax.numpy as jnp
import numpy as np

B = 4096
D_MODEL = 1024
NUM_ELO_ANCHORS = 14
NUM_TIME_LOG_BINS = 16
NUM_INC_CATEGORIES = 5
NUM_TC_CATEGORIES = 3
NUM_CONDITIONING_TOKENS = 7
ELO_ANCHORS = jnp.array([1200.0, 1300.0, 1400.0, 1500.0, 1600.0, 1700.0, 1800.0, 1900.0, 2000.0, 2100.0, 2200.0, 2300.0, 2400.0, 2500.0], dtype=jnp.float32)


def bin_increment(inc):
    bins = jnp.zeros_like(inc)
    bins = bins + (inc == 1).astype(inc.dtype)
    bins = bins + 2.0 * (inc == 2).astype(inc.dtype)
    bins = bins + 3.0 * ((inc >= 3) & (inc < 10)).astype(inc.dtype)
    bins = bins + 4.0 * (inc >= 10).astype(inc.dtype)
    return bins.astype(jnp.int32)


def log_bin_time(seconds, num_bins=NUM_TIME_LOG_BINS):
    log_time = jnp.log1p(jnp.maximum(seconds, 0.0))
    normalized = log_time / 7.5
    return (jnp.clip(normalized, 0.0, 0.9999) * num_bins).astype(jnp.int32)


def interpolate_elo(elo, table):
    elo_c = jnp.clip(elo, ELO_ANCHORS[0], ELO_ANCHORS[-1])
    below = elo_c[:, None] >= ELO_ANCHORS[None, :]
    lower_idx = jnp.clip(below.sum(axis=1) - 1, 0, NUM_ELO_ANCHORS - 2)
    upper_idx = lower_idx + 1
    la = jnp.take(ELO_ANCHORS, lower_idx)
    ua = jnp.take(ELO_ANCHORS, upper_idx)
    t = jnp.clip((elo_c - la) / (ua - la + 1e-06), 0.0, 1.0)[:, None]
    lower_emb = jnp.take(table, lower_idx, axis=0)
    upper_emb = jnp.take(table, upper_idx, axis=0)
    return (1.0 - t) * lower_emb + t * upper_emb


def setup_inputs(seed: int = 0):
    key = jax.random.key(seed)
    ks = jax.random.split(key, 16)
    player_elo = 1200.0 + jax.random.uniform(ks[0], (B,), dtype=jnp.float32) * 1300.0
    opp_elo = 1200.0 + jax.random.uniform(ks[1], (B,), dtype=jnp.float32) * 1300.0
    tc_cat = jax.random.randint(ks[2], (B,), 0, NUM_TC_CATEGORIES, dtype=jnp.int32)
    remaining_time = jax.random.uniform(ks[3], (B,), dtype=jnp.float32) * 1800.0
    increment = jnp.floor(jax.random.uniform(ks[4], (B,), dtype=jnp.float32) * 12.0)
    my_last_time = jax.random.uniform(ks[5], (B,), dtype=jnp.float32) * 120.0
    opp_last_time = jax.random.uniform(ks[6], (B,), dtype=jnp.float32) * 120.0
    elo_emb = jax.random.normal(ks[7], (NUM_ELO_ANCHORS, D_MODEL), dtype=jnp.float32) * 0.02
    opp_elo_emb = jax.random.normal(ks[8], (NUM_ELO_ANCHORS, D_MODEL), dtype=jnp.float32) * 0.02
    tc_emb = jax.random.normal(ks[9], (NUM_TC_CATEGORIES, D_MODEL), dtype=jnp.float32) * 0.02
    urgency_emb = jax.random.normal(ks[10], (NUM_TIME_LOG_BINS, D_MODEL), dtype=jnp.float32) * 0.02
    inc_emb = jax.random.normal(ks[11], (NUM_INC_CATEGORIES, D_MODEL), dtype=jnp.float32) * 0.02
    my_time_emb = jax.random.normal(ks[12], (NUM_TIME_LOG_BINS, D_MODEL), dtype=jnp.float32) * 0.02
    opp_time_emb = jax.random.normal(ks[13], (NUM_TIME_LOG_BINS, D_MODEL), dtype=jnp.float32) * 0.02
    pos_emb = jax.random.normal(ks[14], (NUM_CONDITIONING_TOKENS, D_MODEL), dtype=jnp.float32) * 0.02
    return {"player_elo": player_elo, "opp_elo": opp_elo, "tc_cat": tc_cat, "remaining_time": remaining_time, "increment": increment, "my_last_time": my_last_time, "opp_last_time": opp_last_time, "elo_emb": elo_emb, "opp_elo_emb": opp_elo_emb, "tc_emb": tc_emb, "urgency_emb": urgency_emb, "inc_emb": inc_emb, "my_time_emb": my_time_emb, "opp_time_emb": opp_time_emb, "pos_emb": pos_emb}


def reference(player_elo, opp_elo, tc_cat, remaining_time, increment, my_last_time, opp_last_time, elo_emb, opp_elo_emb, tc_emb, urgency_emb, inc_emb, my_time_emb, opp_time_emb, pos_emb):
    elo_token = interpolate_elo(player_elo, elo_emb)
    opp_elo_token = interpolate_elo(opp_elo, opp_elo_emb)
    tc_token = jnp.take(tc_emb, tc_cat, axis=0)
    urgency_bins = log_bin_time(remaining_time)
    urgency_token = jnp.take(urgency_emb, urgency_bins, axis=0)
    inc_bins = bin_increment(increment)
    inc_token = jnp.take(inc_emb, inc_bins, axis=0)
    my_time_bins = log_bin_time(my_last_time)
    my_time_token = jnp.take(my_time_emb, my_time_bins, axis=0)
    opp_time_bins = log_bin_time(opp_last_time)
    opp_time_token = jnp.take(opp_time_emb, opp_time_bins, axis=0)
    tokens = jnp.stack([elo_token, opp_elo_token, tc_token, urgency_token, inc_token, my_time_token, opp_time_token], axis=1)
    tokens = tokens + pos_emb[None, :, :]
    return tokens

if __name__ == "__main__":
    import jax
    _d = setup_inputs()
    print(jax.jit(kernel)(*tuple(_d.values())))

</pallas_src>

<mosaic_0001>
#map = affine_map<(d0, d1) -> (0)>
#map1 = affine_map<(d0, d1) -> (0, 0, 0)>
module attributes {stable_mosaic.version = 14 : i64} {
  func.func @_body(%arg0: i32, %arg1: i32, %arg2: memref<4096xf32, #tpu.memory_space<hbm>>, %arg3: memref<4096xf32, #tpu.memory_space<hbm>>, %arg4: memref<4096xi32, #tpu.memory_space<hbm>>, %arg5: memref<4096xf32, #tpu.memory_space<hbm>>, %arg6: memref<4096xf32, #tpu.memory_space<hbm>>, %arg7: memref<4096xf32, #tpu.memory_space<hbm>>, %arg8: memref<4096xf32, #tpu.memory_space<hbm>>, %arg9: memref<86016xf32, #tpu.memory_space<hbm>>, %arg10: memref<7168xf32, #tpu.memory_space<hbm>>, %arg11: memref<7x4096x1024xf32, #tpu.memory_space<hbm>>, %arg12: memref<86016xf32, #tpu.memory_space<vmem>>, %arg13: memref<28x1024xf32, #tpu.memory_space<vmem>>, %arg14: memref<7168xf32, #tpu.memory_space<vmem>>, %arg15: memref<128xf32, #tpu.memory_space<vmem>>, %arg16: memref<128xf32, #tpu.memory_space<vmem>>, %arg17: memref<128xf32, #tpu.memory_space<vmem>>, %arg18: memref<128xf32, #tpu.memory_space<vmem>>, %arg19: memref<128xf32, #tpu.memory_space<vmem>>, %arg20: memref<128xf32, #tpu.memory_space<vmem>>, %arg21: memref<128xi32, #tpu.memory_space<vmem>>, %arg22: memref<896xi32, #tpu.memory_space<vmem>>, %arg23: memref<256xf32, #tpu.memory_space<vmem>>, %arg24: memref<!tpu.dma_semaphore, #tpu.memory_space<semaphore_mem>>, %arg25: memref<!tpu.dma_semaphore, #tpu.memory_space<semaphore_mem>>) attributes {dimension_semantics = [#tpu.dimension_semantics<core_parallel>, #tpu.dimension_semantics<subcore_parallel>], iteration_bounds = array<i64: 2, 16>, scalar_prefetch = 0 : i64, scratch_operands = 14 : i64, tpu.core_type = #tpu.core_type<sc_vector_subcore>, window_params = [{transform_indices = #map}, {transform_indices = #map}, {transform_indices = #map}, {transform_indices = #map}, {transform_indices = #map}, {transform_indices = #map}, {transform_indices = #map}, {transform_indices = #map}, {transform_indices = #map}, {transform_indices = #map1}]} {
    %mul3A = arith.constant 2 : i32
    %mul3A_0 = arith.muli %arg1, %mul3A : i32
    %add3A = arith.addi %mul3A_0, %arg0 : i32
    %mul3A_1 = arith.constant 128 : i32
    %mul3A_2 = arith.muli %add3A, %mul3A_1 : i32
    "tpu.region"() ({
      %run_scoped3A = tpu.sem_alloc : memref<!tpu.dma_semaphore, #tpu.memory_space<semaphore_mem>>
      tpu.enqueue_dma source(%arg9 : memref<86016xf32, #tpu.memory_space<hbm>>) target(%arg12 : memref<86016xf32, #tpu.memory_space<vmem>>) target_semaphore(%run_scoped3A : memref<!tpu.dma_semaphore, #tpu.memory_space<semaphore_mem>>)
      tpu.wait_dma2 semaphore(%run_scoped3A : memref<!tpu.dma_semaphore, #tpu.memory_space<semaphore_mem>>) src(%arg9 : memref<86016xf32, #tpu.memory_space<hbm>>) dst(%arg12 : memref<86016xf32, #tpu.memory_space<vmem>>)
      tpu.yield
    }) : () -> ()
    "tpu.region"() ({
      %run_scoped3A = tpu.sem_alloc : memref<!tpu.dma_semaphore, #tpu.memory_space<semaphore_mem>>
      tpu.enqueue_dma source(%arg10 : memref<7168xf32, #tpu.memory_space<hbm>>) target(%arg14 : memref<7168xf32, #tpu.memory_space<vmem>>) target_semaphore(%run_scoped3A : memref<!tpu.dma_semaphore, #tpu.memory_space<semaphore_mem>>)
      tpu.wait_dma2 semaphore(%run_scoped3A : memref<!tpu.dma_semaphore, #tpu.memory_space<semaphore_mem>>) src(%arg10 : memref<7168xf32, #tpu.memory_space<hbm>>) dst(%arg14 : memref<7168xf32, #tpu.memory_space<vmem>>)
      tpu.yield
    }) : () -> ()
    "tpu.region"() ({
      %run_scoped3A = tpu.sem_alloc : memref<!tpu.dma_semaphore, #tpu.memory_space<semaphore_mem>>
      %dma_start3A = tpu.memref_slice %arg2[%mul3A_2] : memref<4096xf32, #tpu.memory_space<hbm>> -> memref<128xf32, #tpu.memory_space<hbm>>
      %dma_start3A_256 = tpu.memref_slice %arg2[%mul3A_2] : memref<4096xf32, #tpu.memory_space<hbm>> -> memref<128xf32, #tpu.memory_space<hbm>>
      tpu.enqueue_dma source(%dma_start3A_256 : memref<128xf32, #tpu.memory_space<hbm>>) target(%arg15 : memref<128xf32, #tpu.memory_space<vmem>>) target_semaphore(%run_scoped3A : memref<!tpu.dma_semaphore, #tpu.memory_space<semaphore_mem>>)
      %dma_wait3A_257 = tpu.memref_slice %arg2[%mul3A_2] : memref<4096xf32, #tpu.memory_space<hbm>> -> memref<128xf32, #tpu.memory_space<hbm>>
      %dma_wait3A_258 = tpu.memref_slice %arg2[%mul3A_2] : memref<4096xf32, #tpu.memory_space<hbm>> -> memref<128xf32, #tpu.memory_space<hbm>>
      tpu.wait_dma2 semaphore(%run_scoped3A : memref<!tpu.dma_semaphore, #tpu.memory_space<semaphore_mem>>) src(%dma_wait3A_258 : memref<128xf32, #tpu.memory_space<hbm>>) dst(%arg15 : memref<128xf32, #tpu.memory_space<vmem>>)
      tpu.yield
    }) : () -> ()
    "tpu.region"() ({
      %run_scoped3A = tpu.sem_alloc : memref<!tpu.dma_semaphore, #tpu.memory_space<semaphore_mem>>
      %dma_start3A = tpu.memref_slice %arg3[%mul3A_2] : memref<4096xf32, #tpu.memory_space<hbm>> -> memref<128xf32, #tpu.memory_space<hbm>>
      %dma_start3A_256 = tpu.memref_slice %arg3[%mul3A_2] : memref<4096xf32, #tpu.memory_space<hbm>> -> memref<128xf32, #tpu.memory_space<hbm>>
      tpu.enqueue_dma source(%dma_start3A_256 : memref<128xf32, #tpu.memory_space<hbm>>) target(%arg16 : memref<128xf32, #tpu.memory_space<vmem>>) target_semaphore(%run_scoped3A : memref<!tpu.dma_semaphore, #tpu.memory_space<semaphore_mem>>)
      %dma_wait3A_257 = tpu.memref_slice %arg3[%mul3A_2] : memref<4096xf32, #tpu.memory_space<hbm>> -> memref<128xf32, #tpu.memory_space<hbm>>
      %dma_wait3A_258 = tpu.memref_slice %arg3[%mul3A_2] : memref<4096xf32, #tpu.memory_space<hbm>> -> memref<128xf32, #tpu.memory_space<hbm>>
      tpu.wait_dma2 semaphore(%run_scoped3A : memref<!tpu.dma_semaphore, #tpu.memory_space<semaphore_mem>>) src(%dma_wait3A_258 : memref<128xf32, #tpu.memory_space<hbm>>) dst(%arg16 : memref<128xf32, #tpu.memory_space<vmem>>)
      tpu.yield
    }) : () -> ()
    "tpu.region"() ({
      %run_scoped3A = tpu.sem_alloc : memref<!tpu.dma_semaphore, #tpu.memory_space<semaphore_mem>>
      %dma_start3A = tpu.memref_slice %arg5[%mul3A_2] : memref<4096xf32, #tpu.memory_space<hbm>> -> memref<128xf32, #tpu.memory_space<hbm>>
      %dma_start3A_256 = tpu.memref_slice %arg5[%mul3A_2] : memref<4096xf32, #tpu.memory_space<hbm>> -> memref<128xf32, #tpu.memory_space<hbm>>
      tpu.enqueue_dma source(%dma_start3A_256 : memref<128xf32, #tpu.memory_space<hbm>>) target(%arg17 : memref<128xf32, #tpu.memory_space<vmem>>) target_semaphore(%run_scoped3A : memref<!tpu.dma_semaphore, #tpu.memory_space<semaphore_mem>>)
      %dma_wait3A_257 = tpu.memref_slice %arg5[%mul3A_2] : memref<4096xf32, #tpu.memory_space<hbm>> -> memref<128xf32, #tpu.memory_space<hbm>>
      %dma_wait3A_258 = tpu.memref_slice %arg5[%mul3A_2] : memref<4096xf32, #tpu.memory_space<hbm>> -> memref<128xf32, #tpu.memory_space<hbm>>
      tpu.wait_dma2 semaphore(%run_scoped3A : memref<!tpu.dma_semaphore, #tpu.memory_space<semaphore_mem>>) src(%dma_wait3A_258 : memref<128xf32, #tpu.memory_space<hbm>>) dst(%arg17 : memref<128xf32, #tpu.memory_space<vmem>>)
      tpu.yield
    }) : () -> ()
    "tpu.region"() ({
      %run_scoped3A = tpu.sem_alloc : memref<!tpu.dma_semaphore, #tpu.memory_space<semaphore_mem>>
      %dma_start3A = tpu.memref_slice %arg6[%mul3A_2] : memref<4096xf32, #tpu.memory_space<hbm>> -> memref<128xf32, #tpu.memory_space<hbm>>
      %dma_start3A_256 = tpu.memref_slice %arg6[%mul3A_2] : memref<4096xf32, #tpu.memory_space<hbm>> -> memref<128xf32, #tpu.memory_space<hbm>>
      tpu.enqueue_dma source(%dma_start3A_256 : memref<128xf32, #tpu.memory_space<hbm>>) target(%arg18 : memref<128xf32, #tpu.memory_space<vmem>>) target_semaphore(%run_scoped3A : memref<!tpu.dma_semaphore, #tpu.memory_space<semaphore_mem>>)
      %dma_wait3A_257 = tpu.memref_slice %arg6[%mul3A_2] : memref<4096xf32, #tpu.memory_space<hbm>> -> memref<128xf32, #tpu.memory_space<hbm>>
      %dma_wait3A_258 = tpu.memref_slice %arg6[%mul3A_2] : memref<4096xf32, #tpu.memory_space<hbm>> -> memref<128xf32, #tpu.memory_space<hbm>>
      tpu.wait_dma2 semaphore(%run_scoped3A : memref<!tpu.dma_semaphore, #tpu.memory_space<semaphore_mem>>) src(%dma_wait3A_258 : memref<128xf32, #tpu.memory_space<hbm>>) dst(%arg18 : memref<128xf32, #tpu.memory_space<vmem>>)
      tpu.yield
    }) : () -> ()
    "tpu.region"() ({
      %run_scoped3A = tpu.sem_alloc : memref<!tpu.dma_semaphore, #tpu.memory_space<semaphore_mem>>
      %dma_start3A = tpu.memref_slice %arg7[%mul3A_2] : memref<4096xf32, #tpu.memory_space<hbm>> -> memref<128xf32, #tpu.memory_space<hbm>>
      %dma_start3A_256 = tpu.memref_slice %arg7[%mul3A_2] : memref<4096xf32, #tpu.memory_space<hbm>> -> memref<128xf32, #tpu.memory_space<hbm>>
      tpu.enqueue_dma source(%dma_start3A_256 : memref<128xf32, #tpu.memory_space<hbm>>) target(%arg19 : memref<128xf32, #tpu.memory_space<vmem>>) target_semaphore(%run_scoped3A : memref<!tpu.dma_semaphore, #tpu.memory_space<semaphore_mem>>)
      %dma_wait3A_257 = tpu.memref_slice %arg7[%mul3A_2] : memref<4096xf32, #tpu.memory_space<hbm>> -> memref<128xf32, #tpu.memory_space<hbm>>
      %dma_wait3A_258 = tpu.memref_slice %arg7[%mul3A_2] : memref<4096xf32, #tpu.memory_space<hbm>> -> memref<128xf32, #tpu.memory_space<hbm>>
      tpu.wait_dma2 semaphore(%run_scoped3A : memref<!tpu.dma_semaphore, #tpu.memory_space<semaphore_mem>>) src(%dma_wait3A_258 : memref<128xf32, #tpu.memory_space<hbm>>) dst(%arg19 : memref<128xf32, #tpu.memory_space<vmem>>)
      tpu.yield
    }) : () -> ()
    "tpu.region"() ({
      %run_scoped3A = tpu.sem_alloc : memref<!tpu.dma_semaphore, #tpu.memory_space<semaphore_mem>>
      %dma_start3A = tpu.memref_slice %arg8[%mul3A_2] : memref<4096xf32, #tpu.memory_space<hbm>> -> memref<128xf32, #tpu.memory_space<hbm>>
      %dma_start3A_256 = tpu.memref_slice %arg8[%mul3A_2] : memref<4096xf32, #tpu.memory_space<hbm>> -> memref<128xf32, #tpu.memory_space<hbm>>
      tpu.enqueue_dma source(%dma_start3A_256 : memref<128xf32, #tpu.memory_space<hbm>>) target(%arg20 : memref<128xf32, #tpu.memory_space<vmem>>) target_semaphore(%run_scoped3A : memref<!tpu.dma_semaphore, #tpu.memory_space<semaphore_mem>>)
      %dma_wait3A_257 = tpu.memref_slice %arg8[%mul3A_2] : memref<4096xf32, #tpu.memory_space<hbm>> -> memref<128xf32, #tpu.memory_space<hbm>>
      %dma_wait3A_258 = tpu.memref_slice %arg8[%mul3A_2] : memref<4096xf32, #tpu.memory_space<hbm>> -> memref<128xf32, #tpu.memory_space<hbm>>
      tpu.wait_dma2 semaphore(%run_scoped3A : memref<!tpu.dma_semaphore, #tpu.memory_space<semaphore_mem>>) src(%dma_wait3A_258 : memref<128xf32, #tpu.memory_space<hbm>>) dst(%arg20 : memref<128xf32, #tpu.memory_space<vmem>>)
      tpu.yield
    }) : () -> ()
    "tpu.region"() ({
      %run_scoped3A = tpu.sem_alloc : memref<!tpu.dma_semaphore, #tpu.memory_space<semaphore_mem>>
      %dma_start3A = tpu.memref_slice %arg4[%mul3A_2] : memref<4096xi32, #tpu.memory_space<hbm>> -> memref<128xi32, #tpu.memory_space<hbm>>
      %dma_start3A_256 = tpu.memref_slice %arg4[%mul3A_2] : memref<4096xi32, #tpu.memory_space<hbm>> -> memref<128xi32, #tpu.memory_space<hbm>>
      tpu.enqueue_dma source(%dma_start3A_256 : memref<128xi32, #tpu.memory_space<hbm>>) target(%arg21 : memref<128xi32, #tpu.memory_space<vmem>>) target_semaphore(%run_scoped3A : memref<!tpu.dma_semaphore, #tpu.memory_space<semaphore_mem>>)
      %dma_wait3A_257 = tpu.memref_slice %arg4[%mul3A_2] : memref<4096xi32, #tpu.memory_space<hbm>> -> memref<128xi32, #tpu.memory_space<hbm>>
      %dma_wait3A_258 = tpu.memref_slice %arg4[%mul3A_2] : memref<4096xi32, #tpu.memory_space<hbm>> -> memref<128xi32, #tpu.memory_space<hbm>>
      tpu.wait_dma2 semaphore(%run_scoped3A : memref<!tpu.dma_semaphore, #tpu.memory_space<semaphore_mem>>) src(%dma_wait3A_258 : memref<128xi32, #tpu.memory_space<hbm>>) dst(%arg21 : memref<128xi32, #tpu.memory_space<vmem>>)
      tpu.yield
    }) : () -> ()
    %iota3A = tpu.iota {dimensions = array<i32: 0>} : vector<16xi32>
    %scan3A = arith.constant 0 : i32
    %scan3A_3 = arith.constant 64 : i32
    %scan3A_4 = arith.addi %scan3A, %scan3A_3 : i32
    %scan3A_5 = arith.constant 1 : i32
    scf.for %scan3A_256 = %scan3A to %scan3A_4 step %scan3A_5  : i32 {
      %mul3A_257 = arith.constant 1 : i32
      %mul3A_258 = arith.muli %scan3A_256, %mul3A_257 : i32
      %add3A_259 = arith.constant 0 : i32
      %add3A_260 = arith.addi %add3A_259, %mul3A_258 : i32
      %mul3A_261 = arith.constant 16 : i32
      %mul3A_262 = arith.muli %add3A_260, %mul3A_261 : i32
      %add3A_263 = arith.constant 0 : i32
      %add3A_264 = arith.addi %add3A_263, %mul3A_262 : i32
      %get3A = arith.index_cast %add3A_264 : i32 to index
      %get3A_265 = tpu.vector_load %arg14[%get3A] {strides = array<i32>} : memref<7168xf32, #tpu.memory_space<vmem>>, vector<16xf32>,
      %parallel_loop3A = arith.constant 0 : i32
      %parallel_loop3A_266 = arith.constant 14 : i32
      %parallel_loop3A_267 = arith.constant 1 : i32
      scf.for %parallel_loop3A_268 = %parallel_loop3A to %parallel_loop3A_266 step %parallel_loop3A_267  : i32 {
        %parallel_loop3A_269 = arith.constant 0 : i32
        %parallel_loop3A_270 = arith.addi %parallel_loop3A_269, %parallel_loop3A_268 : i32
        %parallel_loop3A_271 = arith.constant 1024 : i32
        %parallel_loop3A_272 = arith.muli %parallel_loop3A_270, %parallel_loop3A_271 : i32
        %parallel_loop3A_273 = arith.constant 16 : i32
        %parallel_loop3A_274 = arith.muli %add3A_260, %parallel_loop3A_273 : i32
        %parallel_loop3A_275 = arith.addi %parallel_loop3A_272, %parallel_loop3A_274 : i32
        %parallel_loop3A_276 = arith.index_cast %parallel_loop3A_275 : i32 to index
        %parallel_loop3A_277 = tpu.vector_load %arg12[%parallel_loop3A_276] {strides = array<i32>} : memref<86016xf32, #tpu.memory_space<vmem>>, vector<16xf32>,
        %parallel_loop3A_278 = arith.addf %parallel_loop3A_277, %get3A_265 : vector<16xf32>
        %parallel_loop3A_279 = arith.index_cast %parallel_loop3A_275 : i32 to index
        %parallel_loop3A_280 = tpu.vector_load %arg12[%parallel_loop3A_279] {strides = array<i32>} : memref<86016xf32, #tpu.memory_space<vmem>>, vector<16xf32>,
        tpu.vector_store %arg12[%parallel_loop3A_279], %parallel_loop3A_278 {strides = array<i32>} : memref<86016xf32, #tpu.memory_space<vmem>>, vector<16xf32>,
      } {sc.loop_unroll_factor = 2 : i64, sc.parallel_access}
    }
    %scan3A_6 = arith.constant 64 : i32
    %scan3A_7 = arith.constant 0 : i32
    %scan3A_8 = arith.constant 64 : i32
    %scan3A_9 = arith.addi %scan3A_7, %scan3A_8 : i32
    %scan3A_10 = arith.constant 1 : i32
    scf.for %scan3A_256 = %scan3A_7 to %scan3A_9 step %scan3A_10  : i32 {
      %mul3A_257 = arith.constant 1 : i32
      %mul3A_258 = arith.muli %scan3A_256, %mul3A_257 : i32
      %add3A_259 = arith.constant 0 : i32
      %add3A_260 = arith.addi %add3A_259, %mul3A_258 : i32
      %mul3A_261 = arith.constant 16 : i32
      %mul3A_262 = arith.muli %add3A_260, %mul3A_261 : i32
      %add3A_263 = arith.constant 1024 : i32
      %add3A_264 = arith.addi %add3A_263, %mul3A_262 : i32
      %get3A = arith.index_cast %add3A_264 : i32 to index
      %get3A_265 = tpu.vector_load %arg14[%get3A] {strides = array<i32>} : memref<7168xf32, #tpu.memory_space<vmem>>, vector<16xf32>,
      %parallel_loop3A = arith.constant 0 : i32
      %parallel_loop3A_266 = arith.constant 14 : i32
      %parallel_loop3A_267 = arith.constant 1 : i32
      scf.for %parallel_loop3A_268 = %parallel_loop3A to %parallel_loop3A_266 step %parallel_loop3A_267  : i32 {
        %parallel_loop3A_269 = arith.constant 14 : i32
        %parallel_loop3A_270 = arith.addi %parallel_loop3A_269, %parallel_loop3A_268 : i32
        %parallel_loop3A_271 = arith.constant 1024 : i32
        %parallel_loop3A_272 = arith.muli %parallel_loop3A_270, %parallel_loop3A_271 : i32
        %parallel_loop3A_273 = arith.constant 16 : i32
        %parallel_loop3A_274 = arith.muli %add3A_260, %parallel_loop3A_273 : i32
        %parallel_loop3A_275 = arith.addi %parallel_loop3A_272, %parallel_loop3A_274 : i32
        %parallel_loop3A_276 = arith.index_cast %parallel_loop3A_275 : i32 to index
        %parallel_loop3A_277 = tpu.vector_load %arg12[%parallel_loop3A_276] {strides = array<i32>} : memref<86016xf32, #tpu.memory_space<vmem>>, vector<16xf32>,
        %parallel_loop3A_278 = arith.addf %parallel_loop3A_277, %get3A_265 : vector<16xf32>
        %parallel_loop3A_279 = arith.index_cast %parallel_loop3A_275 : i32 to index
        %parallel_loop3A_280 = tpu.vector_load %arg12[%parallel_loop3A_279] {strides = array<i32>} : memref<86016xf32, #tpu.memory_space<vmem>>, vector<16xf32>,
        tpu.vector_store %arg12[%parallel_loop3A_279], %parallel_loop3A_278 {strides = array<i32>} : memref<86016xf32, #tpu.memory_space<vmem>>, vector<16xf32>,
      } {sc.loop_unroll_factor = 2 : i64, sc.parallel_access}
    }
    %scan3A_11 = arith.constant 64 : i32
    %scan3A_12 = arith.constant 0 : i32
    %scan3A_13 = arith.constant 64 : i32
    %scan3A_14 = arith.addi %scan3A_12, %scan3A_13 : i32
    %scan3A_15 = arith.constant 1 : i32
    scf.for %scan3A_256 = %scan3A_12 to %scan3A_14 step %scan3A_15  : i32 {
      %mul3A_257 = arith.constant 1 : i32
      %mul3A_258 = arith.muli %scan3A_256, %mul3A_257 : i32
      %add3A_259 = arith.constant 0 : i32
      %add3A_260 = arith.addi %add3A_259, %mul3A_258 : i32
      %mul3A_261 = arith.constant 16 : i32
      %mul3A_262 = arith.muli %add3A_260, %mul3A_261 : i32
      %add3A_263 = arith.constant 2048 : i32
      %add3A_264 = arith.addi %add3A_263, %mul3A_262 : i32
      %get3A = arith.index_cast %add3A_264 : i32 to index
      %get3A_265 = tpu.vector_load %arg14[%get3A] {strides = array<i32>} : memref<7168xf32, #tpu.memory_space<vmem>>, vector<16xf32>,
      %parallel_loop3A = arith.constant 0 : i32
      %parallel_loop3A_266 = arith.constant 3 : i32
      %parallel_loop3A_267 = arith.constant 1 : i32
      scf.for %parallel_loop3A_268 = %parallel_loop3A to %parallel_loop3A_266 step %parallel_loop3A_267  : i32 {
        %parallel_loop3A_269 = arith.constant 28 : i32
        %parallel_loop3A_270 = arith.addi %parallel_loop3A_269, %parallel_loop3A_268 : i32
        %parallel_loop3A_271 = arith.constant 1024 : i32
        %parallel_loop3A_272 = arith.muli %parallel_loop3A_270, %parallel_loop3A_271 : i32
        %parallel_loop3A_273 = arith.constant 16 : i32
        %parallel_loop3A_274 = arith.muli %add3A_260, %parallel_loop3A_273 : i32
        %parallel_loop3A_275 = arith.addi %parallel_loop3A_272, %parallel_loop3A_274 : i32
        %parallel_loop3A_276 = arith.index_cast %parallel_loop3A_275 : i32 to index
        %parallel_loop3A_277 = tpu.vector_load %arg12[%parallel_loop3A_276] {strides = array<i32>} : memref<86016xf32, #tpu.memory_space<vmem>>, vector<16xf32>,
        %parallel_loop3A_278 = arith.addf %parallel_loop3A_277, %get3A_265 : vector<16xf32>
        %parallel_loop3A_279 = arith.index_cast %parallel_loop3A_275 : i32 to index
        %parallel_loop3A_280 = tpu.vector_load %arg12[%parallel_loop3A_279] {strides = array<i32>} : memref<86016xf32, #tpu.memory_space<vmem>>, vector<16xf32>,
        tpu.vector_store %arg12[%parallel_loop3A_279], %parallel_loop3A_278 {strides = array<i32>} : memref<86016xf32, #tpu.memory_space<vmem>>, vector<16xf32>,
      } {sc.loop_unroll_factor = 2 : i64, sc.parallel_access}
    }
    %scan3A_16 = arith.constant 64 : i32
    %scan3A_17 = arith.constant 0 : i32
    %scan3A_18 = arith.constant 64 : i32
    %scan3A_19 = arith.addi %scan3A_17, %scan3A_18 : i32
    %scan3A_20 = arith.constant 1 : i32
    scf.for %scan3A_256 = %scan3A_17 to %scan3A_19 step %scan3A_20  : i32 {
      %mul3A_257 = arith.constant 1 : i32
      %mul3A_258 = arith.muli %scan3A_256, %mul3A_257 : i32
      %add3A_259 = arith.constant 0 : i32
      %add3A_260 = arith.addi %add3A_259, %mul3A_258 : i32
      %mul3A_261 = arith.constant 16 : i32
      %mul3A_262 = arith.muli %add3A_260, %mul3A_261 : i32
      %add3A_263 = arith.constant 3072 : i32
      %add3A_264 = arith.addi %add3A_263, %mul3A_262 : i32
      %get3A = arith.index_cast %add3A_264 : i32 to index
      %get3A_265 = tpu.vector_load %arg14[%get3A] {strides = array<i32>} : memref<7168xf32, #tpu.memory_space<vmem>>, vector<16xf32>,
      %parallel_loop3A = arith.constant 0 : i32
      %parallel_loop3A_266 = arith.constant 16 : i32
      %parallel_loop3A_267 = arith.constant 1 : i32
      scf.for %parallel_loop3A_268 = %parallel_loop3A to %parallel_loop3A_266 step %parallel_loop3A_267  : i32 {
        %parallel_loop3A_269 = arith.constant 31 : i32
        %parallel_loop3A_270 = arith.addi %parallel_loop3A_269, %parallel_loop3A_268 : i32
        %parallel_loop3A_271 = arith.constant 1024 : i32
        %parallel_loop3A_272 = arith.muli %parallel_loop3A_270, %parallel_loop3A_271 : i32
        %parallel_loop3A_273 = arith.constant 16 : i32
        %parallel_loop3A_274 = arith.muli %add3A_260, %parallel_loop3A_273 : i32
        %parallel_loop3A_275 = arith.addi %parallel_loop3A_272, %parallel_loop3A_274 : i32
        %parallel_loop3A_276 = arith.index_cast %parallel_loop3A_275 : i32 to index
        %parallel_loop3A_277 = tpu.vector_load %arg12[%parallel_loop3A_276] {strides = array<i32>} : memref<86016xf32, #tpu.memory_space<vmem>>, vector<16xf32>,
        %parallel_loop3A_278 = arith.addf %parallel_loop3A_277, %get3A_265 : vector<16xf32>
        %parallel_loop3A_279 = arith.index_cast %parallel_loop3A_275 : i32 to index
        %parallel_loop3A_280 = tpu.vector_load %arg12[%parallel_loop3A_279] {strides = array<i32>} : memref<86016xf32, #tpu.memory_space<vmem>>, vector<16xf32>,
        tpu.vector_store %arg12[%parallel_loop3A_279], %parallel_loop3A_278 {strides = array<i32>} : memref<86016xf32, #tpu.memory_space<vmem>>, vector<16xf32>,
      } {sc.loop_unroll_factor = 2 : i64, sc.parallel_access}
    }
    %scan3A_21 = arith.constant 64 : i32
    %scan3A_22 = arith.constant 0 : i32
    %scan3A_23 = arith.constant 64 : i32
    %scan3A_24 = arith.addi %scan3A_22, %scan3A_23 : i32
    %scan3A_25 = arith.constant 1 : i32
    scf.for %scan3A_256 = %scan3A_22 to %scan3A_24 step %scan3A_25  : i32 {
      %mul3A_257 = arith.constant 1 : i32
      %mul3A_258 = arith.muli %scan3A_256, %mul3A_257 : i32
      %add3A_259 = arith.constant 0 : i32
      %add3A_260 = arith.addi %add3A_259, %mul3A_258 : i32
      %mul3A_261 = arith.constant 16 : i32
      %mul3A_262 = arith.muli %add3A_260, %mul3A_261 : i32
      %add3A_263 = arith.constant 4096 : i32
      %add3A_264 = arith.addi %add3A_263, %mul3A_262 : i32
      %get3A = arith.index_cast %add3A_264 : i32 to index
      %get3A_265 = tpu.vector_load %arg14[%get3A] {strides = array<i32>} : memref<7168xf32, #tpu.memory_space<vmem>>, vector<16xf32>,
      %parallel_loop3A = arith.constant 0 : i32
      %parallel_loop3A_266 = arith.constant 5 : i32
      %parallel_loop3A_267 = arith.constant 1 : i32
      scf.for %parallel_loop3A_268 = %parallel_loop3A to %parallel_loop3A_266 step %parallel_loop3A_267  : i32 {
        %parallel_loop3A_269 = arith.constant 47 : i32
        %parallel_loop3A_270 = arith.addi %parallel_loop3A_269, %parallel_loop3A_268 : i32
        %parallel_loop3A_271 = arith.constant 1024 : i32
        %parallel_loop3A_272 = arith.muli %parallel_loop3A_270, %parallel_loop3A_271 : i32
        %parallel_loop3A_273 = arith.constant 16 : i32
        %parallel_loop3A_274 = arith.muli %add3A_260, %parallel_loop3A_273 : i32
        %parallel_loop3A_275 = arith.addi %parallel_loop3A_272, %parallel_loop3A_274 : i32
        %parallel_loop3A_276 = arith.index_cast %parallel_loop3A_275 : i32 to index
        %parallel_loop3A_277 = tpu.vector_load %arg12[%parallel_loop3A_276] {strides = array<i32>} : memref<86016xf32, #tpu.memory_space<vmem>>, vector<16xf32>,
        %parallel_loop3A_278 = arith.addf %parallel_loop3A_277, %get3A_265 : vector<16xf32>
        %parallel_loop3A_279 = arith.index_cast %parallel_loop3A_275 : i32 to index
        %parallel_loop3A_280 = tpu.vector_load %arg12[%parallel_loop3A_279] {strides = array<i32>} : memref<86016xf32, #tpu.memory_space<vmem>>, vector<16xf32>,
        tpu.vector_store %arg12[%parallel_loop3A_279], %parallel_loop3A_278 {strides = array<i32>} : memref<86016xf32, #tpu.memory_space<vmem>>, vector<16xf32>,
      } {sc.loop_unroll_factor = 2 : i64, sc.parallel_access}
    }
    %scan3A_26 = arith.constant 64 : i32
    %scan3A_27 = arith.constant 0 : i32
    %scan3A_28 = arith.constant 64 : i32
    %scan3A_29 = arith.addi %scan3A_27, %scan3A_28 : i32
    %scan3A_30 = arith.constant 1 : i32
    scf.for %scan3A_256 = %scan3A_27 to %scan3A_29 step %scan3A_30  : i32 {
      %mul3A_257 = arith.constant 1 : i32
      %mul3A_258 = arith.muli %scan3A_256, %mul3A_257 : i32
      %add3A_259 = arith.constant 0 : i32
      %add3A_260 = arith.addi %add3A_259, %mul3A_258 : i32
      %mul3A_261 = arith.constant 16 : i32
      %mul3A_262 = arith.muli %add3A_260, %mul3A_261 : i32
      %add3A_263 = arith.constant 5120 : i32
      %add3A_264 = arith.addi %add3A_263, %mul3A_262 : i32
      %get3A = arith.index_cast %add3A_264 : i32 to index
      %get3A_265 = tpu.vector_load %arg14[%get3A] {strides = array<i32>} : memref<7168xf32, #tpu.memory_space<vmem>>, vector<16xf32>,
      %parallel_loop3A = arith.constant 0 : i32
      %parallel_loop3A_266 = arith.constant 16 : i32
      %parallel_loop3A_267 = arith.constant 1 : i32
      scf.for %parallel_loop3A_268 = %parallel_loop3A to %parallel_loop3A_266 step %parallel_loop3A_267  : i32 {
        %parallel_loop3A_269 = arith.constant 52 : i32
        %parallel_loop3A_270 = arith.addi %parallel_loop3A_269, %parallel_loop3A_268 : i32
        %parallel_loop3A_271 = arith.constant 1024 : i32
        %parallel_loop3A_272 = arith.muli %parallel_loop3A_270, %parallel_loop3A_271 : i32
        %parallel_loop3A_273 = arith.constant 16 : i32
        %parallel_loop3A_274 = arith.muli %add3A_260, %parallel_loop3A_273 : i32
        %parallel_loop3A_275 = arith.addi %parallel_loop3A_272, %parallel_loop3A_274 : i32
        %parallel_loop3A_276 = arith.index_cast %parallel_loop3A_275 : i32 to index
        %parallel_loop3A_277 = tpu.vector_load %arg12[%parallel_loop3A_276] {strides = array<i32>} : memref<86016xf32, #tpu.memory_space<vmem>>, vector<16xf32>,
        %parallel_loop3A_278 = arith.addf %parallel_loop3A_277, %get3A_265 : vector<16xf32>
        %parallel_loop3A_279 = arith.index_cast %parallel_loop3A_275 : i32 to index
        %parallel_loop3A_280 = tpu.vector_load %arg12[%parallel_loop3A_279] {strides = array<i32>} : memref<86016xf32, #tpu.memory_space<vmem>>, vector<16xf32>,
        tpu.vector_store %arg12[%parallel_loop3A_279], %parallel_loop3A_278 {strides = array<i32>} : memref<86016xf32, #tpu.memory_space<vmem>>, vector<16xf32>,
      } {sc.loop_unroll_factor = 2 : i64, sc.parallel_access}
    }
    %scan3A_31 = arith.constant 64 : i32
    %scan3A_32 = arith.constant 0 : i32
    %scan3A_33 = arith.constant 64 : i32
    %scan3A_34 = arith.addi %scan3A_32, %scan3A_33 : i32
    %scan3A_35 = arith.constant 1 : i32
    scf.for %scan3A_256 = %scan3A_32 to %scan3A_34 step %scan3A_35  : i32 {
      %mul3A_257 = arith.constant 1 : i32
      %mul3A_258 = arith.muli %scan3A_256, %mul3A_257 : i32
      %add3A_259 = arith.constant 0 : i32
      %add3A_260 = arith.addi %add3A_259, %mul3A_258 : i32
      %mul3A_261 = arith.constant 16 : i32
      %mul3A_262 = arith.muli %add3A_260, %mul3A_261 : i32
      %add3A_263 = arith.constant 6144 : i32
      %add3A_264 = arith.addi %add3A_263, %mul3A_262 : i32
      %get3A = arith.index_cast %add3A_264 : i32 to index
      %get3A_265 = tpu.vector_load %arg14[%get3A] {strides = array<i32>} : memref<7168xf32, #tpu.memory_space<vmem>>, vector<16xf32>,
      %parallel_loop3A = arith.constant 0 : i32
      %parallel_loop3A_266 = arith.constant 16 : i32
      %parallel_loop3A_267 = arith.constant 1 : i32
      scf.for %parallel_loop3A_268 = %parallel_loop3A to %parallel_loop3A_266 step %parallel_loop3A_267  : i32 {
        %parallel_loop3A_269 = arith.constant 68 : i32
        %parallel_loop3A_270 = arith.addi %parallel_loop3A_269, %parallel_loop3A_268 : i32
        %parallel_loop3A_271 = arith.constant 1024 : i32
        %parallel_loop3A_272 = arith.muli %parallel_loop3A_270, %parallel_loop3A_271 : i32
        %parallel_loop3A_273 = arith.constant 16 : i32
        %parallel_loop3A_274 = arith.muli %add3A_260, %parallel_loop3A_273 : i32
        %parallel_loop3A_275 = arith.addi %parallel_loop3A_272, %parallel_loop3A_274 : i32
        %parallel_loop3A_276 = arith.index_cast %parallel_loop3A_275 : i32 to index
        %parallel_loop3A_277 = tpu.vector_load %arg12[%parallel_loop3A_276] {strides = array<i32>} : memref<86016xf32, #tpu.memory_space<vmem>>, vector<16xf32>,
        %parallel_loop3A_278 = arith.addf %parallel_loop3A_277, %get3A_265 : vector<16xf32>
        %parallel_loop3A_279 = arith.index_cast %parallel_loop3A_275 : i32 to index
        %parallel_loop3A_280 = tpu.vector_load %arg12[%parallel_loop3A_279] {strides = array<i32>} : memref<86016xf32, #tpu.memory_space<vmem>>, vector<16xf32>,
        tpu.vector_store %arg12[%parallel_loop3A_279], %parallel_loop3A_278 {strides = array<i32>} : memref<86016xf32, #tpu.memory_space<vmem>>, vector<16xf32>,
      } {sc.loop_unroll_factor = 2 : i64, sc.parallel_access}
    }
    %scan3A_36 = arith.constant 64 : i32
    %scan3A_37 = arith.constant 0 : i32
    %scan3A_38 = arith.constant 8 : i32
    %scan3A_39 = arith.addi %scan3A_37, %scan3A_38 : i32
    %scan3A_40 = arith.constant 1 : i32
    scf.for %scan3A_256 = %scan3A_37 to %scan3A_39 step %scan3A_40  : i32 {
      %mul3A_257 = arith.constant 1 : i32
      %mul3A_258 = arith.muli %scan3A_256, %mul3A_257 : i32
      %add3A_259 = arith.constant 0 : i32
      %add3A_260 = arith.addi %add3A_259, %mul3A_258 : i32
      %mul3A_261 = arith.constant 16 : i32
      %mul3A_262 = arith.muli %add3A_260, %mul3A_261 : i32
      %get3A = arith.index_cast %mul3A_262 : i32 to index
      %get3A_263 = tpu.vector_load %arg15[%get3A] {strides = array<i32>} : memref<128xf32, #tpu.memory_space<vmem>>, vector<16xf32>,
      %max3A = arith.constant 1.200000e+03 : f32
      %max3A_264 = vector.broadcast %max3A : f32 to vector<16xf32>
      %max3A_265 = arith.maximumf %get3A_263, %max3A_264 : vector<16xf32>
      %min3A = arith.constant 2.500000e+03 : f32
      %min3A_266 = vector.broadcast %min3A : f32 to vector<16xf32>
      %min3A_267 = arith.minimumf %max3A_265, %min3A_266 : vector<16xf32>
      %broadcast_in_dim3A = arith.constant 0 : i32
      %broadcast_in_dim3A_268 = vector.broadcast %broadcast_in_dim3A : i32 to vector<16xi32>
      %broadcast_in_dim3A_269 = arith.constant 1 : i32
      %broadcast_in_dim3A_270 = vector.broadcast %broadcast_in_dim3A_269 : i32 to vector<16xi32>
      %broadcast_in_dim3A_271 = arith.constant 0 : i32
      %broadcast_in_dim3A_272 = vector.broadcast %broadcast_in_dim3A_271 : i32 to vector<16xi32>
      %ge3A = arith.constant 1.300000e+03 : f32
      %ge3A_273 = vector.broadcast %ge3A : f32 to vector<16xf32>
      %ge3A_274 = arith.cmpf oge, %min3A_267, %ge3A_273 : vector<16xf32>
      %select_n3A = arith.select %ge3A_274, %broadcast_in_dim3A_270, %broadcast_in_dim3A_272 : vector<16xi1>, vector<16xi32>
      %add3A_275 = arith.addi %broadcast_in_dim3A_268, %select_n3A : vector<16xi32>
      %ge3A_276 = arith.constant 1.400000e+03 : f32
      %ge3A_277 = vector.broadcast %ge3A_276 : f32 to vector<16xf32>
      %ge3A_278 = arith.cmpf oge, %min3A_267, %ge3A_277 : vector<16xf32>
      %select_n3A_279 = arith.select %ge3A_278, %broadcast_in_dim3A_270, %broadcast_in_dim3A_272 : vector<16xi1>, vector<16xi32>
      %add3A_280 = arith.addi %add3A_275, %select_n3A_279 : vector<16xi32>
      %ge3A_281 = arith.constant 1.500000e+03 : f32
      %ge3A_282 = vector.broadcast %ge3A_281 : f32 to vector<16xf32>
      %ge3A_283 = arith.cmpf oge, %min3A_267, %ge3A_282 : vector<16xf32>
      %select_n3A_284 = arith.select %ge3A_283, %broadcast_in_dim3A_270, %broadcast_in_dim3A_272 : vector<16xi1>, vector<16xi32>
      %add3A_285 = arith.addi %add3A_280, %select_n3A_284 : vector<16xi32>
      %ge3A_286 = arith.constant 1.600000e+03 : f32
      %ge3A_287 = vector.broadcast %ge3A_286 : f32 to vector<16xf32>
      %ge3A_288 = arith.cmpf oge, %min3A_267, %ge3A_287 : vector<16xf32>
      %select_n3A_289 = arith.select %ge3A_288, %broadcast_in_dim3A_270, %broadcast_in_dim3A_272 : vector<16xi1>, vector<16xi32>
      %add3A_290 = arith.addi %add3A_285, %select_n3A_289 : vector<16xi32>
      %ge3A_291 = arith.constant 1.700000e+03 : f32
      %ge3A_292 = vector.broadcast %ge3A_291 : f32 to vector<16xf32>
      %ge3A_293 = arith.cmpf oge, %min3A_267, %ge3A_292 : vector<16xf32>
      %select_n3A_294 = arith.select %ge3A_293, %broadcast_in_dim3A_270, %broadcast_in_dim3A_272 : vector<16xi1>, vector<16xi32>
      %add3A_295 = arith.addi %add3A_290, %select_n3A_294 : vector<16xi32>
      %ge3A_296 = arith.constant 1.800000e+03 : f32
      %ge3A_297 = vector.broadcast %ge3A_296 : f32 to vector<16xf32>
      %ge3A_298 = arith.cmpf oge, %min3A_267, %ge3A_297 : vector<16xf32>
      %select_n3A_299 = arith.select %ge3A_298, %broadcast_in_dim3A_270, %broadcast_in_dim3A_272 : vector<16xi1>, vector<16xi32>
      %add3A_300 = arith.addi %add3A_295, %select_n3A_299 : vector<16xi32>
      %ge3A_301 = arith.constant 1.900000e+03 : f32
      %ge3A_302 = vector.broadcast %ge3A_301 : f32 to vector<16xf32>
      %ge3A_303 = arith.cmpf oge, %min3A_267, %ge3A_302 : vector<16xf32>
      %select_n3A_304 = arith.select %ge3A_303, %broadcast_in_dim3A_270, %broadcast_in_dim3A_272 : vector<16xi1>, vector<16xi32>
      %add3A_305 = arith.addi %add3A_300, %select_n3A_304 : vector<16xi32>
      %ge3A_306 = arith.constant 2.000000e+03 : f32
      %ge3A_307 = vector.broadcast %ge3A_306 : f32 to vector<16xf32>
      %ge3A_308 = arith.cmpf oge, %min3A_267, %ge3A_307 : vector<16xf32>
      %select_n3A_309 = arith.select %ge3A_308, %broadcast_in_dim3A_270, %broadcast_in_dim3A_272 : vector<16xi1>, vector<16xi32>
      %add3A_310 = arith.addi %add3A_305, %select_n3A_309 : vector<16xi32>
      %ge3A_311 = arith.constant 2.100000e+03 : f32
      %ge3A_312 = vector.broadcast %ge3A_311 : f32 to vector<16xf32>
      %ge3A_313 = arith.cmpf oge, %min3A_267, %ge3A_312 : vector<16xf32>
      %select_n3A_314 = arith.select %ge3A_313, %broadcast_in_dim3A_270, %broadcast_in_dim3A_272 : vector<16xi1>, vector<16xi32>
      %add3A_315 = arith.addi %add3A_310, %select_n3A_314 : vector<16xi32>
      %ge3A_316 = arith.constant 2.200000e+03 : f32
      %ge3A_317 = vector.broadcast %ge3A_316 : f32 to vector<16xf32>
      %ge3A_318 = arith.cmpf oge, %min3A_267, %ge3A_317 : vector<16xf32>
      %select_n3A_319 = arith.select %ge3A_318, %broadcast_in_dim3A_270, %broadcast_in_dim3A_272 : vector<16xi1>, vector<16xi32>
      %add3A_320 = arith.addi %add3A_315, %select_n3A_319 : vector<16xi32>
      %ge3A_321 = arith.constant 2.300000e+03 : f32
      %ge3A_322 = vector.broadcast %ge3A_321 : f32 to vector<16xf32>
      %ge3A_323 = arith.cmpf oge, %min3A_267, %ge3A_322 : vector<16xf32>
      %select_n3A_324 = arith.select %ge3A_323, %broadcast_in_dim3A_270, %broadcast_in_dim3A_272 : vector<16xi1>, vector<16xi32>
      %add3A_325 = arith.addi %add3A_320, %select_n3A_324 : vector<16xi32>
      %ge3A_326 = arith.constant 2.400000e+03 : f32
      %ge3A_327 = vector.broadcast %ge3A_326 : f32 to vector<16xf32>
      %ge3A_328 = arith.cmpf oge, %min3A_267, %ge3A_327 : vector<16xf32>
      %select_n3A_329 = arith.select %ge3A_328, %broadcast_in_dim3A_270, %broadcast_in_dim3A_272 : vector<16xi1>, vector<16xi32>
      %add3A_330 = arith.addi %add3A_325, %select_n3A_329 : vector<16xi32>
      %ge3A_331 = arith.constant 2.500000e+03 : f32
      %ge3A_332 = vector.broadcast %ge3A_331 : f32 to vector<16xf32>
      %ge3A_333 = arith.cmpf oge, %min3A_267, %ge3A_332 : vector<16xf32>
      %select_n3A_334 = arith.select %ge3A_333, %broadcast_in_dim3A_270, %broadcast_in_dim3A_272 : vector<16xi1>, vector<16xi32>
      %add3A_335 = arith.addi %add3A_330, %select_n3A_334 : vector<16xi32>
      %min3A_336 = arith.constant 12 : i32
      %min3A_337 = vector.broadcast %min3A_336 : i32 to vector<16xi32>
      %min3A_338 = arith.minsi %add3A_335, %min3A_337 : vector<16xi32>
      %convert_element_type3A = arith.sitofp %min3A_338 : vector<16xi32> to vector<16xf32>
      %mul3A_339 = arith.constant 1.000000e+02 : f32
      %mul3A_340 = vector.broadcast %mul3A_339 : f32 to vector<16xf32>
      %mul3A_341 = arith.mulf %convert_element_type3A, %mul3A_340 : vector<16xf32>
      %add3A_342 = arith.constant 1.200000e+03 : f32
      %add3A_343 = vector.broadcast %add3A_342 : f32 to vector<16xf32>
      %add3A_344 = arith.addf %add3A_343, %mul3A_341 : vector<16xf32>
      %sub3A = arith.subf %min3A_267, %add3A_344 : vector<16xf32>
      %div3A = arith.constant 1.000000e+02 : f32
      %div3A_345 = vector.broadcast %div3A : f32 to vector<16xf32>
      %div3A_346 = arith.divf %sub3A, %div3A_345 : vector<16xf32>
      %jit3A = arith.constant 0.000000e+00 : f32
      %jit3A_347 = arith.constant 1.000000e+00 : f32
      %max3A_348 = vector.broadcast %jit3A : f32 to vector<16xf32>
      %max3A_349 = arith.maximumf %max3A_348, %div3A_346 : vector<16xf32>
      %min3A_350 = vector.broadcast %jit3A_347 : f32 to vector<16xf32>
      %min3A_351 = arith.minimumf %min3A_350, %max3A_349 : vector<16xf32>
      %add3A_352 = arith.constant 0 : i32
      %add3A_353 = vector.broadcast %add3A_352 : i32 to vector<16xi32>
      %add3A_354 = arith.addi %min3A_338, %add3A_353 : vector<16xi32>
      %mul3A_355 = arith.constant 1024 : i32
      %mul3A_356 = vector.broadcast %mul3A_355 : i32 to vector<16xi32>
      %mul3A_357 = arith.muli %add3A_354, %mul3A_356 : vector<16xi32>
      %get3A_358 = arith.index_cast %mul3A_262 : i32 to index
      %get3A_359 = tpu.vector_load %arg16[%get3A_358] {strides = array<i32>} : memref<128xf32, #tpu.memory_space<vmem>>, vector<16xf32>,
      %max3A_360 = arith.constant 1.200000e+03 : f32
      %max3A_361 = vector.broadcast %max3A_360 : f32 to vector<16xf32>
      %max3A_362 = arith.maximumf %get3A_359, %max3A_361 : vector<16xf32>
      %min3A_363 = arith.constant 2.500000e+03 : f32
      %min3A_364 = vector.broadcast %min3A_363 : f32 to vector<16xf32>
      %min3A_365 = arith.minimumf %max3A_362, %min3A_364 : vector<16xf32>
      %broadcast_in_dim3A_366 = arith.constant 0 : i32
      %broadcast_in_dim3A_367 = vector.broadcast %broadcast_in_dim3A_366 : i32 to vector<16xi32>
      %broadcast_in_dim3A_368 = arith.constant 1 : i32
      %broadcast_in_dim3A_369 = vector.broadcast %broadcast_in_dim3A_368 : i32 to vector<16xi32>
      %broadcast_in_dim3A_370 = arith.constant 0 : i32
      %broadcast_in_dim3A_371 = vector.broadcast %broadcast_in_dim3A_370 : i32 to vector<16xi32>
      %ge3A_372 = arith.constant 1.300000e+03 : f32
      %ge3A_373 = vector.broadcast %ge3A_372 : f32 to vector<16xf32>
      %ge3A_374 = arith.cmpf oge, %min3A_365, %ge3A_373 : vector<16xf32>
      %select_n3A_375 = arith.select %ge3A_374, %broadcast_in_dim3A_369, %broadcast_in_dim3A_371 : vector<16xi1>, vector<16xi32>
      %add3A_376 = arith.addi %broadcast_in_dim3A_367, %select_n3A_375 : vector<16xi32>
      %ge3A_377 = arith.constant 1.400000e+03 : f32
      %ge3A_378 = vector.broadcast %ge3A_377 : f32 to vector<16xf32>
      %ge3A_379 = arith.cmpf oge, %min3A_365, %ge3A_378 : vector<16xf32>
      %select_n3A_380 = arith.select %ge3A_379, %broadcast_in_dim3A_369, %broadcast_in_dim3A_371 : vector<16xi1>, vector<16xi32>
      %add3A_381 = arith.addi %add3A_376, %select_n3A_380 : vector<16xi32>
      %ge3A_382 = arith.constant 1.500000e+03 : f32
      %ge3A_383 = vector.broadcast %ge3A_382 : f32 to vector<16xf32>
      %ge3A_384 = arith.cmpf oge, %min3A_365, %ge3A_383 : vector<16xf32>
      %select_n3A_385 = arith.select %ge3A_384, %broadcast_in_dim3A_369, %broadcast_in_dim3A_371 : vector<16xi1>, vector<16xi32>
      %add3A_386 = arith.addi %add3A_381, %select_n3A_385 : vector<16xi32>
      %ge3A_387 = arith.constant 1.600000e+03 : f32
      %ge3A_388 = vector.broadcast %ge3A_387 : f32 to vector<16xf32>
      %ge3A_389 = arith.cmpf oge, %min3A_365, %ge3A_388 : vector<16xf32>
      %select_n3A_390 = arith.select %ge3A_389, %broadcast_in_dim3A_369, %broadcast_in_dim3A_371 : vector<16xi1>, vector<16xi32>
      %add3A_391 = arith.addi %add3A_386, %select_n3A_390 : vector<16xi32>
      %ge3A_392 = arith.constant 1.700000e+03 : f32
      %ge3A_393 = vector.broadcast %ge3A_392 : f32 to vector<16xf32>
      %ge3A_394 = arith.cmpf oge, %min3A_365, %ge3A_393 : vector<16xf32>
      %select_n3A_395 = arith.select %ge3A_394, %broadcast_in_dim3A_369, %broadcast_in_dim3A_371 : vector<16xi1>, vector<16xi32>
      %add3A_396 = arith.addi %add3A_391, %select_n3A_395 : vector<16xi32>
      %ge3A_397 = arith.constant 1.800000e+03 : f32
      %ge3A_398 = vector.broadcast %ge3A_397 : f32 to vector<16xf32>
      %ge3A_399 = arith.cmpf oge, %min3A_365, %ge3A_398 : vector<16xf32>
      %select_n3A_400 = arith.select %ge3A_399, %broadcast_in_dim3A_369, %broadcast_in_dim3A_371 : vector<16xi1>, vector<16xi32>
      %add3A_401 = arith.addi %add3A_396, %select_n3A_400 : vector<16xi32>
      %ge3A_402 = arith.constant 1.900000e+03 : f32
      %ge3A_403 = vector.broadcast %ge3A_402 : f32 to vector<16xf32>
      %ge3A_404 = arith.cmpf oge, %min3A_365, %ge3A_403 : vector<16xf32>
      %select_n3A_405 = arith.select %ge3A_404, %broadcast_in_dim3A_369, %broadcast_in_dim3A_371 : vector<16xi1>, vector<16xi32>
      %add3A_406 = arith.addi %add3A_401, %select_n3A_405 : vector<16xi32>
      %ge3A_407 = arith.constant 2.000000e+03 : f32
      %ge3A_408 = vector.broadcast %ge3A_407 : f32 to vector<16xf32>
      %ge3A_409 = arith.cmpf oge, %min3A_365, %ge3A_408 : vector<16xf32>
      %select_n3A_410 = arith.select %ge3A_409, %broadcast_in_dim3A_369, %broadcast_in_dim3A_371 : vector<16xi1>, vector<16xi32>
      %add3A_411 = arith.addi %add3A_406, %select_n3A_410 : vector<16xi32>
      %ge3A_412 = arith.constant 2.100000e+03 : f32
      %ge3A_413 = vector.broadcast %ge3A_412 : f32 to vector<16xf32>
      %ge3A_414 = arith.cmpf oge, %min3A_365, %ge3A_413 : vector<16xf32>
      %select_n3A_415 = arith.select %ge3A_414, %broadcast_in_dim3A_369, %broadcast_in_dim3A_371 : vector<16xi1>, vector<16xi32>
      %add3A_416 = arith.addi %add3A_411, %select_n3A_415 : vector<16xi32>
      %ge3A_417 = arith.constant 2.200000e+03 : f32
      %ge3A_418 = vector.broadcast %ge3A_417 : f32 to vector<16xf32>
      %ge3A_419 = arith.cmpf oge, %min3A_365, %ge3A_418 : vector<16xf32>
      %select_n3A_420 = arith.select %ge3A_419, %broadcast_in_dim3A_369, %broadcast_in_dim3A_371 : vector<16xi1>, vector<16xi32>
      %add3A_421 = arith.addi %add3A_416, %select_n3A_420 : vector<16xi32>
      %ge3A_422 = arith.constant 2.300000e+03 : f32
      %ge3A_423 = vector.broadcast %ge3A_422 : f32 to vector<16xf32>
      %ge3A_424 = arith.cmpf oge, %min3A_365, %ge3A_423 : vector<16xf32>
      %select_n3A_425 = arith.select %ge3A_424, %broadcast_in_dim3A_369, %broadcast_in_dim3A_371 : vector<16xi1>, vector<16xi32>
      %add3A_426 = arith.addi %add3A_421, %select_n3A_425 : vector<16xi32>
      %ge3A_427 = arith.constant 2.400000e+03 : f32
      %ge3A_428 = vector.broadcast %ge3A_427 : f32 to vector<16xf32>
      %ge3A_429 = arith.cmpf oge, %min3A_365, %ge3A_428 : vector<16xf32>
      %select_n3A_430 = arith.select %ge3A_429, %broadcast_in_dim3A_369, %broadcast_in_dim3A_371 : vector<16xi1>, vector<16xi32>
      %add3A_431 = arith.addi %add3A_426, %select_n3A_430 : vector<16xi32>
      %ge3A_432 = arith.constant 2.500000e+03 : f32
      %ge3A_433 = vector.broadcast %ge3A_432 : f32 to vector<16xf32>
      %ge3A_434 = arith.cmpf oge, %min3A_365, %ge3A_433 : vector<16xf32>
      %select_n3A_435 = arith.select %ge3A_434, %broadcast_in_dim3A_369, %broadcast_in_dim3A_371 : vector<16xi1>, vector<16xi32>
      %add3A_436 = arith.addi %add3A_431, %select_n3A_435 : vector<16xi32>
      %min3A_437 = arith.constant 12 : i32
      %min3A_438 = vector.broadcast %min3A_437 : i32 to vector<16xi32>
      %min3A_439 = arith.minsi %add3A_436, %min3A_438 : vector<16xi32>
      %convert_element_type3A_440 = arith.sitofp %min3A_439 : vector<16xi32> to vector<16xf32>
      %mul3A_441 = arith.constant 1.000000e+02 : f32
      %mul3A_442 = vector.broadcast %mul3A_441 : f32 to vector<16xf32>
      %mul3A_443 = arith.mulf %convert_element_type3A_440, %mul3A_442 : vector<16xf32>
      %add3A_444 = arith.constant 1.200000e+03 : f32
      %add3A_445 = vector.broadcast %add3A_444 : f32 to vector<16xf32>
      %add3A_446 = arith.addf %add3A_445, %mul3A_443 : vector<16xf32>
      %sub3A_447 = arith.subf %min3A_365, %add3A_446 : vector<16xf32>
      %div3A_448 = arith.constant 1.000000e+02 : f32
      %div3A_449 = vector.broadcast %div3A_448 : f32 to vector<16xf32>
      %div3A_450 = arith.divf %sub3A_447, %div3A_449 : vector<16xf32>
      %jit3A_451 = arith.constant 0.000000e+00 : f32
      %jit3A_452 = arith.constant 1.000000e+00 : f32
      %max3A_453 = vector.broadcast %jit3A_451 : f32 to vector<16xf32>
      %max3A_454 = arith.maximumf %max3A_453, %div3A_450 : vector<16xf32>
      %min3A_455 = vector.broadcast %jit3A_452 : f32 to vector<16xf32>
      %min3A_456 = arith.minimumf %min3A_455, %max3A_454 : vector<16xf32>
      %add3A_457 = arith.constant 14 : i32
      %add3A_458 = vector.broadcast %add3A_457 : i32 to vector<16xi32>
      %add3A_459 = arith.addi %min3A_439, %add3A_458 : vector<16xi32>
      %mul3A_460 = arith.constant 1024 : i32
      %mul3A_461 = vector.broadcast %mul3A_460 : i32 to vector<16xi32>
      %mul3A_462 = arith.muli %add3A_459, %mul3A_461 : vector<16xi32>
      %mul3A_463 = arith.constant 16 : i32
      %mul3A_464 = arith.muli %add3A_260, %mul3A_463 : i32
      %add3A_465 = arith.constant 0 : i32
      %add3A_466 = arith.addi %add3A_465, %mul3A_464 : i32
      %swap3A = arith.index_cast %add3A_466 : i32 to index
      %swap3A_467 = tpu.vector_load %arg22[%swap3A] {strides = array<i32>} : memref<896xi32, #tpu.memory_space<vmem>>, vector<16xi32>,
      tpu.vector_store %arg22[%swap3A], %mul3A_357 {strides = array<i32>} : memref<896xi32, #tpu.memory_space<vmem>>, vector<16xi32>,
      %mul3A_468 = arith.constant 16 : i32
      %mul3A_469 = arith.muli %add3A_260, %mul3A_468 : i32
      %add3A_470 = arith.constant 128 : i32
      %add3A_471 = arith.addi %add3A_470, %mul3A_469 : i32
      %swap3A_472 = arith.index_cast %add3A_471 : i32 to index
      %swap3A_473 = tpu.vector_load %arg22[%swap3A_472] {strides = array<i32>} : memref<896xi32, #tpu.memory_space<vmem>>, vector<16xi32>,
      tpu.vector_store %arg22[%swap3A_472], %mul3A_462 {strides = array<i32>} : memref<896xi32, #tpu.memory_space<vmem>>, vector<16xi32>,
      %mul3A_474 = arith.constant 16 : i32
      %mul3A_475 = arith.muli %add3A_260, %mul3A_474 : i32
      %add3A_476 = arith.constant 0 : i32
      %add3A_477 = arith.addi %add3A_476, %mul3A_475 : i32
      %swap3A_478 = arith.index_cast %add3A_477 : i32 to index
      %swap3A_479 = tpu.vector_load %arg23[%swap3A_478] {strides = array<i32>} : memref<256xf32, #tpu.memory_space<vmem>>, vector<16xf32>,
      tpu.vector_store %arg23[%swap3A_478], %min3A_351 {strides = array<i32>} : memref<256xf32, #tpu.memory_space<vmem>>, vector<16xf32>,
      %mul3A_480 = arith.constant 16 : i32
      %mul3A_481 = arith.muli %add3A_260, %mul3A_480 : i32
      %add3A_482 = arith.constant 128 : i32
      %add3A_483 = arith.addi %add3A_482, %mul3A_481 : i32
      %swap3A_484 = arith.index_cast %add3A_483 : i32 to index
      %swap3A_485 = tpu.vector_load %arg23[%swap3A_484] {strides = array<i32>} : memref<256xf32, #tpu.memory_space<vmem>>, vector<16xf32>,
      tpu.vector_store %arg23[%swap3A_484], %min3A_456 {strides = array<i32>} : memref<256xf32, #tpu.memory_space<vmem>>, vector<16xf32>,
      %get3A_486 = arith.index_cast %mul3A_262 : i32 to index
      %get3A_487 = tpu.vector_load %arg21[%get3A_486] {strides = array<i32>} : memref<128xi32, #tpu.memory_space<vmem>>, vector<16xi32>,
      %add3A_488 = arith.constant 28 : i32
      %add3A_489 = vector.broadcast %add3A_488 : i32 to vector<16xi32>
      %add3A_490 = arith.addi %get3A_487, %add3A_489 : vector<16xi32>
      %mul3A_491 = arith.constant 1024 : i32
      %mul3A_492 = vector.broadcast %mul3A_491 : i32 to vector<16xi32>
      %mul3A_493 = arith.muli %add3A_490, %mul3A_492 : vector<16xi32>
      %mul3A_494 = arith.constant 16 : i32
      %mul3A_495 = arith.muli %add3A_260, %mul3A_494 : i32
      %add3A_496 = arith.constant 256 : i32
      %add3A_497 = arith.addi %add3A_496, %mul3A_495 : i32
      %swap3A_498 = arith.index_cast %add3A_497 : i32 to index
      %swap3A_499 = tpu.vector_load %arg22[%swap3A_498] {strides = array<i32>} : memref<896xi32, #tpu.memory_space<vmem>>, vector<16xi32>,
      tpu.vector_store %arg22[%swap3A_498], %mul3A_493 {strides = array<i32>} : memref<896xi32, #tpu.memory_space<vmem>>, vector<16xi32>,
      %get3A_500 = arith.index_cast %mul3A_262 : i32 to index
      %get3A_501 = tpu.vector_load %arg17[%get3A_500] {strides = array<i32>} : memref<128xf32, #tpu.memory_space<vmem>>, vector<16xf32>,
      %broadcast_in_dim3A_502 = arith.constant 0 : i32
      %broadcast_in_dim3A_503 = vector.broadcast %broadcast_in_dim3A_502 : i32 to vector<16xi32>
      %broadcast_in_dim3A_504 = arith.constant 1 : i32
      %broadcast_in_dim3A_505 = vector.broadcast %broadcast_in_dim3A_504 : i32 to vector<16xi32>
      %broadcast_in_dim3A_506 = arith.constant 0 : i32
      %broadcast_in_dim3A_507 = vector.broadcast %broadcast_in_dim3A_506 : i32 to vector<16xi32>
      %ge3A_508 = arith.constant 0.59799546 : f32
      %ge3A_509 = vector.broadcast %ge3A_508 : f32 to vector<16xf32>
      %ge3A_510 = arith.cmpf oge, %get3A_501, %ge3A_509 : vector<16xf32>
      %select_n3A_511 = arith.select %ge3A_510, %broadcast_in_dim3A_505, %broadcast_in_dim3A_507 : vector<16xi1>, vector<16xi32>
      %add3A_512 = arith.addi %broadcast_in_dim3A_503, %select_n3A_511 : vector<16xi32>
      %ge3A_513 = arith.constant 1.55358946 : f32
      %ge3A_514 = vector.broadcast %ge3A_513 : f32 to vector<16xf32>
      %ge3A_515 = arith.cmpf oge, %get3A_501, %ge3A_514 : vector<16xf32>
      %select_n3A_516 = arith.select %ge3A_515, %broadcast_in_dim3A_505, %broadcast_in_dim3A_507 : vector<16xi1>, vector<16xi32>
      %add3A_517 = arith.addi %add3A_512, %select_n3A_516 : vector<16xi32>
      %ge3A_518 = arith.constant 3.0806241 : f32
      %ge3A_519 = vector.broadcast %ge3A_518 : f32 to vector<16xf32>
      %ge3A_520 = arith.cmpf oge, %get3A_501, %ge3A_519 : vector<16xf32>
      %select_n3A_521 = arith.select %ge3A_520, %broadcast_in_dim3A_505, %broadcast_in_dim3A_507 : vector<16xi1>, vector<16xi32>
      %add3A_522 = arith.addi %add3A_517, %select_n3A_521 : vector<16xi32>
      %ge3A_523 = arith.constant 5.52081871 : f32
      %ge3A_524 = vector.broadcast %ge3A_523 : f32 to vector<16xf32>
      %ge3A_525 = arith.cmpf oge, %get3A_501, %ge3A_524 : vector<16xf32>
      %select_n3A_526 = arith.select %ge3A_525, %broadcast_in_dim3A_505, %broadcast_in_dim3A_507 : vector<16xi1>, vector<16xi32>
      %add3A_527 = arith.addi %add3A_522, %select_n3A_526 : vector<16xi32>
      %ge3A_528 = arith.constant 9.42023849 : f32
      %ge3A_529 = vector.broadcast %ge3A_528 : f32 to vector<16xf32>
      %ge3A_530 = arith.cmpf oge, %get3A_501, %ge3A_529 : vector<16xf32>
      %select_n3A_531 = arith.select %ge3A_530, %broadcast_in_dim3A_505, %broadcast_in_dim3A_507 : vector<16xi1>, vector<16xi32>
      %add3A_532 = arith.addi %add3A_527, %select_n3A_531 : vector<16xi32>
      %ge3A_533 = arith.constant 15.6514931 : f32
      %ge3A_534 = vector.broadcast %ge3A_533 : f32 to vector<16xf32>
      %ge3A_535 = arith.cmpf oge, %get3A_501, %ge3A_534 : vector<16xf32>
      %select_n3A_536 = arith.select %ge3A_535, %broadcast_in_dim3A_505, %broadcast_in_dim3A_507 : vector<16xi1>, vector<16xi32>
      %add3A_537 = arith.addi %add3A_532, %select_n3A_536 : vector<16xi32>
      %ge3A_538 = arith.constant 25.6090107 : f32
      %ge3A_539 = vector.broadcast %ge3A_538 : f32 to vector<16xf32>
      %ge3A_540 = arith.cmpf oge, %get3A_501, %ge3A_539 : vector<16xf32>
      %select_n3A_541 = arith.select %ge3A_540, %broadcast_in_dim3A_505, %broadcast_in_dim3A_507 : vector<16xi1>, vector<16xi32>
      %add3A_542 = arith.addi %add3A_537, %select_n3A_541 : vector<16xi32>
      %ge3A_543 = arith.constant 41.5210762 : f32
      %ge3A_544 = vector.broadcast %ge3A_543 : f32 to vector<16xf32>
      %ge3A_545 = arith.cmpf oge, %get3A_501, %ge3A_544 : vector<16xf32>
      %select_n3A_546 = arith.select %ge3A_545, %broadcast_in_dim3A_505, %broadcast_in_dim3A_507 : vector<16xi1>, vector<16xi32>
      %add3A_547 = arith.addi %add3A_542, %select_n3A_546 : vector<16xi32>
      %ge3A_548 = arith.constant 66.9484863 : f32
      %ge3A_549 = vector.broadcast %ge3A_548 : f32 to vector<16xf32>
      %ge3A_550 = arith.cmpf oge, %get3A_501, %ge3A_549 : vector<16xf32>
      %select_n3A_551 = arith.select %ge3A_550, %broadcast_in_dim3A_505, %broadcast_in_dim3A_507 : vector<16xi1>, vector<16xi32>
      %add3A_552 = arith.addi %add3A_547, %select_n3A_551 : vector<16xi32>
      %ge3A_553 = arith.constant 107.581367 : f32
      %ge3A_554 = vector.broadcast %ge3A_553 : f32 to vector<16xf32>
      %ge3A_555 = arith.cmpf oge, %get3A_501, %ge3A_554 : vector<16xf32>
      %select_n3A_556 = arith.select %ge3A_555, %broadcast_in_dim3A_505, %broadcast_in_dim3A_507 : vector<16xi1>, vector<16xi32>
      %add3A_557 = arith.addi %add3A_552, %select_n3A_556 : vector<16xi32>
      %ge3A_558 = arith.constant 172.512527 : f32
      %ge3A_559 = vector.broadcast %ge3A_558 : f32 to vector<16xf32>
      %ge3A_560 = arith.cmpf oge, %get3A_501, %ge3A_559 : vector<16xf32>
      %select_n3A_561 = arith.select %ge3A_560, %broadcast_in_dim3A_505, %broadcast_in_dim3A_507 : vector<16xi1>, vector<16xi32>
      %add3A_562 = arith.addi %add3A_557, %select_n3A_561 : vector<16xi32>
      %ge3A_563 = arith.constant 276.272247 : f32
      %ge3A_564 = vector.broadcast %ge3A_563 : f32 to vector<16xf32>
      %ge3A_565 = arith.cmpf oge, %get3A_501, %ge3A_564 : vector<16xf32>
      %select_n3A_566 = arith.select %ge3A_565, %broadcast_in_dim3A_505, %broadcast_in_dim3A_507 : vector<16xi1>, vector<16xi32>
      %add3A_567 = arith.addi %add3A_562, %select_n3A_566 : vector<16xi32>
      %ge3A_568 = arith.constant 442.079742 : f32
      %ge3A_569 = vector.broadcast %ge3A_568 : f32 to vector<16xf32>
      %ge3A_570 = arith.cmpf oge, %get3A_501, %ge3A_569 : vector<16xf32>
      %select_n3A_571 = arith.select %ge3A_570, %broadcast_in_dim3A_505, %broadcast_in_dim3A_507 : vector<16xi1>, vector<16xi32>
      %add3A_572 = arith.addi %add3A_567, %select_n3A_571 : vector<16xi32>
      %ge3A_573 = arith.constant 707.039429 : f32
      %ge3A_574 = vector.broadcast %ge3A_573 : f32 to vector<16xf32>
      %ge3A_575 = arith.cmpf oge, %get3A_501, %ge3A_574 : vector<16xf32>
      %select_n3A_576 = arith.select %ge3A_575, %broadcast_in_dim3A_505, %broadcast_in_dim3A_507 : vector<16xi1>, vector<16xi32>
      %add3A_577 = arith.addi %add3A_572, %select_n3A_576 : vector<16xi32>
      %ge3A_578 = arith.constant 1130.44385 : f32
      %ge3A_579 = vector.broadcast %ge3A_578 : f32 to vector<16xf32>
      %ge3A_580 = arith.cmpf oge, %get3A_501, %ge3A_579 : vector<16xf32>
      %select_n3A_581 = arith.select %ge3A_580, %broadcast_in_dim3A_505, %broadcast_in_dim3A_507 : vector<16xi1>, vector<16xi32>
      %add3A_582 = arith.addi %add3A_577, %select_n3A_581 : vector<16xi32>
      %add3A_583 = arith.constant 31 : i32
      %add3A_584 = vector.broadcast %add3A_583 : i32 to vector<16xi32>
      %add3A_585 = arith.addi %add3A_582, %add3A_584 : vector<16xi32>
      %mul3A_586 = arith.constant 1024 : i32
      %mul3A_587 = vector.broadcast %mul3A_586 : i32 to vector<16xi32>
      %mul3A_588 = arith.muli %add3A_585, %mul3A_587 : vector<16xi32>
      %mul3A_589 = arith.constant 16 : i32
      %mul3A_590 = arith.muli %add3A_260, %mul3A_589 : i32
      %add3A_591 = arith.constant 384 : i32
      %add3A_592 = arith.addi %add3A_591, %mul3A_590 : i32
      %swap3A_593 = arith.index_cast %add3A_592 : i32 to index
      %swap3A_594 = tpu.vector_load %arg22[%swap3A_593] {strides = array<i32>} : memref<896xi32, #tpu.memory_space<vmem>>, vector<16xi32>,
      tpu.vector_store %arg22[%swap3A_593], %mul3A_588 {strides = array<i32>} : memref<896xi32, #tpu.memory_space<vmem>>, vector<16xi32>,
      %get3A_595 = arith.index_cast %mul3A_262 : i32 to index
      %get3A_596 = tpu.vector_load %arg18[%get3A_595] {strides = array<i32>} : memref<128xf32, #tpu.memory_space<vmem>>, vector<16xf32>,
      %broadcast_in_dim3A_597 = arith.constant 0 : i32
      %broadcast_in_dim3A_598 = vector.broadcast %broadcast_in_dim3A_597 : i32 to vector<16xi32>
      %eq3A = arith.constant 1.000000e+00 : f32
      %eq3A_599 = vector.broadcast %eq3A : f32 to vector<16xf32>
      %eq3A_600 = arith.cmpf oeq, %get3A_596, %eq3A_599 : vector<16xf32>
      %broadcast_in_dim3A_601 = arith.constant 1 : i32
      %broadcast_in_dim3A_602 = vector.broadcast %broadcast_in_dim3A_601 : i32 to vector<16xi32>
      %select_n3A_603 = arith.select %eq3A_600, %broadcast_in_dim3A_602, %broadcast_in_dim3A_598 : vector<16xi1>, vector<16xi32>
      %eq3A_604 = arith.constant 2.000000e+00 : f32
      %eq3A_605 = vector.broadcast %eq3A_604 : f32 to vector<16xf32>
      %eq3A_606 = arith.cmpf oeq, %get3A_596, %eq3A_605 : vector<16xf32>
      %broadcast_in_dim3A_607 = arith.constant 2 : i32
      %broadcast_in_dim3A_608 = vector.broadcast %broadcast_in_dim3A_607 : i32 to vector<16xi32>
      %select_n3A_609 = arith.select %eq3A_606, %broadcast_in_dim3A_608, %broadcast_in_dim3A_598 : vector<16xi1>, vector<16xi32>
      %add3A_610 = arith.addi %select_n3A_603, %select_n3A_609 : vector<16xi32>
      %ge3A_611 = arith.constant 3.000000e+00 : f32
      %ge3A_612 = vector.broadcast %ge3A_611 : f32 to vector<16xf32>
      %ge3A_613 = arith.cmpf oge, %get3A_596, %ge3A_612 : vector<16xf32>
      %lt3A = arith.constant 1.000000e+01 : f32
      %lt3A_614 = vector.broadcast %lt3A : f32 to vector<16xf32>
      %lt3A_615 = arith.cmpf olt, %get3A_596, %lt3A_614 : vector<16xf32>
      %and3A = arith.andi %ge3A_613, %lt3A_615 : vector<16xi1>
      %broadcast_in_dim3A_616 = arith.constant 3 : i32
      %broadcast_in_dim3A_617 = vector.broadcast %broadcast_in_dim3A_616 : i32 to vector<16xi32>
      %select_n3A_618 = arith.select %and3A, %broadcast_in_dim3A_617, %broadcast_in_dim3A_598 : vector<16xi1>, vector<16xi32>
      %add3A_619 = arith.addi %add3A_610, %select_n3A_618 : vector<16xi32>
      %ge3A_620 = arith.constant 1.000000e+01 : f32
      %ge3A_621 = vector.broadcast %ge3A_620 : f32 to vector<16xf32>
      %ge3A_622 = arith.cmpf oge, %get3A_596, %ge3A_621 : vector<16xf32>
      %broadcast_in_dim3A_623 = arith.constant 4 : i32
      %broadcast_in_dim3A_624 = vector.broadcast %broadcast_in_dim3A_623 : i32 to vector<16xi32>
      %select_n3A_625 = arith.select %ge3A_622, %broadcast_in_dim3A_624, %broadcast_in_dim3A_598 : vector<16xi1>, vector<16xi32>
      %add3A_626 = arith.addi %add3A_619, %select_n3A_625 : vector<16xi32>
      %add3A_627 = arith.constant 47 : i32
      %add3A_628 = vector.broadcast %add3A_627 : i32 to vector<16xi32>
      %add3A_629 = arith.addi %add3A_626, %add3A_628 : vector<16xi32>
      %mul3A_630 = arith.constant 1024 : i32
      %mul3A_631 = vector.broadcast %mul3A_630 : i32 to vector<16xi32>
      %mul3A_632 = arith.muli %add3A_629, %mul3A_631 : vector<16xi32>
      %mul3A_633 = arith.constant 16 : i32
      %mul3A_634 = arith.muli %add3A_260, %mul3A_633 : i32
      %add3A_635 = arith.constant 512 : i32
      %add3A_636 = arith.addi %add3A_635, %mul3A_634 : i32
      %swap3A_637 = arith.index_cast %add3A_636 : i32 to index
      %swap3A_638 = tpu.vector_load %arg22[%swap3A_637] {strides = array<i32>} : memref<896xi32, #tpu.memory_space<vmem>>, vector<16xi32>,
      tpu.vector_store %arg22[%swap3A_637], %mul3A_632 {strides = array<i32>} : memref<896xi32, #tpu.memory_space<vmem>>, vector<16xi32>,
      %get3A_639 = arith.index_cast %mul3A_262 : i32 to index
      %get3A_640 = tpu.vector_load %arg19[%get3A_639] {strides = array<i32>} : memref<128xf32, #tpu.memory_space<vmem>>, vector<16xf32>,
      %broadcast_in_dim3A_641 = arith.constant 0 : i32
      %broadcast_in_dim3A_642 = vector.broadcast %broadcast_in_dim3A_641 : i32 to vector<16xi32>
      %broadcast_in_dim3A_643 = arith.constant 1 : i32
      %broadcast_in_dim3A_644 = vector.broadcast %broadcast_in_dim3A_643 : i32 to vector<16xi32>
      %broadcast_in_dim3A_645 = arith.constant 0 : i32
      %broadcast_in_dim3A_646 = vector.broadcast %broadcast_in_dim3A_645 : i32 to vector<16xi32>
      %ge3A_647 = arith.constant 0.59799546 : f32
      %ge3A_648 = vector.broadcast %ge3A_647 : f32 to vector<16xf32>
      %ge3A_649 = arith.cmpf oge, %get3A_640, %ge3A_648 : vector<16xf32>
      %select_n3A_650 = arith.select %ge3A_649, %broadcast_in_dim3A_644, %broadcast_in_dim3A_646 : vector<16xi1>, vector<16xi32>
      %add3A_651 = arith.addi %broadcast_in_dim3A_642, %select_n3A_650 : vector<16xi32>
      %ge3A_652 = arith.constant 1.55358946 : f32
      %ge3A_653 = vector.broadcast %ge3A_652 : f32 to vector<16xf32>
      %ge3A_654 = arith.cmpf oge, %get3A_640, %ge3A_653 : vector<16xf32>
      %select_n3A_655 = arith.select %ge3A_654, %broadcast_in_dim3A_644, %broadcast_in_dim3A_646 : vector<16xi1>, vector<16xi32>
      %add3A_656 = arith.addi %add3A_651, %select_n3A_655 : vector<16xi32>
      %ge3A_657 = arith.constant 3.0806241 : f32
      %ge3A_658 = vector.broadcast %ge3A_657 : f32 to vector<16xf32>
      %ge3A_659 = arith.cmpf oge, %get3A_640, %ge3A_658 : vector<16xf32>
      %select_n3A_660 = arith.select %ge3A_659, %broadcast_in_dim3A_644, %broadcast_in_dim3A_646 : vector<16xi1>, vector<16xi32>
      %add3A_661 = arith.addi %add3A_656, %select_n3A_660 : vector<16xi32>
      %ge3A_662 = arith.constant 5.52081871 : f32
      %ge3A_663 = vector.broadcast %ge3A_662 : f32 to vector<16xf32>
      %ge3A_664 = arith.cmpf oge, %get3A_640, %ge3A_663 : vector<16xf32>
      %select_n3A_665 = arith.select %ge3A_664, %broadcast_in_dim3A_644, %broadcast_in_dim3A_646 : vector<16xi1>, vector<16xi32>
      %add3A_666 = arith.addi %add3A_661, %select_n3A_665 : vector<16xi32>
      %ge3A_667 = arith.constant 9.42023849 : f32
      %ge3A_668 = vector.broadcast %ge3A_667 : f32 to vector<16xf32>
      %ge3A_669 = arith.cmpf oge, %get3A_640, %ge3A_668 : vector<16xf32>
      %select_n3A_670 = arith.select %ge3A_669, %broadcast_in_dim3A_644, %broadcast_in_dim3A_646 : vector<16xi1>, vector<16xi32>
      %add3A_671 = arith.addi %add3A_666, %select_n3A_670 : vector<16xi32>
      %ge3A_672 = arith.constant 15.6514931 : f32
      %ge3A_673 = vector.broadcast %ge3A_672 : f32 to vector<16xf32>
      %ge3A_674 = arith.cmpf oge, %get3A_640, %ge3A_673 : vector<16xf32>
      %select_n3A_675 = arith.select %ge3A_674, %broadcast_in_dim3A_644, %broadcast_in_dim3A_646 : vector<16xi1>, vector<16xi32>
      %add3A_676 = arith.addi %add3A_671, %select_n3A_675 : vector<16xi32>
      %ge3A_677 = arith.constant 25.6090107 : f32
      %ge3A_678 = vector.broadcast %ge3A_677 : f32 to vector<16xf32>
      %ge3A_679 = arith.cmpf oge, %get3A_640, %ge3A_678 : vector<16xf32>
      %select_n3A_680 = arith.select %ge3A_679, %broadcast_in_dim3A_644, %broadcast_in_dim3A_646 : vector<16xi1>, vector<16xi32>
      %add3A_681 = arith.addi %add3A_676, %select_n3A_680 : vector<16xi32>
      %ge3A_682 = arith.constant 41.5210762 : f32
      %ge3A_683 = vector.broadcast %ge3A_682 : f32 to vector<16xf32>
      %ge3A_684 = arith.cmpf oge, %get3A_640, %ge3A_683 : vector<16xf32>
      %select_n3A_685 = arith.select %ge3A_684, %broadcast_in_dim3A_644, %broadcast_in_dim3A_646 : vector<16xi1>, vector<16xi32>
      %add3A_686 = arith.addi %add3A_681, %select_n3A_685 : vector<16xi32>
      %ge3A_687 = arith.constant 66.9484863 : f32
      %ge3A_688 = vector.broadcast %ge3A_687 : f32 to vector<16xf32>
      %ge3A_689 = arith.cmpf oge, %get3A_640, %ge3A_688 : vector<16xf32>
      %select_n3A_690 = arith.select %ge3A_689, %broadcast_in_dim3A_644, %broadcast_in_dim3A_646 : vector<16xi1>, vector<16xi32>
      %add3A_691 = arith.addi %add3A_686, %select_n3A_690 : vector<16xi32>
      %ge3A_692 = arith.constant 107.581367 : f32
      %ge3A_693 = vector.broadcast %ge3A_692 : f32 to vector<16xf32>
      %ge3A_694 = arith.cmpf oge, %get3A_640, %ge3A_693 : vector<16xf32>
      %select_n3A_695 = arith.select %ge3A_694, %broadcast_in_dim3A_644, %broadcast_in_dim3A_646 : vector<16xi1>, vector<16xi32>
      %add3A_696 = arith.addi %add3A_691, %select_n3A_695 : vector<16xi32>
      %ge3A_697 = arith.constant 172.512527 : f32
      %ge3A_698 = vector.broadcast %ge3A_697 : f32 to vector<16xf32>
      %ge3A_699 = arith.cmpf oge, %get3A_640, %ge3A_698 : vector<16xf32>
      %select_n3A_700 = arith.select %ge3A_699, %broadcast_in_dim3A_644, %broadcast_in_dim3A_646 : vector<16xi1>, vector<16xi32>
      %add3A_701 = arith.addi %add3A_696, %select_n3A_700 : vector<16xi32>
      %ge3A_702 = arith.constant 276.272247 : f32
      %ge3A_703 = vector.broadcast %ge3A_702 : f32 to vector<16xf32>
      %ge3A_704 = arith.cmpf oge, %get3A_640, %ge3A_703 : vector<16xf32>
      %select_n3A_705 = arith.select %ge3A_704, %broadcast_in_dim3A_644, %broadcast_in_dim3A_646 : vector<16xi1>, vector<16xi32>
      %add3A_706 = arith.addi %add3A_701, %select_n3A_705 : vector<16xi32>
      %ge3A_707 = arith.constant 442.079742 : f32
      %ge3A_708 = vector.broadcast %ge3A_707 : f32 to vector<16xf32>
      %ge3A_709 = arith.cmpf oge, %get3A_640, %ge3A_708 : vector<16xf32>
      %select_n3A_710 = arith.select %ge3A_709, %broadcast_in_dim3A_644, %broadcast_in_dim3A_646 : vector<16xi1>, vector<16xi32>
      %add3A_711 = arith.addi %add3A_706, %select_n3A_710 : vector<16xi32>
      %ge3A_712 = arith.constant 707.039429 : f32
      %ge3A_713 = vector.broadcast %ge3A_712 : f32 to vector<16xf32>
      %ge3A_714 = arith.cmpf oge, %get3A_640, %ge3A_713 : vector<16xf32>
      %select_n3A_715 = arith.select %ge3A_714, %broadcast_in_dim3A_644, %broadcast_in_dim3A_646 : vector<16xi1>, vector<16xi32>
      %add3A_716 = arith.addi %add3A_711, %select_n3A_715 : vector<16xi32>
      %ge3A_717 = arith.constant 1130.44385 : f32
      %ge3A_718 = vector.broadcast %ge3A_717 : f32 to vector<16xf32>
      %ge3A_719 = arith.cmpf oge, %get3A_640, %ge3A_718 : vector<16xf32>
      %select_n3A_720 = arith.select %ge3A_719, %broadcast_in_dim3A_644, %broadcast_in_dim3A_646 : vector<16xi1>, vector<16xi32>
      %add3A_721 = arith.addi %add3A_716, %select_n3A_720 : vector<16xi32>
      %add3A_722 = arith.constant 52 : i32
      %add3A_723 = vector.broadcast %add3A_722 : i32 to vector<16xi32>
      %add3A_724 = arith.addi %add3A_721, %add3A_723 : vector<16xi32>
      %mul3A_725 = arith.constant 1024 : i32
      %mul3A_726 = vector.broadcast %mul3A_725 : i32 to vector<16xi32>
      %mul3A_727 = arith.muli %add3A_724, %mul3A_726 : vector<16xi32>
      %mul3A_728 = arith.constant 16 : i32
      %mul3A_729 = arith.muli %add3A_260, %mul3A_728 : i32
      %add3A_730 = arith.constant 640 : i32
      %add3A_731 = arith.addi %add3A_730, %mul3A_729 : i32
      %swap3A_732 = arith.index_cast %add3A_731 : i32 to index
      %swap3A_733 = tpu.vector_load %arg22[%swap3A_732] {strides = array<i32>} : memref<896xi32, #tpu.memory_space<vmem>>, vector<16xi32>,
      tpu.vector_store %arg22[%swap3A_732], %mul3A_727 {strides = array<i32>} : memref<896xi32, #tpu.memory_space<vmem>>, vector<16xi32>,
      %get3A_734 = arith.index_cast %mul3A_262 : i32 to index
      %get3A_735 = tpu.vector_load %arg20[%get3A_734] {strides = array<i32>} : memref<128xf32, #tpu.memory_space<vmem>>, vector<16xf32>,
      %broadcast_in_dim3A_736 = arith.constant 0 : i32
      %broadcast_in_dim3A_737 = vector.broadcast %broadcast_in_dim3A_736 : i32 to vector<16xi32>
      %broadcast_in_dim3A_738 = arith.constant 1 : i32
      %broadcast_in_dim3A_739 = vector.broadcast %broadcast_in_dim3A_738 : i32 to vector<16xi32>
      %broadcast_in_dim3A_740 = arith.constant 0 : i32
      %broadcast_in_dim3A_741 = vector.broadcast %broadcast_in_dim3A_740 : i32 to vector<16xi32>
      %ge3A_742 = arith.constant 0.59799546 : f32
      %ge3A_743 = vector.broadcast %ge3A_742 : f32 to vector<16xf32>
      %ge3A_744 = arith.cmpf oge, %get3A_735, %ge3A_743 : vector<16xf32>
      %select_n3A_745 = arith.select %ge3A_744, %broadcast_in_dim3A_739, %broadcast_in_dim3A_741 : vector<16xi1>, vector<16xi32>
      %add3A_746 = arith.addi %broadcast_in_dim3A_737, %select_n3A_745 : vector<16xi32>
      %ge3A_747 = arith.constant 1.55358946 : f32
      %ge3A_748 = vector.broadcast %ge3A_747 : f32 to vector<16xf32>
      %ge3A_749 = arith.cmpf oge, %get3A_735, %ge3A_748 : vector<16xf32>
      %select_n3A_750 = arith.select %ge3A_749, %broadcast_in_dim3A_739, %broadcast_in_dim3A_741 : vector<16xi1>, vector<16xi32>
      %add3A_751 = arith.addi %add3A_746, %select_n3A_750 : vector<16xi32>
      %ge3A_752 = arith.constant 3.0806241 : f32
      %ge3A_753 = vector.broadcast %ge3A_752 : f32 to vector<16xf32>
      %ge3A_754 = arith.cmpf oge, %get3A_735, %ge3A_753 : vector<16xf32>
      %select_n3A_755 = arith.select %ge3A_754, %broadcast_in_dim3A_739, %broadcast_in_dim3A_741 : vector<16xi1>, vector<16xi32>
      %add3A_756 = arith.addi %add3A_751, %select_n3A_755 : vector<16xi32>
      %ge3A_757 = arith.constant 5.52081871 : f32
      %ge3A_758 = vector.broadcast %ge3A_757 : f32 to vector<16xf32>
      %ge3A_759 = arith.cmpf oge, %get3A_735, %ge3A_758 : vector<16xf32>
      %select_n3A_760 = arith.select %ge3A_759, %broadcast_in_dim3A_739, %broadcast_in_dim3A_741 : vector<16xi1>, vector<16xi32>
      %add3A_761 = arith.addi %add3A_756, %select_n3A_760 : vector<16xi32>
      %ge3A_762 = arith.constant 9.42023849 : f32
      %ge3A_763 = vector.broadcast %ge3A_762 : f32 to vector<16xf32>
      %ge3A_764 = arith.cmpf oge, %get3A_735, %ge3A_763 : vector<16xf32>
      %select_n3A_765 = arith.select %ge3A_764, %broadcast_in_dim3A_739, %broadcast_in_dim3A_741 : vector<16xi1>, vector<16xi32>
      %add3A_766 = arith.addi %add3A_761, %select_n3A_765 : vector<16xi32>
      %ge3A_767 = arith.constant 15.6514931 : f32
      %ge3A_768 = vector.broadcast %ge3A_767 : f32 to vector<16xf32>
      %ge3A_769 = arith.cmpf oge, %get3A_735, %ge3A_768 : vector<16xf32>
      %select_n3A_770 = arith.select %ge3A_769, %broadcast_in_dim3A_739, %broadcast_in_dim3A_741 : vector<16xi1>, vector<16xi32>
      %add3A_771 = arith.addi %add3A_766, %select_n3A_770 : vector<16xi32>
      %ge3A_772 = arith.constant 25.6090107 : f32
      %ge3A_773 = vector.broadcast %ge3A_772 : f32 to vector<16xf32>
      %ge3A_774 = arith.cmpf oge, %get3A_735, %ge3A_773 : vector<16xf32>
      %select_n3A_775 = arith.select %ge3A_774, %broadcast_in_dim3A_739, %broadcast_in_dim3A_741 : vector<16xi1>, vector<16xi32>
      %add3A_776 = arith.addi %add3A_771, %select_n3A_775 : vector<16xi32>
      %ge3A_777 = arith.constant 41.5210762 : f32
      %ge3A_778 = vector.broadcast %ge3A_777 : f32 to vector<16xf32>
      %ge3A_779 = arith.cmpf oge, %get3A_735, %ge3A_778 : vector<16xf32>
      %select_n3A_780 = arith.select %ge3A_779, %broadcast_in_dim3A_739, %broadcast_in_dim3A_741 : vector<16xi1>, vector<16xi32>
      %add3A_781 = arith.addi %add3A_776, %select_n3A_780 : vector<16xi32>
      %ge3A_782 = arith.constant 66.9484863 : f32
      %ge3A_783 = vector.broadcast %ge3A_782 : f32 to vector<16xf32>
      %ge3A_784 = arith.cmpf oge, %get3A_735, %ge3A_783 : vector<16xf32>
      %select_n3A_785 = arith.select %ge3A_784, %broadcast_in_dim3A_739, %broadcast_in_dim3A_741 : vector<16xi1>, vector<16xi32>
      %add3A_786 = arith.addi %add3A_781, %select_n3A_785 : vector<16xi32>
      %ge3A_787 = arith.constant 107.581367 : f32
      %ge3A_788 = vector.broadcast %ge3A_787 : f32 to vector<16xf32>
      %ge3A_789 = arith.cmpf oge, %get3A_735, %ge3A_788 : vector<16xf32>
      %select_n3A_790 = arith.select %ge3A_789, %broadcast_in_dim3A_739, %broadcast_in_dim3A_741 : vector<16xi1>, vector<16xi32>
      %add3A_791 = arith.addi %add3A_786, %select_n3A_790 : vector<16xi32>
      %ge3A_792 = arith.constant 172.512527 : f32
      %ge3A_793 = vector.broadcast %ge3A_792 : f32 to vector<16xf32>
      %ge3A_794 = arith.cmpf oge, %get3A_735, %ge3A_793 : vector<16xf32>
      %select_n3A_795 = arith.select %ge3A_794, %broadcast_in_dim3A_739, %broadcast_in_dim3A_741 : vector<16xi1>, vector<16xi32>
      %add3A_796 = arith.addi %add3A_791, %select_n3A_795 : vector<16xi32>
      %ge3A_797 = arith.constant 276.272247 : f32
      %ge3A_798 = vector.broadcast %ge3A_797 : f32 to vector<16xf32>
      %ge3A_799 = arith.cmpf oge, %get3A_735, %ge3A_798 : vector<16xf32>
      %select_n3A_800 = arith.select %ge3A_799, %broadcast_in_dim3A_739, %broadcast_in_dim3A_741 : vector<16xi1>, vector<16xi32>
      %add3A_801 = arith.addi %add3A_796, %select_n3A_800 : vector<16xi32>
      %ge3A_802 = arith.constant 442.079742 : f32
      %ge3A_803 = vector.broadcast %ge3A_802 : f32 to vector<16xf32>
      %ge3A_804 = arith.cmpf oge, %get3A_735, %ge3A_803 : vector<16xf32>
      %select_n3A_805 = arith.select %ge3A_804, %broadcast_in_dim3A_739, %broadcast_in_dim3A_741 : vector<16xi1>, vector<16xi32>
      %add3A_806 = arith.addi %add3A_801, %select_n3A_805 : vector<16xi32>
      %ge3A_807 = arith.constant 707.039429 : f32
      %ge3A_808 = vector.broadcast %ge3A_807 : f32 to vector<16xf32>
      %ge3A_809 = arith.cmpf oge, %get3A_735, %ge3A_808 : vector<16xf32>
      %select_n3A_810 = arith.select %ge3A_809, %broadcast_in_dim3A_739, %broadcast_in_dim3A_741 : vector<16xi1>, vector<16xi32>
      %add3A_811 = arith.addi %add3A_806, %select_n3A_810 : vector<16xi32>
      %ge3A_812 = arith.constant 1130.44385 : f32
      %ge3A_813 = vector.broadcast %ge3A_812 : f32 to vector<16xf32>
      %ge3A_814 = arith.cmpf oge, %get3A_735, %ge3A_813 : vector<16xf32>
      %select_n3A_815 = arith.select %ge3A_814, %broadcast_in_dim3A_739, %broadcast_in_dim3A_741 : vector<16xi1>, vector<16xi32>
      %add3A_816 = arith.addi %add3A_811, %select_n3A_815 : vector<16xi32>
      %add3A_817 = arith.constant 68 : i32
      %add3A_818 = vector.broadcast %add3A_817 : i32 to vector<16xi32>
      %add3A_819 = arith.addi %add3A_816, %add3A_818 : vector<16xi32>
      %mul3A_820 = arith.constant 1024 : i32
      %mul3A_821 = vector.broadcast %mul3A_820 : i32 to vector<16xi32>
      %mul3A_822 = arith.muli %add3A_819, %mul3A_821 : vector<16xi32>
      %mul3A_823 = arith.constant 16 : i32
      %mul3A_824 = arith.muli %add3A_260, %mul3A_823 : i32
      %add3A_825 = arith.constant 768 : i32
      %add3A_826 = arith.addi %add3A_825, %mul3A_824 : i32
      %swap3A_827 = arith.index_cast %add3A_826 : i32 to index
      %swap3A_828 = tpu.vector_load %arg22[%swap3A_827] {strides = array<i32>} : memref<896xi32, #tpu.memory_space<vmem>>, vector<16xi32>,
      tpu.vector_store %arg22[%swap3A_827], %mul3A_822 {strides = array<i32>} : memref<896xi32, #tpu.memory_space<vmem>>, vector<16xi32>,
    }
    %scan3A_41 = arith.constant 8 : i32
    %scan3A_42 = arith.constant 0 : i32
    %scan3A_43 = arith.constant 32 : i32
    %scan3A_44 = arith.addi %scan3A_42, %scan3A_43 : i32
    %scan3A_45 = arith.constant 1 : i32
    scf.for %scan3A_256 = %scan3A_42 to %scan3A_44 step %scan3A_45  : i32 {
      %mul3A_257 = arith.constant 2 : i32
      %mul3A_258 = arith.muli %scan3A_256, %mul3A_257 : i32
      %add3A_259 = arith.constant 0 : i32
      %add3A_260 = arith.addi %add3A_259, %mul3A_258 : i32
      %add3A_261 = arith.constant 0 : i32
      %add3A_262 = arith.addi %add3A_260, %add3A_261 : i32
      %mul3A_263 = arith.constant 2 : i32
      %mul3A_264 = arith.muli %add3A_262, %mul3A_263 : i32
      %add3A_265 = arith.addi %mul3A_2, %mul3A_264 : i32
      %mul3A_266 = arith.constant 2 : i32
      %mul3A_267 = arith.muli %add3A_262, %mul3A_266 : i32
      %add3A_268 = arith.addi %mul3A_2, %mul3A_267 : i32
      %mul3A_269 = arith.constant 2 : i32
      %mul3A_270 = arith.muli %add3A_262, %mul3A_269 : i32
      %add3A_271 = arith.addi %mul3A_2, %mul3A_270 : i32
      %mul3A_272 = arith.constant 2 : i32
      %mul3A_273 = arith.muli %add3A_262, %mul3A_272 : i32
      %add3A_274 = arith.addi %mul3A_2, %mul3A_273 : i32
      %mul3A_275 = arith.constant 2 : i32
      %mul3A_276 = arith.muli %add3A_262, %mul3A_275 : i32
      %add3A_277 = arith.addi %mul3A_2, %mul3A_276 : i32
      %mul3A_278 = arith.constant 2 : i32
      %mul3A_279 = arith.muli %add3A_262, %mul3A_278 : i32
      %add3A_280 = arith.addi %mul3A_2, %mul3A_279 : i32
      %mul3A_281 = arith.constant 2 : i32
      %mul3A_282 = arith.muli %add3A_262, %mul3A_281 : i32
      %add3A_283 = arith.addi %mul3A_2, %mul3A_282 : i32
      %ge3A = arith.constant 2 : i32
      %ge3A_284 = arith.cmpi sge, %add3A_262, %ge3A : i32
      %convert_element_type3A = arith.extui %ge3A_284 : i1 to i32
      %cond3A = arith.constant 0 : i32
      %cond3A_285 = arith.constant 1 : i32
      %cond3A_286 = arith.constant 2 : i32
      %cond3A_287 = arith.constant 3 : i32
      %cond3A_288 = arith.constant 4 : i32
      %cond3A_289 = arith.constant 5 : i32
      %cond3A_290 = arith.constant 6 : i32
      %cond3A_291 = arith.constant 0 : i32
      %cond3A_292 = arith.cmpi ne, %convert_element_type3A, %cond3A_291 : i32
      scf.if %cond3A_292 {
        %dma_wait3A_733 = arith.constant 0 : i32
        %dma_wait3A_734 = arith.constant 0 : i32
        %dma_wait3A_735 = tpu.memref_slice %arg13[%dma_wait3A_733, %dma_wait3A_734] : memref<28x1024xf32, #tpu.memory_space<vmem>> -> memref<2x1024xf32, #tpu.memory_space<vmem>>
        %dma_wait3A_736 = arith.constant 0 : i32
        %dma_wait3A_737 = tpu.memref_slice %arg11[%cond3A, %add3A_265, %dma_wait3A_736] : memref<7x4096x1024xf32, #tpu.memory_space<hbm>> -> memref<1x2x1024xf32, #tpu.memory_space<hbm>>
        %dma_wait3A_738 = tpu.memref_squeeze %dma_wait3A_737 : memref<1x2x1024xf32, #tpu.memory_space<hbm>> -> memref<2x1024xf32, #tpu.memory_space<hbm>>
        %dma_wait3A_739 = arith.constant 0 : i32
        %dma_wait3A_740 = tpu.memref_slice %arg11[%cond3A, %add3A_265, %dma_wait3A_739] : memref<7x4096x1024xf32, #tpu.memory_space<hbm>> -> memref<1x2x1024xf32, #tpu.memory_space<hbm>>
        %dma_wait3A_741 = tpu.memref_squeeze %dma_wait3A_740 : memref<1x2x1024xf32, #tpu.memory_space<hbm>> -> memref<2x1024xf32, #tpu.memory_space<hbm>>
        %dma_wait3A_742 = arith.constant 0 : i32
        %dma_wait3A_743 = arith.constant 0 : i32
        %dma_wait3A_744 = tpu.memref_slice %arg13[%dma_wait3A_742, %dma_wait3A_743] : memref<28x1024xf32, #tpu.memory_space<vmem>> -> memref<2x1024xf32, #tpu.memory_space<vmem>>
        tpu.wait_dma2 semaphore(%arg24 : memref<!tpu.dma_semaphore, #tpu.memory_space<semaphore_mem>>) src(%dma_wait3A_744 : memref<2x1024xf32, #tpu.memory_space<vmem>>) dst(%dma_wait3A_741 : memref<2x1024xf32, #tpu.memory_space<hbm>>)
        %dma_wait3A_745 = arith.constant 2 : i32
        %dma_wait3A_746 = arith.constant 0 : i32
        %dma_wait3A_747 = tpu.memref_slice %arg13[%dma_wait3A_745, %dma_wait3A_746] : memref<28x1024xf32, #tpu.memory_space<vmem>> -> memref<2x1024xf32, #tpu.memory_space<vmem>>
        %dma_wait3A_748 = arith.constant 0 : i32
        %dma_wait3A_749 = tpu.memref_slice %arg11[%cond3A_285, %add3A_268, %dma_wait3A_748] : memref<7x4096x1024xf32, #tpu.memory_space<hbm>> -> memref<1x2x1024xf32, #tpu.memory_space<hbm>>
        %dma_wait3A_750 = tpu.memref_squeeze %dma_wait3A_749 : memref<1x2x1024xf32, #tpu.memory_space<hbm>> -> memref<2x1024xf32, #tpu.memory_space<hbm>>
        %dma_wait3A_751 = arith.constant 0 : i32
        %dma_wait3A_752 = tpu.memref_slice %arg11[%cond3A_285, %add3A_268, %dma_wait3A_751] : memref<7x4096x1024xf32, #tpu.memory_space<hbm>> -> memref<1x2x1024xf32, #tpu.memory_space<hbm>>
        %dma_wait3A_753 = tpu.memref_squeeze %dma_wait3A_752 : memref<1x2x1024xf32, #tpu.memory_space<hbm>> -> memref<2x1024xf32, #tpu.memory_space<hbm>>
        %dma_wait3A_754 = arith.constant 2 : i32
        %dma_wait3A_755 = arith.constant 0 : i32
        %dma_wait3A_756 = tpu.memref_slice %arg13[%dma_wait3A_754, %dma_wait3A_755] : memref<28x1024xf32, #tpu.memory_space<vmem>> -> memref<2x1024xf32, #tpu.memory_space<vmem>>
        tpu.wait_dma2 semaphore(%arg24 : memref<!tpu.dma_semaphore, #tpu.memory_space<semaphore_mem>>) src(%dma_wait3A_756 : memref<2x1024xf32, #tpu.memory_space<vmem>>) dst(%dma_wait3A_753 : memref<2x1024xf32, #tpu.memory_space<hbm>>)
        %dma_wait3A_757 = arith.constant 4 : i32
        %dma_wait3A_758 = arith.constant 0 : i32
        %dma_wait3A_759 = tpu.memref_slice %arg13[%dma_wait3A_757, %dma_wait3A_758] : memref<28x1024xf32, #tpu.memory_space<vmem>> -> memref<2x1024xf32, #tpu.memory_space<vmem>>
        %dma_wait3A_760 = arith.constant 0 : i32
        %dma_wait3A_761 = tpu.memref_slice %arg11[%cond3A_286, %add3A_271, %dma_wait3A_760] : memref<7x4096x1024xf32, #tpu.memory_space<hbm>> -> memref<1x2x1024xf32, #tpu.memory_space<hbm>>
        %dma_wait3A_762 = tpu.memref_squeeze %dma_wait3A_761 : memref<1x2x1024xf32, #tpu.memory_space<hbm>> -> memref<2x1024xf32, #tpu.memory_space<hbm>>
        %dma_wait3A_763 = arith.constant 0 : i32
        %dma_wait3A_764 = tpu.memref_slice %arg11[%cond3A_286, %add3A_271, %dma_wait3A_763] : memref<7x4096x1024xf32, #tpu.memory_space<hbm>> -> memref<1x2x1024xf32, #tpu.memory_space<hbm>>
        %dma_wait3A_765 = tpu.memref_squeeze %dma_wait3A_764 : memref<1x2x1024xf32, #tpu.memory_space<hbm>> -> memref<2x1024xf32, #tpu.memory_space<hbm>>
        %dma_wait3A_766 = arith.constant 4 : i32
        %dma_wait3A_767 = arith.constant 0 : i32
        %dma_wait3A_768 = tpu.memref_slice %arg13[%dma_wait3A_766, %dma_wait3A_767] : memref<28x1024xf32, #tpu.memory_space<vmem>> -> memref<2x1024xf32, #tpu.memory_space<vmem>>
        tpu.wait_dma2 semaphore(%arg24 : memref<!tpu.dma_semaphore, #tpu.memory_space<semaphore_mem>>) src(%dma_wait3A_768 : memref<2x1024xf32, #tpu.memory_space<vmem>>) dst(%dma_wait3A_765 : memref<2x1024xf32, #tpu.memory_space<hbm>>)
        %dma_wait3A_769 = arith.constant 6 : i32
        %dma_wait3A_770 = arith.constant 0 : i32
        %dma_wait3A_771 = tpu.memref_slice %arg13[%dma_wait3A_769, %dma_wait3A_770] : memref<28x1024xf32, #tpu.memory_space<vmem>> -> memref<2x1024xf32, #tpu.memory_space<vmem>>
        %dma_wait3A_772 = arith.constant 0 : i32
        %dma_wait3A_773 = tpu.memref_slice %arg11[%cond3A_287, %add3A_274, %dma_wait3A_772] : memref<7x4096x1024xf32, #tpu.memory_space<hbm>> -> memref<1x2x1024xf32, #tpu.memory_space<hbm>>
        %dma_wait3A_774 = tpu.memref_squeeze %dma_wait3A_773 : memref<1x2x1024xf32, #tpu.memory_space<hbm>> -> memref<2x1024xf32, #tpu.memory_space<hbm>>
        %dma_wait3A_775 = arith.constant 0 : i32
        %dma_wait3A_776 = tpu.memref_slice %arg11[%cond3A_287, %add3A_274, %dma_wait3A_775] : memref<7x4096x1024xf32, #tpu.memory_space<hbm>> -> memref<1x2x1024xf32, #tpu.memory_space<hbm>>
        %dma_wait3A_777 = tpu.memref_squeeze %dma_wait3A_776 : memref<1x2x1024xf32, #tpu.memory_space<hbm>> -> memref<2x1024xf32, #tpu.memory_space<hbm>>
        %dma_wait3A_778 = arith.constant 6 : i32
        %dma_wait3A_779 = arith.constant 0 : i32
        %dma_wait3A_780 = tpu.memref_slice %arg13[%dma_wait3A_778, %dma_wait3A_779] : memref<28x1024xf32, #tpu.memory_space<vmem>> -> memref<2x1024xf32, #tpu.memory_space<vmem>>
        tpu.wait_dma2 semaphore(%arg24 : memref<!tpu.dma_semaphore, #tpu.memory_space<semaphore_mem>>) src(%dma_wait3A_780 : memref<2x1024xf32, #tpu.memory_space<vmem>>) dst(%dma_wait3A_777 : memref<2x1024xf32, #tpu.memory_space<hbm>>)
        %dma_wait3A_781 = arith.constant 8 : i32
        %dma_wait3A_782 = arith.constant 0 : i32
        %dma_wait3A_783 = tpu.memref_slice %arg13[%dma_wait3A_781, %dma_wait3A_782] : memref<28x1024xf32, #tpu.memory_space<vmem>> -> memref<2x1024xf32, #tpu.memory_space<vmem>>
        %dma_wait3A_784 = arith.constant 0 : i32
        %dma_wait3A_785 = tpu.memref_slice %arg11[%cond3A_288, %add3A_277, %dma_wait3A_784] : memref<7x4096x1024xf32, #tpu.memory_space<hbm>> -> memref<1x2x1024xf32, #tpu.memory_space<hbm>>
        %dma_wait3A_786 = tpu.memref_squeeze %dma_wait3A_785 : memref<1x2x1024xf32, #tpu.memory_space<hbm>> -> memref<2x1024xf32, #tpu.memory_space<hbm>>
        %dma_wait3A_787 = arith.constant 0 : i32
        %dma_wait3A_788 = tpu.memref_slice %arg11[%cond3A_288, %add3A_277, %dma_wait3A_787] : memref<7x4096x1024xf32, #tpu.memory_space<hbm>> -> memref<1x2x1024xf32, #tpu.memory_space<hbm>>
        %dma_wait3A_789 = tpu.memref_squeeze %dma_wait3A_788 : memref<1x2x1024xf32, #tpu.memory_space<hbm>> -> memref<2x1024xf32, #tpu.memory_space<hbm>>
        %dma_wait3A_790 = arith.constant 8 : i32
        %dma_wait3A_791 = arith.constant 0 : i32
        %dma_wait3A_792 = tpu.memref_slice %arg13[%dma_wait3A_790, %dma_wait3A_791] : memref<28x1024xf32, #tpu.memory_space<vmem>> -> memref<2x1024xf32, #tpu.memory_space<vmem>>
        tpu.wait_dma2 semaphore(%arg24 : memref<!tpu.dma_semaphore, #tpu.memory_space<semaphore_mem>>) src(%dma_wait3A_792 : memref<2x1024xf32, #tpu.memory_space<vmem>>) dst(%dma_wait3A_789 : memref<2x1024xf32, #tpu.memory_space<hbm>>)
        %dma_wait3A_793 = arith.constant 10 : i32
        %dma_wait3A_794 = arith.constant 0 : i32
        %dma_wait3A_795 = tpu.memref_slice %arg13[%dma_wait3A_793, %dma_wait3A_794] : memref<28x1024xf32, #tpu.memory_space<vmem>> -> memref<2x1024xf32, #tpu.memory_space<vmem>>
        %dma_wait3A_796 = arith.constant 0 : i32
        %dma_wait3A_797 = tpu.memref_slice %arg11[%cond3A_289, %add3A_280, %dma_wait3A_796] : memref<7x4096x1024xf32, #tpu.memory_space<hbm>> -> memref<1x2x1024xf32, #tpu.memory_space<hbm>>
        %dma_wait3A_798 = tpu.memref_squeeze %dma_wait3A_797 : memref<1x2x1024xf32, #tpu.memory_space<hbm>> -> memref<2x1024xf32, #tpu.memory_space<hbm>>
        %dma_wait3A_799 = arith.constant 0 : i32
        %dma_wait3A_800 = tpu.memref_slice %arg11[%cond3A_289, %add3A_280, %dma_wait3A_799] : memref<7x4096x1024xf32, #tpu.memory_space<hbm>> -> memref<1x2x1024xf32, #tpu.memory_space<hbm>>
        %dma_wait3A_801 = tpu.memref_squeeze %dma_wait3A_800 : memref<1x2x1024xf32, #tpu.memory_space<hbm>> -> memref<2x1024xf32, #tpu.memory_space<hbm>>
        %dma_wait3A_802 = arith.constant 10 : i32
        %dma_wait3A_803 = arith.constant 0 : i32
        %dma_wait3A_804 = tpu.memref_slice %arg13[%dma_wait3A_802, %dma_wait3A_803] : memref<28x1024xf32, #tpu.memory_space<vmem>> -> memref<2x1024xf32, #tpu.memory_space<vmem>>
        tpu.wait_dma2 semaphore(%arg24 : memref<!tpu.dma_semaphore, #tpu.memory_space<semaphore_mem>>) src(%dma_wait3A_804 : memref<2x1024xf32, #tpu.memory_space<vmem>>) dst(%dma_wait3A_801 : memref<2x1024xf32, #tpu.memory_space<hbm>>)
        %dma_wait3A_805 = arith.constant 12 : i32
        %dma_wait3A_806 = arith.constant 0 : i32
        %dma_wait3A_807 = tpu.memref_slice %arg13[%dma_wait3A_805, %dma_wait3A_806] : memref<28x1024xf32, #tpu.memory_space<vmem>> -> memref<2x1024xf32, #tpu.memory_space<vmem>>
        %dma_wait3A_808 = arith.constant 0 : i32
        %dma_wait3A_809 = tpu.memref_slice %arg11[%cond3A_290, %add3A_283, %dma_wait3A_808] : memref<7x4096x1024xf32, #tpu.memory_space<hbm>> -> memref<1x2x1024xf32, #tpu.memory_space<hbm>>
        %dma_wait3A_810 = tpu.memref_squeeze %dma_wait3A_809 : memref<1x2x1024xf32, #tpu.memory_space<hbm>> -> memref<2x1024xf32, #tpu.memory_space<hbm>>
        %dma_wait3A_811 = arith.constant 0 : i32
        %dma_wait3A_812 = tpu.memref_slice %arg11[%cond3A_290, %add3A_283, %dma_wait3A_811] : memref<7x4096x1024xf32, #tpu.memory_space<hbm>> -> memref<1x2x1024xf32, #tpu.memory_space<hbm>>
        %dma_wait3A_813 = tpu.memref_squeeze %dma_wait3A_812 : memref<1x2x1024xf32, #tpu.memory_space<hbm>> -> memref<2x1024xf32, #tpu.memory_space<hbm>>
        %dma_wait3A_814 = arith.constant 12 : i32
        %dma_wait3A_815 = arith.constant 0 : i32
        %dma_wait3A_816 = tpu.memref_slice %arg13[%dma_wait3A_814, %dma_wait3A_815] : memref<28x1024xf32, #tpu.memory_space<vmem>> -> memref<2x1024xf32, #tpu.memory_space<vmem>>
        tpu.wait_dma2 semaphore(%arg24 : memref<!tpu.dma_semaphore, #tpu.memory_space<semaphore_mem>>) src(%dma_wait3A_816 : memref<2x1024xf32, #tpu.memory_space<vmem>>) dst(%dma_wait3A_813 : memref<2x1024xf32, #tpu.memory_space<hbm>>)
      } else {
      }
      %mul3A_293 = arith.constant 2 : i32
      %mul3A_294 = arith.muli %add3A_262, %mul3A_293 : i32
      %add3A_295 = arith.constant 0 : i32
      %add3A_296 = arith.addi %mul3A_294, %add3A_295 : i32
      %broadcast_in_dim3A = arith.constant 0 : i32
      %broadcast_in_dim3A_297 = vector.broadcast %broadcast_in_dim3A : i32 to vector<16xi32>
      %add3A_298 = vector.broadcast %add3A_296 : i32 to vector<16xi32>
      %add3A_299 = arith.addi %broadcast_in_dim3A_297, %add3A_298 : vector<16xi32>
      %add3A_300 = arith.constant 0 : i32
      %add3A_301 = vector.broadcast %add3A_300 : i32 to vector<16xi32>
      %add3A_302 = arith.addi %add3A_299, %add3A_301 : vector<16xi32>
      %gather3A = tpu.vector_load_idx %arg22[%add3A_302] : memref<896xi32, #tpu.memory_space<vmem>>[vector<16xi32>], vector<16xi32>,
      %add3A_303 = arith.constant 128 : i32
      %add3A_304 = vector.broadcast %add3A_303 : i32 to vector<16xi32>
      %add3A_305 = arith.addi %add3A_299, %add3A_304 : vector<16xi32>
      %gather3A_306 = tpu.vector_load_idx %arg22[%add3A_305] : memref<896xi32, #tpu.memory_space<vmem>>[vector<16xi32>], vector<16xi32>,
      %add3A_307 = arith.constant 256 : i32
      %add3A_308 = vector.broadcast %add3A_307 : i32 to vector<16xi32>
      %add3A_309 = arith.addi %add3A_299, %add3A_308 : vector<16xi32>
      %gather3A_310 = tpu.vector_load_idx %arg22[%add3A_309] : memref<896xi32, #tpu.memory_space<vmem>>[vector<16xi32>], vector<16xi32>,
      %add3A_311 = arith.constant 384 : i32
      %add3A_312 = vector.broadcast %add3A_311 : i32 to vector<16xi32>
      %add3A_313 = arith.addi %add3A_299, %add3A_312 : vector<16xi32>
      %gather3A_314 = tpu.vector_load_idx %arg22[%add3A_313] : memref<896xi32, #tpu.memory_space<vmem>>[vector<16xi32>], vector<16xi32>,
      %add3A_315 = arith.constant 512 : i32
      %add3A_316 = vector.broadcast %add3A_315 : i32 to vector<16xi32>
      %add3A_317 = arith.addi %add3A_299, %add3A_316 : vector<16xi32>
      %gather3A_318 = tpu.vector_load_idx %arg22[%add3A_317] : memref<896xi32, #tpu.memory_space<vmem>>[vector<16xi32>], vector<16xi32>,
      %add3A_319 = arith.constant 640 : i32
      %add3A_320 = vector.broadcast %add3A_319 : i32 to vector<16xi32>
      %add3A_321 = arith.addi %add3A_299, %add3A_320 : vector<16xi32>
      %gather3A_322 = tpu.vector_load_idx %arg22[%add3A_321] : memref<896xi32, #tpu.memory_space<vmem>>[vector<16xi32>], vector<16xi32>,
      %add3A_323 = arith.constant 768 : i32
      %add3A_324 = vector.broadcast %add3A_323 : i32 to vector<16xi32>
      %add3A_325 = arith.addi %add3A_299, %add3A_324 : vector<16xi32>
      %gather3A_326 = tpu.vector_load_idx %arg22[%add3A_325] : memref<896xi32, #tpu.memory_space<vmem>>[vector<16xi32>], vector<16xi32>,
      %gather3A_327 = tpu.vector_load_idx %arg23[%add3A_299] : memref<256xf32, #tpu.memory_space<vmem>>[vector<16xi32>], vector<16xf32>,
      %add3A_328 = arith.constant 128 : i32
      %add3A_329 = vector.broadcast %add3A_328 : i32 to vector<16xi32>
      %add3A_330 = arith.addi %add3A_299, %add3A_329 : vector<16xi32>
      %gather3A_331 = tpu.vector_load_idx %arg23[%add3A_330] : memref<256xf32, #tpu.memory_space<vmem>>[vector<16xi32>], vector<16xf32>,
      %sub3A = arith.constant 1.000000e+00 : f32
      %sub3A_332 = vector.broadcast %sub3A : f32 to vector<16xf32>
      %sub3A_333 = arith.subf %sub3A_332, %gather3A_327 : vector<16xf32>
      %sub3A_334 = arith.constant 1.000000e+00 : f32
      %sub3A_335 = vector.broadcast %sub3A_334 : f32 to vector<16xf32>
      %sub3A_336 = arith.subf %sub3A_335, %gather3A_331 : vector<16xf32>
      %add3A_337 = arith.constant 1024 : i32
      %add3A_338 = vector.broadcast %add3A_337 : i32 to vector<16xi32>
      %add3A_339 = arith.addi %gather3A, %add3A_338 : vector<16xi32>
      %add3A_340 = arith.constant 1024 : i32
      %add3A_341 = vector.broadcast %add3A_340 : i32 to vector<16xi32>
      %add3A_342 = arith.addi %gather3A_306, %add3A_341 : vector<16xi32>
      %parallel_loop3A = arith.constant 0 : i32
      %parallel_loop3A_343 = arith.constant 64 : i32
      %parallel_loop3A_344 = arith.constant 1 : i32
      %parallel_loop3A_345 = scf.for %parallel_loop3A_733 = %parallel_loop3A to %parallel_loop3A_343 step %parallel_loop3A_344 iter_args(%parallel_loop3A_734 = %iota3A) -> (vector<16xi32>)  : i32 {
        %parallel_loop3A_735 = arith.constant 16 : i32
        %parallel_loop3A_736 = arith.muli %parallel_loop3A_733, %parallel_loop3A_735 : i32
        %parallel_loop3A_737 = arith.addi %gather3A, %parallel_loop3A_734 : vector<16xi32>
        %parallel_loop3A_738 = tpu.vector_load_idx %arg12[%parallel_loop3A_737] : memref<86016xf32, #tpu.memory_space<vmem>>[vector<16xi32>], vector<16xf32>,
        %parallel_loop3A_739 = arith.addi %add3A_339, %parallel_loop3A_734 : vector<16xi32>
        %parallel_loop3A_740 = tpu.vector_load_idx %arg12[%parallel_loop3A_739] : memref<86016xf32, #tpu.memory_space<vmem>>[vector<16xi32>], vector<16xf32>,
        %parallel_loop3A_741 = arith.mulf %sub3A_333, %parallel_loop3A_738 : vector<16xf32>
        %parallel_loop3A_742 = arith.mulf %gather3A_327, %parallel_loop3A_740 : vector<16xf32>
        %parallel_loop3A_743 = arith.addf %parallel_loop3A_741, %parallel_loop3A_742 : vector<16xf32>
        %parallel_loop3A_744 = arith.constant 0 : i32
        %parallel_loop3A_745 = arith.index_cast %parallel_loop3A_744 : i32 to index
        %parallel_loop3A_746 = arith.index_cast %parallel_loop3A_736 : i32 to index
        %parallel_loop3A_747 = tpu.vector_load %arg13[%parallel_loop3A_745, %parallel_loop3A_746] {strides = array<i32>} : memref<28x1024xf32, #tpu.memory_space<vmem>>, vector<16xf32>,
        tpu.vector_store %arg13[%parallel_loop3A_745, %parallel_loop3A_746], %parallel_loop3A_743 {strides = array<i32>} : memref<28x1024xf32, #tpu.memory_space<vmem>>, vector<16xf32>,
        %parallel_loop3A_748 = arith.addi %gather3A_306, %parallel_loop3A_734 : vector<16xi32>
        %parallel_loop3A_749 = tpu.vector_load_idx %arg12[%parallel_loop3A_748] : memref<86016xf32, #tpu.memory_space<vmem>>[vector<16xi32>], vector<16xf32>,
        %parallel_loop3A_750 = arith.addi %add3A_342, %parallel_loop3A_734 : vector<16xi32>
        %parallel_loop3A_751 = tpu.vector_load_idx %arg12[%parallel_loop3A_750] : memref<86016xf32, #tpu.memory_space<vmem>>[vector<16xi32>], vector<16xf32>,
        %parallel_loop3A_752 = arith.mulf %sub3A_336, %parallel_loop3A_749 : vector<16xf32>
        %parallel_loop3A_753 = arith.mulf %gather3A_331, %parallel_loop3A_751 : vector<16xf32>
        %parallel_loop3A_754 = arith.addf %parallel_loop3A_752, %parallel_loop3A_753 : vector<16xf32>
        %parallel_loop3A_755 = arith.constant 2 : i32
        %parallel_loop3A_756 = arith.index_cast %parallel_loop3A_755 : i32 to index
        %parallel_loop3A_757 = arith.index_cast %parallel_loop3A_736 : i32 to index
        %parallel_loop3A_758 = tpu.vector_load %arg13[%parallel_loop3A_756, %parallel_loop3A_757] {strides = array<i32>} : memref<28x1024xf32, #tpu.memory_space<vmem>>, vector<16xf32>,
        tpu.vector_store %arg13[%parallel_loop3A_756, %parallel_loop3A_757], %parallel_loop3A_754 {strides = array<i32>} : memref<28x1024xf32, #tpu.memory_space<vmem>>, vector<16xf32>,
        %parallel_loop3A_759 = arith.addi %gather3A_310, %parallel_loop3A_734 : vector<16xi32>
        %parallel_loop3A_760 = tpu.vector_load_idx %arg12[%parallel_loop3A_759] : memref<86016xf32, #tpu.memory_space<vmem>>[vector<16xi32>], vector<16xf32>,
        %parallel_loop3A_761 = arith.constant 4 : i32
        %parallel_loop3A_762 = arith.index_cast %parallel_loop3A_761 : i32 to index
        %parallel_loop3A_763 = arith.index_cast %parallel_loop3A_736 : i32 to index
        %parallel_loop3A_764 = tpu.vector_load %arg13[%parallel_loop3A_762, %parallel_loop3A_763] {strides = array<i32>} : memref<28x1024xf32, #tpu.memory_space<vmem>>, vector<16xf32>,
        tpu.vector_store %arg13[%parallel_loop3A_762, %parallel_loop3A_763], %parallel_loop3A_760 {strides = array<i32>} : memref<28x1024xf32, #tpu.memory_space<vmem>>, vector<16xf32>,
        %parallel_loop3A_765 = arith.addi %gather3A_314, %parallel_loop3A_734 : vector<16xi32>
        %parallel_loop3A_766 = tpu.vector_load_idx %arg12[%parallel_loop3A_765] : memref<86016xf32, #tpu.memory_space<vmem>>[vector<16xi32>], vector<16xf32>,
        %parallel_loop3A_767 = arith.constant 6 : i32
        %parallel_loop3A_768 = arith.index_cast %parallel_loop3A_767 : i32 to index
        %parallel_loop3A_769 = arith.index_cast %parallel_loop3A_736 : i32 to index
        %parallel_loop3A_770 = tpu.vector_load %arg13[%parallel_loop3A_768, %parallel_loop3A_769] {strides = array<i32>} : memref<28x1024xf32, #tpu.memory_space<vmem>>, vector<16xf32>,
        tpu.vector_store %arg13[%parallel_loop3A_768, %parallel_loop3A_769], %parallel_loop3A_766 {strides = array<i32>} : memref<28x1024xf32, #tpu.memory_space<vmem>>, vector<16xf32>,
        %parallel_loop3A_771 = arith.addi %gather3A_318, %parallel_loop3A_734 : vector<16xi32>
        %parallel_loop3A_772 = tpu.vector_load_idx %arg12[%parallel_loop3A_771] : memref<86016xf32, #tpu.memory_space<vmem>>[vector<16xi32>], vector<16xf32>,
        %parallel_loop3A_773 = arith.constant 8 : i32
        %parallel_loop3A_774 = arith.index_cast %parallel_loop3A_773 : i32 to index
        %parallel_loop3A_775 = arith.index_cast %parallel_loop3A_736 : i32 to index
        %parallel_loop3A_776 = tpu.vector_load %arg13[%parallel_loop3A_774, %parallel_loop3A_775] {strides = array<i32>} : memref<28x1024xf32, #tpu.memory_space<vmem>>, vector<16xf32>,
        tpu.vector_store %arg13[%parallel_loop3A_774, %parallel_loop3A_775], %parallel_loop3A_772 {strides = array<i32>} : memref<28x1024xf32, #tpu.memory_space<vmem>>, vector<16xf32>,
        %parallel_loop3A_777 = arith.addi %gather3A_322, %parallel_loop3A_734 : vector<16xi32>
        %parallel_loop3A_778 = tpu.vector_load_idx %arg12[%parallel_loop3A_777] : memref<86016xf32, #tpu.memory_space<vmem>>[vector<16xi32>], vector<16xf32>,
        %parallel_loop3A_779 = arith.constant 10 : i32
        %parallel_loop3A_780 = arith.index_cast %parallel_loop3A_779 : i32 to index
        %parallel_loop3A_781 = arith.index_cast %parallel_loop3A_736 : i32 to index
        %parallel_loop3A_782 = tpu.vector_load %arg13[%parallel_loop3A_780, %parallel_loop3A_781] {strides = array<i32>} : memref<28x1024xf32, #tpu.memory_space<vmem>>, vector<16xf32>,
        tpu.vector_store %arg13[%parallel_loop3A_780, %parallel_loop3A_781], %parallel_loop3A_778 {strides = array<i32>} : memref<28x1024xf32, #tpu.memory_space<vmem>>, vector<16xf32>,
        %parallel_loop3A_783 = arith.addi %gather3A_326, %parallel_loop3A_734 : vector<16xi32>
        %parallel_loop3A_784 = tpu.vector_load_idx %arg12[%parallel_loop3A_783] : memref<86016xf32, #tpu.memory_space<vmem>>[vector<16xi32>], vector<16xf32>,
        %parallel_loop3A_785 = arith.constant 12 : i32
        %parallel_loop3A_786 = arith.index_cast %parallel_loop3A_785 : i32 to index
        %parallel_loop3A_787 = arith.index_cast %parallel_loop3A_736 : i32 to index
        %parallel_loop3A_788 = tpu.vector_load %arg13[%parallel_loop3A_786, %parallel_loop3A_787] {strides = array<i32>} : memref<28x1024xf32, #tpu.memory_space<vmem>>, vector<16xf32>,
        tpu.vector_store %arg13[%parallel_loop3A_786, %parallel_loop3A_787], %parallel_loop3A_784 {strides = array<i32>} : memref<28x1024xf32, #tpu.memory_space<vmem>>, vector<16xf32>,
        %parallel_loop3A_789 = arith.constant 16 : i32
        %parallel_loop3A_790 = vector.broadcast %parallel_loop3A_789 : i32 to vector<16xi32>
        %parallel_loop3A_791 = arith.addi %parallel_loop3A_734, %parallel_loop3A_790 : vector<16xi32>
        scf.yield %parallel_loop3A_791 : vector<16xi32>
      } {sc.loop_unroll_factor = 8 : i64, sc.parallel_access}
      %mul3A_346 = arith.constant 2 : i32
      %mul3A_347 = arith.muli %add3A_262, %mul3A_346 : i32
      %add3A_348 = arith.constant 1 : i32
      %add3A_349 = arith.addi %mul3A_347, %add3A_348 : i32
      %broadcast_in_dim3A_350 = arith.constant 0 : i32
      %broadcast_in_dim3A_351 = vector.broadcast %broadcast_in_dim3A_350 : i32 to vector<16xi32>
      %add3A_352 = vector.broadcast %add3A_349 : i32 to vector<16xi32>
      %add3A_353 = arith.addi %broadcast_in_dim3A_351, %add3A_352 : vector<16xi32>
      %add3A_354 = arith.constant 0 : i32
      %add3A_355 = vector.broadcast %add3A_354 : i32 to vector<16xi32>
      %add3A_356 = arith.addi %add3A_353, %add3A_355 : vector<16xi32>
      %gather3A_357 = tpu.vector_load_idx %arg22[%add3A_356] : memref<896xi32, #tpu.memory_space<vmem>>[vector<16xi32>], vector<16xi32>,
      %add3A_358 = arith.constant 128 : i32
      %add3A_359 = vector.broadcast %add3A_358 : i32 to vector<16xi32>
      %add3A_360 = arith.addi %add3A_353, %add3A_359 : vector<16xi32>
      %gather3A_361 = tpu.vector_load_idx %arg22[%add3A_360] : memref<896xi32, #tpu.memory_space<vmem>>[vector<16xi32>], vector<16xi32>,
      %add3A_362 = arith.constant 256 : i32
      %add3A_363 = vector.broadcast %add3A_362 : i32 to vector<16xi32>
      %add3A_364 = arith.addi %add3A_353, %add3A_363 : vector<16xi32>
      %gather3A_365 = tpu.vector_load_idx %arg22[%add3A_364] : memref<896xi32, #tpu.memory_space<vmem>>[vector<16xi32>], vector<16xi32>,
      %add3A_366 = arith.constant 384 : i32
      %add3A_367 = vector.broadcast %add3A_366 : i32 to vector<16xi32>
      %add3A_368 = arith.addi %add3A_353, %add3A_367 : vector<16xi32>
      %gather3A_369 = tpu.vector_load_idx %arg22[%add3A_368] : memref<896xi32, #tpu.memory_space<vmem>>[vector<16xi32>], vector<16xi32>,
      %add3A_370 = arith.constant 512 : i32
      %add3A_371 = vector.broadcast %add3A_370 : i32 to vector<16xi32>
      %add3A_372 = arith.addi %add3A_353, %add3A_371 : vector<16xi32>
      %gather3A_373 = tpu.vector_load_idx %arg22[%add3A_372] : memref<896xi32, #tpu.memory_space<vmem>>[vector<16xi32>], vector<16xi32>,
      %add3A_374 = arith.constant 640 : i32
      %add3A_375 = vector.broadcast %add3A_374 : i32 to vector<16xi32>
      %add3A_376 = arith.addi %add3A_353, %add3A_375 : vector<16xi32>
      %gather3A_377 = tpu.vector_load_idx %arg22[%add3A_376] : memref<896xi32, #tpu.memory_space<vmem>>[vector<16xi32>], vector<16xi32>,
      %add3A_378 = arith.constant 768 : i32
      %add3A_379 = vector.broadcast %add3A_378 : i32 to vector<16xi32>
      %add3A_380 = arith.addi %add3A_353, %add3A_379 : vector<16xi32>
      %gather3A_381 = tpu.vector_load_idx %arg22[%add3A_380] : memref<896xi32, #tpu.memory_space<vmem>>[vector<16xi32>], vector<16xi32>,
      %gather3A_382 = tpu.vector_load_idx %arg23[%add3A_353] : memref<256xf32, #tpu.memory_space<vmem>>[vector<16xi32>], vector<16xf32>,
      %add3A_383 = arith.constant 128 : i32
      %add3A_384 = vector.broadcast %add3A_383 : i32 to vector<16xi32>
      %add3A_385 = arith.addi %add3A_353, %add3A_384 : vector<16xi32>
      %gather3A_386 = tpu.vector_load_idx %arg23[%add3A_385] : memref<256xf32, #tpu.memory_space<vmem>>[vector<16xi32>], vector<16xf32>,
      %sub3A_387 = arith.constant 1.000000e+00 : f32
      %sub3A_388 = vector.broadcast %sub3A_387 : f32 to vector<16xf32>
      %sub3A_389 = arith.subf %sub3A_388, %gather3A_382 : vector<16xf32>
      %sub3A_390 = arith.constant 1.000000e+00 : f32
      %sub3A_391 = vector.broadcast %sub3A_390 : f32 to vector<16xf32>
      %sub3A_392 = arith.subf %sub3A_391, %gather3A_386 : vector<16xf32>
      %add3A_393 = arith.constant 1024 : i32
      %add3A_394 = vector.broadcast %add3A_393 : i32 to vector<16xi32>
      %add3A_395 = arith.addi %gather3A_357, %add3A_394 : vector<16xi32>
      %add3A_396 = arith.constant 1024 : i32
      %add3A_397 = vector.broadcast %add3A_396 : i32 to vector<16xi32>
      %add3A_398 = arith.addi %gather3A_361, %add3A_397 : vector<16xi32>
      %parallel_loop3A_399 = arith.constant 0 : i32
      %parallel_loop3A_400 = arith.constant 64 : i32
      %parallel_loop3A_401 = arith.constant 1 : i32
      %parallel_loop3A_402 = scf.for %parallel_loop3A_733 = %parallel_loop3A_399 to %parallel_loop3A_400 step %parallel_loop3A_401 iter_args(%parallel_loop3A_734 = %iota3A) -> (vector<16xi32>)  : i32 {
        %parallel_loop3A_735 = arith.constant 16 : i32
        %parallel_loop3A_736 = arith.muli %parallel_loop3A_733, %parallel_loop3A_735 : i32
        %parallel_loop3A_737 = arith.addi %gather3A_357, %parallel_loop3A_734 : vector<16xi32>
        %parallel_loop3A_738 = tpu.vector_load_idx %arg12[%parallel_loop3A_737] : memref<86016xf32, #tpu.memory_space<vmem>>[vector<16xi32>], vector<16xf32>,
        %parallel_loop3A_739 = arith.addi %add3A_395, %parallel_loop3A_734 : vector<16xi32>
        %parallel_loop3A_740 = tpu.vector_load_idx %arg12[%parallel_loop3A_739] : memref<86016xf32, #tpu.memory_space<vmem>>[vector<16xi32>], vector<16xf32>,
        %parallel_loop3A_741 = arith.mulf %sub3A_389, %parallel_loop3A_738 : vector<16xf32>
        %parallel_loop3A_742 = arith.mulf %gather3A_382, %parallel_loop3A_740 : vector<16xf32>
        %parallel_loop3A_743 = arith.addf %parallel_loop3A_741, %parallel_loop3A_742 : vector<16xf32>
        %parallel_loop3A_744 = arith.constant 1 : i32
        %parallel_loop3A_745 = arith.index_cast %parallel_loop3A_744 : i32 to index
        %parallel_loop3A_746 = arith.index_cast %parallel_loop3A_736 : i32 to index
        %parallel_loop3A_747 = tpu.vector_load %arg13[%parallel_loop3A_745, %parallel_loop3A_746] {strides = array<i32>} : memref<28x1024xf32, #tpu.memory_space<vmem>>, vector<16xf32>,
        tpu.vector_store %arg13[%parallel_loop3A_745, %parallel_loop3A_746], %parallel_loop3A_743 {strides = array<i32>} : memref<28x1024xf32, #tpu.memory_space<vmem>>, vector<16xf32>,
        %parallel_loop3A_748 = arith.addi %gather3A_361, %parallel_loop3A_734 : vector<16xi32>
        %parallel_loop3A_749 = tpu.vector_load_idx %arg12[%parallel_loop3A_748] : memref<86016xf32, #tpu.memory_space<vmem>>[vector<16xi32>], vector<16xf32>,
        %parallel_loop3A_750 = arith.addi %add3A_398, %parallel_loop3A_734 : vector<16xi32>
        %parallel_loop3A_751 = tpu.vector_load_idx %arg12[%parallel_loop3A_750] : memref<86016xf32, #tpu.memory_space<vmem>>[vector<16xi32>], vector<16xf32>,
        %parallel_loop3A_752 = arith.mulf %sub3A_392, %parallel_loop3A_749 : vector<16xf32>
        %parallel_loop3A_753 = arith.mulf %gather3A_386, %parallel_loop3A_751 : vector<16xf32>
        %parallel_loop3A_754 = arith.addf %parallel_loop3A_752, %parallel_loop3A_753 : vector<16xf32>
        %parallel_loop3A_755 = arith.constant 3 : i32
        %parallel_loop3A_756 = arith.index_cast %parallel_loop3A_755 : i32 to index
        %parallel_loop3A_757 = arith.index_cast %parallel_loop3A_736 : i32 to index
        %parallel_loop3A_758 = tpu.vector_load %arg13[%parallel_loop3A_756, %parallel_loop3A_757] {strides = array<i32>} : memref<28x1024xf32, #tpu.memory_space<vmem>>, vector<16xf32>,
        tpu.vector_store %arg13[%parallel_loop3A_756, %parallel_loop3A_757], %parallel_loop3A_754 {strides = array<i32>} : memref<28x1024xf32, #tpu.memory_space<vmem>>, vector<16xf32>,
        %parallel_loop3A_759 = arith.addi %gather3A_365, %parallel_loop3A_734 : vector<16xi32>
        %parallel_loop3A_760 = tpu.vector_load_idx %arg12[%parallel_loop3A_759] : memref<86016xf32, #tpu.memory_space<vmem>>[vector<16xi32>], vector<16xf32>,
        %parallel_loop3A_761 = arith.constant 5 : i32
        %parallel_loop3A_762 = arith.index_cast %parallel_loop3A_761 : i32 to index
        %parallel_loop3A_763 = arith.index_cast %parallel_loop3A_736 : i32 to index
        %parallel_loop3A_764 = tpu.vector_load %arg13[%parallel_loop3A_762, %parallel_loop3A_763] {strides = array<i32>} : memref<28x1024xf32, #tpu.memory_space<vmem>>, vector<16xf32>,
        tpu.vector_store %arg13[%parallel_loop3A_762, %parallel_loop3A_763], %parallel_loop3A_760 {strides = array<i32>} : memref<28x1024xf32, #tpu.memory_space<vmem>>, vector<16xf32>,
        %parallel_loop3A_765 = arith.addi %gather3A_369, %parallel_loop3A_734 : vector<16xi32>
        %parallel_loop3A_766 = tpu.vector_load_idx %arg12[%parallel_loop3A_765] : memref<86016xf32, #tpu.memory_space<vmem>>[vector<16xi32>], vector<16xf32>,
        %parallel_loop3A_767 = arith.constant 7 : i32
        %parallel_loop3A_768 = arith.index_cast %parallel_loop3A_767 : i32 to index
        %parallel_loop3A_769 = arith.index_cast %parallel_loop3A_736 : i32 to index
        %parallel_loop3A_770 = tpu.vector_load %arg13[%parallel_loop3A_768, %parallel_loop3A_769] {strides = array<i32>} : memref<28x1024xf32, #tpu.memory_space<vmem>>, vector<16xf32>,
        tpu.vector_store %arg13[%parallel_loop3A_768, %parallel_loop3A_769], %parallel_loop3A_766 {strides = array<i32>} : memref<28x1024xf32, #tpu.memory_space<vmem>>, vector<16xf32>,
        %parallel_loop3A_771 = arith.addi %gather3A_373, %parallel_loop3A_734 : vector<16xi32>
        %parallel_loop3A_772 = tpu.vector_load_idx %arg12[%parallel_loop3A_771] : memref<86016xf32, #tpu.memory_space<vmem>>[vector<16xi32>], vector<16xf32>,
        %parallel_loop3A_773 = arith.constant 9 : i32
        %parallel_loop3A_774 = arith.index_cast %parallel_loop3A_773 : i32 to index
        %parallel_loop3A_775 = arith.index_cast %parallel_loop3A_736 : i32 to index
        %parallel_loop3A_776 = tpu.vector_load %arg13[%parallel_loop3A_774, %parallel_loop3A_775] {strides = array<i32>} : memref<28x1024xf32, #tpu.memory_space<vmem>>, vector<16xf32>,
        tpu.vector_store %arg13[%parallel_loop3A_774, %parallel_loop3A_775], %parallel_loop3A_772 {strides = array<i32>} : memref<28x1024xf32, #tpu.memory_space<vmem>>, vector<16xf32>,
        %parallel_loop3A_777 = arith.addi %gather3A_377, %parallel_loop3A_734 : vector<16xi32>
        %parallel_loop3A_778 = tpu.vector_load_idx %arg12[%parallel_loop3A_777] : memref<86016xf32, #tpu.memory_space<vmem>>[vector<16xi32>], vector<16xf32>,
        %parallel_loop3A_779 = arith.constant 11 : i32
        %parallel_loop3A_780 = arith.index_cast %parallel_loop3A_779 : i32 to index
        %parallel_loop3A_781 = arith.index_cast %parallel_loop3A_736 : i32 to index
        %parallel_loop3A_782 = tpu.vector_load %arg13[%parallel_loop3A_780, %parallel_loop3A_781] {strides = array<i32>} : memref<28x1024xf32, #tpu.memory_space<vmem>>, vector<16xf32>,
        tpu.vector_store %arg13[%parallel_loop3A_780, %parallel_loop3A_781], %parallel_loop3A_778 {strides = array<i32>} : memref<28x1024xf32, #tpu.memory_space<vmem>>, vector<16xf32>,
        %parallel_loop3A_783 = arith.addi %gather3A_381, %parallel_loop3A_734 : vector<16xi32>
        %parallel_loop3A_784 = tpu.vector_load_idx %arg12[%parallel_loop3A_783] : memref<86016xf32, #tpu.memory_space<vmem>>[vector<16xi32>], vector<16xf32>,
        %parallel_loop3A_785 = arith.constant 13 : i32
        %parallel_loop3A_786 = arith.index_cast %parallel_loop3A_785 : i32 to index
        %parallel_loop3A_787 = arith.index_cast %parallel_loop3A_736 : i32 to index
        %parallel_loop3A_788 = tpu.vector_load %arg13[%parallel_loop3A_786, %parallel_loop3A_787] {strides = array<i32>} : memref<28x1024xf32, #tpu.memory_space<vmem>>, vector<16xf32>,
        tpu.vector_store %arg13[%parallel_loop3A_786, %parallel_loop3A_787], %parallel_loop3A_784 {strides = array<i32>} : memref<28x1024xf32, #tpu.memory_space<vmem>>, vector<16xf32>,
        %parallel_loop3A_789 = arith.constant 16 : i32
        %parallel_loop3A_790 = vector.broadcast %parallel_loop3A_789 : i32 to vector<16xi32>
        %parallel_loop3A_791 = arith.addi %parallel_loop3A_734, %parallel_loop3A_790 : vector<16xi32>
        scf.yield %parallel_loop3A_791 : vector<16xi32>
      } {sc.loop_unroll_factor = 8 : i64, sc.parallel_access}
      %dma_start3A = arith.constant 0 : i32
      %dma_start3A_403 = arith.constant 0 : i32
      %dma_start3A_404 = arith.constant 0 : i32
      %dma_start3A_405 = tpu.memref_slice %arg13[%dma_start3A_403, %dma_start3A_404] : memref<28x1024xf32, #tpu.memory_space<vmem>> -> memref<2x1024xf32, #tpu.memory_space<vmem>>
      %dma_start3A_406 = arith.constant 0 : i32
      %dma_start3A_407 = tpu.memref_slice %arg11[%dma_start3A, %add3A_265, %dma_start3A_406] : memref<7x4096x1024xf32, #tpu.memory_space<hbm>> -> memref<1x2x1024xf32, #tpu.memory_space<hbm>>
      %dma_start3A_408 = tpu.memref_squeeze %dma_start3A_407 : memref<1x2x1024xf32, #tpu.memory_space<hbm>> -> memref<2x1024xf32, #tpu.memory_space<hbm>>
      %dma_start3A_409 = arith.constant 0 : i32
      %dma_start3A_410 = tpu.memref_slice %arg11[%dma_start3A, %add3A_265, %dma_start3A_409] : memref<7x4096x1024xf32, #tpu.memory_space<hbm>> -> memref<1x2x1024xf32, #tpu.memory_space<hbm>>
      %dma_start3A_411 = tpu.memref_squeeze %dma_start3A_410 : memref<1x2x1024xf32, #tpu.memory_space<hbm>> -> memref<2x1024xf32, #tpu.memory_space<hbm>>
      %dma_start3A_412 = arith.constant 0 : i32
      %dma_start3A_413 = arith.constant 0 : i32
      %dma_start3A_414 = tpu.memref_slice %arg13[%dma_start3A_412, %dma_start3A_413] : memref<28x1024xf32, #tpu.memory_space<vmem>> -> memref<2x1024xf32, #tpu.memory_space<vmem>>
      tpu.enqueue_dma source(%dma_start3A_414 : memref<2x1024xf32, #tpu.memory_space<vmem>>) target(%dma_start3A_411 : memref<2x1024xf32, #tpu.memory_space<hbm>>) target_semaphore(%arg24 : memref<!tpu.dma_semaphore, #tpu.memory_space<semaphore_mem>>)
      %dma_start3A_415 = arith.constant 1 : i32
      %dma_start3A_416 = arith.constant 2 : i32
      %dma_start3A_417 = arith.constant 0 : i32
      %dma_start3A_418 = tpu.memref_slice %arg13[%dma_start3A_416, %dma_start3A_417] : memref<28x1024xf32, #tpu.memory_space<vmem>> -> memref<2x1024xf32, #tpu.memory_space<vmem>>
      %dma_start3A_419 = arith.constant 0 : i32
      %dma_start3A_420 = tpu.memref_slice %arg11[%dma_start3A_415, %add3A_268, %dma_start3A_419] : memref<7x4096x1024xf32, #tpu.memory_space<hbm>> -> memref<1x2x1024xf32, #tpu.memory_space<hbm>>
      %dma_start3A_421 = tpu.memref_squeeze %dma_start3A_420 : memref<1x2x1024xf32, #tpu.memory_space<hbm>> -> memref<2x1024xf32, #tpu.memory_space<hbm>>
      %dma_start3A_422 = arith.constant 0 : i32
      %dma_start3A_423 = tpu.memref_slice %arg11[%dma_start3A_415, %add3A_268, %dma_start3A_422] : memref<7x4096x1024xf32, #tpu.memory_space<hbm>> -> memref<1x2x1024xf32, #tpu.memory_space<hbm>>
      %dma_start3A_424 = tpu.memref_squeeze %dma_start3A_423 : memref<1x2x1024xf32, #tpu.memory_space<hbm>> -> memref<2x1024xf32, #tpu.memory_space<hbm>>
      %dma_start3A_425 = arith.constant 2 : i32
      %dma_start3A_426 = arith.constant 0 : i32
      %dma_start3A_427 = tpu.memref_slice %arg13[%dma_start3A_425, %dma_start3A_426] : memref<28x1024xf32, #tpu.memory_space<vmem>> -> memref<2x1024xf32, #tpu.memory_space<vmem>>
      tpu.enqueue_dma source(%dma_start3A_427 : memref<2x1024xf32, #tpu.memory_space<vmem>>) target(%dma_start3A_424 : memref<2x1024xf32, #tpu.memory_space<hbm>>) target_semaphore(%arg24 : memref<!tpu.dma_semaphore, #tpu.memory_space<semaphore_mem>>)
      %dma_start3A_428 = arith.constant 2 : i32
      %dma_start3A_429 = arith.constant 4 : i32
      %dma_start3A_430 = arith.constant 0 : i32
      %dma_start3A_431 = tpu.memref_slice %arg13[%dma_start3A_429, %dma_start3A_430] : memref<28x1024xf32, #tpu.memory_space<vmem>> -> memref<2x1024xf32, #tpu.memory_space<vmem>>
      %dma_start3A_432 = arith.constant 0 : i32
      %dma_start3A_433 = tpu.memref_slice %arg11[%dma_start3A_428, %add3A_271, %dma_start3A_432] : memref<7x4096x1024xf32, #tpu.memory_space<hbm>> -> memref<1x2x1024xf32, #tpu.memory_space<hbm>>
      %dma_start3A_434 = tpu.memref_squeeze %dma_start3A_433 : memref<1x2x1024xf32, #tpu.memory_space<hbm>> -> memref<2x1024xf32, #tpu.memory_space<hbm>>
      %dma_start3A_435 = arith.constant 0 : i32
      %dma_start3A_436 = tpu.memref_slice %arg11[%dma_start3A_428, %add3A_271, %dma_start3A_435] : memref<7x4096x1024xf32, #tpu.memory_space<hbm>> -> memref<1x2x1024xf32, #tpu.memory_space<hbm>>
      %dma_start3A_437 = tpu.memref_squeeze %dma_start3A_436 : memref<1x2x1024xf32, #tpu.memory_space<hbm>> -> memref<2x1024xf32, #tpu.memory_space<hbm>>
      %dma_start3A_438 = arith.constant 4 : i32
      %dma_start3A_439 = arith.constant 0 : i32
      %dma_start3A_440 = tpu.memref_slice %arg13[%dma_start3A_438, %dma_start3A_439] : memref<28x1024xf32, #tpu.memory_space<vmem>> -> memref<2x1024xf32, #tpu.memory_space<vmem>>
      tpu.enqueue_dma source(%dma_start3A_440 : memref<2x1024xf32, #tpu.memory_space<vmem>>) target(%dma_start3A_437 : memref<2x1024xf32, #tpu.memory_space<hbm>>) target_semaphore(%arg24 : memref<!tpu.dma_semaphore, #tpu.memory_space<semaphore_mem>>)
      %dma_start3A_441 = arith.constant 3 : i32
      %dma_start3A_442 = arith.constant 6 : i32
      %dma_start3A_443 = arith.constant 0 : i32
      %dma_start3A_444 = tpu.memref_slice %arg13[%dma_start3A_442, %dma_start3A_443] : memref<28x1024xf32, #tpu.memory_space<vmem>> -> memref<2x1024xf32, #tpu.memory_space<vmem>>
      %dma_start3A_445 = arith.constant 0 : i32
      %dma_start3A_446 = tpu.memref_slice %arg11[%dma_start3A_441, %add3A_274, %dma_start3A_445] : memref<7x4096x1024xf32, #tpu.memory_space<hbm>> -> memref<1x2x1024xf32, #tpu.memory_space<hbm>>
      %dma_start3A_447 = tpu.memref_squeeze %dma_start3A_446 : memref<1x2x1024xf32, #tpu.memory_space<hbm>> -> memref<2x1024xf32, #tpu.memory_space<hbm>>
      %dma_start3A_448 = arith.constant 0 : i32
      %dma_start3A_449 = tpu.memref_slice %arg11[%dma_start3A_441, %add3A_274, %dma_start3A_448] : memref<7x4096x1024xf32, #tpu.memory_space<hbm>> -> memref<1x2x1024xf32, #tpu.memory_space<hbm>>
      %dma_start3A_450 = tpu.memref_squeeze %dma_start3A_449 : memref<1x2x1024xf32, #tpu.memory_space<hbm>> -> memref<2x1024xf32, #tpu.memory_space<hbm>>
      %dma_start3A_451 = arith.constant 6 : i32
      %dma_start3A_452 = arith.constant 0 : i32
      %dma_start3A_453 = tpu.memref_slice %arg13[%dma_start3A_451, %dma_start3A_452] : memref<28x1024xf32, #tpu.memory_space<vmem>> -> memref<2x1024xf32, #tpu.memory_space<vmem>>
      tpu.enqueue_dma source(%dma_start3A_453 : memref<2x1024xf32, #tpu.memory_space<vmem>>) target(%dma_start3A_450 : memref<2x1024xf32, #tpu.memory_space<hbm>>) target_semaphore(%arg24 : memref<!tpu.dma_semaphore, #tpu.memory_space<semaphore_mem>>)
      %dma_start3A_454 = arith.constant 4 : i32
      %dma_start3A_455 = arith.constant 8 : i32
      %dma_start3A_456 = arith.constant 0 : i32
      %dma_start3A_457 = tpu.memref_slice %arg13[%dma_start3A_455, %dma_start3A_456] : memref<28x1024xf32, #tpu.memory_space<vmem>> -> memref<2x1024xf32, #tpu.memory_space<vmem>>
      %dma_start3A_458 = arith.constant 0 : i32
      %dma_start3A_459 = tpu.memref_slice %arg11[%dma_start3A_454, %add3A_277, %dma_start3A_458] : memref<7x4096x1024xf32, #tpu.memory_space<hbm>> -> memref<1x2x1024xf32, #tpu.memory_space<hbm>>
      %dma_start3A_460 = tpu.memref_squeeze %dma_start3A_459 : memref<1x2x1024xf32, #tpu.memory_space<hbm>> -> memref<2x1024xf32, #tpu.memory_space<hbm>>
      %dma_start3A_461 = arith.constant 0 : i32
      %dma_start3A_462 = tpu.memref_slice %arg11[%dma_start3A_454, %add3A_277, %dma_start3A_461] : memref<7x4096x1024xf32, #tpu.memory_space<hbm>> -> memref<1x2x1024xf32, #tpu.memory_space<hbm>>
      %dma_start3A_463 = tpu.memref_squeeze %dma_start3A_462 : memref<1x2x1024xf32, #tpu.memory_space<hbm>> -> memref<2x1024xf32, #tpu.memory_space<hbm>>
      %dma_start3A_464 = arith.constant 8 : i32
      %dma_start3A_465 = arith.constant 0 : i32
      %dma_start3A_466 = tpu.memref_slice %arg13[%dma_start3A_464, %dma_start3A_465] : memref<28x1024xf32, #tpu.memory_space<vmem>> -> memref<2x1024xf32, #tpu.memory_space<vmem>>
      tpu.enqueue_dma source(%dma_start3A_466 : memref<2x1024xf32, #tpu.memory_space<vmem>>) target(%dma_start3A_463 : memref<2x1024xf32, #tpu.memory_space<hbm>>) target_semaphore(%arg24 : memref<!tpu.dma_semaphore, #tpu.memory_space<semaphore_mem>>)
      %dma_start3A_467 = arith.constant 5 : i32
      %dma_start3A_468 = arith.constant 10 : i32
      %dma_start3A_469 = arith.constant 0 : i32
      %dma_start3A_470 = tpu.memref_slice %arg13[%dma_start3A_468, %dma_start3A_469] : memref<28x1024xf32, #tpu.memory_space<vmem>> -> memref<2x1024xf32, #tpu.memory_space<vmem>>
      %dma_start3A_471 = arith.constant 0 : i32
      %dma_start3A_472 = tpu.memref_slice %arg11[%dma_start3A_467, %add3A_280, %dma_start3A_471] : memref<7x4096x1024xf32, #tpu.memory_space<hbm>> -> memref<1x2x1024xf32, #tpu.memory_space<hbm>>
      %dma_start3A_473 = tpu.memref_squeeze %dma_start3A_472 : memref<1x2x1024xf32, #tpu.memory_space<hbm>> -> memref<2x1024xf32, #tpu.memory_space<hbm>>
      %dma_start3A_474 = arith.constant 0 : i32
      %dma_start3A_475 = tpu.memref_slice %arg11[%dma_start3A_467, %add3A_280, %dma_start3A_474] : memref<7x4096x1024xf32, #tpu.memory_space<hbm>> -> memref<1x2x1024xf32, #tpu.memory_space<hbm>>
      %dma_start3A_476 = tpu.memref_squeeze %dma_start3A_475 : memref<1x2x1024xf32, #tpu.memory_space<hbm>> -> memref<2x1024xf32, #tpu.memory_space<hbm>>
      %dma_start3A_477 = arith.constant 10 : i32
      %dma_start3A_478 = arith.constant 0 : i32
      %dma_start3A_479 = tpu.memref_slice %arg13[%dma_start3A_477, %dma_start3A_478] : memref<28x1024xf32, #tpu.memory_space<vmem>> -> memref<2x1024xf32, #tpu.memory_space<vmem>>
      tpu.enqueue_dma source(%dma_start3A_479 : memref<2x1024xf32, #tpu.memory_space<vmem>>) target(%dma_start3A_476 : memref<2x1024xf32, #tpu.memory_space<hbm>>) target_semaphore(%arg24 : memref<!tpu.dma_semaphore, #tpu.memory_space<semaphore_mem>>)
      %dma_start3A_480 = arith.constant 6 : i32
      %dma_start3A_481 = arith.constant 12 : i32
      %dma_start3A_482 = arith.constant 0 : i32
      %dma_start3A_483 = tpu.memref_slice %arg13[%dma_start3A_481, %dma_start3A_482] : memref<28x1024xf32, #tpu.memory_space<vmem>> -> memref<2x1024xf32, #tpu.memory_space<vmem>>
      %dma_start3A_484 = arith.constant 0 : i32
      %dma_start3A_485 = tpu.memref_slice %arg11[%dma_start3A_480, %add3A_283, %dma_start3A_484] : memref<7x4096x1024xf32, #tpu.memory_space<hbm>> -> memref<1x2x1024xf32, #tpu.memory_space<hbm>>
      %dma_start3A_486 = tpu.memref_squeeze %dma_start3A_485 : memref<1x2x1024xf32, #tpu.memory_space<hbm>> -> memref<2x1024xf32, #tpu.memory_space<hbm>>
      %dma_start3A_487 = arith.constant 0 : i32
      %dma_start3A_488 = tpu.memref_slice %arg11[%dma_start3A_480, %add3A_283, %dma_start3A_487] : memref<7x4096x1024xf32, #tpu.memory_space<hbm>> -> memref<1x2x1024xf32, #tpu.memory_space<hbm>>
      %dma_start3A_489 = tpu.memref_squeeze %dma_start3A_488 : memref<1x2x1024xf32, #tpu.memory_space<hbm>> -> memref<2x1024xf32, #tpu.memory_space<hbm>>
      %dma_start3A_490 = arith.constant 12 : i32
      %dma_start3A_491 = arith.constant 0 : i32
      %dma_start3A_492 = tpu.memref_slice %arg13[%dma_start3A_490, %dma_start3A_491] : memref<28x1024xf32, #tpu.memory_space<vmem>> -> memref<2x1024xf32, #tpu.memory_space<vmem>>
      tpu.enqueue_dma source(%dma_start3A_492 : memref<2x1024xf32, #tpu.memory_space<vmem>>) target(%dma_start3A_489 : memref<2x1024xf32, #tpu.memory_space<hbm>>) target_semaphore(%arg24 : memref<!tpu.dma_semaphore, #tpu.memory_space<semaphore_mem>>)
      %add3A_493 = arith.constant 1 : i32
      %add3A_494 = arith.addi %add3A_260, %add3A_493 : i32
      %mul3A_495 = arith.constant 2 : i32
      %mul3A_496 = arith.muli %add3A_494, %mul3A_495 : i32
      %add3A_497 = arith.addi %mul3A_2, %mul3A_496 : i32
      %mul3A_498 = arith.constant 2 : i32
      %mul3A_499 = arith.muli %add3A_494, %mul3A_498 : i32
      %add3A_500 = arith.addi %mul3A_2, %mul3A_499 : i32
      %mul3A_501 = arith.constant 2 : i32
      %mul3A_502 = arith.muli %add3A_494, %mul3A_501 : i32
      %add3A_503 = arith.addi %mul3A_2, %mul3A_502 : i32
      %mul3A_504 = arith.constant 2 : i32
      %mul3A_505 = arith.muli %add3A_494, %mul3A_504 : i32
      %add3A_506 = arith.addi %mul3A_2, %mul3A_505 : i32
      %mul3A_507 = arith.constant 2 : i32
      %mul3A_508 = arith.muli %add3A_494, %mul3A_507 : i32
      %add3A_509 = arith.addi %mul3A_2, %mul3A_508 : i32
      %mul3A_510 = arith.constant 2 : i32
      %mul3A_511 = arith.muli %add3A_494, %mul3A_510 : i32
      %add3A_512 = arith.addi %mul3A_2, %mul3A_511 : i32
      %mul3A_513 = arith.constant 2 : i32
      %mul3A_514 = arith.muli %add3A_494, %mul3A_513 : i32
      %add3A_515 = arith.addi %mul3A_2, %mul3A_514 : i32
      %ge3A_516 = arith.constant 2 : i32
      %ge3A_517 = arith.cmpi sge, %add3A_494, %ge3A_516 : i32
      %convert_element_type3A_518 = arith.extui %ge3A_517 : i1 to i32
      %cond3A_519 = arith.constant 0 : i32
      %cond3A_520 = arith.constant 1 : i32
      %cond3A_521 = arith.constant 2 : i32
      %cond3A_522 = arith.constant 3 : i32
      %cond3A_523 = arith.constant 4 : i32
      %cond3A_524 = arith.constant 5 : i32
      %cond3A_525 = arith.constant 6 : i32
      %cond3A_526 = arith.constant 0 : i32
      %cond3A_527 = arith.cmpi ne, %convert_element_type3A_518, %cond3A_526 : i32
      scf.if %cond3A_527 {
        %dma_wait3A_733 = arith.constant 14 : i32
        %dma_wait3A_734 = arith.constant 0 : i32
        %dma_wait3A_735 = tpu.memref_slice %arg13[%dma_wait3A_733, %dma_wait3A_734] : memref<28x1024xf32, #tpu.memory_space<vmem>> -> memref<2x1024xf32, #tpu.memory_space<vmem>>
        %dma_wait3A_736 = arith.constant 0 : i32
        %dma_wait3A_737 = tpu.memref_slice %arg11[%cond3A_519, %add3A_497, %dma_wait3A_736] : memref<7x4096x1024xf32, #tpu.memory_space<hbm>> -> memref<1x2x1024xf32, #tpu.memory_space<hbm>>
        %dma_wait3A_738 = tpu.memref_squeeze %dma_wait3A_737 : memref<1x2x1024xf32, #tpu.memory_space<hbm>> -> memref<2x1024xf32, #tpu.memory_space<hbm>>
        %dma_wait3A_739 = arith.constant 0 : i32
        %dma_wait3A_740 = tpu.memref_slice %arg11[%cond3A_519, %add3A_497, %dma_wait3A_739] : memref<7x4096x1024xf32, #tpu.memory_space<hbm>> -> memref<1x2x1024xf32, #tpu.memory_space<hbm>>
        %dma_wait3A_741 = tpu.memref_squeeze %dma_wait3A_740 : memref<1x2x1024xf32, #tpu.memory_space<hbm>> -> memref<2x1024xf32, #tpu.memory_space<hbm>>
        %dma_wait3A_742 = arith.constant 14 : i32
        %dma_wait3A_743 = arith.constant 0 : i32
        %dma_wait3A_744 = tpu.memref_slice %arg13[%dma_wait3A_742, %dma_wait3A_743] : memref<28x1024xf32, #tpu.memory_space<vmem>> -> memref<2x1024xf32, #tpu.memory_space<vmem>>
        tpu.wait_dma2 semaphore(%arg25 : memref<!tpu.dma_semaphore, #tpu.memory_space<semaphore_mem>>) src(%dma_wait3A_744 : memref<2x1024xf32, #tpu.memory_space<vmem>>) dst(%dma_wait3A_741 : memref<2x1024xf32, #tpu.memory_space<hbm>>)
        %dma_wait3A_745 = arith.constant 16 : i32
        %dma_wait3A_746 = arith.constant 0 : i32
        %dma_wait3A_747 = tpu.memref_slice %arg13[%dma_wait3A_745, %dma_wait3A_746] : memref<28x1024xf32, #tpu.memory_space<vmem>> -> memref<2x1024xf32, #tpu.memory_space<vmem>>
        %dma_wait3A_748 = arith.constant 0 : i32
        %dma_wait3A_749 = tpu.memref_slice %arg11[%cond3A_520, %add3A_500, %dma_wait3A_748] : memref<7x4096x1024xf32, #tpu.memory_space<hbm>> -> memref<1x2x1024xf32, #tpu.memory_space<hbm>>
        %dma_wait3A_750 = tpu.memref_squeeze %dma_wait3A_749 : memref<1x2x1024xf32, #tpu.memory_space<hbm>> -> memref<2x1024xf32, #tpu.memory_space<hbm>>
        %dma_wait3A_751 = arith.constant 0 : i32
        %dma_wait3A_752 = tpu.memref_slice %arg11[%cond3A_520, %add3A_500, %dma_wait3A_751] : memref<7x4096x1024xf32, #tpu.memory_space<hbm>> -> memref<1x2x1024xf32, #tpu.memory_space<hbm>>
        %dma_wait3A_753 = tpu.memref_squeeze %dma_wait3A_752 : memref<1x2x1024xf32, #tpu.memory_space<hbm>> -> memref<2x1024xf32, #tpu.memory_space<hbm>>
        %dma_wait3A_754 = arith.constant 16 : i32
        %dma_wait3A_755 = arith.constant 0 : i32
        %dma_wait3A_756 = tpu.memref_slice %arg13[%dma_wait3A_754, %dma_wait3A_755] : memref<28x1024xf32, #tpu.memory_space<vmem>> -> memref<2x1024xf32, #tpu.memory_space<vmem>>
        tpu.wait_dma2 semaphore(%arg25 : memref<!tpu.dma_semaphore, #tpu.memory_space<semaphore_mem>>) src(%dma_wait3A_756 : memref<2x1024xf32, #tpu.memory_space<vmem>>) dst(%dma_wait3A_753 : memref<2x1024xf32, #tpu.memory_space<hbm>>)
        %dma_wait3A_757 = arith.constant 18 : i32
        %dma_wait3A_758 = arith.constant 0 : i32
        %dma_wait3A_759 = tpu.memref_slice %arg13[%dma_wait3A_757, %dma_wait3A_758] : memref<28x1024xf32, #tpu.memory_space<vmem>> -> memref<2x1024xf32, #tpu.memory_space<vmem>>
        %dma_wait3A_760 = arith.constant 0 : i32
        %dma_wait3A_761 = tpu.memref_slice %arg11[%cond3A_521, %add3A_503, %dma_wait3A_760] : memref<7x4096x1024xf32, #tpu.memory_space<hbm>> -> memref<1x2x1024xf32, #tpu.memory_space<hbm>>
        %dma_wait3A_762 = tpu.memref_squeeze %dma_wait3A_761 : memref<1x2x1024xf32, #tpu.memory_space<hbm>> -> memref<2x1024xf32, #tpu.memory_space<hbm>>
        %dma_wait3A_763 = arith.constant 0 : i32
        %dma_wait3A_764 = tpu.memref_slice %arg11[%cond3A_521, %add3A_503, %dma_wait3A_763] : memref<7x4096x1024xf32, #tpu.memory_space<hbm>> -> memref<1x2x1024xf32, #tpu.memory_space<hbm>>
        %dma_wait3A_765 = tpu.memref_squeeze %dma_wait3A_764 : memref<1x2x1024xf32, #tpu.memory_space<hbm>> -> memref<2x1024xf32, #tpu.memory_space<hbm>>
        %dma_wait3A_766 = arith.constant 18 : i32
        %dma_wait3A_767 = arith.constant 0 : i32
        %dma_wait3A_768 = tpu.memref_slice %arg13[%dma_wait3A_766, %dma_wait3A_767] : memref<28x1024xf32, #tpu.memory_space<vmem>> -> memref<2x1024xf32, #tpu.memory_space<vmem>>
        tpu.wait_dma2 semaphore(%arg25 : memref<!tpu.dma_semaphore, #tpu.memory_space<semaphore_mem>>) src(%dma_wait3A_768 : memref<2x1024xf32, #tpu.memory_space<vmem>>) dst(%dma_wait3A_765 : memref<2x1024xf32, #tpu.memory_space<hbm>>)
        %dma_wait3A_769 = arith.constant 20 : i32
        %dma_wait3A_770 = arith.constant 0 : i32
        %dma_wait3A_771 = tpu.memref_slice %arg13[%dma_wait3A_769, %dma_wait3A_770] : memref<28x1024xf32, #tpu.memory_space<vmem>> -> memref<2x1024xf32, #tpu.memory_space<vmem>>
        %dma_wait3A_772 = arith.constant 0 : i32
        %dma_wait3A_773 = tpu.memref_slice %arg11[%cond3A_522, %add3A_506, %dma_wait3A_772] : memref<7x4096x1024xf32, #tpu.memory_space<hbm>> -> memref<1x2x1024xf32, #tpu.memory_space<hbm>>
        %dma_wait3A_774 = tpu.memref_squeeze %dma_wait3A_773 : memref<1x2x1024xf32, #tpu.memory_space<hbm>> -> memref<2x1024xf32, #tpu.memory_space<hbm>>
        %dma_wait3A_775 = arith.constant 0 : i32
        %dma_wait3A_776 = tpu.memref_slice %arg11[%cond3A_522, %add3A_506, %dma_wait3A_775] : memref<7x4096x1024xf32, #tpu.memory_space<hbm>> -> memref<1x2x1024xf32, #tpu.memory_space<hbm>>
        %dma_wait3A_777 = tpu.memref_squeeze %dma_wait3A_776 : memref<1x2x1024xf32, #tpu.memory_space<hbm>> -> memref<2x1024xf32, #tpu.memory_space<hbm>>
        %dma_wait3A_778 = arith.constant 20 : i32
        %dma_wait3A_779 = arith.constant 0 : i32
        %dma_wait3A_780 = tpu.memref_slice %arg13[%dma_wait3A_778, %dma_wait3A_779] : memref<28x1024xf32, #tpu.memory_space<vmem>> -> memref<2x1024xf32, #tpu.memory_space<vmem>>
        tpu.wait_dma2 semaphore(%arg25 : memref<!tpu.dma_semaphore, #tpu.memory_space<semaphore_mem>>) src(%dma_wait3A_780 : memref<2x1024xf32, #tpu.memory_space<vmem>>) dst(%dma_wait3A_777 : memref<2x1024xf32, #tpu.memory_space<hbm>>)
        %dma_wait3A_781 = arith.constant 22 : i32
        %dma_wait3A_782 = arith.constant 0 : i32
        %dma_wait3A_783 = tpu.memref_slice %arg13[%dma_wait3A_781, %dma_wait3A_782] : memref<28x1024xf32, #tpu.memory_space<vmem>> -> memref<2x1024xf32, #tpu.memory_space<vmem>>
        %dma_wait3A_784 = arith.constant 0 : i32
        %dma_wait3A_785 = tpu.memref_slice %arg11[%cond3A_523, %add3A_509, %dma_wait3A_784] : memref<7x4096x1024xf32, #tpu.memory_space<hbm>> -> memref<1x2x1024xf32, #tpu.memory_space<hbm>>
        %dma_wait3A_786 = tpu.memref_squeeze %dma_wait3A_785 : memref<1x2x1024xf32, #tpu.memory_space<hbm>> -> memref<2x1024xf32, #tpu.memory_space<hbm>>
        %dma_wait3A_787 = arith.constant 0 : i32
        %dma_wait3A_788 = tpu.memref_slice %arg11[%cond3A_523, %add3A_509, %dma_wait3A_787] : memref<7x4096x1024xf32, #tpu.memory_space<hbm>> -> memref<1x2x1024xf32, #tpu.memory_space<hbm>>
        %dma_wait3A_789 = tpu.memref_squeeze %dma_wait3A_788 : memref<1x2x1024xf32, #tpu.memory_space<hbm>> -> memref<2x1024xf32, #tpu.memory_space<hbm>>
        %dma_wait3A_790 = arith.constant 22 : i32
        %dma_wait3A_791 = arith.constant 0 : i32
        %dma_wait3A_792 = tpu.memref_slice %arg13[%dma_wait3A_790, %dma_wait3A_791] : memref<28x1024xf32, #tpu.memory_space<vmem>> -> memref<2x1024xf32, #tpu.memory_space<vmem>>
        tpu.wait_dma2 semaphore(%arg25 : memref<!tpu.dma_semaphore, #tpu.memory_space<semaphore_mem>>) src(%dma_wait3A_792 : memref<2x1024xf32, #tpu.memory_space<vmem>>) dst(%dma_wait3A_789 : memref<2x1024xf32, #tpu.memory_space<hbm>>)
        %dma_wait3A_793 = arith.constant 24 : i32
        %dma_wait3A_794 = arith.constant 0 : i32
        %dma_wait3A_795 = tpu.memref_slice %arg13[%dma_wait3A_793, %dma_wait3A_794] : memref<28x1024xf32, #tpu.memory_space<vmem>> -> memref<2x1024xf32, #tpu.memory_space<vmem>>
        %dma_wait3A_796 = arith.constant 0 : i32
        %dma_wait3A_797 = tpu.memref_slice %arg11[%cond3A_524, %add3A_512, %dma_wait3A_796] : memref<7x4096x1024xf32, #tpu.memory_space<hbm>> -> memref<1x2x1024xf32, #tpu.memory_space<hbm>>
        %dma_wait3A_798 = tpu.memref_squeeze %dma_wait3A_797 : memref<1x2x1024xf32, #tpu.memory_space<hbm>> -> memref<2x1024xf32, #tpu.memory_space<hbm>>
        %dma_wait3A_799 = arith.constant 0 : i32
        %dma_wait3A_800 = tpu.memref_slice %arg11[%cond3A_524, %add3A_512, %dma_wait3A_799] : memref<7x4096x1024xf32, #tpu.memory_space<hbm>> -> memref<1x2x1024xf32, #tpu.memory_space<hbm>>
        %dma_wait3A_801 = tpu.memref_squeeze %dma_wait3A_800 : memref<1x2x1024xf32, #tpu.memory_space<hbm>> -> memref<2x1024xf32, #tpu.memory_space<hbm>>
        %dma_wait3A_802 = arith.constant 24 : i32
        %dma_wait3A_803 = arith.constant 0 : i32
        %dma_wait3A_804 = tpu.memref_slice %arg13[%dma_wait3A_802, %dma_wait3A_803] : memref<28x1024xf32, #tpu.memory_space<vmem>> -> memref<2x1024xf32, #tpu.memory_space<vmem>>
        tpu.wait_dma2 semaphore(%arg25 : memref<!tpu.dma_semaphore, #tpu.memory_space<semaphore_mem>>) src(%dma_wait3A_804 : memref<2x1024xf32, #tpu.memory_space<vmem>>) dst(%dma_wait3A_801 : memref<2x1024xf32, #tpu.memory_space<hbm>>)
        %dma_wait3A_805 = arith.constant 26 : i32
        %dma_wait3A_806 = arith.constant 0 : i32
        %dma_wait3A_807 = tpu.memref_slice %arg13[%dma_wait3A_805, %dma_wait3A_806] : memref<28x1024xf32, #tpu.memory_space<vmem>> -> memref<2x1024xf32, #tpu.memory_space<vmem>>
        %dma_wait3A_808 = arith.constant 0 : i32
        %dma_wait3A_809 = tpu.memref_slice %arg11[%cond3A_525, %add3A_515, %dma_wait3A_808] : memref<7x4096x1024xf32, #tpu.memory_space<hbm>> -> memref<1x2x1024xf32, #tpu.memory_space<hbm>>
        %dma_wait3A_810 = tpu.memref_squeeze %dma_wait3A_809 : memref<1x2x1024xf32, #tpu.memory_space<hbm>> -> memref<2x1024xf32, #tpu.memory_space<hbm>>
        %dma_wait3A_811 = arith.constant 0 : i32
        %dma_wait3A_812 = tpu.memref_slice %arg11[%cond3A_525, %add3A_515, %dma_wait3A_811] : memref<7x4096x1024xf32, #tpu.memory_space<hbm>> -> memref<1x2x1024xf32, #tpu.memory_space<hbm>>
        %dma_wait3A_813 = tpu.memref_squeeze %dma_wait3A_812 : memref<1x2x1024xf32, #tpu.memory_space<hbm>> -> memref<2x1024xf32, #tpu.memory_space<hbm>>
        %dma_wait3A_814 = arith.constant 26 : i32
        %dma_wait3A_815 = arith.constant 0 : i32
        %dma_wait3A_816 = tpu.memref_slice %arg13[%dma_wait3A_814, %dma_wait3A_815] : memref<28x1024xf32, #tpu.memory_space<vmem>> -> memref<2x1024xf32, #tpu.memory_space<vmem>>
        tpu.wait_dma2 semaphore(%arg25 : memref<!tpu.dma_semaphore, #tpu.memory_space<semaphore_mem>>) src(%dma_wait3A_816 : memref<2x1024xf32, #tpu.memory_space<vmem>>) dst(%dma_wait3A_813 : memref<2x1024xf32, #tpu.memory_space<hbm>>)
      } else {
      }
      %mul3A_528 = arith.constant 2 : i32
      %mul3A_529 = arith.muli %add3A_494, %mul3A_528 : i32
      %add3A_530 = arith.constant 0 : i32
      %add3A_531 = arith.addi %mul3A_529, %add3A_530 : i32
      %broadcast_in_dim3A_532 = arith.constant 0 : i32
      %broadcast_in_dim3A_533 = vector.broadcast %broadcast_in_dim3A_532 : i32 to vector<16xi32>
      %add3A_534 = vector.broadcast %add3A_531 : i32 to vector<16xi32>
      %add3A_535 = arith.addi %broadcast_in_dim3A_533, %add3A_534 : vector<16xi32>
      %add3A_536 = arith.constant 0 : i32
      %add3A_537 = vector.broadcast %add3A_536 : i32 to vector<16xi32>
      %add3A_538 = arith.addi %add3A_535, %add3A_537 : vector<16xi32>
      %gather3A_539 = tpu.vector_load_idx %arg22[%add3A_538] : memref<896xi32, #tpu.memory_space<vmem>>[vector<16xi32>], vector<16xi32>,
      %add3A_540 = arith.constant 128 : i32
      %add3A_541 = vector.broadcast %add3A_540 : i32 to vector<16xi32>
      %add3A_542 = arith.addi %add3A_535, %add3A_541 : vector<16xi32>
      %gather3A_543 = tpu.vector_load_idx %arg22[%add3A_542] : memref<896xi32, #tpu.memory_space<vmem>>[vector<16xi32>], vector<16xi32>,
      %add3A_544 = arith.constant 256 : i32
      %add3A_545 = vector.broadcast %add3A_544 : i32 to vector<16xi32>
      %add3A_546 = arith.addi %add3A_535, %add3A_545 : vector<16xi32>
      %gather3A_547 = tpu.vector_load_idx %arg22[%add3A_546] : memref<896xi32, #tpu.memory_space<vmem>>[vector<16xi32>], vector<16xi32>,
      %add3A_548 = arith.constant 384 : i32
      %add3A_549 = vector.broadcast %add3A_548 : i32 to vector<16xi32>
      %add3A_550 = arith.addi %add3A_535, %add3A_549 : vector<16xi32>
      %gather3A_551 = tpu.vector_load_idx %arg22[%add3A_550] : memref<896xi32, #tpu.memory_space<vmem>>[vector<16xi32>], vector<16xi32>,
      %add3A_552 = arith.constant 512 : i32
      %add3A_553 = vector.broadcast %add3A_552 : i32 to vector<16xi32>
      %add3A_554 = arith.addi %add3A_535, %add3A_553 : vector<16xi32>
      %gather3A_555 = tpu.vector_load_idx %arg22[%add3A_554] : memref<896xi32, #tpu.memory_space<vmem>>[vector<16xi32>], vector<16xi32>,
      %add3A_556 = arith.constant 640 : i32
      %add3A_557 = vector.broadcast %add3A_556 : i32 to vector<16xi32>
      %add3A_558 = arith.addi %add3A_535, %add3A_557 : vector<16xi32>
      %gather3A_559 = tpu.vector_load_idx %arg22[%add3A_558] : memref<896xi32, #tpu.memory_space<vmem>>[vector<16xi32>], vector<16xi32>,
      %add3A_560 = arith.constant 768 : i32
      %add3A_561 = vector.broadcast %add3A_560 : i32 to vector<16xi32>
      %add3A_562 = arith.addi %add3A_535, %add3A_561 : vector<16xi32>
      %gather3A_563 = tpu.vector_load_idx %arg22[%add3A_562] : memref<896xi32, #tpu.memory_space<vmem>>[vector<16xi32>], vector<16xi32>,
      %gather3A_564 = tpu.vector_load_idx %arg23[%add3A_535] : memref<256xf32, #tpu.memory_space<vmem>>[vector<16xi32>], vector<16xf32>,
      %add3A_565 = arith.constant 128 : i32
      %add3A_566 = vector.broadcast %add3A_565 : i32 to vector<16xi32>
      %add3A_567 = arith.addi %add3A_535, %add3A_566 : vector<16xi32>
      %gather3A_568 = tpu.vector_load_idx %arg23[%add3A_567] : memref<256xf32, #tpu.memory_space<vmem>>[vector<16xi32>], vector<16xf32>,
      %sub3A_569 = arith.constant 1.000000e+00 : f32
      %sub3A_570 = vector.broadcast %sub3A_569 : f32 to vector<16xf32>
      %sub3A_571 = arith.subf %sub3A_570, %gather3A_564 : vector<16xf32>
      %sub3A_572 = arith.constant 1.000000e+00 : f32
      %sub3A_573 = vector.broadcast %sub3A_572 : f32 to vector<16xf32>
      %sub3A_574 = arith.subf %sub3A_573, %gather3A_568 : vector<16xf32>
      %add3A_575 = arith.constant 1024 : i32
      %add3A_576 = vector.broadcast %add3A_575 : i32 to vector<16xi32>
      %add3A_577 = arith.addi %gather3A_539, %add3A_576 : vector<16xi32>
      %add3A_578 = arith.constant 1024 : i32
      %add3A_579 = vector.broadcast %add3A_578 : i32 to vector<16xi32>
      %add3A_580 = arith.addi %gather3A_543, %add3A_579 : vector<16xi32>
      %parallel_loop3A_581 = arith.constant 0 : i32
      %parallel_loop3A_582 = arith.constant 64 : i32
      %parallel_loop3A_583 = arith.constant 1 : i32
      %parallel_loop3A_584 = scf.for %parallel_loop3A_733 = %parallel_loop3A_581 to %parallel_loop3A_582 step %parallel_loop3A_583 iter_args(%parallel_loop3A_734 = %iota3A) -> (vector<16xi32>)  : i32 {
        %parallel_loop3A_735 = arith.constant 16 : i32
        %parallel_loop3A_736 = arith.muli %parallel_loop3A_733, %parallel_loop3A_735 : i32
        %parallel_loop3A_737 = arith.addi %gather3A_539, %parallel_loop3A_734 : vector<16xi32>
        %parallel_loop3A_738 = tpu.vector_load_idx %arg12[%parallel_loop3A_737] : memref<86016xf32, #tpu.memory_space<vmem>>[vector<16xi32>], vector<16xf32>,
        %parallel_loop3A_739 = arith.addi %add3A_577, %parallel_loop3A_734 : vector<16xi32>
        %parallel_loop3A_740 = tpu.vector_load_idx %arg12[%parallel_loop3A_739] : memref<86016xf32, #tpu.memory_space<vmem>>[vector<16xi32>], vector<16xf32>,
        %parallel_loop3A_741 = arith.mulf %sub3A_571, %parallel_loop3A_738 : vector<16xf32>
        %parallel_loop3A_742 = arith.mulf %gather3A_564, %parallel_loop3A_740 : vector<16xf32>
        %parallel_loop3A_743 = arith.addf %parallel_loop3A_741, %parallel_loop3A_742 : vector<16xf32>
        %parallel_loop3A_744 = arith.constant 14 : i32
        %parallel_loop3A_745 = arith.index_cast %parallel_loop3A_744 : i32 to index
        %parallel_loop3A_746 = arith.index_cast %parallel_loop3A_736 : i32 to index
        %parallel_loop3A_747 = tpu.vector_load %arg13[%parallel_loop3A_745, %parallel_loop3A_746] {strides = array<i32>} : memref<28x1024xf32, #tpu.memory_space<vmem>>, vector<16xf32>,
        tpu.vector_store %arg13[%parallel_loop3A_745, %parallel_loop3A_746], %parallel_loop3A_743 {strides = array<i32>} : memref<28x1024xf32, #tpu.memory_space<vmem>>, vector<16xf32>,
        %parallel_loop3A_748 = arith.addi %gather3A_543, %parallel_loop3A_734 : vector<16xi32>
        %parallel_loop3A_749 = tpu.vector_load_idx %arg12[%parallel_loop3A_748] : memref<86016xf32, #tpu.memory_space<vmem>>[vector<16xi32>], vector<16xf32>,
        %parallel_loop3A_750 = arith.addi %add3A_580, %parallel_loop3A_734 : vector<16xi32>
        %parallel_loop3A_751 = tpu.vector_load_idx %arg12[%parallel_loop3A_750] : memref<86016xf32, #tpu.memory_space<vmem>>[vector<16xi32>], vector<16xf32>,
        %parallel_loop3A_752 = arith.mulf %sub3A_574, %parallel_loop3A_749 : vector<16xf32>
        %parallel_loop3A_753 = arith.mulf %gather3A_568, %parallel_loop3A_751 : vector<16xf32>
        %parallel_loop3A_754 = arith.addf %parallel_loop3A_752, %parallel_loop3A_753 : vector<16xf32>
        %parallel_loop3A_755 = arith.constant 16 : i32
        %parallel_loop3A_756 = arith.index_cast %parallel_loop3A_755 : i32 to index
        %parallel_loop3A_757 = arith.index_cast %parallel_loop3A_736 : i32 to index
        %parallel_loop3A_758 = tpu.vector_load %arg13[%parallel_loop3A_756, %parallel_loop3A_757] {strides = array<i32>} : memref<28x1024xf32, #tpu.memory_space<vmem>>, vector<16xf32>,
        tpu.vector_store %arg13[%parallel_loop3A_756, %parallel_loop3A_757], %parallel_loop3A_754 {strides = array<i32>} : memref<28x1024xf32, #tpu.memory_space<vmem>>, vector<16xf32>,
        %parallel_loop3A_759 = arith.addi %gather3A_547, %parallel_loop3A_734 : vector<16xi32>
        %parallel_loop3A_760 = tpu.vector_load_idx %arg12[%parallel_loop3A_759] : memref<86016xf32, #tpu.memory_space<vmem>>[vector<16xi32>], vector<16xf32>,
        %parallel_loop3A_761 = arith.constant 18 : i32
        %parallel_loop3A_762 = arith.index_cast %parallel_loop3A_761 : i32 to index
        %parallel_loop3A_763 = arith.index_cast %parallel_loop3A_736 : i32 to index
        %parallel_loop3A_764 = tpu.vector_load %arg13[%parallel_loop3A_762, %parallel_loop3A_763] {strides = array<i32>} : memref<28x1024xf32, #tpu.memory_space<vmem>>, vector<16xf32>,
        tpu.vector_store %arg13[%parallel_loop3A_762, %parallel_loop3A_763], %parallel_loop3A_760 {strides = array<i32>} : memref<28x1024xf32, #tpu.memory_space<vmem>>, vector<16xf32>,
        %parallel_loop3A_765 = arith.addi %gather3A_551, %parallel_loop3A_734 : vector<16xi32>
        %parallel_loop3A_766 = tpu.vector_load_idx %arg12[%parallel_loop3A_765] : memref<86016xf32, #tpu.memory_space<vmem>>[vector<16xi32>], vector<16xf32>,
        %parallel_loop3A_767 = arith.constant 20 : i32
        %parallel_loop3A_768 = arith.index_cast %parallel_loop3A_767 : i32 to index
        %parallel_loop3A_769 = arith.index_cast %parallel_loop3A_736 : i32 to index
        %parallel_loop3A_770 = tpu.vector_load %arg13[%parallel_loop3A_768, %parallel_loop3A_769] {strides = array<i32>} : memref<28x1024xf32, #tpu.memory_space<vmem>>, vector<16xf32>,
        tpu.vector_store %arg13[%parallel_loop3A_768, %parallel_loop3A_769], %parallel_loop3A_766 {strides = array<i32>} : memref<28x1024xf32, #tpu.memory_space<vmem>>, vector<16xf32>,
        %parallel_loop3A_771 = arith.addi %gather3A_555, %parallel_loop3A_734 : vector<16xi32>
        %parallel_loop3A_772 = tpu.vector_load_idx %arg12[%parallel_loop3A_771] : memref<86016xf32, #tpu.memory_space<vmem>>[vector<16xi32>], vector<16xf32>,
        %parallel_loop3A_773 = arith.constant 22 : i32
        %parallel_loop3A_774 = arith.index_cast %parallel_loop3A_773 : i32 to index
        %parallel_loop3A_775 = arith.index_cast %parallel_loop3A_736 : i32 to index
        %parallel_loop3A_776 = tpu.vector_load %arg13[%parallel_loop3A_774, %parallel_loop3A_775] {strides = array<i32>} : memref<28x1024xf32, #tpu.memory_space<vmem>>, vector<16xf32>,
        tpu.vector_store %arg13[%parallel_loop3A_774, %parallel_loop3A_775], %parallel_loop3A_772 {strides = array<i32>} : memref<28x1024xf32, #tpu.memory_space<vmem>>, vector<16xf32>,
        %parallel_loop3A_777 = arith.addi %gather3A_559, %parallel_loop3A_734 : vector<16xi32>
        %parallel_loop3A_778 = tpu.vector_load_idx %arg12[%parallel_loop3A_777] : memref<86016xf32, #tpu.memory_space<vmem>>[vector<16xi32>], vector<16xf32>,
        %parallel_loop3A_779 = arith.constant 24 : i32
        %parallel_loop3A_780 = arith.index_cast %parallel_loop3A_779 : i32 to index
        %parallel_loop3A_781 = arith.index_cast %parallel_loop3A_736 : i32 to index
        %parallel_loop3A_782 = tpu.vector_load %arg13[%parallel_loop3A_780, %parallel_loop3A_781] {strides = array<i32>} : memref<28x1024xf32, #tpu.memory_space<vmem>>, vector<16xf32>,
        tpu.vector_store %arg13[%parallel_loop3A_780, %parallel_loop3A_781], %parallel_loop3A_778 {strides = array<i32>} : memref<28x1024xf32, #tpu.memory_space<vmem>>, vector<16xf32>,
        %parallel_loop3A_783 = arith.addi %gather3A_563, %parallel_loop3A_734 : vector<16xi32>
        %parallel_loop3A_784 = tpu.vector_load_idx %arg12[%parallel_loop3A_783] : memref<86016xf32, #tpu.memory_space<vmem>>[vector<16xi32>], vector<16xf32>,
        %parallel_loop3A_785 = arith.constant 26 : i32
        %parallel_loop3A_786 = arith.index_cast %parallel_loop3A_785 : i32 to index
        %parallel_loop3A_787 = arith.index_cast %parallel_loop3A_736 : i32 to index
        %parallel_loop3A_788 = tpu.vector_load %arg13[%parallel_loop3A_786, %parallel_loop3A_787] {strides = array<i32>} : memref<28x1024xf32, #tpu.memory_space<vmem>>, vector<16xf32>,
        tpu.vector_store %arg13[%parallel_loop3A_786, %parallel_loop3A_787], %parallel_loop3A_784 {strides = array<i32>} : memref<28x1024xf32, #tpu.memory_space<vmem>>, vector<16xf32>,
        %parallel_loop3A_789 = arith.constant 16 : i32
        %parallel_loop3A_790 = vector.broadcast %parallel_loop3A_789 : i32 to vector<16xi32>
        %parallel_loop3A_791 = arith.addi %parallel_loop3A_734, %parallel_loop3A_790 : vector<16xi32>
        scf.yield %parallel_loop3A_791 : vector<16xi32>
      } {sc.loop_unroll_factor = 8 : i64, sc.parallel_access}
      %mul3A_585 = arith.constant 2 : i32
      %mul3A_586 = arith.muli %add3A_494, %mul3A_585 : i32
      %add3A_587 = arith.constant 1 : i32
      %add3A_588 = arith.addi %mul3A_586, %add3A_587 : i32
      %broadcast_in_dim3A_589 = arith.constant 0 : i32
      %broadcast_in_dim3A_590 = vector.broadcast %broadcast_in_dim3A_589 : i32 to vector<16xi32>
      %add3A_591 = vector.broadcast %add3A_588 : i32 to vector<16xi32>
      %add3A_592 = arith.addi %broadcast_in_dim3A_590, %add3A_591 : vector<16xi32>
      %add3A_593 = arith.constant 0 : i32
      %add3A_594 = vector.broadcast %add3A_593 : i32 to vector<16xi32>
      %add3A_595 = arith.addi %add3A_592, %add3A_594 : vector<16xi32>
      %gather3A_596 = tpu.vector_load_idx %arg22[%add3A_595] : memref<896xi32, #tpu.memory_space<vmem>>[vector<16xi32>], vector<16xi32>,
      %add3A_597 = arith.constant 128 : i32
      %add3A_598 = vector.broadcast %add3A_597 : i32 to vector<16xi32>
      %add3A_599 = arith.addi %add3A_592, %add3A_598 : vector<16xi32>
      %gather3A_600 = tpu.vector_load_idx %arg22[%add3A_599] : memref<896xi32, #tpu.memory_space<vmem>>[vector<16xi32>], vector<16xi32>,
      %add3A_601 = arith.constant 256 : i32
      %add3A_602 = vector.broadcast %add3A_601 : i32 to vector<16xi32>
      %add3A_603 = arith.addi %add3A_592, %add3A_602 : vector<16xi32>
      %gather3A_604 = tpu.vector_load_idx %arg22[%add3A_603] : memref<896xi32, #tpu.memory_space<vmem>>[vector<16xi32>], vector<16xi32>,
      %add3A_605 = arith.constant 384 : i32
      %add3A_606 = vector.broadcast %add3A_605 : i32 to vector<16xi32>
      %add3A_607 = arith.addi %add3A_592, %add3A_606 : vector<16xi32>
      %gather3A_608 = tpu.vector_load_idx %arg22[%add3A_607] : memref<896xi32, #tpu.memory_space<vmem>>[vector<16xi32>], vector<16xi32>,
      %add3A_609 = arith.constant 512 : i32
      %add3A_610 = vector.broadcast %add3A_609 : i32 to vector<16xi32>
      %add3A_611 = arith.addi %add3A_592, %add3A_610 : vector<16xi32>
      %gather3A_612 = tpu.vector_load_idx %arg22[%add3A_611] : memref<896xi32, #tpu.memory_space<vmem>>[vector<16xi32>], vector<16xi32>,
      %add3A_613 = arith.constant 640 : i32
      %add3A_614 = vector.broadcast %add3A_613 : i32 to vector<16xi32>
      %add3A_615 = arith.addi %add3A_592, %add3A_614 : vector<16xi32>
      %gather3A_616 = tpu.vector_load_idx %arg22[%add3A_615] : memref<896xi32, #tpu.memory_space<vmem>>[vector<16xi32>], vector<16xi32>,
      %add3A_617 = arith.constant 768 : i32
      %add3A_618 = vector.broadcast %add3A_617 : i32 to vector<16xi32>
      %add3A_619 = arith.addi %add3A_592, %add3A_618 : vector<16xi32>
      %gather3A_620 = tpu.vector_load_idx %arg22[%add3A_619] : memref<896xi32, #tpu.memory_space<vmem>>[vector<16xi32>], vector<16xi32>,
      %gather3A_621 = tpu.vector_load_idx %arg23[%add3A_592] : memref<256xf32, #tpu.memory_space<vmem>>[vector<16xi32>], vector<16xf32>,
      %add3A_622 = arith.constant 128 : i32
      %add3A_623 = vector.broadcast %add3A_622 : i32 to vector<16xi32>
      %add3A_624 = arith.addi %add3A_592, %add3A_623 : vector<16xi32>
      %gather3A_625 = tpu.vector_load_idx %arg23[%add3A_624] : memref<256xf32, #tpu.memory_space<vmem>>[vector<16xi32>], vector<16xf32>,
      %sub3A_626 = arith.constant 1.000000e+00 : f32
      %sub3A_627 = vector.broadcast %sub3A_626 : f32 to vector<16xf32>
      %sub3A_628 = arith.subf %sub3A_627, %gather3A_621 : vector<16xf32>
      %sub3A_629 = arith.constant 1.000000e+00 : f32
      %sub3A_630 = vector.broadcast %sub3A_629 : f32 to vector<16xf32>
      %sub3A_631 = arith.subf %sub3A_630, %gather3A_625 : vector<16xf32>
      %add3A_632 = arith.constant 1024 : i32
      %add3A_633 = vector.broadcast %add3A_632 : i32 to vector<16xi32>
      %add3A_634 = arith.addi %gather3A_596, %add3A_633 : vector<16xi32>
      %add3A_635 = arith.constant 1024 : i32
      %add3A_636 = vector.broadcast %add3A_635 : i32 to vector<16xi32>
      %add3A_637 = arith.addi %gather3A_600, %add3A_636 : vector<16xi32>
      %parallel_loop3A_638 = arith.constant 0 : i32
      %parallel_loop3A_639 = arith.constant 64 : i32
      %parallel_loop3A_640 = arith.constant 1 : i32
      %parallel_loop3A_641 = scf.for %parallel_loop3A_733 = %parallel_loop3A_638 to %parallel_loop3A_639 step %parallel_loop3A_640 iter_args(%parallel_loop3A_734 = %iota3A) -> (vector<16xi32>)  : i32 {
        %parallel_loop3A_735 = arith.constant 16 : i32
        %parallel_loop3A_736 = arith.muli %parallel_loop3A_733, %parallel_loop3A_735 : i32
        %parallel_loop3A_737 = arith.addi %gather3A_596, %parallel_loop3A_734 : vector<16xi32>
        %parallel_loop3A_738 = tpu.vector_load_idx %arg12[%parallel_loop3A_737] : memref<86016xf32, #tpu.memory_space<vmem>>[vector<16xi32>], vector<16xf32>,
        %parallel_loop3A_739 = arith.addi %add3A_634, %parallel_loop3A_734 : vector<16xi32>
        %parallel_loop3A_740 = tpu.vector_load_idx %arg12[%parallel_loop3A_739] : memref<86016xf32, #tpu.memory_space<vmem>>[vector<16xi32>], vector<16xf32>,
        %parallel_loop3A_741 = arith.mulf %sub3A_628, %parallel_loop3A_738 : vector<16xf32>
        %parallel_loop3A_742 = arith.mulf %gather3A_621, %parallel_loop3A_740 : vector<16xf32>
        %parallel_loop3A_743 = arith.addf %parallel_loop3A_741, %parallel_loop3A_742 : vector<16xf32>
        %parallel_loop3A_744 = arith.constant 15 : i32
        %parallel_loop3A_745 = arith.index_cast %parallel_loop3A_744 : i32 to index
        %parallel_loop3A_746 = arith.index_cast %parallel_loop3A_736 : i32 to index
        %parallel_loop3A_747 = tpu.vector_load %arg13[%parallel_loop3A_745, %parallel_loop3A_746] {strides = array<i32>} : memref<28x1024xf32, #tpu.memory_space<vmem>>, vector<16xf32>,
        tpu.vector_store %arg13[%parallel_loop3A_745, %parallel_loop3A_746], %parallel_loop3A_743 {strides = array<i32>} : memref<28x1024xf32, #tpu.memory_space<vmem>>, vector<16xf32>,
        %parallel_loop3A_748 = arith.addi %gather3A_600, %parallel_loop3A_734 : vector<16xi32>
        %parallel_loop3A_749 = tpu.vector_load_idx %arg12[%parallel_loop3A_748] : memref<86016xf32, #tpu.memory_space<vmem>>[vector<16xi32>], vector<16xf32>,
        %parallel_loop3A_750 = arith.addi %add3A_637, %parallel_loop3A_734 : vector<16xi32>
        %parallel_loop3A_751 = tpu.vector_load_idx %arg12[%parallel_loop3A_750] : memref<86016xf32, #tpu.memory_space<vmem>>[vector<16xi32>], vector<16xf32>,
        %parallel_loop3A_752 = arith.mulf %sub3A_631, %parallel_loop3A_749 : vector<16xf32>
        %parallel_loop3A_753 = arith.mulf %gather3A_625, %parallel_loop3A_751 : vector<16xf32>
        %parallel_loop3A_754 = arith.addf %parallel_loop3A_752, %parallel_loop3A_753 : vector<16xf32>
        %parallel_loop3A_755 = arith.constant 17 : i32
        %parallel_loop3A_756 = arith.index_cast %parallel_loop3A_755 : i32 to index
        %parallel_loop3A_757 = arith.index_cast %parallel_loop3A_736 : i32 to index
        %parallel_loop3A_758 = tpu.vector_load %arg13[%parallel_loop3A_756, %parallel_loop3A_757] {strides = array<i32>} : memref<28x1024xf32, #tpu.memory_space<vmem>>, vector<16xf32>,
        tpu.vector_store %arg13[%parallel_loop3A_756, %parallel_loop3A_757], %parallel_loop3A_754 {strides = array<i32>} : memref<28x1024xf32, #tpu.memory_space<vmem>>, vector<16xf32>,
        %parallel_loop3A_759 = arith.addi %gather3A_604, %parallel_loop3A_734 : vector<16xi32>
        %parallel_loop3A_760 = tpu.vector_load_idx %arg12[%parallel_loop3A_759] : memref<86016xf32, #tpu.memory_space<vmem>>[vector<16xi32>], vector<16xf32>,
        %parallel_loop3A_761 = arith.constant 19 : i32
        %parallel_loop3A_762 = arith.index_cast %parallel_loop3A_761 : i32 to index
        %parallel_loop3A_763 = arith.index_cast %parallel_loop3A_736 : i32 to index
        %parallel_loop3A_764 = tpu.vector_load %arg13[%parallel_loop3A_762, %parallel_loop3A_763] {strides = array<i32>} : memref<28x1024xf32, #tpu.memory_space<vmem>>, vector<16xf32>,
        tpu.vector_store %arg13[%parallel_loop3A_762, %parallel_loop3A_763], %parallel_loop3A_760 {strides = array<i32>} : memref<28x1024xf32, #tpu.memory_space<vmem>>, vector<16xf32>,
        %parallel_loop3A_765 = arith.addi %gather3A_608, %parallel_loop3A_734 : vector<16xi32>
        %parallel_loop3A_766 = tpu.vector_load_idx %arg12[%parallel_loop3A_765] : memref<86016xf32, #tpu.memory_space<vmem>>[vector<16xi32>], vector<16xf32>,
        %parallel_loop3A_767 = arith.constant 21 : i32
        %parallel_loop3A_768 = arith.index_cast %parallel_loop3A_767 : i32 to index
        %parallel_loop3A_769 = arith.index_cast %parallel_loop3A_736 : i32 to index
        %parallel_loop3A_770 = tpu.vector_load %arg13[%parallel_loop3A_768, %parallel_loop3A_769] {strides = array<i32>} : memref<28x1024xf32, #tpu.memory_space<vmem>>, vector<16xf32>,
        tpu.vector_store %arg13[%parallel_loop3A_768, %parallel_loop3A_769], %parallel_loop3A_766 {strides = array<i32>} : memref<28x1024xf32, #tpu.memory_space<vmem>>, vector<16xf32>,
        %parallel_loop3A_771 = arith.addi %gather3A_612, %parallel_loop3A_734 : vector<16xi32>
        %parallel_loop3A_772 = tpu.vector_load_idx %arg12[%parallel_loop3A_771] : memref<86016xf32, #tpu.memory_space<vmem>>[vector<16xi32>], vector<16xf32>,
        %parallel_loop3A_773 = arith.constant 23 : i32
        %parallel_loop3A_774 = arith.index_cast %parallel_loop3A_773 : i32 to index
        %parallel_loop3A_775 = arith.index_cast %parallel_loop3A_736 : i32 to index
        %parallel_loop3A_776 = tpu.vector_load %arg13[%parallel_loop3A_774, %parallel_loop3A_775] {strides = array<i32>} : memref<28x1024xf32, #tpu.memory_space<vmem>>, vector<16xf32>,
        tpu.vector_store %arg13[%parallel_loop3A_774, %parallel_loop3A_775], %parallel_loop3A_772 {strides = array<i32>} : memref<28x1024xf32, #tpu.memory_space<vmem>>, vector<16xf32>,
        %parallel_loop3A_777 = arith.addi %gather3A_616, %parallel_loop3A_734 : vector<16xi32>
        %parallel_loop3A_778 = tpu.vector_load_idx %arg12[%parallel_loop3A_777] : memref<86016xf32, #tpu.memory_space<vmem>>[vector<16xi32>], vector<16xf32>,
        %parallel_loop3A_779 = arith.constant 25 : i32
        %parallel_loop3A_780 = arith.index_cast %parallel_loop3A_779 : i32 to index
        %parallel_loop3A_781 = arith.index_cast %parallel_loop3A_736 : i32 to index
        %parallel_loop3A_782 = tpu.vector_load %arg13[%parallel_loop3A_780, %parallel_loop3A_781] {strides = array<i32>} : memref<28x1024xf32, #tpu.memory_space<vmem>>, vector<16xf32>,
        tpu.vector_store %arg13[%parallel_loop3A_780, %parallel_loop3A_781], %parallel_loop3A_778 {strides = array<i32>} : memref<28x1024xf32, #tpu.memory_space<vmem>>, vector<16xf32>,
        %parallel_loop3A_783 = arith.addi %gather3A_620, %parallel_loop3A_734 : vector<16xi32>
        %parallel_loop3A_784 = tpu.vector_load_idx %arg12[%parallel_loop3A_783] : memref<86016xf32, #tpu.memory_space<vmem>>[vector<16xi32>], vector<16xf32>,
        %parallel_loop3A_785 = arith.constant 27 : i32
        %parallel_loop3A_786 = arith.index_cast %parallel_loop3A_785 : i32 to index
        %parallel_loop3A_787 = arith.index_cast %parallel_loop3A_736 : i32 to index
        %parallel_loop3A_788 = tpu.vector_load %arg13[%parallel_loop3A_786, %parallel_loop3A_787] {strides = array<i32>} : memref<28x1024xf32, #tpu.memory_space<vmem>>, vector<16xf32>,
        tpu.vector_store %arg13[%parallel_loop3A_786, %parallel_loop3A_787], %parallel_loop3A_784 {strides = array<i32>} : memref<28x1024xf32, #tpu.memory_space<vmem>>, vector<16xf32>,
        %parallel_loop3A_789 = arith.constant 16 : i32
        %parallel_loop3A_790 = vector.broadcast %parallel_loop3A_789 : i32 to vector<16xi32>
        %parallel_loop3A_791 = arith.addi %parallel_loop3A_734, %parallel_loop3A_790 : vector<16xi32>
        scf.yield %parallel_loop3A_791 : vector<16xi32>
      } {sc.loop_unroll_factor = 8 : i64, sc.parallel_access}
      %dma_start3A_642 = arith.constant 0 : i32
      %dma_start3A_643 = arith.constant 14 : i32
      %dma_start3A_644 = arith.constant 0 : i32
      %dma_start3A_645 = tpu.memref_slice %arg13[%dma_start3A_643, %dma_start3A_644] : memref<28x1024xf32, #tpu.memory_space<vmem>> -> memref<2x1024xf32, #tpu.memory_space<vmem>>
      %dma_start3A_646 = arith.constant 0 : i32
      %dma_start3A_647 = tpu.memref_slice %arg11[%dma_start3A_642, %add3A_497, %dma_start3A_646] : memref<7x4096x1024xf32, #tpu.memory_space<hbm>> -> memref<1x2x1024xf32, #tpu.memory_space<hbm>>
      %dma_start3A_648 = tpu.memref_squeeze %dma_start3A_647 : memref<1x2x1024xf32, #tpu.memory_space<hbm>> -> memref<2x1024xf32, #tpu.memory_space<hbm>>
      %dma_start3A_649 = arith.constant 0 : i32
      %dma_start3A_650 = tpu.memref_slice %arg11[%dma_start3A_642, %add3A_497, %dma_start3A_649] : memref<7x4096x1024xf32, #tpu.memory_space<hbm>> -> memref<1x2x1024xf32, #tpu.memory_space<hbm>>
      %dma_start3A_651 = tpu.memref_squeeze %dma_start3A_650 : memref<1x2x1024xf32, #tpu.memory_space<hbm>> -> memref<2x1024xf32, #tpu.memory_space<hbm>>
      %dma_start3A_652 = arith.constant 14 : i32
      %dma_start3A_653 = arith.constant 0 : i32
      %dma_start3A_654 = tpu.memref_slice %arg13[%dma_start3A_652, %dma_start3A_653] : memref<28x1024xf32, #tpu.memory_space<vmem>> -> memref<2x1024xf32, #tpu.memory_space<vmem>>
      tpu.enqueue_dma source(%dma_start3A_654 : memref<2x1024xf32, #tpu.memory_space<vmem>>) target(%dma_start3A_651 : memref<2x1024xf32, #tpu.memory_space<hbm>>) target_semaphore(%arg25 : memref<!tpu.dma_semaphore, #tpu.memory_space<semaphore_mem>>)
      %dma_start3A_655 = arith.constant 1 : i32
      %dma_start3A_656 = arith.constant 16 : i32
      %dma_start3A_657 = arith.constant 0 : i32
      %dma_start3A_658 = tpu.memref_slice %arg13[%dma_start3A_656, %dma_start3A_657] : memref<28x1024xf32, #tpu.memory_space<vmem>> -> memref<2x1024xf32, #tpu.memory_space<vmem>>
      %dma_start3A_659 = arith.constant 0 : i32
      %dma_start3A_660 = tpu.memref_slice %arg11[%dma_start3A_655, %add3A_500, %dma_start3A_659] : memref<7x4096x1024xf32, #tpu.memory_space<hbm>> -> memref<1x2x1024xf32, #tpu.memory_space<hbm>>
      %dma_start3A_661 = tpu.memref_squeeze %dma_start3A_660 : memref<1x2x1024xf32, #tpu.memory_space<hbm>> -> memref<2x1024xf32, #tpu.memory_space<hbm>>
      %dma_start3A_662 = arith.constant 0 : i32
      %dma_start3A_663 = tpu.memref_slice %arg11[%dma_start3A_655, %add3A_500, %dma_start3A_662] : memref<7x4096x1024xf32, #tpu.memory_space<hbm>> -> memref<1x2x1024xf32, #tpu.memory_space<hbm>>
      %dma_start3A_664 = tpu.memref_squeeze %dma_start3A_663 : memref<1x2x1024xf32, #tpu.memory_space<hbm>> -> memref<2x1024xf32, #tpu.memory_space<hbm>>
      %dma_start3A_665 = arith.constant 16 : i32
      %dma_start3A_666 = arith.constant 0 : i32
      %dma_start3A_667 = tpu.memref_slice %arg13[%dma_start3A_665, %dma_start3A_666] : memref<28x1024xf32, #tpu.memory_space<vmem>> -> memref<2x1024xf32, #tpu.memory_space<vmem>>
      tpu.enqueue_dma source(%dma_start3A_667 : memref<2x1024xf32, #tpu.memory_space<vmem>>) target(%dma_start3A_664 : memref<2x1024xf32, #tpu.memory_space<hbm>>) target_semaphore(%arg25 : memref<!tpu.dma_semaphore, #tpu.memory_space<semaphore_mem>>)
      %dma_start3A_668 = arith.constant 2 : i32
      %dma_start3A_669 = arith.constant 18 : i32
      %dma_start3A_670 = arith.constant 0 : i32
      %dma_start3A_671 = tpu.memref_slice %arg13[%dma_start3A_669, %dma_start3A_670] : memref<28x1024xf32, #tpu.memory_space<vmem>> -> memref<2x1024xf32, #tpu.memory_space<vmem>>
      %dma_start3A_672 = arith.constant 0 : i32
      %dma_start3A_673 = tpu.memref_slice %arg11[%dma_start3A_668, %add3A_503, %dma_start3A_672] : memref<7x4096x1024xf32, #tpu.memory_space<hbm>> -> memref<1x2x1024xf32, #tpu.memory_space<hbm>>
      %dma_start3A_674 = tpu.memref_squeeze %dma_start3A_673 : memref<1x2x1024xf32, #tpu.memory_space<hbm>> -> memref<2x1024xf32, #tpu.memory_space<hbm>>
      %dma_start3A_675 = arith.constant 0 : i32
      %dma_start3A_676 = tpu.memref_slice %arg11[%dma_start3A_668, %add3A_503, %dma_start3A_675] : memref<7x4096x1024xf32, #tpu.memory_space<hbm>> -> memref<1x2x1024xf32, #tpu.memory_space<hbm>>
      %dma_start3A_677 = tpu.memref_squeeze %dma_start3A_676 : memref<1x2x1024xf32, #tpu.memory_space<hbm>> -> memref<2x1024xf32, #tpu.memory_space<hbm>>
      %dma_start3A_678 = arith.constant 18 : i32
      %dma_start3A_679 = arith.constant 0 : i32
      %dma_start3A_680 = tpu.memref_slice %arg13[%dma_start3A_678, %dma_start3A_679] : memref<28x1024xf32, #tpu.memory_space<vmem>> -> memref<2x1024xf32, #tpu.memory_space<vmem>>
      tpu.enqueue_dma source(%dma_start3A_680 : memref<2x1024xf32, #tpu.memory_space<vmem>>) target(%dma_start3A_677 : memref<2x1024xf32, #tpu.memory_space<hbm>>) target_semaphore(%arg25 : memref<!tpu.dma_semaphore, #tpu.memory_space<semaphore_mem>>)
      %dma_start3A_681 = arith.constant 3 : i32
      %dma_start3A_682 = arith.constant 20 : i32
      %dma_start3A_683 = arith.constant 0 : i32
      %dma_start3A_684 = tpu.memref_slice %arg13[%dma_start3A_682, %dma_start3A_683] : memref<28x1024xf32, #tpu.memory_space<vmem>> -> memref<2x1024xf32, #tpu.memory_space<vmem>>
      %dma_start3A_685 = arith.constant 0 : i32
      %dma_start3A_686 = tpu.memref_slice %arg11[%dma_start3A_681, %add3A_506, %dma_start3A_685] : memref<7x4096x1024xf32, #tpu.memory_space<hbm>> -> memref<1x2x1024xf32, #tpu.memory_space<hbm>>
      %dma_start3A_687 = tpu.memref_squeeze %dma_start3A_686 : memref<1x2x1024xf32, #tpu.memory_space<hbm>> -> memref<2x1024xf32, #tpu.memory_space<hbm>>
      %dma_start3A_688 = arith.constant 0 : i32
      %dma_start3A_689 = tpu.memref_slice %arg11[%dma_start3A_681, %add3A_506, %dma_start3A_688] : memref<7x4096x1024xf32, #tpu.memory_space<hbm>> -> memref<1x2x1024xf32, #tpu.memory_space<hbm>>
      %dma_start3A_690 = tpu.memref_squeeze %dma_start3A_689 : memref<1x2x1024xf32, #tpu.memory_space<hbm>> -> memref<2x1024xf32, #tpu.memory_space<hbm>>
      %dma_start3A_691 = arith.constant 20 : i32
      %dma_start3A_692 = arith.constant 0 : i32
      %dma_start3A_693 = tpu.memref_slice %arg13[%dma_start3A_691, %dma_start3A_692] : memref<28x1024xf32, #tpu.memory_space<vmem>> -> memref<2x1024xf32, #tpu.memory_space<vmem>>
      tpu.enqueue_dma source(%dma_start3A_693 : memref<2x1024xf32, #tpu.memory_space<vmem>>) target(%dma_start3A_690 : memref<2x1024xf32, #tpu.memory_space<hbm>>) target_semaphore(%arg25 : memref<!tpu.dma_semaphore, #tpu.memory_space<semaphore_mem>>)
      %dma_start3A_694 = arith.constant 4 : i32
      %dma_start3A_695 = arith.constant 22 : i32
      %dma_start3A_696 = arith.constant 0 : i32
      %dma_start3A_697 = tpu.memref_slice %arg13[%dma_start3A_695, %dma_start3A_696] : memref<28x1024xf32, #tpu.memory_space<vmem>> -> memref<2x1024xf32, #tpu.memory_space<vmem>>
      %dma_start3A_698 = arith.constant 0 : i32
      %dma_start3A_699 = tpu.memref_slice %arg11[%dma_start3A_694, %add3A_509, %dma_start3A_698] : memref<7x4096x1024xf32, #tpu.memory_space<hbm>> -> memref<1x2x1024xf32, #tpu.memory_space<hbm>>
      %dma_start3A_700 = tpu.memref_squeeze %dma_start3A_699 : memref<1x2x1024xf32, #tpu.memory_space<hbm>> -> memref<2x1024xf32, #tpu.memory_space<hbm>>
      %dma_start3A_701 = arith.constant 0 : i32
      %dma_start3A_702 = tpu.memref_slice %arg11[%dma_start3A_694, %add3A_509, %dma_start3A_701] : memref<7x4096x1024xf32, #tpu.memory_space<hbm>> -> memref<1x2x1024xf32, #tpu.memory_space<hbm>>
      %dma_start3A_703 = tpu.memref_squeeze %dma_start3A_702 : memref<1x2x1024xf32, #tpu.memory_space<hbm>> -> memref<2x1024xf32, #tpu.memory_space<hbm>>
      %dma_start3A_704 = arith.constant 22 : i32
      %dma_start3A_705 = arith.constant 0 : i32
      %dma_start3A_706 = tpu.memref_slice %arg13[%dma_start3A_704, %dma_start3A_705] : memref<28x1024xf32, #tpu.memory_space<vmem>> -> memref<2x1024xf32, #tpu.memory_space<vmem>>
      tpu.enqueue_dma source(%dma_start3A_706 : memref<2x1024xf32, #tpu.memory_space<vmem>>) target(%dma_start3A_703 : memref<2x1024xf32, #tpu.memory_space<hbm>>) target_semaphore(%arg25 : memref<!tpu.dma_semaphore, #tpu.memory_space<semaphore_mem>>)
      %dma_start3A_707 = arith.constant 5 : i32
      %dma_start3A_708 = arith.constant 24 : i32
      %dma_start3A_709 = arith.constant 0 : i32
      %dma_start3A_710 = tpu.memref_slice %arg13[%dma_start3A_708, %dma_start3A_709] : memref<28x1024xf32, #tpu.memory_space<vmem>> -> memref<2x1024xf32, #tpu.memory_space<vmem>>
      %dma_start3A_711 = arith.constant 0 : i32
      %dma_start3A_712 = tpu.memref_slice %arg11[%dma_start3A_707, %add3A_512, %dma_start3A_711] : memref<7x4096x1024xf32, #tpu.memory_space<hbm>> -> memref<1x2x1024xf32, #tpu.memory_space<hbm>>
      %dma_start3A_713 = tpu.memref_squeeze %dma_start3A_712 : memref<1x2x1024xf32, #tpu.memory_space<hbm>> -> memref<2x1024xf32, #tpu.memory_space<hbm>>
      %dma_start3A_714 = arith.constant 0 : i32
      %dma_start3A_715 = tpu.memref_slice %arg11[%dma_start3A_707, %add3A_512, %dma_start3A_714] : memref<7x4096x1024xf32, #tpu.memory_space<hbm>> -> memref<1x2x1024xf32, #tpu.memory_space<hbm>>
      %dma_start3A_716 = tpu.memref_squeeze %dma_start3A_715 : memref<1x2x1024xf32, #tpu.memory_space<hbm>> -> memref<2x1024xf32, #tpu.memory_space<hbm>>
      %dma_start3A_717 = arith.constant 24 : i32
      %dma_start3A_718 = arith.constant 0 : i32
      %dma_start3A_719 = tpu.memref_slice %arg13[%dma_start3A_717, %dma_start3A_718] : memref<28x1024xf32, #tpu.memory_space<vmem>> -> memref<2x1024xf32, #tpu.memory_space<vmem>>
      tpu.enqueue_dma source(%dma_start3A_719 : memref<2x1024xf32, #tpu.memory_space<vmem>>) target(%dma_start3A_716 : memref<2x1024xf32, #tpu.memory_space<hbm>>) target_semaphore(%arg25 : memref<!tpu.dma_semaphore, #tpu.memory_space<semaphore_mem>>)
      %dma_start3A_720 = arith.constant 6 : i32
      %dma_start3A_721 = arith.constant 26 : i32
      %dma_start3A_722 = arith.constant 0 : i32
      %dma_start3A_723 = tpu.memref_slice %arg13[%dma_start3A_721, %dma_start3A_722] : memref<28x1024xf32, #tpu.memory_space<vmem>> -> memref<2x1024xf32, #tpu.memory_space<vmem>>
      %dma_start3A_724 = arith.constant 0 : i32
      %dma_start3A_725 = tpu.memref_slice %arg11[%dma_start3A_720, %add3A_515, %dma_start3A_724] : memref<7x4096x1024xf32, #tpu.memory_space<hbm>> -> memref<1x2x1024xf32, #tpu.memory_space<hbm>>
      %dma_start3A_726 = tpu.memref_squeeze %dma_start3A_725 : memref<1x2x1024xf32, #tpu.memory_space<hbm>> -> memref<2x1024xf32, #tpu.memory_space<hbm>>
      %dma_start3A_727 = arith.constant 0 : i32
      %dma_start3A_728 = tpu.memref_slice %arg11[%dma_start3A_720, %add3A_515, %dma_start3A_727] : memref<7x4096x1024xf32, #tpu.memory_space<hbm>> -> memref<1x2x1024xf32, #tpu.memory_space<hbm>>
      %dma_start3A_729 = tpu.memref_squeeze %dma_start3A_728 : memref<1x2x1024xf32, #tpu.memory_space<hbm>> -> memref<2x1024xf32, #tpu.memory_space<hbm>>
      %dma_start3A_730 = arith.constant 26 : i32
      %dma_start3A_731 = arith.constant 0 : i32
      %dma_start3A_732 = tpu.memref_slice %arg13[%dma_start3A_730, %dma_start3A_731] : memref<28x1024xf32, #tpu.memory_space<vmem>> -> memref<2x1024xf32, #tpu.memory_space<vmem>>
      tpu.enqueue_dma source(%dma_start3A_732 : memref<2x1024xf32, #tpu.memory_space<vmem>>) target(%dma_start3A_729 : memref<2x1024xf32, #tpu.memory_space<hbm>>) target_semaphore(%arg25 : memref<!tpu.dma_semaphore, #tpu.memory_space<semaphore_mem>>)
    }
    %scan3A_46 = arith.constant 32 : i32
    %add3A_47 = arith.constant 124 : i32
    %add3A_48 = arith.addi %mul3A_2, %add3A_47 : i32
    %dma_wait3A = arith.constant 0 : i32
    %dma_wait3A_49 = arith.constant 0 : i32
    %dma_wait3A_50 = arith.constant 0 : i32
    %dma_wait3A_51 = tpu.memref_slice %arg13[%dma_wait3A_49, %dma_wait3A_50] : memref<28x1024xf32, #tpu.memory_space<vmem>> -> memref<2x1024xf32, #tpu.memory_space<vmem>>
    %dma_wait3A_52 = arith.constant 0 : i32
    %dma_wait3A_53 = tpu.memref_slice %arg11[%dma_wait3A, %add3A_48, %dma_wait3A_52] : memref<7x4096x1024xf32, #tpu.memory_space<hbm>> -> memref<1x2x1024xf32, #tpu.memory_space<hbm>>
    %dma_wait3A_54 = tpu.memref_squeeze %dma_wait3A_53 : memref<1x2x1024xf32, #tpu.memory_space<hbm>> -> memref<2x1024xf32, #tpu.memory_space<hbm>>
    %dma_wait3A_55 = arith.constant 0 : i32
    %dma_wait3A_56 = tpu.memref_slice %arg11[%dma_wait3A, %add3A_48, %dma_wait3A_55] : memref<7x4096x1024xf32, #tpu.memory_space<hbm>> -> memref<1x2x1024xf32, #tpu.memory_space<hbm>>
    %dma_wait3A_57 = tpu.memref_squeeze %dma_wait3A_56 : memref<1x2x1024xf32, #tpu.memory_space<hbm>> -> memref<2x1024xf32, #tpu.memory_space<hbm>>
    %dma_wait3A_58 = arith.constant 0 : i32
    %dma_wait3A_59 = arith.constant 0 : i32
    %dma_wait3A_60 = tpu.memref_slice %arg13[%dma_wait3A_58, %dma_wait3A_59] : memref<28x1024xf32, #tpu.memory_space<vmem>> -> memref<2x1024xf32, #tpu.memory_space<vmem>>
    tpu.wait_dma2 semaphore(%arg24 : memref<!tpu.dma_semaphore, #tpu.memory_space<semaphore_mem>>) src(%dma_wait3A_60 : memref<2x1024xf32, #tpu.memory_space<vmem>>) dst(%dma_wait3A_57 : memref<2x1024xf32, #tpu.memory_space<hbm>>)
    %add3A_61 = arith.constant 124 : i32
    %add3A_62 = arith.addi %mul3A_2, %add3A_61 : i32
    %dma_wait3A_63 = arith.constant 1 : i32
    %dma_wait3A_64 = arith.constant 2 : i32
    %dma_wait3A_65 = arith.constant 0 : i32
    %dma_wait3A_66 = tpu.memref_slice %arg13[%dma_wait3A_64, %dma_wait3A_65] : memref<28x1024xf32, #tpu.memory_space<vmem>> -> memref<2x1024xf32, #tpu.memory_space<vmem>>
    %dma_wait3A_67 = arith.constant 0 : i32
    %dma_wait3A_68 = tpu.memref_slice %arg11[%dma_wait3A_63, %add3A_62, %dma_wait3A_67] : memref<7x4096x1024xf32, #tpu.memory_space<hbm>> -> memref<1x2x1024xf32, #tpu.memory_space<hbm>>
    %dma_wait3A_69 = tpu.memref_squeeze %dma_wait3A_68 : memref<1x2x1024xf32, #tpu.memory_space<hbm>> -> memref<2x1024xf32, #tpu.memory_space<hbm>>
    %dma_wait3A_70 = arith.constant 0 : i32
    %dma_wait3A_71 = tpu.memref_slice %arg11[%dma_wait3A_63, %add3A_62, %dma_wait3A_70] : memref<7x4096x1024xf32, #tpu.memory_space<hbm>> -> memref<1x2x1024xf32, #tpu.memory_space<hbm>>
    %dma_wait3A_72 = tpu.memref_squeeze %dma_wait3A_71 : memref<1x2x1024xf32, #tpu.memory_space<hbm>> -> memref<2x1024xf32, #tpu.memory_space<hbm>>
    %dma_wait3A_73 = arith.constant 2 : i32
    %dma_wait3A_74 = arith.constant 0 : i32
    %dma_wait3A_75 = tpu.memref_slice %arg13[%dma_wait3A_73, %dma_wait3A_74] : memref<28x1024xf32, #tpu.memory_space<vmem>> -> memref<2x1024xf32, #tpu.memory_space<vmem>>
    tpu.wait_dma2 semaphore(%arg24 : memref<!tpu.dma_semaphore, #tpu.memory_space<semaphore_mem>>) src(%dma_wait3A_75 : memref<2x1024xf32, #tpu.memory_space<vmem>>) dst(%dma_wait3A_72 : memref<2x1024xf32, #tpu.memory_space<hbm>>)
    %add3A_76 = arith.constant 124 : i32
    %add3A_77 = arith.addi %mul3A_2, %add3A_76 : i32
    %dma_wait3A_78 = arith.constant 2 : i32
    %dma_wait3A_79 = arith.constant 4 : i32
    %dma_wait3A_80 = arith.constant 0 : i32
    %dma_wait3A_81 = tpu.memref_slice %arg13[%dma_wait3A_79, %dma_wait3A_80] : memref<28x1024xf32, #tpu.memory_space<vmem>> -> memref<2x1024xf32, #tpu.memory_space<vmem>>
    %dma_wait3A_82 = arith.constant 0 : i32
    %dma_wait3A_83 = tpu.memref_slice %arg11[%dma_wait3A_78, %add3A_77, %dma_wait3A_82] : memref<7x4096x1024xf32, #tpu.memory_space<hbm>> -> memref<1x2x1024xf32, #tpu.memory_space<hbm>>
    %dma_wait3A_84 = tpu.memref_squeeze %dma_wait3A_83 : memref<1x2x1024xf32, #tpu.memory_space<hbm>> -> memref<2x1024xf32, #tpu.memory_space<hbm>>
    %dma_wait3A_85 = arith.constant 0 : i32
    %dma_wait3A_86 = tpu.memref_slice %arg11[%dma_wait3A_78, %add3A_77, %dma_wait3A_85] : memref<7x4096x1024xf32, #tpu.memory_space<hbm>> -> memref<1x2x1024xf32, #tpu.memory_space<hbm>>
    %dma_wait3A_87 = tpu.memref_squeeze %dma_wait3A_86 : memref<1x2x1024xf32, #tpu.memory_space<hbm>> -> memref<2x1024xf32, #tpu.memory_space<hbm>>
    %dma_wait3A_88 = arith.constant 4 : i32
    %dma_wait3A_89 = arith.constant 0 : i32
    %dma_wait3A_90 = tpu.memref_slice %arg13[%dma_wait3A_88, %dma_wait3A_89] : memref<28x1024xf32, #tpu.memory_space<vmem>> -> memref<2x1024xf32, #tpu.memory_space<vmem>>
    tpu.wait_dma2 semaphore(%arg24 : memref<!tpu.dma_semaphore, #tpu.memory_space<semaphore_mem>>) src(%dma_wait3A_90 : memref<2x1024xf32, #tpu.memory_space<vmem>>) dst(%dma_wait3A_87 : memref<2x1024xf32, #tpu.memory_space<hbm>>)
    %add3A_91 = arith.constant 124 : i32
    %add3A_92 = arith.addi %mul3A_2, %add3A_91 : i32
    %dma_wait3A_93 = arith.constant 3 : i32
    %dma_wait3A_94 = arith.constant 6 : i32
    %dma_wait3A_95 = arith.constant 0 : i32
    %dma_wait3A_96 = tpu.memref_slice %arg13[%dma_wait3A_94, %dma_wait3A_95] : memref<28x1024xf32, #tpu.memory_space<vmem>> -> memref<2x1024xf32, #tpu.memory_space<vmem>>
    %dma_wait3A_97 = arith.constant 0 : i32
    %dma_wait3A_98 = tpu.memref_slice %arg11[%dma_wait3A_93, %add3A_92, %dma_wait3A_97] : memref<7x4096x1024xf32, #tpu.memory_space<hbm>> -> memref<1x2x1024xf32, #tpu.memory_space<hbm>>
    %dma_wait3A_99 = tpu.memref_squeeze %dma_wait3A_98 : memref<1x2x1024xf32, #tpu.memory_space<hbm>> -> memref<2x1024xf32, #tpu.memory_space<hbm>>
    %dma_wait3A_100 = arith.constant 0 : i32
    %dma_wait3A_101 = tpu.memref_slice %arg11[%dma_wait3A_93, %add3A_92, %dma_wait3A_100] : memref<7x4096x1024xf32, #tpu.memory_space<hbm>> -> memref<1x2x1024xf32, #tpu.memory_space<hbm>>
    %dma_wait3A_102 = tpu.memref_squeeze %dma_wait3A_101 : memref<1x2x1024xf32, #tpu.memory_space<hbm>> -> memref<2x1024xf32, #tpu.memory_space<hbm>>
    %dma_wait3A_103 = arith.constant 6 : i32
    %dma_wait3A_104 = arith.constant 0 : i32
    %dma_wait3A_105 = tpu.memref_slice %arg13[%dma_wait3A_103, %dma_wait3A_104] : memref<28x1024xf32, #tpu.memory_space<vmem>> -> memref<2x1024xf32, #tpu.memory_space<vmem>>
    tpu.wait_dma2 semaphore(%arg24 : memref<!tpu.dma_semaphore, #tpu.memory_space<semaphore_mem>>) src(%dma_wait3A_105 : memref<2x1024xf32, #tpu.memory_space<vmem>>) dst(%dma_wait3A_102 : memref<2x1024xf32, #tpu.memory_space<hbm>>)
    %add3A_106 = arith.constant 124 : i32
    %add3A_107 = arith.addi %mul3A_2, %add3A_106 : i32
    %dma_wait3A_108 = arith.constant 4 : i32
    %dma_wait3A_109 = arith.constant 8 : i32
    %dma_wait3A_110 = arith.constant 0 : i32
    %dma_wait3A_111 = tpu.memref_slice %arg13[%dma_wait3A_109, %dma_wait3A_110] : memref<28x1024xf32, #tpu.memory_space<vmem>> -> memref<2x1024xf32, #tpu.memory_space<vmem>>
    %dma_wait3A_112 = arith.constant 0 : i32
    %dma_wait3A_113 = tpu.memref_slice %arg11[%dma_wait3A_108, %add3A_107, %dma_wait3A_112] : memref<7x4096x1024xf32, #tpu.memory_space<hbm>> -> memref<1x2x1024xf32, #tpu.memory_space<hbm>>
    %dma_wait3A_114 = tpu.memref_squeeze %dma_wait3A_113 : memref<1x2x1024xf32, #tpu.memory_space<hbm>> -> memref<2x1024xf32, #tpu.memory_space<hbm>>
    %dma_wait3A_115 = arith.constant 0 : i32
    %dma_wait3A_116 = tpu.memref_slice %arg11[%dma_wait3A_108, %add3A_107, %dma_wait3A_115] : memref<7x4096x1024xf32, #tpu.memory_space<hbm>> -> memref<1x2x1024xf32, #tpu.memory_space<hbm>>
    %dma_wait3A_117 = tpu.memref_squeeze %dma_wait3A_116 : memref<1x2x1024xf32, #tpu.memory_space<hbm>> -> memref<2x1024xf32, #tpu.memory_space<hbm>>
    %dma_wait3A_118 = arith.constant 8 : i32
    %dma_wait3A_119 = arith.constant 0 : i32
    %dma_wait3A_120 = tpu.memref_slice %arg13[%dma_wait3A_118, %dma_wait3A_119] : memref<28x1024xf32, #tpu.memory_space<vmem>> -> memref<2x1024xf32, #tpu.memory_space<vmem>>
    tpu.wait_dma2 semaphore(%arg24 : memref<!tpu.dma_semaphore, #tpu.memory_space<semaphore_mem>>) src(%dma_wait3A_120 : memref<2x1024xf32, #tpu.memory_space<vmem>>) dst(%dma_wait3A_117 : memref<2x1024xf32, #tpu.memory_space<hbm>>)
    %add3A_121 = arith.constant 124 : i32
    %add3A_122 = arith.addi %mul3A_2, %add3A_121 : i32
    %dma_wait3A_123 = arith.constant 5 : i32
    %dma_wait3A_124 = arith.constant 10 : i32
    %dma_wait3A_125 = arith.constant 0 : i32
    %dma_wait3A_126 = tpu.memref_slice %arg13[%dma_wait3A_124, %dma_wait3A_125] : memref<28x1024xf32, #tpu.memory_space<vmem>> -> memref<2x1024xf32, #tpu.memory_space<vmem>>
    %dma_wait3A_127 = arith.constant 0 : i32
    %dma_wait3A_128 = tpu.memref_slice %arg11[%dma_wait3A_123, %add3A_122, %dma_wait3A_127] : memref<7x4096x1024xf32, #tpu.memory_space<hbm>> -> memref<1x2x1024xf32, #tpu.memory_space<hbm>>
    %dma_wait3A_129 = tpu.memref_squeeze %dma_wait3A_128 : memref<1x2x1024xf32, #tpu.memory_space<hbm>> -> memref<2x1024xf32, #tpu.memory_space<hbm>>
    %dma_wait3A_130 = arith.constant 0 : i32
    %dma_wait3A_131 = tpu.memref_slice %arg11[%dma_wait3A_123, %add3A_122, %dma_wait3A_130] : memref<7x4096x1024xf32, #tpu.memory_space<hbm>> -> memref<1x2x1024xf32, #tpu.memory_space<hbm>>
    %dma_wait3A_132 = tpu.memref_squeeze %dma_wait3A_131 : memref<1x2x1024xf32, #tpu.memory_space<hbm>> -> memref<2x1024xf32, #tpu.memory_space<hbm>>
    %dma_wait3A_133 = arith.constant 10 : i32
    %dma_wait3A_134 = arith.constant 0 : i32
    %dma_wait3A_135 = tpu.memref_slice %arg13[%dma_wait3A_133, %dma_wait3A_134] : memref<28x1024xf32, #tpu.memory_space<vmem>> -> memref<2x1024xf32, #tpu.memory_space<vmem>>
    tpu.wait_dma2 semaphore(%arg24 : memref<!tpu.dma_semaphore, #tpu.memory_space<semaphore_mem>>) src(%dma_wait3A_135 : memref<2x1024xf32, #tpu.memory_space<vmem>>) dst(%dma_wait3A_132 : memref<2x1024xf32, #tpu.memory_space<hbm>>)
    %add3A_136 = arith.constant 124 : i32
    %add3A_137 = arith.addi %mul3A_2, %add3A_136 : i32
    %dma_wait3A_138 = arith.constant 6 : i32
    %dma_wait3A_139 = arith.constant 12 : i32
    %dma_wait3A_140 = arith.constant 0 : i32
    %dma_wait3A_141 = tpu.memref_slice %arg13[%dma_wait3A_139, %dma_wait3A_140] : memref<28x1024xf32, #tpu.memory_space<vmem>> -> memref<2x1024xf32, #tpu.memory_space<vmem>>
    %dma_wait3A_142 = arith.constant 0 : i32
    %dma_wait3A_143 = tpu.memref_slice %arg11[%dma_wait3A_138, %add3A_137, %dma_wait3A_142] : memref<7x4096x1024xf32, #tpu.memory_space<hbm>> -> memref<1x2x1024xf32, #tpu.memory_space<hbm>>
    %dma_wait3A_144 = tpu.memref_squeeze %dma_wait3A_143 : memref<1x2x1024xf32, #tpu.memory_space<hbm>> -> memref<2x1024xf32, #tpu.memory_space<hbm>>
    %dma_wait3A_145 = arith.constant 0 : i32
    %dma_wait3A_146 = tpu.memref_slice %arg11[%dma_wait3A_138, %add3A_137, %dma_wait3A_145] : memref<7x4096x1024xf32, #tpu.memory_space<hbm>> -> memref<1x2x1024xf32, #tpu.memory_space<hbm>>
    %dma_wait3A_147 = tpu.memref_squeeze %dma_wait3A_146 : memref<1x2x1024xf32, #tpu.memory_space<hbm>> -> memref<2x1024xf32, #tpu.memory_space<hbm>>
    %dma_wait3A_148 = arith.constant 12 : i32
    %dma_wait3A_149 = arith.constant 0 : i32
    %dma_wait3A_150 = tpu.memref_slice %arg13[%dma_wait3A_148, %dma_wait3A_149] : memref<28x1024xf32, #tpu.memory_space<vmem>> -> memref<2x1024xf32, #tpu.memory_space<vmem>>
    tpu.wait_dma2 semaphore(%arg24 : memref<!tpu.dma_semaphore, #tpu.memory_space<semaphore_mem>>) src(%dma_wait3A_150 : memref<2x1024xf32, #tpu.memory_space<vmem>>) dst(%dma_wait3A_147 : memref<2x1024xf32, #tpu.memory_space<hbm>>)
    %add3A_151 = arith.constant 126 : i32
    %add3A_152 = arith.addi %mul3A_2, %add3A_151 : i32
    %dma_wait3A_153 = arith.constant 0 : i32
    %dma_wait3A_154 = arith.constant 14 : i32
    %dma_wait3A_155 = arith.constant 0 : i32
    %dma_wait3A_156 = tpu.memref_slice %arg13[%dma_wait3A_154, %dma_wait3A_155] : memref<28x1024xf32, #tpu.memory_space<vmem>> -> memref<2x1024xf32, #tpu.memory_space<vmem>>
    %dma_wait3A_157 = arith.constant 0 : i32
    %dma_wait3A_158 = tpu.memref_slice %arg11[%dma_wait3A_153, %add3A_152, %dma_wait3A_157] : memref<7x4096x1024xf32, #tpu.memory_space<hbm>> -> memref<1x2x1024xf32, #tpu.memory_space<hbm>>
    %dma_wait3A_159 = tpu.memref_squeeze %dma_wait3A_158 : memref<1x2x1024xf32, #tpu.memory_space<hbm>> -> memref<2x1024xf32, #tpu.memory_space<hbm>>
    %dma_wait3A_160 = arith.constant 0 : i32
    %dma_wait3A_161 = tpu.memref_slice %arg11[%dma_wait3A_153, %add3A_152, %dma_wait3A_160] : memref<7x4096x1024xf32, #tpu.memory_space<hbm>> -> memref<1x2x1024xf32, #tpu.memory_space<hbm>>
    %dma_wait3A_162 = tpu.memref_squeeze %dma_wait3A_161 : memref<1x2x1024xf32, #tpu.memory_space<hbm>> -> memref<2x1024xf32, #tpu.memory_space<hbm>>
    %dma_wait3A_163 = arith.constant 14 : i32
    %dma_wait3A_164 = arith.constant 0 : i32
    %dma_wait3A_165 = tpu.memref_slice %arg13[%dma_wait3A_163, %dma_wait3A_164] : memref<28x1024xf32, #tpu.memory_space<vmem>> -> memref<2x1024xf32, #tpu.memory_space<vmem>>
    tpu.wait_dma2 semaphore(%arg25 : memref<!tpu.dma_semaphore, #tpu.memory_space<semaphore_mem>>) src(%dma_wait3A_165 : memref<2x1024xf32, #tpu.memory_space<vmem>>) dst(%dma_wait3A_162 : memref<2x1024xf32, #tpu.memory_space<hbm>>)
    %add3A_166 = arith.constant 126 : i32
    %add3A_167 = arith.addi %mul3A_2, %add3A_166 : i32
    %dma_wait3A_168 = arith.constant 1 : i32
    %dma_wait3A_169 = arith.constant 16 : i32
    %dma_wait3A_170 = arith.constant 0 : i32
    %dma_wait3A_171 = tpu.memref_slice %arg13[%dma_wait3A_169, %dma_wait3A_170] : memref<28x1024xf32, #tpu.memory_space<vmem>> -> memref<2x1024xf32, #tpu.memory_space<vmem>>
    %dma_wait3A_172 = arith.constant 0 : i32
    %dma_wait3A_173 = tpu.memref_slice %arg11[%dma_wait3A_168, %add3A_167, %dma_wait3A_172] : memref<7x4096x1024xf32, #tpu.memory_space<hbm>> -> memref<1x2x1024xf32, #tpu.memory_space<hbm>>
    %dma_wait3A_174 = tpu.memref_squeeze %dma_wait3A_173 : memref<1x2x1024xf32, #tpu.memory_space<hbm>> -> memref<2x1024xf32, #tpu.memory_space<hbm>>
    %dma_wait3A_175 = arith.constant 0 : i32
    %dma_wait3A_176 = tpu.memref_slice %arg11[%dma_wait3A_168, %add3A_167, %dma_wait3A_175] : memref<7x4096x1024xf32, #tpu.memory_space<hbm>> -> memref<1x2x1024xf32, #tpu.memory_space<hbm>>
    %dma_wait3A_177 = tpu.memref_squeeze %dma_wait3A_176 : memref<1x2x1024xf32, #tpu.memory_space<hbm>> -> memref<2x1024xf32, #tpu.memory_space<hbm>>
    %dma_wait3A_178 = arith.constant 16 : i32
    %dma_wait3A_179 = arith.constant 0 : i32
    %dma_wait3A_180 = tpu.memref_slice %arg13[%dma_wait3A_178, %dma_wait3A_179] : memref<28x1024xf32, #tpu.memory_space<vmem>> -> memref<2x1024xf32, #tpu.memory_space<vmem>>
    tpu.wait_dma2 semaphore(%arg25 : memref<!tpu.dma_semaphore, #tpu.memory_space<semaphore_mem>>) src(%dma_wait3A_180 : memref<2x1024xf32, #tpu.memory_space<vmem>>) dst(%dma_wait3A_177 : memref<2x1024xf32, #tpu.memory_space<hbm>>)
    %add3A_181 = arith.constant 126 : i32
    %add3A_182 = arith.addi %mul3A_2, %add3A_181 : i32
    %dma_wait3A_183 = arith.constant 2 : i32
    %dma_wait3A_184 = arith.constant 18 : i32
    %dma_wait3A_185 = arith.constant 0 : i32
    %dma_wait3A_186 = tpu.memref_slice %arg13[%dma_wait3A_184, %dma_wait3A_185] : memref<28x1024xf32, #tpu.memory_space<vmem>> -> memref<2x1024xf32, #tpu.memory_space<vmem>>
    %dma_wait3A_187 = arith.constant 0 : i32
    %dma_wait3A_188 = tpu.memref_slice %arg11[%dma_wait3A_183, %add3A_182, %dma_wait3A_187] : memref<7x4096x1024xf32, #tpu.memory_space<hbm>> -> memref<1x2x1024xf32, #tpu.memory_space<hbm>>
    %dma_wait3A_189 = tpu.memref_squeeze %dma_wait3A_188 : memref<1x2x1024xf32, #tpu.memory_space<hbm>> -> memref<2x1024xf32, #tpu.memory_space<hbm>>
    %dma_wait3A_190 = arith.constant 0 : i32
    %dma_wait3A_191 = tpu.memref_slice %arg11[%dma_wait3A_183, %add3A_182, %dma_wait3A_190] : memref<7x4096x1024xf32, #tpu.memory_space<hbm>> -> memref<1x2x1024xf32, #tpu.memory_space<hbm>>
    %dma_wait3A_192 = tpu.memref_squeeze %dma_wait3A_191 : memref<1x2x1024xf32, #tpu.memory_space<hbm>> -> memref<2x1024xf32, #tpu.memory_space<hbm>>
    %dma_wait3A_193 = arith.constant 18 : i32
    %dma_wait3A_194 = arith.constant 0 : i32
    %dma_wait3A_195 = tpu.memref_slice %arg13[%dma_wait3A_193, %dma_wait3A_194] : memref<28x1024xf32, #tpu.memory_space<vmem>> -> memref<2x1024xf32, #tpu.memory_space<vmem>>
    tpu.wait_dma2 semaphore(%arg25 : memref<!tpu.dma_semaphore, #tpu.memory_space<semaphore_mem>>) src(%dma_wait3A_195 : memref<2x1024xf32, #tpu.memory_space<vmem>>) dst(%dma_wait3A_192 : memref<2x1024xf32, #tpu.memory_space<hbm>>)
    %add3A_196 = arith.constant 126 : i32
    %add3A_197 = arith.addi %mul3A_2, %add3A_196 : i32
    %dma_wait3A_198 = arith.constant 3 : i32
    %dma_wait3A_199 = arith.constant 20 : i32
    %dma_wait3A_200 = arith.constant 0 : i32
    %dma_wait3A_201 = tpu.memref_slice %arg13[%dma_wait3A_199, %dma_wait3A_200] : memref<28x1024xf32, #tpu.memory_space<vmem>> -> memref<2x1024xf32, #tpu.memory_space<vmem>>
    %dma_wait3A_202 = arith.constant 0 : i32
    %dma_wait3A_203 = tpu.memref_slice %arg11[%dma_wait3A_198, %add3A_197, %dma_wait3A_202] : memref<7x4096x1024xf32, #tpu.memory_space<hbm>> -> memref<1x2x1024xf32, #tpu.memory_space<hbm>>
    %dma_wait3A_204 = tpu.memref_squeeze %dma_wait3A_203 : memref<1x2x1024xf32, #tpu.memory_space<hbm>> -> memref<2x1024xf32, #tpu.memory_space<hbm>>
    %dma_wait3A_205 = arith.constant 0 : i32
    %dma_wait3A_206 = tpu.memref_slice %arg11[%dma_wait3A_198, %add3A_197, %dma_wait3A_205] : memref<7x4096x1024xf32, #tpu.memory_space<hbm>> -> memref<1x2x1024xf32, #tpu.memory_space<hbm>>
    %dma_wait3A_207 = tpu.memref_squeeze %dma_wait3A_206 : memref<1x2x1024xf32, #tpu.memory_space<hbm>> -> memref<2x1024xf32, #tpu.memory_space<hbm>>
    %dma_wait3A_208 = arith.constant 20 : i32
    %dma_wait3A_209 = arith.constant 0 : i32
    %dma_wait3A_210 = tpu.memref_slice %arg13[%dma_wait3A_208, %dma_wait3A_209] : memref<28x1024xf32, #tpu.memory_space<vmem>> -> memref<2x1024xf32, #tpu.memory_space<vmem>>
    tpu.wait_dma2 semaphore(%arg25 : memref<!tpu.dma_semaphore, #tpu.memory_space<semaphore_mem>>) src(%dma_wait3A_210 : memref<2x1024xf32, #tpu.memory_space<vmem>>) dst(%dma_wait3A_207 : memref<2x1024xf32, #tpu.memory_space<hbm>>)
    %add3A_211 = arith.constant 126 : i32
    %add3A_212 = arith.addi %mul3A_2, %add3A_211 : i32
    %dma_wait3A_213 = arith.constant 4 : i32
    %dma_wait3A_214 = arith.constant 22 : i32
    %dma_wait3A_215 = arith.constant 0 : i32
    %dma_wait3A_216 = tpu.memref_slice %arg13[%dma_wait3A_214, %dma_wait3A_215] : memref<28x1024xf32, #tpu.memory_space<vmem>> -> memref<2x1024xf32, #tpu.memory_space<vmem>>
    %dma_wait3A_217 = arith.constant 0 : i32
    %dma_wait3A_218 = tpu.memref_slice %arg11[%dma_wait3A_213, %add3A_212, %dma_wait3A_217] : memref<7x4096x1024xf32, #tpu.memory_space<hbm>> -> memref<1x2x1024xf32, #tpu.memory_space<hbm>>
    %dma_wait3A_219 = tpu.memref_squeeze %dma_wait3A_218 : memref<1x2x1024xf32, #tpu.memory_space<hbm>> -> memref<2x1024xf32, #tpu.memory_space<hbm>>
    %dma_wait3A_220 = arith.constant 0 : i32
    %dma_wait3A_221 = tpu.memref_slice %arg11[%dma_wait3A_213, %add3A_212, %dma_wait3A_220] : memref<7x4096x1024xf32, #tpu.memory_space<hbm>> -> memref<1x2x1024xf32, #tpu.memory_space<hbm>>
    %dma_wait3A_222 = tpu.memref_squeeze %dma_wait3A_221 : memref<1x2x1024xf32, #tpu.memory_space<hbm>> -> memref<2x1024xf32, #tpu.memory_space<hbm>>
    %dma_wait3A_223 = arith.constant 22 : i32
    %dma_wait3A_224 = arith.constant 0 : i32
    %dma_wait3A_225 = tpu.memref_slice %arg13[%dma_wait3A_223, %dma_wait3A_224] : memref<28x1024xf32, #tpu.memory_space<vmem>> -> memref<2x1024xf32, #tpu.memory_space<vmem>>
    tpu.wait_dma2 semaphore(%arg25 : memref<!tpu.dma_semaphore, #tpu.memory_space<semaphore_mem>>) src(%dma_wait3A_225 : memref<2x1024xf32, #tpu.memory_space<vmem>>) dst(%dma_wait3A_222 : memref<2x1024xf32, #tpu.memory_space<hbm>>)
    %add3A_226 = arith.constant 126 : i32
    %add3A_227 = arith.addi %mul3A_2, %add3A_226 : i32
    %dma_wait3A_228 = arith.constant 5 : i32
    %dma_wait3A_229 = arith.constant 24 : i32
    %dma_wait3A_230 = arith.constant 0 : i32
    %dma_wait3A_231 = tpu.memref_slice %arg13[%dma_wait3A_229, %dma_wait3A_230] : memref<28x1024xf32, #tpu.memory_space<vmem>> -> memref<2x1024xf32, #tpu.memory_space<vmem>>
    %dma_wait3A_232 = arith.constant 0 : i32
    %dma_wait3A_233 = tpu.memref_slice %arg11[%dma_wait3A_228, %add3A_227, %dma_wait3A_232] : memref<7x4096x1024xf32, #tpu.memory_space<hbm>> -> memref<1x2x1024xf32, #tpu.memory_space<hbm>>
    %dma_wait3A_234 = tpu.memref_squeeze %dma_wait3A_233 : memref<1x2x1024xf32, #tpu.memory_space<hbm>> -> memref<2x1024xf32, #tpu.memory_space<hbm>>
    %dma_wait3A_235 = arith.constant 0 : i32
    %dma_wait3A_236 = tpu.memref_slice %arg11[%dma_wait3A_228, %add3A_227, %dma_wait3A_235] : memref<7x4096x1024xf32, #tpu.memory_space<hbm>> -> memref<1x2x1024xf32, #tpu.memory_space<hbm>>
    %dma_wait3A_237 = tpu.memref_squeeze %dma_wait3A_236 : memref<1x2x1024xf32, #tpu.memory_space<hbm>> -> memref<2x1024xf32, #tpu.memory_space<hbm>>
    %dma_wait3A_238 = arith.constant 24 : i32
    %dma_wait3A_239 = arith.constant 0 : i32
    %dma_wait3A_240 = tpu.memref_slice %arg13[%dma_wait3A_238, %dma_wait3A_239] : memref<28x1024xf32, #tpu.memory_space<vmem>> -> memref<2x1024xf32, #tpu.memory_space<vmem>>
    tpu.wait_dma2 semaphore(%arg25 : memref<!tpu.dma_semaphore, #tpu.memory_space<semaphore_mem>>) src(%dma_wait3A_240 : memref<2x1024xf32, #tpu.memory_space<vmem>>) dst(%dma_wait3A_237 : memref<2x1024xf32, #tpu.memory_space<hbm>>)
    %add3A_241 = arith.constant 126 : i32
    %add3A_242 = arith.addi %mul3A_2, %add3A_241 : i32
    %dma_wait3A_243 = arith.constant 6 : i32
    %dma_wait3A_244 = arith.constant 26 : i32
    %dma_wait3A_245 = arith.constant 0 : i32
    %dma_wait3A_246 = tpu.memref_slice %arg13[%dma_wait3A_244, %dma_wait3A_245] : memref<28x1024xf32, #tpu.memory_space<vmem>> -> memref<2x1024xf32, #tpu.memory_space<vmem>>
    %dma_wait3A_247 = arith.constant 0 : i32
    %dma_wait3A_248 = tpu.memref_slice %arg11[%dma_wait3A_243, %add3A_242, %dma_wait3A_247] : memref<7x4096x1024xf32, #tpu.memory_space<hbm>> -> memref<1x2x1024xf32, #tpu.memory_space<hbm>>
    %dma_wait3A_249 = tpu.memref_squeeze %dma_wait3A_248 : memref<1x2x1024xf32, #tpu.memory_space<hbm>> -> memref<2x1024xf32, #tpu.memory_space<hbm>>
    %dma_wait3A_250 = arith.constant 0 : i32
    %dma_wait3A_251 = tpu.memref_slice %arg11[%dma_wait3A_243, %add3A_242, %dma_wait3A_250] : memref<7x4096x1024xf32, #tpu.memory_space<hbm>> -> memref<1x2x1024xf32, #tpu.memory_space<hbm>>
    %dma_wait3A_252 = tpu.memref_squeeze %dma_wait3A_251 : memref<1x2x1024xf32, #tpu.memory_space<hbm>> -> memref<2x1024xf32, #tpu.memory_space<hbm>>
    %dma_wait3A_253 = arith.constant 26 : i32
    %dma_wait3A_254 = arith.constant 0 : i32
    %dma_wait3A_255 = tpu.memref_slice %arg13[%dma_wait3A_253, %dma_wait3A_254] : memref<28x1024xf32, #tpu.memory_space<vmem>> -> memref<2x1024xf32, #tpu.memory_space<vmem>>
    tpu.wait_dma2 semaphore(%arg25 : memref<!tpu.dma_semaphore, #tpu.memory_space<semaphore_mem>>) src(%dma_wait3A_255 : memref<2x1024xf32, #tpu.memory_space<vmem>>) dst(%dma_wait3A_252 : memref<2x1024xf32, #tpu.memory_space<hbm>>)
    return
  }
}

</mosaic_0001>

<sc_bundles>
// kernel: kernel.3.cloned.1.call-start
scs
__scs_entry_jumppad:
0x0: {  	(pc) =	sbr.rel $0x88, $3  }
0x1: {  	(tag) =	ssettag $0x0;
	lr =	simm.s32 $0x1  }
0x2: {  	[smem:$0x3F92] =	sst lr;
	_ =	strace $0xD0000000  }
0x3: {  	_ = 	snop  }
0x4: {  	_ = 	snop  }
0x5: {  	_ = 	snop  }
0x6: {  	_ = 	snop  }
0x7: {  	_ = 	snop  }
__scs_overlays_trampoline_lowered:
0x8: {  	[smem:$0x3FA1] =	sst s0  }
0x9: {  	[smem:$0x3FA2] =	sst s1  }
0xa: {  	[smem:$0x3FA3] =	sst s2  }
0xb: {  	[smem:$0x3FA4] =	sst s3  }
0xc: {  	[smem:$0x3FA5] =	sst s4  }
0xd: {  	[smem:$0x3FA6] =	sst s5  }
0xe: {  	[smem:$0x3FA7] =	sst s6  }
0xf: {  	[smem:$0x3FA8] =	sst s7  }
0x10: {  	[smem:$0x3FA9] =	sst s8  }
0x11: {  	[smem:$0x3FAA] =	sst s9;
	s0 =	simm.s32 @!p0 $0x0  }
0x12: {  	s1 =	sld [smem:$0x3F90];
	s0 =	simm.s32 @p0 $0x1  }
0x13: {  	[smem:$0x3FAB] =	sst s0;
	s0 =	simm.s32 @!p1 $0x0  }
0x14: {  	s2 =	sld [smem:$0x3F8F];
	s0 =	simm.s32 @p1 $0x1  }
0x15: {  	[smem:$0x3FAC] =	sst s0;
	s0 =	simm.s32 @!p2 $0x0  }
0x16: {  	s3 =	sld [smem:$0x3FDB];
	s0 =	simm.s32 @p2 $0x1  }
0x17: {  	s4 =	simm.s32 $0x1BF5;
	[smem:$0x3FAE] =	sst s0  }
0x18: {  	s0 =	sld [smem:$0x3F91];
	_ =	swait.ge [sflag:s4], $0x0  }
0x19: {  	s7 =	sld [smem:$0x3F92]  }
0x1a: {  	s8 =	sadd.s32 $0xFFFFE003, lr  }
0x1b: {  	s9 =	sadd.s32 $0xFFFFFEF7, lr;
	s5 =	simm.s32 $0xFFFFFFFF;
	p2 =	slt.u32 s8, $0xFFFFF086  }
0x1c: {  	p1 =	slt.u32 s9, $0xF7A;
	s5 =	simm.s32 @!p2 $0x0  }
0x1d: {  	s5 =	simm.s32 @p1 $0x1;
	p0 =	seq.s32 s7, s2  }
0x1e: {  	s7 =	smul.u32 @!p0 $0xF7A, s2;
	p2 =	seq.s32 @!p0 s5, $0x0  }
0x1f: {  	s9 =	smul.u32 $0xF7A, s1;
	s8 =	simm.s32 @!p0 $0x1BF5;
	p2 =	por !p2, p0  }
0x20: {  	[sflag:s8] =	ssyncset.s32 @!p0 $0xFFFFF086;
	s6 =	sadd.s32 @!p0 s3, s7;
	s7 =	simm.s32 @!p0 $0x108  }
0x21: {  	s3 =	sadd.s32 s3, s9;
	s6 =	sadd.s32 @!p0 $0x88, s6;
	s7 =	simm.s32 @p2 $0x1082  }
0x22: {  	[simem:s7], [sflag:s8] =	dma.local @!p0 [hbm:s6], $0xF7A  }
0x23: {  	s9 =	sor.u32 $0xD0000000, s2;
	s6 =	simm.s32 $0x108;
	_ =	swait.ge @!p0 [sflag:s8], $0x0  }
0x24: {  	s3 =	sadd.s32 $0x88, s3;
	s6 =	simm.s32 @!p1 $0x1082;
	[sflag:s4] =	ssyncset.s32 $0xFFFFF086  }
0x25: {  	[simem:s6], [sflag:s4] =	dma.local [hbm:s3], $0xF7A  }
0x26: {  	[smem:$0x3F92] =	sst s1;
	(tag) =	ssettag s2;
	_ =	strace s9  }
0x27: {  	s1 =	sld [smem:$0x3FA2]  }
0x28: {  	s2 =	sld [smem:$0x3FA3]  }
0x29: {  	s4 =	sld [smem:$0x3FA5]  }
0x2a: {  	p0 =	seq.s32 s5, $0x0;
	s5 =	sld [smem:$0x3FA6]  }
0x2b: {  	s6 =	sld [smem:$0x3FA7]  }
0x2c: {  	s7 =	sld [smem:$0x3FA8]  }
0x2d: {  	s3 =	simm.s32 $0x108;
	s8 =	sld [smem:$0x3FA9]  }
0x2e: {  	s3 =	simm.s32 @!p0 $0x1082;
	s9 =	sld [smem:$0x3FAA]  }
0x2f: {  	lr =	sadd.s32 s0, s3;
	s0 =	sld [smem:$0x3FA1]  }
0x30: {  	s3 =	sld [smem:$0x3FA4]  }
0x31: {  	[smem:$0x3FAD] =	sst s10  }
0x32: {  	s10 =	sld [smem:$0x3FAB];
	_ =	sdelay $0x3  }
0x33: {  	p0 =	seq.s32 s10, $0x1;
	s10 =	sld [smem:$0x3FAD];
	_ =	sdelay $0x3  }
0x34: {  	[smem:$0x3FAD] =	sst s10  }
0x35: {  	s10 =	sld [smem:$0x3FAC];
	_ =	sdelay $0x3  }
0x36: {  	p1 =	seq.s32 s10, $0x1;
	s10 =	sld [smem:$0x3FAD];
	_ =	sdelay $0x3  }
0x37: {  	[smem:$0x3FAD] =	sst s10  }
0x38: {  	s10 =	sld [smem:$0x3FAE]  }
0x39: {  	_ = 	snop;
	(pc) =	sbr.ind lr, $3  }
0x3a: {  	_ = 	snop  }
0x3b: {  	_ = 	snop  }
0x3c: {  	p2 =	seq.s32 s10, $0x1;
	s10 =	sld [smem:$0x3FAD]  }
0x3d: {  	_ =	shalt  }
0x3e: {  	_ =	shalt  }
0x3f: {  	_ =	shalt  }
0x40: {  	_ =	shalt  }
0x41: {  	_ =	shalt  }
0x42: {  	_ =	shalt  }
0x43: {  	_ =	shalt  }
0x44: {  	_ =	shalt  }
0x45: {  	_ =	shalt  }
0x46: {  	_ =	shalt  }
0x47: {  	_ =	shalt  }
0x48: {  	_ =	shalt  }
0x49: {  	_ =	shalt  }
0x4a: {  	_ =	shalt  }
0x4b: {  	_ =	shalt  }
0x4c: {  	_ =	shalt  }
0x4d: {  	_ =	shalt  }
0x4e: {  	_ =	shalt  }
0x4f: {  	_ =	shalt  }
0x50: {  	_ =	shalt  }
0x51: {  	_ =	shalt  }
0x52: {  	_ =	shalt  }
0x53: {  	_ =	shalt  }
0x54: {  	_ =	shalt  }
0x55: {  	_ =	shalt  }
0x56: {  	_ =	shalt  }
0x57: {  	_ =	shalt  }
0x58: {  	_ =	shalt  }
0x59: {  	_ =	shalt  }
0x5a: {  	_ =	shalt  }
0x5b: {  	_ =	shalt  }
0x5c: {  	_ =	shalt  }
0x5d: {  	_ =	shalt  }
0x5e: {  	_ =	shalt  }
0x5f: {  	_ =	shalt  }
0x60: {  	_ =	shalt  }
0x61: {  	_ =	shalt  }
0x62: {  	_ =	shalt  }
0x63: {  	_ =	shalt  }
0x64: {  	_ =	shalt  }
0x65: {  	_ =	shalt  }
0x66: {  	_ =	shalt  }
0x67: {  	_ =	shalt  }
0x68: {  	_ =	shalt  }
0x69: {  	_ =	shalt  }
0x6a: {  	_ =	shalt  }
0x6b: {  	_ =	shalt  }
0x6c: {  	_ =	shalt  }
0x6d: {  	_ =	shalt  }
0x6e: {  	_ =	shalt  }
0x6f: {  	_ =	shalt  }
0x70: {  	_ =	shalt  }
0x71: {  	_ =	shalt  }
0x72: {  	_ =	shalt  }
0x73: {  	_ =	shalt  }
0x74: {  	_ =	shalt  }
0x75: {  	_ =	shalt  }
0x76: {  	_ =	shalt  }
0x77: {  	_ =	shalt  }
0x78: {  	_ =	shalt  }
0x79: {  	_ =	shalt  }
0x7a: {  	_ =	shalt  }
0x7b: {  	_ =	shalt  }
0x7c: {  	_ =	shalt  }
0x7d: {  	_ =	shalt  }
0x7e: {  	_ =	shalt  }
0x7f: {  	_ =	shalt  }
0x80: {  	_ =	shalt  }
0x81: {  	_ =	shalt  }
0x82: {  	_ =	shalt  }
0x83: {  	_ =	shalt  }
0x84: {  	_ =	shalt  }
0x85: {  	_ =	shalt  }
0x86: {  	_ =	shalt  }
0x87: {  	_ =	shalt  }
.Lfunc_end0:
.L_simem_size_0:
called_computation_lowered:
.L_overlay_start_0:
0x88: {  	s2 =	sld [smem:$0x3FD9]  }
0x89: {  	s3 =	sld [smem:$0x3FFE];
	_ =	sdelay $0x1  }
0x8a: {  	s1 =	srdreg.scid  }
0x8b: {  	s0 =	sand.u32 $0x1, s1  }
0x8c: {  	s17 =	sshll.u32 s0, $0xA;
	s2 =	sadd.s32 s3, s2  }
0x8d: {  	s2 =	sadd.s32 s2, s17  }
0x8e: {  	[smem:$0x3FB9] =	sst s2  }
0x8f: {  	_ = 	snop  }
0x90: {  	s2 =	sld [smem:$0x3FC9]  }
0x91: {  	s18 =	sld [smem:$0x3FC8]  }
0x92: {  	s4 =	sld [smem:$0x3FC7]  }
0x93: {  	s5 =	sld [smem:$0x3FC6]  }
0x94: {  	s6 =	sld [smem:$0x3FC5]  }
0x95: {  	s7 =	sld [smem:$0x3FC4]  }
0x96: {  	s8 =	sld [smem:$0x3FC3]  }
0x97: {  	s9 =	sld [smem:$0x3FD0];
	(tm) =	ssettm $0x1  }
0x98: {  	s10 =	sld [smem:$0x3FFB];
	_ =	sdelay $0x3  }
0x99: {  	_ =	strace s10  }
0x9a: {  	s10 =	sld [smem:$0x3FFC];
	_ =	sdelay $0x3  }
0x9b: {  	_ =	strace s10  }
0x9c: {  	s10 =	sld [smem:$0x3FFD];
	_ =	sdelay $0x3  }
0x9d: {  	_ =	strace s10  }
0x9e: {  	_ =	strace $0x8FFFFFFF  }
0x9f: {  	s19 =	sld [smem:$0x3FDB];
	_ =	sdelay $0x1  }
0xa0: {  	s11 =	simm.s32 $_scs_section_size  }
0xa1: {  	s12 =	simm.s32 $_size__tile_overlayer_lowered;
	s13 =	simm.s32 $_tile_overlayer_lowered  }
0xa2: {  	s22 =	simm.s32 $0x1BFF;
	s21 =	sshll.u32 s13, $0x1;
	s10 =	sadd.s32 s11, s19  }
0xa3: {  	s14 =	simm.s32 $0x0;
	s20 =	sshll.u32 s12, $0x1;
	s12 =	sadd.s32 s21, s10  }
0xa4: {  	[timem:s14], [sflag:s22] =	dma.local [hbm:s12], s20  }
0xa5: {  	_ =	swait.ge [sflag:s22], s20  }
0xa6: {  	s11 =	ssub.s32 $0x0, s20;
	[sflag:s22] =	ssyncset.done $0x0  }
0xa7: {  	[sflag:s22] =	ssyncadd.s32 s11;
	_ =	sdelay $0x1  }
0xa8: {  	s23 =	simm.s32 $0x1B8B  }
0xa9: {  	_ =	swait.ge [sflag:s23], $0x1  }
0xaa: {  	[sflag:s23] =	ssyncset.done $0x0  }
0xab: {  	s25 =	simm.s32 $0x1B8E;
	s24 =	sld [smem:$0x3FFE];
	[sflag:s23] =	ssyncadd.s32 $0xFFFFFFFF  }
0xac: {  	s26 =	simm.s32 $execute0_lowered;
	[smem:$0x3FD2] =	sst s25  }
0xad: {  	s12 =	sshll.u32 s26, $0x1;
	_ =	strace $0x80000046;
	[dreg:$0x1] =	wrdreg $0xFFFFFFFF  }
0xae: {  	s28 =	simm.s32 $_size_execute0_lowered;
	s10 =	sadd.s32 s10, s12;
	[dreg:$0x0] =	wrdreg $0x0  }
0xaf: {  	s12 =	sshll.u32 s28, $0x1;
	[dreg:$0x2] =	wrdreg s10  }
0xb0: {  	[dreg:$0x3] =	wrdreg s12  }
0xb1: {  	[dreg:$0x4] =	wrdreg $0xC0  }
0xb2: {  	_ =	task [dreg:s14], $0x5FFFF  }
0xb3: {  	[dreg:$0x1] =	wrdreg $0xFFFFFFFF  }
0xb4: {  	[dreg:$0x0] =	wrdreg $0x60  }
0xb5: {  	[dreg:$0x2] =	wrdreg s2  }
0xb6: {  	[dreg:$0x3] =	wrdreg s18  }
0xb7: {  	[dreg:$0x4] =	wrdreg s4  }
0xb8: {  	[dreg:$0x5] =	wrdreg s5  }
0xb9: {  	[dreg:$0x6] =	wrdreg s6  }
0xba: {  	[dreg:$0x7] =	wrdreg s7  }
0xbb: {  	[dreg:$0x8] =	wrdreg s8  }
0xbc: {  	[dreg:$0x9] =	wrdreg s24  }
0xbd: {  	[dreg:$0xa] =	wrdreg s9  }
0xbe: {  	[dreg:$0xb] =	wrdreg $0x9  }
0xbf: {  	_ =	task.clear_ibuf [dreg:s14], $0xCFFFF;
	_ =	strace $0x90000046  }
0xc0: {  	s29 =	simm.s32 $0x9;
	_ =	strace $0x80000048  }
0xc1: {  	_ =	swait.ge [sflag:s29], $0x1  }
0xc2: {  	[sflag:s29] =	ssyncadd.s32 $0xFFFFFFFF  }
0xc3: {  	_ =	strace $0x90000048  }
0xc4: {  	_ =	sfence  }
0xc5: {  	s30 =	sld [smem:$0x0];
	_ =	sdelay $0x2  }
0xc6: {  	s31 =	sshll.u32 s1, $0xD;
	s1 =	sshrl.u32 s1, $0x2  }
0xc7: {  	s3 =	sand.u32 $0x4000, s31;
	s1 =	sadd.s32 s1, s30  }
0xc8: {  	s0 =	sor.u32 s3, s0;
	s1 =	sshll.u32 s1, $0x11  }
0xc9: {  	s0 =	sor.u32 s1, s0  }
0xca: {  	s0 =	sadd.s32 $0x8F2B, s0  }
0xcb: {  	[sflag:s0] =	ssyncadd.remote.s32 $0x1  }
0xcc: {  	_ =	sfence.sel $0xFFFF  }
0xcd: {  	[dreg:$0x0] =	wrdreg $0xFFFFFFFF;
	(pc) =	sbr.abs _section_cstart, $3  }
0xce: {  	[dreg:$0x1] =	wrdreg $0xFFFFFFFF  }
0xcf: {  	_ =	task.clear_ibuf [dreg:s14], $0x2FFFF;
	_ =	strace $0x9FFFFFFF  }
0xd0: {  	(tm) =	ssettm $0x7FFFFFFF  }
0xd1: {  	_ =	shalt  }
tec
execute0_lowered:
.L_overlay_start_1:
0x0: {  	(tag) =	ssettag $0x1  }
0x1: {  	s0 =	rddreg [dreg:$0x0]  }
0x2: {  	s2 =	rddreg [dreg:$0x1]  }
0x3: {  	s4 =	rddreg [dreg:$0x2]  }
0x4: {  	s6 =	rddreg [dreg:$0x3]  }
0x5: {  	s7 =	rddreg [dreg:$0x4]  }
0x6: {  	s8 =	rddreg [dreg:$0x5]  }
0x7: {  	s9 =	rddreg [dreg:$0x6]  }
0x8: {  	s10 =	rddreg [dreg:$0x7]  }
0x9: {  	s1 =	rddreg [dreg:$0x8];
	s3 =	simm.s32 $0x0  }
0xa: {  	s5 =	srdreg.scid;
	s11 =	stileid.u32;
	s31 =	simm.s32 $0x1EF80  }
0xb: {  	s28 =	simm.s32 $0x1B900;
	s29 =	simm.s32 $0x1BD00;
	s30 =	simm.s32 $0x1C100  }
0xc: {  	[smem:$0x7FF] =	sst s3;
	s5 =	sand.u32 $0x1, s5;
	s11 =	sshll.u32 s11, $0x8  }
0xd: {  	s13 =	sadd.s32 $0x800, s10;
	s10 =	sadd.s32 $0x400, s10;
	s14 =	sadd.s32 $0x80000, s1  }
0xe: {  	s15 =	sadd.s32 $0x100000, s1;
	s16 =	sadd.s32 $0x180000, s1;
	s12 =	sshll.u32 s5, $0x7  }
0xf: {  	s17 =	sadd.s32 $0x200000, s1;
	s18 =	ssub.s32 $0x2, s5;
	s5 =	sor.u32 s12, s11  }
0x10: {  	_ =	strace $0x80000047;
	[dreg:$0xa] =	wrdreg s13;
	s11 =	sshrl.u32 s5, $0x3  }
0x11: {  	v0 =	vimm.f32 $1.000000000e+02;
	[dreg:$0xb] =	wrdreg s10;
	s19 =	sshrl.u32 s18, $0x1;
	s0 =	sadd.s32 s0, s11  }
0x12: {  	(erf) = vrcp.f32 v0;
	s10 =	ssub.s32 s18, s19;
	s20 =	sadd.s32 s2, s11;
	[dreg:$0xc] =	wrdreg s0  }
0x13: {  	s18 =	sadd.s32 $0x280000, s1;
	s21 =	sadd.s32 s6, s11;
	[dreg:$0xd] =	wrdreg s20  }
0x14: {  	s19 =	sadd.s32 $0x300000, s1;
	s22 =	sadd.s32 s7, s11;
	[dreg:$0xe] =	wrdreg s21  }
0x15: {  	s23 =	sadd.s32 s8, s11;
	s24 =	sadd.s32 s9, s11;
	[dreg:$0xf] =	wrdreg s22  }
0x16: {  	s25 =	sadd.s32 s4, s11;
	s26 =	smax.u32 s10, $0x1;
	[dreg:$0x10] =	wrdreg s23  }
0x17: {  	s2 =	simm.s32 $0x1C000;
	s4 =	simm.s32 $0x1C500;
	[dreg:$0x11] =	wrdreg s24  }
0x18: {  	s6 =	simm.s32 $0x1C900;
	s7 =	simm.s32 $0x1CD00;
	[dreg:$0x12] =	wrdreg s25  }
0x19: {  	s10 =	simm.s32 $0x0;
	[dreg:$0x13] =	wrdreg s26;
	s0 =	simm.s32 $0x1F300  }
0x1a: {  	s21 =	simm.s32 $0x1BC00;
	s22 =	simm.s32 $0x1C400;
	s23 =	simm.s32 $0x1C800  }
0x1b: {  	v1 =	vimm.s32 $0x0;
	s24 =	simm.s32 $0x1CC00;
	s25 =	simm.s32 $0x1B100;
	s26 =	simm.s32 $0x1B500;
	v0 =	vpop (erf)  }
.LBB2_1:
0x1c: {  	[dreg:$0x14] =	wrdreg s10  }
0x1d: {  	s8 =	rddreg [dreg:$0xa];
	s9 =	simm.s32 $0x3  }
0x1e: {  	[tilespmem:s3], [sflag:$0x3] =	stream.linear.gather [hbm4b:s8+s3], $0x15000, $0x38;
	[tilespmem:$0x1F400] =	vst v63  }
0x1f: {  	_ =	swait.ge [sflag:s9], $0x15000  }
0x20: {  	[sflag:s9] =	ssyncset.done $0x0  }
0x21: {  	s12 =	simm.s32 $0x1D000;
	s11 =	rddreg [dreg:$0xb];
	[sflag:s9] =	ssyncadd.s32 $0xFFFEB000  }
0x22: {  	[tilespmem:s12], [sflag:$0x3] =	stream.linear.gather [hbm4b:s11+s3], $0x1C00, $0x38;
	[tilespmem:$0x1F400] =	vst v63  }
0x23: {  	_ =	swait.ge [sflag:s9], $0x1C00  }
0x24: {  	[sflag:s9] =	ssyncset.done $0x0  }
0x25: {  	s20 =	simm.s32 $0x1EC00;
	s13 =	rddreg [dreg:$0xc];
	[sflag:s9] =	ssyncadd.s32 $0xFFFFE400  }
0x26: {  	[tilespmem:s20], [sflag:$0x3] =	stream.linear.gather [hbm4b:s13+s3], $0x80, $0x38;
	[tilespmem:$0x1F400] =	vst v63  }
0x27: {  	_ =	swait.ge [sflag:s9], $0x80  }
0x28: {  	[sflag:s9] =	ssyncset.done $0x0  }
0x29: {  	s12 =	simm.s32 $0x1EC80;
	s11 =	rddreg [dreg:$0xd];
	[sflag:s9] =	ssyncadd.s32 $0xFFFFFF80  }
0x2a: {  	[tilespmem:s12], [sflag:$0x3] =	stream.linear.gather [hbm4b:s11+s3], $0x80, $0x38;
	[tilespmem:$0x1F400] =	vst v63  }
0x2b: {  	_ =	swait.ge [sflag:s9], $0x80  }
0x2c: {  	[sflag:s9] =	ssyncset.done $0x0  }
0x2d: {  	s20 =	simm.s32 $0x1ED00;
	s13 =	rddreg [dreg:$0xe];
	[sflag:s9] =	ssyncadd.s32 $0xFFFFFF80  }
0x2e: {  	[tilespmem:s20], [sflag:$0x3] =	stream.linear.gather [hbm4b:s13+s3], $0x80, $0x38;
	[tilespmem:$0x1F400] =	vst v63  }
0x2f: {  	_ =	swait.ge [sflag:s9], $0x80  }
0x30: {  	[sflag:s9] =	ssyncset.done $0x0  }
0x31: {  	s12 =	simm.s32 $0x1ED80;
	s11 =	rddreg [dreg:$0xf];
	[sflag:s9] =	ssyncadd.s32 $0xFFFFFF80  }
0x32: {  	[tilespmem:s12], [sflag:$0x3] =	stream.linear.gather [hbm4b:s11+s3], $0x80, $0x38;
	[tilespmem:$0x1F400] =	vst v63  }
0x33: {  	_ =	swait.ge [sflag:s9], $0x80  }
0x34: {  	[sflag:s9] =	ssyncset.done $0x0  }
0x35: {  	s20 =	simm.s32 $0x1EE00;
	s13 =	rddreg [dreg:$0x10];
	[sflag:s9] =	ssyncadd.s32 $0xFFFFFF80  }
0x36: {  	[tilespmem:s20], [sflag:$0x3] =	stream.linear.gather [hbm4b:s13+s3], $0x80, $0x38;
	[tilespmem:$0x1F400] =	vst v63  }
0x37: {  	_ =	swait.ge [sflag:s9], $0x80  }
0x38: {  	[sflag:s9] =	ssyncset.done $0x0  }
0x39: {  	s12 =	simm.s32 $0x1EE80;
	s11 =	rddreg [dreg:$0x11];
	[sflag:s9] =	ssyncadd.s32 $0xFFFFFF80  }
0x3a: {  	[tilespmem:s12], [sflag:$0x3] =	stream.linear.gather [hbm4b:s11+s3], $0x80, $0x38;
	[tilespmem:$0x1F400] =	vst v63  }
0x3b: {  	_ =	swait.ge [sflag:s9], $0x80  }
0x3c: {  	[sflag:s9] =	ssyncset.done $0x0  }
0x3d: {  	s20 =	simm.s32 $0x1EF00;
	s13 =	rddreg [dreg:$0x12];
	[sflag:s9] =	ssyncadd.s32 $0xFFFFFF80  }
0x3e: {  	[tilespmem:s20], [sflag:$0x3] =	stream.linear.gather [hbm4b:s13+s3], $0x80, $0x38;
	[tilespmem:$0x1F400] =	vst v63  }
0x3f: {  	_ =	swait.ge [sflag:s9], $0x80  }
0x40: {  	s10 =	simm.s32 $0x0;
	[sflag:s9] =	ssyncset.done $0x0  }
0x41: {  	s8 =	simm.s32 $0x0;
	[sflag:s9] =	ssyncadd.s32 $0xFFFFFF80;
	s9 =	simm.s32 $0x0  }
.LBB2_2:
0x42: {  	s11 =	sshll.u32 s9, $0x2;
	s12 =	sand.u32 $0x7, s8  }
0x43: {  	s11 =	sand.u32 $0xFFFFFE00, s11;
	s12 =	sshll.u32 s12, $0x6  }
0x44: {  	s11 =	sor.u32 s12, s11  }
0x45: {  	s13 =	sshll.u32 s10, $0x4;
	s11 =	sshrl.u32 s11, $0x2  }
0x46: {  	v2 =	vld [tilespmem:s13+$0x1D000];
	s12 =	sadd.s32 $0x400, s11  }
0x47: {  	v3 =	vld [tilespmem:s12+$0xFFFFFC00];
	_ =	sdelay $0x1  }
0x48: {  	v4 =	vld [tilespmem:s12+$0x0];
	_ =	sdelay $0x2  }
0x49: {  	s11 =	sadd.s32 $0x800, s12;
	v6 =	vadd.f32 v3, v2  }
0x4a: {  	v3 =	vld [tilespmem:s11+$0xFFFFFC00]  }
0x4b: {  	s13 =	simm.s32 $0x2;
	v5 =	vadd.f32 v4, v2;
	v4 =	vld [tilespmem:s11+$0x0];
	[tilespmem:s12+$0xFFFFFC00] =	vst v6  }
.LBB2_3:
0x4c: {  	s13 =	sadd.s32 $0x2, s13  }
0x4d: {  	[tilespmem:s12+$0x0] =	vst v5;
	s12 =	smov.u32 s11;
	p0 =	slt.u32 s13, $0xC  }
.Ltmp0:
0x4e: {  	(pc) =	sbr.rel @p0 .LBB2_3-.Ltmp0, $4  }
0x4f: {  	_ = 	snop  }
0x50: {  	s11 =	sadd.s32 $0x800, s11;
	v6 =	vadd.f32 v3, v2  }
0x51: {  	v3 =	vld [tilespmem:s11+$0xFFFFFC00];
	v5 =	vadd.f32 v4, v2  }
0x52: {  	v4 =	vld [tilespmem:s11+$0x0];
	[tilespmem:s12+$0xFFFFFC00] =	vst v6  }
0x53: {  	s10 =	sadd.s32 $0x1, s10  }
0x54: {  	p0 =	sne.s32 s10, $0x40  }
.Ltmp1:
0x55: {  	_ = 	snop;
	(pc) =	sbr.rel @p0 .LBB2_2-.Ltmp1, $4  }
0x56: {  	v3 =	vadd.f32 v3, v2  }
0x57: {  	[tilespmem:s12+$0x0] =	vst v5;
	v2 =	vadd.f32 v4, v2  }
0x58: {  	[tilespmem:s11+$0xFFFFFC00] =	vst v3  }
0x59: {  	s9 =	sadd.s32 $0x10, s9;
	s8 =	sadd.s32 $0x1, s8;
	[tilespmem:s11+$0x0] =	vst v2  }
0x5a: {  	s9 =	simm.s32 $0x0;
	s10 =	simm.s32 $0x0;
	s11 =	simm.s32 $0x0  }
.LBB2_6:
0x5b: {  	s8 =	sshll.u32 s10, $0x2;
	s12 =	sand.u32 $0x7, s9  }
0x5c: {  	s8 =	sand.u32 $0xFFFFFE00, s8;
	s12 =	sshll.u32 s12, $0x6  }
0x5d: {  	s20 =	sshll.u32 s11, $0x4;
	s8 =	sor.u32 s12, s8  }
0x5e: {  	s13 =	sand.u32 $0x3F0, s20;
	s8 =	sshrl.u32 s8, $0x2  }
0x5f: {  	v2 =	vld [tilespmem:s13+$0x1D400];
	s12 =	sadd.s32 $0x3C00, s8  }
0x60: {  	v3 =	vld [tilespmem:s12+$0xFFFFFC00];
	_ =	sdelay $0x1  }
0x61: {  	v4 =	vld [tilespmem:s12+$0x0];
	_ =	sdelay $0x2  }
0x62: {  	s8 =	sadd.s32 $0x800, s12;
	v6 =	vadd.f32 v3, v2  }
0x63: {  	v3 =	vld [tilespmem:s8+$0xFFFFFC00]  }
0x64: {  	s13 =	simm.s32 $0x2;
	v5 =	vadd.f32 v4, v2;
	v4 =	vld [tilespmem:s8+$0x0];
	[tilespmem:s12+$0xFFFFFC00] =	vst v6  }
.LBB2_7:
0x65: {  	s13 =	sadd.s32 $0x2, s13  }
0x66: {  	[tilespmem:s12+$0x0] =	vst v5;
	s12 =	smov.u32 s8;
	p0 =	slt.u32 s13, $0xC  }
.Ltmp2:
0x67: {  	(pc) =	sbr.rel @p0 .LBB2_7-.Ltmp2, $4  }
0x68: {  	_ = 	snop  }
0x69: {  	s8 =	sadd.s32 $0x800, s8;
	v6 =	vadd.f32 v3, v2  }
0x6a: {  	v3 =	vld [tilespmem:s8+$0xFFFFFC00];
	v5 =	vadd.f32 v4, v2  }
0x6b: {  	v4 =	vld [tilespmem:s8+$0x0];
	[tilespmem:s12+$0xFFFFFC00] =	vst v6  }
0x6c: {  	s11 =	sadd.s32 $0x1, s11  }
0x6d: {  	p0 =	sne.s32 s11, $0x40  }
.Ltmp3:
0x6e: {  	_ = 	snop;
	(pc) =	sbr.rel @p0 .LBB2_6-.Ltmp3, $4  }
0x6f: {  	v3 =	vadd.f32 v3, v2  }
0x70: {  	[tilespmem:s12+$0x0] =	vst v5;
	v2 =	vadd.f32 v4, v2  }
0x71: {  	[tilespmem:s8+$0xFFFFFC00] =	vst v3  }
0x72: {  	s10 =	sadd.s32 $0x10, s10;
	s9 =	sadd.s32 $0x1, s9;
	[tilespmem:s8+$0x0] =	vst v2;
	s8 =	simm.s32 $0x0  }
0x73: {  	s9 =	sand.u32 $0x3F0, s8  }
0x74: {  	v2 =	vld [tilespmem:s9+$0x1D800]  }
0x75: {  	v3 =	vld [tilespmem:s9+$0x7000]  }
0x76: {  	s10 =	simm.s32 $0x10;
	v4 =	vld [tilespmem:s9+$0x7400]  }
.LBB2_10:
0x77: {  	p0 =	sne.s32 s10, $0x3F0;
	v5 =	vld [tilespmem:s9+$0x7800];
	_ =	sdelay $0x2  }
.Ltmp4:
0x78: {  	v3 =	vadd.f32 v3, v2;
	(pc) =	sbr.rel @p0 .LBB2_10-.Ltmp4, $4  }
0x79: {  	s11 =	sand.u32 $0x3F0, s10;
	v4 =	vadd.f32 v4, v2  }
0x7a: {  	[tilespmem:s9+$0x7000] =	vst v3;
	v5 =	vadd.f32 v5, v2;
	v2 =	vld [tilespmem:s11+$0x1D800]  }
0x7b: {  	v3 =	vld [tilespmem:s11+$0x7000];
	[tilespmem:s9+$0x7400] =	vst v4  }
0x7c: {  	s10 =	sadd.s32 $0x10, s10;
	v4 =	vld [tilespmem:s11+$0x7400];
	[tilespmem:s9+$0x7800] =	vst v5;
	s9 =	smov.u32 s11  }
0x7d: {  	v5 =	vld [tilespmem:s9+$0x7800];
	_ =	sdelay $0x2  }
0x7e: {  	v3 =	vadd.f32 v3, v2  }
0x7f: {  	v4 =	vadd.f32 v4, v2  }
0x80: {  	[tilespmem:s9+$0x7000] =	vst v3;
	v2 =	vadd.f32 v5, v2  }
0x81: {  	[tilespmem:s9+$0x7400] =	vst v4  }
0x82: {  	s10 =	simm.s32 $0x0;
	[tilespmem:s9+$0x7800] =	vst v2;
	s9 =	simm.s32 $0x0  }
.LBB2_12:
0x83: {  	s11 =	sshll.u32 s9, $0x2;
	s12 =	sand.u32 $0x7, s8  }
0x84: {  	s11 =	sand.u32 $0xFFFFFE00, s11;
	s12 =	sshll.u32 s12, $0x6  }
0x85: {  	s20 =	sshll.u32 s10, $0x4;
	s11 =	sor.u32 s12, s11  }
0x86: {  	s13 =	sand.u32 $0x3F0, s20;
	s11 =	sshrl.u32 s11, $0x2  }
0x87: {  	v2 =	vld [tilespmem:s13+$0x1DC00];
	s12 =	sadd.s32 $0x8000, s11  }
0x88: {  	v3 =	vld [tilespmem:s12+$0xFFFFFC00];
	_ =	sdelay $0x1  }
0x89: {  	v4 =	vld [tilespmem:s12+$0x0];
	_ =	sdelay $0x2  }
0x8a: {  	s11 =	sadd.s32 $0x800, s12;
	v6 =	vadd.f32 v3, v2  }
0x8b: {  	v3 =	vld [tilespmem:s11+$0xFFFFFC00]  }
0x8c: {  	s13 =	simm.s32 $0x2;
	v5 =	vadd.f32 v4, v2;
	v4 =	vld [tilespmem:s11+$0x0];
	[tilespmem:s12+$0xFFFFFC00] =	vst v6  }
.LBB2_13:
0x8d: {  	s13 =	sadd.s32 $0x2, s13  }
0x8e: {  	[tilespmem:s12+$0x0] =	vst v5;
	s12 =	smov.u32 s11;
	p0 =	slt.u32 s13, $0xE  }
.Ltmp5:
0x8f: {  	(pc) =	sbr.rel @p0 .LBB2_13-.Ltmp5, $4  }
0x90: {  	_ = 	snop  }
0x91: {  	s11 =	sadd.s32 $0x800, s11;
	v6 =	vadd.f32 v3, v2  }
0x92: {  	v3 =	vld [tilespmem:s11+$0xFFFFFC00];
	v5 =	vadd.f32 v4, v2  }
0x93: {  	v4 =	vld [tilespmem:s11+$0x0];
	[tilespmem:s12+$0xFFFFFC00] =	vst v6  }
0x94: {  	s10 =	sadd.s32 $0x1, s10  }
0x95: {  	p0 =	sne.s32 s10, $0x40  }
.Ltmp6:
0x96: {  	_ = 	snop;
	(pc) =	sbr.rel @p0 .LBB2_12-.Ltmp6, $4  }
0x97: {  	v3 =	vadd.f32 v3, v2  }
0x98: {  	[tilespmem:s12+$0x0] =	vst v5;
	v2 =	vadd.f32 v4, v2  }
0x99: {  	[tilespmem:s11+$0xFFFFFC00] =	vst v3  }
0x9a: {  	s9 =	sadd.s32 $0x10, s9;
	s8 =	sadd.s32 $0x1, s8;
	[tilespmem:s11+$0x0] =	vst v2;
	s11 =	simm.s32 $0x0  }
.LBB2_15:
0x9b: {  	s9 =	sshll.u32 s11, $0x4  }
0x9c: {  	s8 =	sand.u32 $0x380, s9;
	s9 =	sand.u32 $0x70, s9  }
0x9d: {  	v3 =	vmov s9  }
0x9e: {  	s10 =	sor.u32 s9, s8  }
0x9f: {  	p0 =	por $0x1, $0x1;
	v2 =	vld [tilespmem:s10+$0x1E000];
	s10 =	simm.s32 $0x0  }
.LBB2_16:
0xa0: {  	s10 =	sshra.s32 s10, $0x2  }
0xa1: {  	s10 =	sadd.s32 s8, s10  }
0xa2: {  	v4 =	vld.idx.msk [tilespmem:v3+s10+$0xBC00 ss:$0x1], $0xffff  }
0xa3: {  	v5 =	vld.idx.msk [tilespmem:v3+s10+$0xC000 ss:$0x1], $0xffff;
	_ =	sdelay $0x1  }
0xa4: {  	p1 =	por p0, p0  }
.Ltmp7:
0xa5: {  	_ = 	snop;
	(pc) =	sbr.rel @p1 .LBB2_16-.Ltmp7, $4  }
0xa6: {  	v4 =	vadd.f32 v4, v2  }
0xa7: {  	v5 =	vadd.f32 v5, v2  }
0xa8: {  	[tilespmem:v3+s10+$0xBC00 ss:$0x1] =	vst.idx.msk $0xffff, v4  }
0xa9: {  	p0 =	por $0x0, $0x0;
	[tilespmem:v3+s10+$0xC000 ss:$0x1] =	vst.idx.msk $0xffff, v5;
	s10 =	simm.s32 $0x2000  }
0xaa: {  	s8 =	sadd.s32 s9, s8  }
0xab: {  	v3 =	vld [tilespmem:s8+$0xCC00]  }
0xac: {  	s11 =	sadd.s32 $0x1, s11  }
0xad: {  	p0 =	sne.s32 s11, $0x40  }
.Ltmp8:
0xae: {  	_ = 	snop;
	(pc) =	sbr.rel @p0 .LBB2_15-.Ltmp8, $3  }
0xaf: {  	_ = 	snop  }
0xb0: {  	v2 =	vadd.f32 v3, v2;
	_ =	sdelay $0x1  }
0xb1: {  	[tilespmem:s8+$0xCC00] =	vst v2  }
0xb2: {  	s8 =	simm.s32 $0x0;
	s9 =	simm.s32 $0x0;
	s10 =	simm.s32 $0x0  }
.LBB2_19:
0xb3: {  	s11 =	sshll.u32 s9, $0x2;
	s12 =	sand.u32 $0x7, s8  }
0xb4: {  	s11 =	sand.u32 $0xFFFFFE00, s11;
	s12 =	sshll.u32 s12, $0x6  }
0xb5: {  	s20 =	sshll.u32 s10, $0x4;
	s11 =	sor.u32 s12, s11  }
0xb6: {  	s13 =	sand.u32 $0x3F0, s20;
	s11 =	sshrl.u32 s11, $0x2  }
0xb7: {  	v2 =	vld [tilespmem:s13+$0x1E400];
	s12 =	sadd.s32 $0xD400, s11  }
0xb8: {  	v3 =	vld [tilespmem:s12+$0xFFFFFC00];
	_ =	sdelay $0x1  }
0xb9: {  	v4 =	vld [tilespmem:s12+$0x0];
	_ =	sdelay $0x2  }
0xba: {  	s11 =	sadd.s32 $0x800, s12;
	v6 =	vadd.f32 v3, v2  }
0xbb: {  	v3 =	vld [tilespmem:s11+$0xFFFFFC00]  }
0xbc: {  	s13 =	simm.s32 $0x2;
	v5 =	vadd.f32 v4, v2;
	v4 =	vld [tilespmem:s11+$0x0];
	[tilespmem:s12+$0xFFFFFC00] =	vst v6  }
.LBB2_20:
0xbd: {  	s13 =	sadd.s32 $0x2, s13  }
0xbe: {  	[tilespmem:s12+$0x0] =	vst v5;
	s12 =	smov.u32 s11;
	p0 =	slt.u32 s13, $0xE  }
.Ltmp9:
0xbf: {  	(pc) =	sbr.rel @p0 .LBB2_20-.Ltmp9, $4  }
0xc0: {  	_ = 	snop  }
0xc1: {  	s11 =	sadd.s32 $0x800, s11;
	v6 =	vadd.f32 v3, v2  }
0xc2: {  	v3 =	vld [tilespmem:s11+$0xFFFFFC00];
	v5 =	vadd.f32 v4, v2  }
0xc3: {  	v4 =	vld [tilespmem:s11+$0x0];
	[tilespmem:s12+$0xFFFFFC00] =	vst v6  }
0xc4: {  	s10 =	sadd.s32 $0x1, s10  }
0xc5: {  	p0 =	sne.s32 s10, $0x40  }
.Ltmp10:
0xc6: {  	_ = 	snop;
	(pc) =	sbr.rel @p0 .LBB2_19-.Ltmp10, $4  }
0xc7: {  	v3 =	vadd.f32 v3, v2  }
0xc8: {  	[tilespmem:s12+$0x0] =	vst v5;
	v2 =	vadd.f32 v4, v2  }
0xc9: {  	[tilespmem:s11+$0xFFFFFC00] =	vst v3  }
0xca: {  	s9 =	sadd.s32 $0x10, s9;
	s8 =	sadd.s32 $0x1, s8;
	[tilespmem:s11+$0x0] =	vst v2  }
0xcb: {  	s9 =	simm.s32 $0x0;
	s10 =	simm.s32 $0x0;
	s11 =	simm.s32 $0x0  }
.LBB2_23:
0xcc: {  	s8 =	sshll.u32 s10, $0x2;
	s12 =	sand.u32 $0x7, s9  }
0xcd: {  	s8 =	sand.u32 $0xFFFFFE00, s8;
	s12 =	sshll.u32 s12, $0x6  }
0xce: {  	s20 =	sshll.u32 s11, $0x4;
	s8 =	sor.u32 s12, s8  }
0xcf: {  	s13 =	sand.u32 $0x3F0, s20;
	s8 =	sshrl.u32 s8, $0x2  }
0xd0: {  	v2 =	vld [tilespmem:s13+$0x1E800];
	s12 =	sadd.s32 $0x11400, s8  }
0xd1: {  	v3 =	vld [tilespmem:s12+$0xFFFFFC00];
	_ =	sdelay $0x1  }
0xd2: {  	v4 =	vld [tilespmem:s12+$0x0];
	_ =	sdelay $0x2  }
0xd3: {  	s8 =	sadd.s32 $0x800, s12;
	v6 =	vadd.f32 v3, v2  }
0xd4: {  	v3 =	vld [tilespmem:s8+$0xFFFFFC00]  }
0xd5: {  	s13 =	simm.s32 $0x2;
	v5 =	vadd.f32 v4, v2;
	v4 =	vld [tilespmem:s8+$0x0];
	[tilespmem:s12+$0xFFFFFC00] =	vst v6  }
.LBB2_24:
0xd6: {  	s13 =	sadd.s32 $0x2, s13  }
0xd7: {  	[tilespmem:s12+$0x0] =	vst v5;
	s12 =	smov.u32 s8;
	p0 =	slt.u32 s13, $0xE  }
.Ltmp11:
0xd8: {  	(pc) =	sbr.rel @p0 .LBB2_24-.Ltmp11, $4  }
0xd9: {  	_ = 	snop  }
0xda: {  	s8 =	sadd.s32 $0x800, s8;
	v6 =	vadd.f32 v3, v2  }
0xdb: {  	v3 =	vld [tilespmem:s8+$0xFFFFFC00];
	v5 =	vadd.f32 v4, v2  }
0xdc: {  	v4 =	vld [tilespmem:s8+$0x0];
	[tilespmem:s12+$0xFFFFFC00] =	vst v6  }
0xdd: {  	s11 =	sadd.s32 $0x1, s11  }
0xde: {  	p0 =	sne.s32 s11, $0x40  }
.Ltmp12:
0xdf: {  	_ = 	snop;
	(pc) =	sbr.rel @p0 .LBB2_23-.Ltmp12, $4  }
0xe0: {  	v3 =	vadd.f32 v3, v2  }
0xe1: {  	[tilespmem:s12+$0x0] =	vst v5;
	v2 =	vadd.f32 v4, v2  }
0xe2: {  	[tilespmem:s8+$0xFFFFFC00] =	vst v3  }
0xe3: {  	s10 =	sadd.s32 $0x10, s10;
	s9 =	sadd.s32 $0x1, s9;
	[tilespmem:s8+$0x0] =	vst v2;
	s8 =	simm.s32 $0x0  }
0xe4: {  	s9 =	simm.s32 $0x0  }
0xe5: {  	v2 =	vld [tilespmem:s9+$0x1EC80]  }
0xe6: {  	v3 =	vld [tilespmem:s9+$0x1EC00];
	_ =	sdelay $0x3  }
0xe7: {  	v2 =	vmax.f32 v2, $1.200000000e+03  }
0xe8: {  	v3 =	vmax.f32 v3, $1.200000000e+03;
	v7 =	vmin.f32 v2, $2.500000000e+03  }
0xe9: {  	v3 =	vmin.f32 v3, $2.500000000e+03;
	vm0 =	vge.f32 v7, $1.300000000e+03;
	vm1 =	vge.f32 v7, $1.400000000e+03  }
0xea: {  	vm12 =	vge.f32 v7, $1.500000000e+03;
	vm13 =	vge.f32 v7, $1.600000000e+03;
	vm14 =	vge.f32 v7, $1.700000000e+03  }
0xeb: {  	vm15 =	vge.f32 v7, $1.800000000e+03;
	vm4 =	vge.f32 v7, $1.900000000e+03;
	vm5 =	vge.f32 v7, $2.000000000e+03  }
0xec: {  	vm6 =	vge.f32 v7, $2.100000000e+03;
	vm7 =	vge.f32 v7, $2.200000000e+03;
	vm8 =	vge.f32 v7, $2.300000000e+03  }
0xed: {  	vm9 =	vge.f32 v7, $2.400000000e+03;
	v2 =	vsel vm0, $0x1, v1;
	v4 =	vsel vm1, $0x1, v1  }
0xee: {  	vm10 =	vge.f32 v7, $2.500000000e+03;
	v2 =	vadd.s32 v4, v2;
	v4 =	vsel vm12, $0x1, v1  }
0xef: {  	vm11 =	vge.f32 v3, $1.300000000e+03;
	v2 =	vadd.s32 v4, v2;
	v4 =	vsel vm13, $0x1, v1  }
0xf0: {  	v5 =	vsel vm11, $0x1, v1;
	v2 =	vadd.s32 v4, v2;
	v4 =	vsel vm14, $0x1, v1  }
0xf1: {  	vm12 =	vge.f32 v3, $1.400000000e+03;
	v2 =	vadd.s32 v4, v2;
	v4 =	vsel vm15, $0x1, v1  }
0xf2: {  	vm13 =	vge.f32 v3, $1.500000000e+03;
	v2 =	vadd.s32 v4, v2;
	v4 =	vsel vm4, $0x1, v1  }
0xf3: {  	vm14 =	vge.f32 v3, $1.600000000e+03;
	v2 =	vadd.s32 v4, v2;
	v4 =	vsel vm5, $0x1, v1  }
0xf4: {  	vm15 =	vge.f32 v3, $1.700000000e+03;
	v2 =	vadd.s32 v4, v2;
	v4 =	vsel vm6, $0x1, v1  }
0xf5: {  	v8 =	vsel vm15, $0x1, v1;
	v2 =	vadd.s32 v4, v2;
	v4 =	vsel vm7, $0x1, v1  }
0xf6: {  	vm4 =	vge.f32 v3, $1.800000000e+03;
	v2 =	vadd.s32 v4, v2;
	v4 =	vsel vm8, $0x1, v1  }
0xf7: {  	vm15 =	vge.f32 v3, $2.500000000e+03;
	v2 =	vadd.s32 v4, v2;
	v4 =	vsel vm9, $0x1, v1  }
0xf8: {  	vm5 =	vge.f32 v3, $1.900000000e+03;
	v2 =	vadd.s32 v4, v2;
	v4 =	vsel vm10, $0x1, v1  }
0xf9: {  	v9 =	vsel vm4, $0x1, v1;
	v2 =	vadd.s32 v4, v2;
	v4 =	vsel vm12, $0x1, v1  }
0xfa: {  	v2 =	vmin.u32 v2, $0xC;
	v4 =	vadd.s32 v4, v5;
	v5 =	vsel vm13, $0x1, v1  }
0xfb: {  	v6 =	vcvt.s32.f32 v2;
	v4 =	vadd.s32 v5, v4;
	v5 =	vsel vm14, $0x1, v1  }
0xfc: {  	vm6 =	vge.f32 v3, $2.000000000e+03;
	vm7 =	vge.f32 v3, $2.100000000e+03;
	v5 =	vadd.s32 v5, v4  }
0xfd: {  	vm8 =	vge.f32 v3, $2.200000000e+03;
	v4 =	vld [tilespmem:s9+$0x1ED00];
	v6 =	vmul.f32 $1.000000000e+02, v6;
	v8 =	vadd.s32 v8, v5  }
0xfe: {  	vm9 =	vge.f32 v3, $2.300000000e+03;
	v5 =	vld [tilespmem:s9+$0x1EE00];
	v8 =	vadd.s32 v9, v8;
	v9 =	vsel vm5, $0x1, v1  }
0xff: {  	v10 =	vadd.f32 $1.200000000e+03, v6;
	v8 =	vadd.s32 v9, v8;
	v9 =	vsel vm6, $0x1, v1  }
0x100: {  	vm6 =	vge.f32 v3, $2.400000000e+03;
	v8 =	vadd.s32 v9, v8;
	v9 =	vsel vm7, $0x1, v1  }
0x101: {  	v7 =	vsub.f32 v7, v10;
	v10 =	vsel vm8, $0x1, v1;
	v8 =	vadd.s32 v9, v8  }
0x102: {  	vm10 =	vge.f32 v4, $5.979954600e-01;
	vm2 =	vge.f32 v4, $1.553589460e+00;
	v9 =	vsel vm9, $0x1, v1  }
0x103: {  	vm12 =	vge.f32 v4, $3.080624100e+00;
	vm9 =	vge.f32 v4, $9.420238490e+00;
	vm3 =	vge.f32 v5, $5.979954600e-01  }
0x104: {  	vm4 =	vge.f32 v5, $1.553589460e+00;
	v8 =	vadd.s32 v10, v8;
	v10 =	vsel vm10, $0x1, v1  }
0x105: {  	v6 =	vld [tilespmem:s9+$0x1EE80];
	v11 =	vsel vm2, $0x1, v1;
	vm13 =	vge.f32 v5, $3.080624100e+00;
	v25 =	vsel vm12, $0x1, v1  }
0x106: {  	vm7 =	vge.f32 v5, $5.520818710e+00;
	vm10 =	vge.f32 v5, $9.420238490e+00;
	vm12 =	vge.f32 v4, $1.565149310e+01  }
0x107: {  	v7 =	vmul.f32 v7, v0;
	v12 =	vsel vm3, $0x1, v1;
	v13 =	vsel vm4, $0x1, v1  }
0x108: {  	v8 =	vadd.s32 v9, v8;
	v9 =	vsel vm6, $0x1, v1;
	v10 =	vadd.s32 v11, v10  }
0x109: {  	v26 =	vsel vm13, $0x1, v1;
	vm6 =	vge.f32 v4, $5.520818710e+00;
	v30 =	vsel vm7, $0x1, v1  }
0x10a: {  	v32 =	vsel vm10, $0x1, v1;
	vm13 =	vge.f32 v5, $1.565149310e+01;
	vm4 =	vge.f32 v5, $2.560901070e+01  }
0x10b: {  	vm7 =	vge.f32 v5, $4.152107620e+01;
	vm10 =	vge.f32 v5, $6.694848630e+01;
	vm5 =	vge.f32 v6, $5.979954600e-01  }
0x10c: {  	v49 =	vld [tilespmem:s9+$0x1ED80];
	vm11 =	vge.f32 v6, $1.553589460e+00;
	vm14 =	vge.f32 v6, $3.080624100e+00;
	v11 =	vadd.s32 v13, v12  }
0x10d: {  	v8 =	vadd.s32 v9, v8;
	v9 =	vsel vm15, $0x1, v1;
	vm8 =	vge.f32 v6, $5.520818710e+00  }
0x10e: {  	v10 =	vadd.s32 v25, v10;
	v29 =	vsel vm6, $0x1, v1;
	vm15 =	vge.f32 v4, $2.560901070e+01  }
0x10f: {  	v34 =	vsel vm13, $0x1, v1;
	v38 =	vsel vm4, $0x1, v1;
	vm6 =	vge.f32 v4, $4.152107620e+01  }
0x110: {  	v41 =	vsel vm7, $0x1, v1;
	v44 =	vsel vm10, $0x1, v1;
	vm13 =	vge.f32 v5, $1.075813670e+02  }
0x111: {  	vm4 =	vge.f32 v5, $1.725125270e+02;
	vm7 =	vge.f32 v5, $2.762722470e+02;
	vm10 =	veq.f32 v49, $1.000000000e+00  }
0x112: {  	v7 =	vmax.f32 v7, $0.0e+00;
	v14 =	vsel vm5, $0x1, v1;
	v15 =	vsel vm11, $0x1, v1  }
0x113: {  	v27 =	vsel vm14, $0x1, v1;
	v11 =	vadd.s32 v26, v11;
	v31 =	vsel vm8, $0x1, v1  }
0x114: {  	vm11 =	vge.f32 v6, $9.420238490e+00;
	v8 =	vadd.s32 v9, v8;
	v9 =	vadd.s32 v29, v10  }
0x115: {  	vm14 =	vge.f32 v6, $1.565149310e+01;
	vm5 =	vge.f32 v6, $2.560901070e+01;
	v37 =	vsel vm15, $0x1, v1  }
0x116: {  	vm8 =	vge.f32 v6, $4.152107620e+01;
	v40 =	vsel vm6, $0x1, v1;
	v47 =	vsel vm13, $0x1, v1  }
0x117: {  	vm15 =	vge.f32 v4, $1.725125270e+02;
	vm6 =	vge.f32 v4, $2.762722470e+02;
	v50 =	vsel vm4, $0x1, v1  }
0x118: {  	v53 =	vsel vm7, $0x1, v1;
	vm13 =	vge.f32 v6, $4.420797420e+02;
	v56 =	vsel vm10, $0x1, v1  }
0x119: {  	vm10 =	vge.f32 v5, $7.070394290e+02;
	v7 =	vmin.f32 v7, $1.000000000e+00;
	v14 =	vadd.s32 v15, v14  }
0x11a: {  	v10 =	vadd.s32 v30, v11;
	v11 =	vsel vm9, $0x1, v1;
	v33 =	vsel vm11, $0x1, v1  }
0x11b: {  	v8 =	vmin.u32 v8, $0xC;
	v35 =	vsel vm14, $0x1, v1;
	v39 =	vsel vm5, $0x1, v1  }
0x11c: {  	v42 =	vsel vm8, $0x1, v1;
	vm9 =	vge.f32 v4, $6.694848630e+01;
	vm11 =	vge.f32 v6, $6.694848630e+01  }
0x11d: {  	vm14 =	vge.f32 v6, $1.075813670e+02;
	vm5 =	vge.f32 v6, $1.725125270e+02;
	v16 =	vsel vm15, $0x1, v1  }
0x11e: {  	vm8 =	vge.f32 v6, $2.762722470e+02;
	v52 =	vsel vm6, $0x1, v1;
	vm15 =	vge.f32 v49, $3.000000000e+00  }
0x11f: {  	v17 =	vsel vm13, $0x1, v1;
	v61 =	vsel vm10, $0x1, v1;
	vm13 =	vge.f32 v4, $1.130443850e+03  }
0x120: {  	v28 =	vadd.s32 v27, v14;
	v9 =	vadd.s32 v11, v9;
	v11 =	vsel vm12, $0x1, v1  }
0x121: {  	v10 =	vadd.s32 v32, v10;
	v36 =	vcvt.s32.f32 v8;
	v43 =	vsel vm9, $0x1, v1  }
0x122: {  	vm12 =	vge.f32 v4, $1.075813670e+02;
	v45 =	vsel vm11, $0x1, v1;
	v48 =	vsel vm14, $0x1, v1  }
0x123: {  	v51 =	vsel vm5, $0x1, v1;
	vm9 =	vge.f32 v4, $4.420797420e+02;
	v54 =	vsel vm8, $0x1, v1  }
0x124: {  	vm11 =	veq.f32 v49, $2.000000000e+00;
	vm14 =	vge.f32 v4, $7.070394290e+02;
	vm8 =	vlt.f32 v49, $1.000000000e+01  }
0x125: {  	v12 =	vadd.s32 v31, v28;
	v9 =	vadd.s32 v11, v9;
	v10 =	vadd.s32 v34, v10  }
0x126: {  	v46 =	vsel vm12, $0x1, v1;
	vm12 =	vge.f32 v5, $4.420797420e+02;
	v55 =	vsel vm9, $0x1, v1  }
0x127: {  	v57 =	vsel vm11, $0x2, v1;
	vm9 =	vge.f32 v49, $1.000000000e+01;
	vm11 =	vge.f32 v6, $7.070394290e+02  }
0x128: {  	v59 =	vsel vm14, $0x1, v1;
	vm14 =	vge.f32 v5, $1.130443850e+03;
	v12 =	vadd.s32 v33, v12  }
0x129: {  	v9 =	vadd.s32 v37, v9;
	v10 =	vadd.s32 v38, v10;
	v15 =	vmul.f32 $1.000000000e+02, v36  }
0x12a: {  	v58 =	vsel vm12, $0x1, v1;
	v13 =	vor.u32 v56, v57;
	vm12 =	vmand vm15, vm8  }
0x12b: {  	v60 =	vsel vm9, $0x4, v1;
	v62 =	vsel vm11, $0x1, v1;
	vm15 =	vge.f32 v6, $1.130443850e+03  }
0x12c: {  	v63 =	vsel vm14, $0x1, v1;
	v11 =	vadd.s32 v35, v12;
	v9 =	vadd.s32 v40, v9  }
0x12d: {  	v10 =	vadd.s32 v41, v10;
	v5 =	vor.u32 v60, v13;
	v11 =	vadd.s32 v39, v11  }
0x12e: {  	v9 =	vadd.s32 v43, v9;
	v10 =	vadd.s32 v44, v10;
	v15 =	vadd.f32 $1.200000000e+03, v15  }
0x12f: {  	v11 =	vadd.s32 v42, v11;
	v9 =	vadd.s32 v46, v9;
	v10 =	vadd.s32 v47, v10  }
0x130: {  	v11 =	vadd.s32 v45, v11;
	v9 =	vadd.s32 v16, v9;
	v10 =	vadd.s32 v50, v10  }
0x131: {  	v3 =	vsub.f32 v3, v15;
	v11 =	vadd.s32 v48, v11;
	v9 =	vadd.s32 v52, v9  }
0x132: {  	v10 =	vadd.s32 v53, v10;
	v11 =	vadd.s32 v51, v11;
	v9 =	vadd.s32 v55, v9  }
0x133: {  	v10 =	vadd.s32 v58, v10;
	v4 =	vmul.f32 v3, v0;
	v11 =	vadd.s32 v54, v11  }
0x134: {  	v3 =	vld [tilespmem:s9+$0x1EF00];
	v12 =	vadd.s32 v59, v9;
	v10 =	vadd.s32 v61, v10;
	v11 =	vadd.s32 v17, v11  }
0x135: {  	v9 =	vsel vm12, $0x3, v1;
	v6 =	vadd.s32 v62, v11;
	v11 =	vsel vm13, $0x1, v1  }
0x136: {  	s10 =	simm.s32 $0x10;
	s11 =	simm.s32 $0x80;
	[tilespmem:s9+$0x1F380] =	vst v7;
	v10 =	vadd.s32 v63, v10;
	v7 =	vadd.s32 v11, v12;
	v11 =	vsel vm15, $0x1, v1  }
.LBB2_27:
0x137: {  	p0 =	sne.s32 s11, $0x1C0;
	v12 =	vld [tilespmem:s10+$0x1EC80];
	v13 =	vmax.f32 v4, $0.0e+00;
	v5 =	vadd.s32 v9, v5;
	v6 =	vadd.s32 v11, v6  }
0x138: {  	v2 =	vshll.u32 v2, $0xA;
	v7 =	vshll.u32 v7, $0xA;
	v10 =	vshll.u32 v10, $0xA;
	v9 =	vld [tilespmem:s10+$0x1EC00]  }
0x139: {  	v3 =	vshll.u32 v3, $0xA;
	v11 =	vshll.u32 v5, $0xA;
	v14 =	vshll.u32 v6, $0xA;
	v4 =	vld [tilespmem:s10+$0x1ED00]  }
0x13a: {  	v8 =	vshll.u32 v8, $0xA;
	v13 =	vmin.f32 v13, $1.000000000e+00;
	v2 =	vadd.s32 $0x3800, v2;
	v5 =	vld [tilespmem:s10+$0x1EE00]  }
0x13b: {  	v10 =	vadd.s32 $0xD000, v10;
	v14 =	vadd.s32 $0x11000, v14;
	v6 =	vld [tilespmem:s10+$0x1EE80];
	[tilespmem:s9+$0x1F300] =	vst v13;
	v13 =	vadd.s32 $0x7C00, v7  }
0x13c: {  	v11 =	vadd.s32 $0xBC00, v11;
	v12 =	vmax.f32 v12, $1.200000000e+03;
	v7 =	vld [tilespmem:s10+$0x1ED80];
	[tilespmem:s9+$0x1F000] =	vst v2;
	v2 =	vadd.s32 $0x7000, v3  }
0x13d: {  	v9 =	vmax.f32 v9, $1.200000000e+03;
	v12 =	vmin.f32 v12, $2.500000000e+03;
	v3 =	vld [tilespmem:s10+$0x1EF00];
	[tilespmem:s9+$0x1EF80] =	vst v8  }
0x13e: {  	v9 =	vmin.f32 v9, $2.500000000e+03;
	vm0 =	vge.f32 v12, $1.300000000e+03;
	vm1 =	vge.f32 v12, $1.400000000e+03;
	[tilespmem:s9+$0x1F100] =	vst v13  }
0x13f: {  	v8 =	vsel vm0, $0x1, v1;
	v13 =	vsel vm1, $0x1, v1;
	vm0 =	vge.f32 v12, $1.500000000e+03;
	[tilespmem:s9+$0x1F200] =	vst v10  }
0x140: {  	v8 =	vadd.s32 v13, v8;
	v10 =	vsel vm0, $0x1, v1;
	vm0 =	vge.f32 v12, $1.600000000e+03;
	[tilespmem:s9+$0x1F280] =	vst v14  }
0x141: {  	v8 =	vadd.s32 v10, v8;
	v10 =	vsel vm0, $0x1, v1;
	vm0 =	vge.f32 v12, $1.700000000e+03;
	[tilespmem:s9+$0x1F180] =	vst v11  }
0x142: {  	v8 =	vadd.s32 v10, v8;
	v10 =	vsel vm0, $0x1, v1;
	vm0 =	vge.f32 v12, $1.800000000e+03;
	[tilespmem:s9+$0x1F080] =	vst v2;
	s9 =	smov.u32 s10  }
0x143: {  	v2 =	vadd.s32 v10, v8;
	v8 =	vsel vm0, $0x1, v1;
	vm0 =	vge.f32 v12, $1.900000000e+03  }
0x144: {  	v2 =	vadd.s32 v8, v2;
	v8 =	vsel vm0, $0x1, v1;
	vm0 =	vge.f32 v12, $2.000000000e+03  }
0x145: {  	v2 =	vadd.s32 v8, v2;
	v8 =	vsel vm0, $0x1, v1;
	vm0 =	vge.f32 v12, $2.100000000e+03  }
0x146: {  	v2 =	vadd.s32 v8, v2;
	v8 =	vsel vm0, $0x1, v1;
	vm0 =	vge.f32 v12, $2.200000000e+03  }
0x147: {  	v2 =	vadd.s32 v8, v2;
	v8 =	vsel vm0, $0x1, v1;
	vm0 =	vge.f32 v12, $2.300000000e+03  }
0x148: {  	v2 =	vadd.s32 v8, v2;
	v8 =	vsel vm0, $0x1, v1;
	vm0 =	vge.f32 v12, $2.400000000e+03  }
0x149: {  	v2 =	vadd.s32 v8, v2;
	v8 =	vsel vm0, $0x1, v1;
	vm0 =	vge.f32 v12, $2.500000000e+03  }
0x14a: {  	vm1 =	vge.f32 v9, $1.300000000e+03;
	v2 =	vadd.s32 v8, v2;
	v8 =	vsel vm0, $0x1, v1  }
0x14b: {  	v10 =	vsel vm1, $0x1, v1;
	vm0 =	vge.f32 v9, $1.400000000e+03;
	v2 =	vadd.s32 v8, v2  }
0x14c: {  	v8 =	vsel vm0, $0x1, v1;
	vm0 =	vge.f32 v9, $1.500000000e+03;
	v2 =	vmin.u32 v2, $0xC  }
0x14d: {  	v8 =	vadd.s32 v8, v10;
	v10 =	vsel vm0, $0x1, v1;
	v11 =	vcvt.s32.f32 v2  }
0x14e: {  	vm1 =	vge.f32 v9, $1.700000000e+03;
	vm0 =	vge.f32 v9, $1.600000000e+03;
	v8 =	vadd.s32 v10, v8  }
0x14f: {  	v13 =	vsel vm1, $0x1, v1;
	v10 =	vsel vm0, $0x1, v1;
	v11 =	vmul.f32 $1.000000000e+02, v11  }
0x150: {  	vm1 =	vge.f32 v9, $1.900000000e+03;
	vm0 =	vge.f32 v9, $1.800000000e+03;
	v8 =	vadd.s32 v10, v8  }
0x151: {  	v10 =	vsel vm0, $0x1, v1;
	v8 =	vadd.s32 v13, v8;
	v11 =	vadd.f32 $1.200000000e+03, v11  }
0x152: {  	vm0 =	vge.f32 v9, $2.000000000e+03;
	v8 =	vadd.s32 v10, v8;
	v10 =	vsel vm1, $0x1, v1  }
0x153: {  	v8 =	vadd.s32 v10, v8;
	v10 =	vsel vm0, $0x1, v1;
	v11 =	vsub.f32 v12, v11  }
0x154: {  	vm1 =	vge.f32 v9, $2.200000000e+03;
	vm0 =	vge.f32 v9, $2.100000000e+03;
	v8 =	vadd.s32 v10, v8  }
0x155: {  	v10 =	vsel vm0, $0x1, v1;
	v12 =	vsel vm1, $0x1, v1;
	v11 =	vmul.f32 v11, v0  }
0x156: {  	vm0 =	vge.f32 v9, $2.300000000e+03;
	v8 =	vadd.s32 v10, v8;
	vm1 =	vge.f32 v4, $5.979954600e-01  }
0x157: {  	vm2 =	vge.f32 v4, $1.553589460e+00;
	vm3 =	vge.f32 v5, $5.979954600e-01;
	v10 =	vmax.f32 v11, $0.0e+00  }
0x158: {  	vm4 =	vge.f32 v5, $1.553589460e+00;
	vm5 =	vge.f32 v6, $5.979954600e-01;
	v10 =	vmin.f32 v10, $1.000000000e+00  }
0x159: {  	v8 =	vadd.s32 v12, v8;
	v11 =	vsel vm0, $0x1, v1;
	vm0 =	vge.f32 v6, $1.553589460e+00;
	[tilespmem:s9+$0x1F380] =	vst v10  }
0x15a: {  	vm6 =	vge.f32 v9, $2.400000000e+03;
	v12 =	vsel vm2, $0x1, v1;
	v10 =	vsel vm1, $0x1, v1  }
0x15b: {  	v14 =	vsel vm4, $0x1, v1;
	v15 =	vsel vm5, $0x1, v1;
	v13 =	vsel vm3, $0x1, v1  }
0x15c: {  	vm2 =	vge.f32 v5, $3.080624100e+00;
	v16 =	vsel vm0, $0x1, v1;
	vm1 =	vge.f32 v4, $3.080624100e+00  }
0x15d: {  	v8 =	vadd.s32 v11, v8;
	v11 =	vsel vm6, $0x1, v1;
	vm0 =	vge.f32 v6, $3.080624100e+00  }
0x15e: {  	vm3 =	vge.f32 v9, $2.500000000e+03;
	v10 =	vadd.s32 v12, v10;
	v12 =	vadd.s32 v14, v13  }
0x15f: {  	v15 =	vadd.s32 v16, v15;
	v13 =	vsel vm1, $0x1, v1;
	v14 =	vsel vm2, $0x1, v1  }
0x160: {  	v16 =	vsel vm0, $0x1, v1;
	vm1 =	vge.f32 v4, $5.520818710e+00;
	vm2 =	vge.f32 v5, $5.520818710e+00  }
0x161: {  	v8 =	vadd.s32 v11, v8;
	v11 =	vsel vm3, $0x1, v1;
	vm0 =	vge.f32 v6, $5.520818710e+00  }
0x162: {  	v10 =	vadd.s32 v13, v10;
	v12 =	vadd.s32 v14, v12;
	v13 =	vadd.s32 v16, v15  }
0x163: {  	v14 =	vsel vm1, $0x1, v1;
	v15 =	vsel vm2, $0x1, v1;
	v16 =	vsel vm0, $0x1, v1  }
0x164: {  	vm0 =	vge.f32 v4, $9.420238490e+00;
	vm1 =	vge.f32 v5, $9.420238490e+00;
	vm2 =	vge.f32 v6, $9.420238490e+00  }
0x165: {  	v8 =	vadd.s32 v11, v8;
	v10 =	vadd.s32 v14, v10;
	v11 =	vadd.s32 v15, v12  }
0x166: {  	v12 =	vsel vm0, $0x1, v1;
	v14 =	vsel vm1, $0x1, v1;
	v13 =	vadd.s32 v16, v13  }
0x167: {  	vm0 =	vge.f32 v4, $1.565149310e+01;
	vm1 =	vge.f32 v5, $1.565149310e+01;
	v15 =	vsel vm2, $0x1, v1  }
0x168: {  	v8 =	vmin.u32 v8, $0xC;
	vm2 =	vge.f32 v6, $1.565149310e+01;
	v10 =	vadd.s32 v12, v10  }
0x169: {  	v12 =	vsel vm0, $0x1, v1;
	v11 =	vadd.s32 v14, v11;
	v13 =	vadd.s32 v15, v13  }
0x16a: {  	vm0 =	vge.f32 v4, $2.560901070e+01;
	v14 =	vsel vm1, $0x1, v1;
	v15 =	vsel vm2, $0x1, v1  }
0x16b: {  	v16 =	vcvt.s32.f32 v8;
	vm1 =	vge.f32 v5, $2.560901070e+01;
	vm2 =	vge.f32 v6, $2.560901070e+01  }
0x16c: {  	v10 =	vadd.s32 v12, v10;
	v11 =	vadd.s32 v14, v11;
	v12 =	vadd.s32 v15, v13  }
0x16d: {  	v13 =	vsel vm0, $0x1, v1;
	v14 =	vsel vm1, $0x1, v1;
	v15 =	vsel vm2, $0x1, v1  }
0x16e: {  	vm0 =	vge.f32 v4, $4.152107620e+01;
	vm1 =	vge.f32 v5, $4.152107620e+01;
	vm2 =	vge.f32 v6, $4.152107620e+01  }
0x16f: {  	v10 =	vadd.s32 v13, v10;
	v11 =	vadd.s32 v14, v11;
	v12 =	vadd.s32 v15, v12  }
0x170: {  	v13 =	vsel vm0, $0x1, v1;
	v14 =	vsel vm1, $0x1, v1;
	v15 =	vsel vm2, $0x1, v1  }
0x171: {  	vm0 =	vge.f32 v4, $6.694848630e+01;
	vm1 =	vge.f32 v5, $6.694848630e+01;
	vm2 =	vge.f32 v6, $6.694848630e+01  }
0x172: {  	v16 =	vmul.f32 $1.000000000e+02, v16;
	v10 =	vadd.s32 v13, v10;
	v11 =	vadd.s32 v14, v11  }
0x173: {  	v13 =	vsel vm0, $0x1, v1;
	v14 =	vsel vm1, $0x1, v1;
	v12 =	vadd.s32 v15, v12  }
0x174: {  	vm0 =	vge.f32 v4, $1.075813670e+02;
	vm1 =	vge.f32 v5, $1.075813670e+02;
	v15 =	vsel vm2, $0x1, v1  }
0x175: {  	vm2 =	vge.f32 v6, $1.075813670e+02;
	v10 =	vadd.s32 v13, v10;
	v11 =	vadd.s32 v14, v11  }
0x176: {  	v13 =	vsel vm0, $0x1, v1;
	v14 =	vsel vm1, $0x1, v1;
	v12 =	vadd.s32 v15, v12  }
0x177: {  	vm0 =	vge.f32 v4, $1.725125270e+02;
	vm1 =	vge.f32 v5, $1.725125270e+02;
	v15 =	vsel vm2, $0x1, v1  }
0x178: {  	v16 =	vadd.f32 $1.200000000e+03, v16;
	vm2 =	vge.f32 v6, $1.725125270e+02;
	v10 =	vadd.s32 v13, v10  }
0x179: {  	v13 =	vsel vm0, $0x1, v1;
	v11 =	vadd.s32 v14, v11;
	v12 =	vadd.s32 v15, v12  }
0x17a: {  	vm0 =	vge.f32 v4, $2.762722470e+02;
	v14 =	vsel vm1, $0x1, v1;
	v15 =	vsel vm2, $0x1, v1  }
0x17b: {  	vm1 =	vge.f32 v5, $2.762722470e+02;
	vm2 =	vge.f32 v6, $2.762722470e+02;
	v10 =	vadd.s32 v13, v10  }
0x17c: {  	v13 =	vsel vm0, $0x1, v1;
	v11 =	vadd.s32 v14, v11;
	v12 =	vadd.s32 v15, v12  }
0x17d: {  	vm0 =	vge.f32 v4, $4.420797420e+02;
	v14 =	vsel vm1, $0x1, v1;
	v15 =	vsel vm2, $0x1, v1  }
0x17e: {  	vm3 =	vge.f32 v5, $4.420797420e+02;
	vm1 =	veq.f32 v7, $1.000000000e+00;
	vm2 =	veq.f32 v7, $2.000000000e+00  }
0x17f: {  	vm4 =	vge.f32 v6, $4.420797420e+02;
	v9 =	vsub.f32 v9, v16;
	v10 =	vadd.s32 v13, v10  }
0x180: {  	v13 =	vsel vm0, $0x1, v1;
	v11 =	vadd.s32 v14, v11;
	v12 =	vadd.s32 v15, v12  }
0x181: {  	v16 =	vsel vm3, $0x1, v1;
	v14 =	vsel vm1, $0x1, v1;
	v15 =	vsel vm2, $0x2, v1  }
0x182: {  	v17 =	vsel vm4, $0x1, v1;
	vm0 =	vge.f32 v4, $7.070394290e+02;
	vm1 =	vge.f32 v7, $3.000000000e+00  }
0x183: {  	vm4 =	vge.f32 v5, $7.070394290e+02;
	vm3 =	vge.f32 v7, $1.000000000e+01;
	vm2 =	vlt.f32 v7, $1.000000000e+01  }
0x184: {  	vm5 =	vge.f32 v6, $7.070394290e+02;
	v7 =	vadd.s32 v13, v10;
	v10 =	vadd.s32 v16, v11  }
0x185: {  	v11 =	vsel vm0, $0x1, v1;
	v13 =	vor.u32 v14, v15;
	v12 =	vadd.s32 v17, v12  }
0x186: {  	vm0 =	vmand vm1, vm2;
	v14 =	vsel vm3, $0x4, v1;
	v15 =	vsel vm4, $0x1, v1  }
.Ltmp13:
0x187: {  	vm1 =	vge.f32 v4, $1.130443850e+03;
	vm2 =	vge.f32 v5, $1.130443850e+03;
	v16 =	vsel vm5, $0x1, v1;
	(pc) =	sbr.rel @p0 .LBB2_27-.Ltmp13, $4  }
0x188: {  	v4 =	vmul.f32 v9, v0;
	vm3 =	vge.f32 v6, $1.130443850e+03;
	v7 =	vadd.s32 v11, v7  }
0x189: {  	v5 =	vor.u32 v14, v13;
	v10 =	vadd.s32 v15, v10;
	v6 =	vadd.s32 v16, v12  }
0x18a: {  	v11 =	vsel vm1, $0x1, v1;
	v9 =	vsel vm0, $0x3, v1;
	v12 =	vsel vm2, $0x1, v1  }
0x18b: {  	s10 =	sshra.s32 s11, $0x2;
	s11 =	sadd.s32 $0x40, s11;
	v7 =	vadd.s32 v11, v7;
	v10 =	vadd.s32 v12, v10;
	v11 =	vsel vm3, $0x1, v1  }
0x18c: {  	v12 =	vld [tilespmem:s10+$0x1EC80];
	v4 =	vmax.f32 v4, $0.0e+00  }
0x18d: {  	v9 =	vadd.s32 v9, v5;
	v13 =	vld [tilespmem:s10+$0x1EC00];
	v11 =	vadd.s32 v11, v6;
	v14 =	vshll.u32 v2, $0xA  }
0x18e: {  	v15 =	vshll.u32 v7, $0xA;
	v6 =	vshll.u32 v9, $0xA;
	v9 =	vshll.u32 v11, $0xA;
	v11 =	vld [tilespmem:s10+$0x1ED00]  }
0x18f: {  	v7 =	vshll.u32 v10, $0xA;
	v5 =	vshll.u32 v3, $0xA;
	v2 =	vshll.u32 v8, $0xA  }
0x190: {  	v10 =	vmin.f32 v4, $1.000000000e+00;
	v3 =	vadd.s32 $0x3800, v14;
	v7 =	vadd.s32 $0xD000, v7  }
0x191: {  	v5 =	vadd.s32 $0x7000, v5;
	v9 =	vadd.s32 $0x11000, v9;
	v6 =	vadd.s32 $0xBC00, v6  }
0x192: {  	v17 =	vmax.f32 v12, $1.200000000e+03;
	v18 =	vmax.f32 v13, $1.200000000e+03;
	v13 =	vadd.s32 $0x7C00, v15  }
0x193: {  	v16 =	vmin.f32 v17, $2.500000000e+03;
	v14 =	vmin.f32 v18, $2.500000000e+03;
	vm2 =	vge.f32 v11, $1.553589460e+00  }
0x194: {  	vm0 =	vge.f32 v16, $1.300000000e+03;
	vm1 =	vge.f32 v16, $1.400000000e+03;
	vm13 =	vge.f32 v16, $1.500000000e+03  }
0x195: {  	vm14 =	vge.f32 v16, $1.600000000e+03;
	vm15 =	vge.f32 v16, $1.700000000e+03;
	vm4 =	vge.f32 v16, $1.800000000e+03  }
0x196: {  	vm5 =	vge.f32 v16, $1.900000000e+03;
	vm6 =	vge.f32 v16, $2.000000000e+03;
	vm7 =	vge.f32 v16, $2.100000000e+03  }
0x197: {  	vm8 =	vge.f32 v16, $2.200000000e+03;
	vm9 =	vge.f32 v16, $2.300000000e+03;
	vm10 =	vge.f32 v16, $2.400000000e+03  }
0x198: {  	vm11 =	vge.f32 v16, $2.500000000e+03;
	vm12 =	vge.f32 v14, $1.300000000e+03;
	v46 =	vsel vm2, $0x1, v1  }
0x199: {  	v19 =	vsel vm0, $0x1, v1;
	v20 =	vsel vm1, $0x1, v1;
	v21 =	vsel vm13, $0x1, v1  }
0x19a: {  	v22 =	vsel vm14, $0x1, v1;
	v23 =	vsel vm15, $0x1, v1;
	v24 =	vsel vm4, $0x1, v1  }
0x19b: {  	v25 =	vsel vm5, $0x1, v1;
	v26 =	vsel vm6, $0x1, v1;
	v27 =	vsel vm7, $0x1, v1  }
0x19c: {  	v28 =	vsel vm8, $0x1, v1;
	v29 =	vsel vm9, $0x1, v1;
	v31 =	vsel vm10, $0x1, v1  }
0x19d: {  	v32 =	vsel vm11, $0x1, v1;
	v33 =	vsel vm12, $0x1, v1;
	vm13 =	vge.f32 v14, $1.400000000e+03  }
0x19e: {  	vm14 =	vge.f32 v14, $1.500000000e+03;
	vm15 =	vge.f32 v14, $1.600000000e+03;
	vm4 =	vge.f32 v14, $1.700000000e+03  }
0x19f: {  	vm5 =	vge.f32 v14, $1.800000000e+03;
	vm6 =	vge.f32 v14, $1.900000000e+03;
	vm7 =	vge.f32 v14, $2.000000000e+03  }
0x1a0: {  	vm8 =	vge.f32 v14, $2.100000000e+03;
	vm9 =	vge.f32 v14, $2.200000000e+03;
	vm10 =	vge.f32 v14, $2.300000000e+03  }
0x1a1: {  	vm11 =	vge.f32 v11, $5.979954600e-01;
	v8 =	vadd.s32 v20, v19;
	v34 =	vsel vm13, $0x1, v1  }
0x1a2: {  	v12 =	vld [tilespmem:s10+$0x1EE00];
	v35 =	vsel vm14, $0x1, v1;
	v37 =	vsel vm15, $0x1, v1;
	v38 =	vsel vm4, $0x1, v1  }
0x1a3: {  	v39 =	vsel vm5, $0x1, v1;
	v19 =	vsel vm6, $0x1, v1;
	v41 =	vsel vm7, $0x1, v1  }
0x1a4: {  	v42 =	vsel vm8, $0x1, v1;
	v43 =	vsel vm9, $0x1, v1;
	v44 =	vsel vm10, $0x1, v1  }
0x1a5: {  	vm6 =	vge.f32 v14, $2.400000000e+03;
	v45 =	vsel vm11, $0x1, v1;
	vm13 =	vge.f32 v11, $3.080624100e+00  }
0x1a6: {  	vm7 =	vge.f32 v11, $5.520818710e+00;
	vm10 =	vge.f32 v11, $9.420238490e+00;
	v8 =	vadd.s32 v21, v8  }
0x1a7: {  	vm3 =	vge.f32 v12, $5.979954600e-01;
	vm4 =	vge.f32 v12, $1.553589460e+00;
	vm14 =	vge.f32 v12, $3.080624100e+00  }
0x1a8: {  	v49 =	vsel vm6, $0x1, v1;
	vm6 =	vge.f32 v14, $2.500000000e+03;
	v50 =	vsel vm13, $0x1, v1  }
0x1a9: {  	vm8 =	vge.f32 v12, $5.520818710e+00;
	v54 =	vsel vm7, $0x1, v1;
	vm11 =	vge.f32 v12, $9.420238490e+00  }
0x1aa: {  	v57 =	vsel vm10, $0x1, v1;
	vm13 =	vge.f32 v11, $1.565149310e+01;
	vm7 =	vge.f32 v11, $4.152107620e+01  }
0x1ab: {  	vm10 =	vge.f32 v11, $6.694848630e+01;
	v8 =	vadd.s32 v22, v8;
	v20 =	vsel vm3, $0x1, v1  }
0x1ac: {  	v21 =	vsel vm4, $0x1, v1;
	v51 =	vsel vm14, $0x1, v1;
	v53 =	vsel vm6, $0x1, v1  }
0x1ad: {  	v55 =	vsel vm8, $0x1, v1;
	v58 =	vsel vm11, $0x1, v1;
	vm14 =	vge.f32 v12, $1.565149310e+01  }
0x1ae: {  	v60 =	vsel vm13, $0x1, v1;
	vm4 =	vge.f32 v11, $2.560901070e+01;
	vm8 =	vge.f32 v12, $4.152107620e+01  }
0x1af: {  	vm11 =	vge.f32 v12, $6.694848630e+01;
	vm13 =	vge.f32 v11, $1.075813670e+02;
	v8 =	vadd.s32 v23, v8  }
0x1b0: {  	v20 =	vadd.s32 v21, v20;
	v61 =	vsel vm14, $0x1, v1;
	v8 =	vadd.s32 v24, v8  }
0x1b1: {  	v63 =	vsel vm4, $0x1, v1;
	vm14 =	vge.f32 v12, $1.075813670e+02;
	v8 =	vadd.s32 v25, v8  }
0x1b2: {  	vm4 =	vge.f32 v11, $1.725125270e+02;
	v20 =	vadd.s32 v51, v20;
	v8 =	vadd.s32 v26, v8  }
0x1b3: {  	v20 =	vadd.s32 v55, v20;
	v26 =	vsel vm7, $0x1, v1;
	v8 =	vadd.s32 v27, v8  }
0x1b4: {  	vm7 =	vge.f32 v11, $2.762722470e+02;
	v27 =	vsel vm8, $0x1, v1;
	v8 =	vadd.s32 v28, v8  }
0x1b5: {  	vm8 =	vge.f32 v12, $2.762722470e+02;
	v30 =	vadd.s32 v29, v8;
	v8 =	vadd.s32 v34, v33  }
0x1b6: {  	v33 =	vsel vm13, $0x1, v1;
	v34 =	vsel vm14, $0x1, v1;
	vm13 =	vge.f32 v12, $4.420797420e+02  }
0x1b7: {  	v4 =	vadd.s32 v31, v30;
	v8 =	vadd.s32 v35, v8;
	v30 =	vsel vm10, $0x1, v1  }
0x1b8: {  	v31 =	vsel vm11, $0x1, v1;
	v4 =	vadd.s32 v32, v4;
	v8 =	vadd.s32 v37, v8  }
0x1b9: {  	vm10 =	vge.f32 v11, $4.420797420e+02;
	v4 =	vmin.u32 v4, $0xC;
	v8 =	vadd.s32 v38, v8  }
0x1ba: {  	v36 =	vcvt.s32.f32 v4;
	v18 =	vadd.s32 v39, v8;
	v4 =	vshll.u32 v4, $0xA  }
0x1bb: {  	v40 =	vadd.s32 v19, v18;
	v18 =	vadd.s32 v46, v45;
	v19 =	vadd.s32 v58, v20  }
0x1bc: {  	v45 =	vsel vm10, $0x1, v1;
	v46 =	vsel vm13, $0x1, v1;
	vm10 =	vge.f32 v11, $7.070394290e+02  }
0x1bd: {  	v8 =	vld [tilespmem:s10+$0x1EE80];
	vm13 =	vge.f32 v11, $1.130443850e+03;
	v4 =	vadd.s32 $0x3800, v4;
	v17 =	vmul.f32 $1.000000000e+02, v36  }
0x1be: {  	[tilespmem:s9+$0x1F300] =	vst v10;
	v15 =	vadd.s32 v41, v40;
	v18 =	vadd.s32 v50, v18;
	v19 =	vadd.s32 v61, v19  }
0x1bf: {  	v36 =	vsel vm4, $0x1, v1;
	v40 =	vld [tilespmem:s10+$0x1ED80];
	[tilespmem:s9+$0x1F000] =	vst v3;
	v58 =	vsel vm13, $0x1, v1;
	v15 =	vadd.s32 v42, v15  }
0x1c0: {  	v18 =	vadd.s32 v54, v18;
	v42 =	vsel vm7, $0x1, v1;
	v51 =	vld [tilespmem:s10+$0x1EF00];
	[tilespmem:s9+$0x1EF80] =	vst v2;
	v2 =	vsel vm10, $0x1, v1  }
0x1c1: {  	v17 =	vadd.f32 $1.200000000e+03, v17;
	v15 =	vadd.s32 v43, v15;
	v18 =	vadd.s32 v57, v18  }
0x1c2: {  	v43 =	vsel vm8, $0x1, v1;
	vm5 =	vge.f32 v8, $5.979954600e-01;
	vm12 =	vge.f32 v8, $1.553589460e+00  }
0x1c3: {  	v15 =	vadd.s32 v44, v15;
	vm15 =	vge.f32 v8, $3.080624100e+00;
	vm9 =	vge.f32 v8, $5.520818710e+00  }
0x1c4: {  	v18 =	vadd.s32 v60, v18;
	vm6 =	vge.f32 v8, $2.560901070e+01;
	vm14 =	vge.f32 v8, $4.420797420e+02  }
0x1c5: {  	v16 =	vsub.f32 v16, v17;
	v47 =	vsel vm5, $0x1, v1;
	v48 =	vsel vm12, $0x1, v1  }
0x1c6: {  	v15 =	vadd.s32 v49, v15;
	v52 =	vsel vm15, $0x1, v1;
	v56 =	vsel vm9, $0x1, v1  }
0x1c7: {  	vm12 =	vge.f32 v8, $9.420238490e+00;
	vm15 =	vge.f32 v8, $1.565149310e+01;
	vm5 =	vge.f32 v12, $2.560901070e+01  }
0x1c8: {  	v18 =	vadd.s32 v63, v18;
	v25 =	vsel vm6, $0x1, v1;
	vm9 =	vge.f32 v8, $4.152107620e+01  }
0x1c9: {  	vm6 =	vge.f32 v8, $1.725125270e+02;
	v50 =	vsel vm14, $0x1, v1;
	vm14 =	vge.f32 v12, $1.130443850e+03  }
0x1ca: {  	v17 =	vadd.s32 v48, v47;
	v15 =	vadd.s32 v53, v15;
	v59 =	vsel vm12, $0x1, v1  }
0x1cb: {  	v62 =	vsel vm15, $0x1, v1;
	v24 =	vsel vm5, $0x1, v1;
	v18 =	vadd.s32 v26, v18  }
0x1cc: {  	v29 =	vsel vm9, $0x1, v1;
	vm12 =	vge.f32 v8, $6.694848630e+01;
	vm15 =	vge.f32 v8, $1.075813670e+02  }
0x1cd: {  	vm5 =	vge.f32 v12, $1.725125270e+02;
	v39 =	vsel vm6, $0x1, v1;
	vm9 =	vge.f32 v8, $2.762722470e+02  }
0x1ce: {  	vm11 =	veq.f32 v40, $1.000000000e+00;
	vm8 =	vlt.f32 v40, $1.000000000e+01;
	v17 =	vadd.s32 v52, v17  }
0x1cf: {  	v15 =	vmin.u32 v15, $0xC;
	v19 =	vadd.s32 v24, v19;
	v18 =	vadd.s32 v30, v18  }
0x1d0: {  	v32 =	vsel vm12, $0x1, v1;
	v35 =	vsel vm15, $0x1, v1;
	v37 =	vsel vm5, $0x1, v1  }
0x1d1: {  	v16 =	vmul.f32 v16, v0;
	v44 =	vsel vm9, $0x1, v1;
	vm12 =	veq.f32 v40, $2.000000000e+00  }
0x1d2: {  	v47 =	vsel vm11, $0x1, v1;
	vm15 =	vge.f32 v40, $3.000000000e+00;
	vm9 =	vge.f32 v40, $1.000000000e+01  }
0x1d3: {  	vm11 =	vge.f32 v12, $7.070394290e+02;
	v17 =	vadd.s32 v56, v17;
	v28 =	vcvt.s32.f32 v15  }
0x1d4: {  	v19 =	vadd.s32 v27, v19;
	v18 =	vadd.s32 v33, v18;
	v48 =	vsel vm12, $0x2, v1  }
0x1d5: {  	vm0 =	vmand vm15, vm8;
	vm12 =	vge.f32 v8, $7.070394290e+02;
	v52 =	vsel vm9, $0x4, v1  }
0x1d6: {  	v53 =	vsel vm11, $0x1, v1;
	vm15 =	vge.f32 v8, $1.130443850e+03;
	v61 =	vshll.u32 v15, $0xA  }
0x1d7: {  	[tilespmem:s9+$0x1F100] =	vst v13;
	v17 =	vadd.s32 v59, v17;
	v19 =	vadd.s32 v31, v19;
	v18 =	vadd.s32 v36, v18  }
0x1d8: {  	[tilespmem:s9+$0x1F200] =	vst v7;
	v3 =	vmax.f32 v16, $0.0e+00;
	v49 =	vor.u32 v47, v48;
	v54 =	vsel vm12, $0x1, v1  }
0x1d9: {  	[tilespmem:s9+$0x1F280] =	vst v9;
	v59 =	vsel vm0, $0x3, v1;
	v60 =	vsel vm15, $0x1, v1;
	v17 =	vadd.s32 v62, v17  }
0x1da: {  	[tilespmem:s9+$0x1F180] =	vst v6;
	v21 =	vmul.f32 $1.000000000e+02, v28;
	v19 =	vadd.s32 v34, v19;
	v18 =	vadd.s32 v42, v18  }
0x1db: {  	[tilespmem:s9+$0x1F080] =	vst v5;
	v3 =	vmin.f32 v3, $1.000000000e+00;
	v56 =	vor.u32 v52, v49;
	v17 =	vadd.s32 v25, v17  }
0x1dc: {  	v38 =	vadd.s32 v37, v19;
	v18 =	vadd.s32 v45, v18;
	[tilespmem:s10+$0x1F380] =	vst v3;
	v3 =	vsel vm14, $0x1, v1  }
0x1dd: {  	v63 =	vadd.s32 v59, v56;
	v17 =	vadd.s32 v29, v17;
	v41 =	vadd.f32 $1.200000000e+03, v21  }
0x1de: {  	v10 =	vadd.s32 v43, v38;
	v2 =	vadd.s32 v2, v18;
	v17 =	vadd.s32 v32, v17  }
0x1df: {  	v10 =	vadd.s32 v46, v10;
	v2 =	vadd.s32 v58, v2;
	v17 =	vadd.s32 v35, v17  }
0x1e0: {  	v14 =	vsub.f32 v14, v41;
	v7 =	vadd.s32 v53, v10;
	v2 =	vshll.u32 v2, $0xA  }
0x1e1: {  	[tilespmem:s10+$0x1F000] =	vst v4;
	v17 =	vadd.s32 v39, v17;
	v3 =	vadd.s32 v3, v7;
	v2 =	vadd.s32 $0x7C00, v2  }
0x1e2: {  	[tilespmem:s10+$0x1EF80] =	vst v61;
	v17 =	vadd.s32 v44, v17;
	v55 =	vmul.f32 v14, v0;
	v3 =	vshll.u32 v3, $0xA  }
0x1e3: {  	[tilespmem:s10+$0x1F100] =	vst v2;
	v2 =	vshll.u32 v63, $0xA;
	v17 =	vadd.s32 v50, v17;
	v3 =	vadd.s32 $0xD000, v3  }
0x1e4: {  	v2 =	vadd.s32 $0xBC00, v2;
	v57 =	vadd.s32 v54, v17;
	v9 =	vmax.f32 v55, $0.0e+00;
	[tilespmem:s10+$0x1F200] =	vst v3  }
0x1e5: {  	v3 =	vshll.u32 v51, $0xA;
	[tilespmem:s10+$0x1F180] =	vst v2;
	v9 =	vmin.f32 v9, $1.000000000e+00;
	v62 =	vadd.s32 v60, v57  }
0x1e6: {  	v3 =	vadd.s32 $0x7000, v3;
	[tilespmem:s10+$0x1F300] =	vst v9;
	v4 =	vshll.u32 v62, $0xA  }
0x1e7: {  	[tilespmem:s10+$0x1F080] =	vst v3;
	v4 =	vadd.s32 $0x11000, v4  }
0x1e8: {  	[tilespmem:s10+$0x1F280] =	vst v4  }
.LBB2_29:
0x1e9: {  	p0 =	seq.s32 s8, $0x0  }
0x1ea: {  	s10 =	simm.s32 @!p0 $0x1  }
0x1eb: {  	_ =	swait.ge @!p0 [sflag:s10], $0x800  }
0x1ec: {  	[sflag:s10] =	ssyncset.done @!p0 $0x0  }
0x1ed: {  	[sflag:s10] =	ssyncadd.s32 @!p0 $0xFFFFF800  }
0x1ee: {  	_ =	swait.ge @!p0 [sflag:s10], $0x800  }
0x1ef: {  	[sflag:s10] =	ssyncset.done @!p0 $0x0  }
0x1f0: {  	[sflag:s10] =	ssyncadd.s32 @!p0 $0xFFFFF800  }
0x1f1: {  	_ =	swait.ge @!p0 [sflag:s10], $0x800  }
0x1f2: {  	[sflag:s10] =	ssyncset.done @!p0 $0x0  }
0x1f3: {  	[sflag:s10] =	ssyncadd.s32 @!p0 $0xFFFFF800  }
0x1f4: {  	_ =	swait.ge @!p0 [sflag:s10], $0x800  }
0x1f5: {  	[sflag:s10] =	ssyncset.done @!p0 $0x0  }
0x1f6: {  	[sflag:s10] =	ssyncadd.s32 @!p0 $0xFFFFF800  }
0x1f7: {  	_ =	swait.ge @!p0 [sflag:s10], $0x800  }
0x1f8: {  	[sflag:s10] =	ssyncset.done @!p0 $0x0  }
0x1f9: {  	[sflag:s10] =	ssyncadd.s32 @!p0 $0xFFFFF800  }
0x1fa: {  	s9 =	sshll.u32 s8, $0x2;
	_ =	swait.ge @!p0 [sflag:s10], $0x800  }
0x1fb: {  	v3 =	vmov s9;
	[sflag:s10] =	ssyncset.done @!p0 $0x0  }
0x1fc: {  	[sflag:s10] =	ssyncadd.s32 @!p0 $0xFFFFF800  }
0x1fd: {  	v7 =	vor.u32 $0x80, v3;
	_ =	swait.ge @!p0 [sflag:s10], $0x800  }
0x1fe: {  	v2 =	vor.u32 $0x100, v3;
	[sflag:s10] =	ssyncset.done @!p0 $0x0  }
0x1ff: {  	v4 =	vor.u32 $0x180, v3;
	[sflag:s10] =	ssyncadd.s32 @!p0 $0xFFFFF800  }
0x200: {  	v5 =	vor.u32 $0x200, v3;
	v6 =	vld.idx.msk [tilespmem:v3+s31+$0x0], $0xffff  }
0x201: {  	v9 =	vor.u32 $0x280, v3  }
0x202: {  	v8 =	vld.idx.msk [tilespmem:v7+s31+$0x0], $0xffff  }
0x203: {  	v13 =	vor.u32 $0x300, v3;
	v11 =	vld.idx.msk [tilespmem:v2+s31+$0x0], $0xffff  }
0x204: {  	v21 =	vlaneseq.u32;
	v12 =	vld.idx.msk [tilespmem:v4+s31+$0x0], $0xffff  }
0x205: {  	v22 =	vadd.s32 $0x70, v21;
	v10 =	vld.idx.msk [tilespmem:v5+s31+$0x0], $0xffff;
	v18 =	vadd.s32 v6, v21  }
0x206: {  	v14 =	vadd.s32 $0x60, v21;
	v4 =	vld.idx.msk [tilespmem:v9+s31+$0x0], $0xffff;
	v19 =	vadd.s32 v6, v22  }
0x207: {  	v16 =	vld.idx.msk [tilespmem:v3+s0+$0x0], $0xffff;
	v3 =	vadd.s32 $0x20, v21;
	v23 =	vadd.s32 v6, v14  }
0x208: {  	v2 =	vld.idx.msk [tilespmem:v13+s31+$0x0], $0xffff;
	v5 =	vadd.s32 $0x50, v21;
	v25 =	vadd.s32 v6, v3  }
0x209: {  	v17 =	vld.idx.msk [tilespmem:v7+s0+$0x0], $0xffff;
	v15 =	vadd.s32 $0x400, v6;
	v37 =	vadd.s32 v6, v5  }
0x20a: {  	v9 =	vadd.s32 v15, v22;
	v24 =	vld.idx.msk [tilespmem:v18+s3+$0x0], $0xffff  }
0x20b: {  	v7 =	vadd.s32 $0x40, v21;
	v20 =	vadd.s32 v15, v5;
	v28 =	vld.idx.msk [tilespmem:v19+s3+$0x0], $0xffff  }
0x20c: {  	v27 =	vadd.s32 v15, v7;
	v23 =	vld.idx.msk [tilespmem:v23+s3+$0x0], $0xffff  }
0x20d: {  	v13 =	vadd.s32 $0x30, v21;
	v18 =	vadd.s32 v15, v3;
	v25 =	vld.idx.msk [tilespmem:v25+s3+$0x0], $0xffff  }
0x20e: {  	v30 =	vadd.s32 v15, v13;
	v37 =	vld.idx.msk [tilespmem:v37+s3+$0x0], $0xffff  }
0x20f: {  	v32 =	vadd.s32 v15, v14;
	v26 =	vld.idx.msk [tilespmem:v9+s3+$0x0], $0xffff  }
0x210: {  	v19 =	vadd.s32 v6, v13;
	v20 =	vld.idx.msk [tilespmem:v20+s3+$0x0], $0xffff;
	v9 =	vadd.s32 $0x10, v21  }
0x211: {  	v27 =	vld.idx.msk [tilespmem:v27+s3+$0x0], $0xffff;
	v33 =	vadd.s32 v6, v9  }
0x212: {  	v36 =	vadd.s32 v15, v9;
	v31 =	vld.idx.msk [tilespmem:v18+s3+$0x0], $0xffff  }
0x213: {  	v29 =	vadd.s32 v15, v21;
	v30 =	vld.idx.msk [tilespmem:v30+s3+$0x0], $0xffff;
	v18 =	vsub.f32 $1.000000000e+00, v16  }
0x214: {  	v34 =	vadd.s32 v6, v7;
	v39 =	vadd.s32 v8, v3;
	v41 =	vadd.s32 v8, v22;
	v32 =	vld.idx.msk [tilespmem:v32+s3+$0x0], $0xffff  }
0x215: {  	v59 =	vadd.s32 v8, v14;
	v35 =	vld.idx.msk [tilespmem:v19+s3+$0x0], $0xffff;
	v26 =	vmul.f32 v26, v16;
	v28 =	vmul.f32 v28, v18  }
0x216: {  	v60 =	vadd.s32 v8, v7;
	v19 =	vadd.s32 $0x400, v8;
	v25 =	vmul.f32 v25, v18;
	v33 =	vld.idx.msk [tilespmem:v33+s3+$0x0], $0xffff  }
0x217: {  	v36 =	vld.idx.msk [tilespmem:v36+s3+$0x0], $0xffff;
	v26 =	vadd.f32 v26, v28;
	v28 =	vadd.s32 v19, v22;
	v31 =	vmul.f32 v31, v16  }
0x218: {  	v29 =	vld.idx.msk [tilespmem:v29+s3+$0x0], $0xffff;
	v38 =	vadd.s32 v8, v9;
	v40 =	vmul.f32 v20, v16;
	v20 =	vadd.s32 v8, v13  }
0x219: {  	s11 =	simm.s32 $0x17000;
	v27 =	vmul.f32 v27, v16;
	v58 =	vadd.s32 v19, v3;
	v25 =	vadd.f32 v31, v25;
	v31 =	vld.idx.msk [tilespmem:v34+s3+$0x0], $0xffff  }
0x21a: {  	v42 =	vadd.s32 v19, v14;
	v23 =	vmul.f32 v23, v18;
	[tilespmem:s11+$0xFFFFE070] =	vst v26;
	v26 =	vmul.f32 v32, v16  }
0x21b: {  	v35 =	vmul.f32 v35, v18;
	v61 =	vld.idx.msk [tilespmem:v41+s3+$0x0], $0xffff;
	[tilespmem:s11+$0xFFFFE020] =	vst v25;
	v25 =	vmul.f32 v30, v16  }
0x21c: {  	v63 =	vmul.f32 v33, v18;
	v36 =	vmul.f32 v36, v16;
	v23 =	vadd.f32 v26, v23;
	v28 =	vld.idx.msk [tilespmem:v28+s3+$0x0], $0xffff  }
0x21d: {  	v29 =	vmul.f32 v29, v16;
	v24 =	vmul.f32 v24, v18;
	v30 =	vld.idx.msk [tilespmem:v39+s3+$0x0], $0xffff;
	v25 =	vadd.f32 v25, v35  }
0x21e: {  	v32 =	vadd.f32 v36, v63;
	v34 =	vld.idx.msk [tilespmem:v58+s3+$0x0], $0xffff;
	[tilespmem:s11+$0xFFFFE060] =	vst v23;
	v26 =	vmul.f32 v31, v18  }
0x21f: {  	v24 =	vadd.f32 v29, v24;
	v29 =	vld.idx.msk [tilespmem:v59+s3+$0x0], $0xffff;
	[tilespmem:s11+$0xFFFFE030] =	vst v25;
	v25 =	vadd.s32 v19, v7  }
0x220: {  	v43 =	vld.idx.msk [tilespmem:v42+s3+$0x0], $0xffff;
	[tilespmem:s11+$0xFFFFE010] =	vst v32;
	v31 =	vadd.s32 v8, v21;
	v26 =	vadd.f32 v27, v26  }
0x221: {  	v23 =	vmul.f32 v37, v18;
	v32 =	vld.idx.msk [tilespmem:v38+s3+$0x0], $0xffff;
	v27 =	vadd.s32 v19, v21  }
0x222: {  	v45 =	vadd.s32 v19, v13;
	v62 =	vld.idx.msk [tilespmem:v20+s3+$0x0], $0xffff;
	[tilespmem:s11+$0xFFFFE040] =	vst v26  }
0x223: {  	v44 =	vadd.s32 v8, v5;
	[tilespmem:s11+$0xFFFFE000] =	vst v24;
	v23 =	vadd.f32 v40, v23;
	v20 =	vsub.f32 $1.000000000e+00, v17;
	v24 =	vld.idx.msk [tilespmem:v60+s3+$0x0], $0xffff  }
0x224: {  	v46 =	vadd.s32 v19, v9;
	v26 =	vadd.s32 v19, v5;
	v25 =	vld.idx.msk [tilespmem:v25+s3+$0x0], $0xffff  }
0x225: {  	[tilespmem:s11+$0xFFFFE050] =	vst v23;
	v23 =	vmul.f32 v28, v17;
	v35 =	vmul.f32 v61, v20;
	v31 =	vld.idx.msk [tilespmem:v31+s3+$0x0], $0xffff  }
0x226: {  	v28 =	vadd.s32 v11, v22;
	v34 =	vmul.f32 v34, v17;
	v30 =	vmul.f32 v30, v20;
	v27 =	vld.idx.msk [tilespmem:v27+s3+$0x0], $0xffff  }
0x227: {  	v47 =	vadd.s32 v11, v3;
	v49 =	vadd.s32 v11, v14;
	v36 =	vld.idx.msk [tilespmem:v45+s3+$0x0], $0xffff;
	v23 =	vadd.f32 v23, v35  }
0x228: {  	v48 =	vld.idx.msk [tilespmem:v44+s3+$0x0], $0xffff;
	v29 =	vmul.f32 v29, v20;
	v33 =	vmul.f32 v43, v17;
	v30 =	vadd.f32 v34, v30  }
0x229: {  	[tilespmem:s11+$0xFFFFE170] =	vst v23;
	v26 =	vld.idx.msk [tilespmem:v26+s3+$0x0], $0xffff;
	v24 =	vmul.f32 v24, v20;
	v25 =	vmul.f32 v25, v17  }
0x22a: {  	v50 =	vadd.s32 v11, v21;
	v29 =	vadd.f32 v33, v29;
	v34 =	vld.idx.msk [tilespmem:v46+s3+$0x0], $0xffff;
	[tilespmem:s11+$0xFFFFE120] =	vst v30  }
0x22b: {  	v31 =	vmul.f32 v31, v20;
	v23 =	vmul.f32 v27, v17;
	v24 =	vadd.f32 v25, v24;
	v25 =	vld.idx.msk [tilespmem:v28+s3+$0x0], $0xffff  }
0x22c: {  	v51 =	vadd.s32 v11, v5;
	v52 =	vadd.s32 v11, v13;
	v27 =	vadd.s32 v11, v7;
	v28 =	vld.idx.msk [tilespmem:v47+s3+$0x0], $0xffff  }
0x22d: {  	[tilespmem:s11+$0xFFFFE160] =	vst v29;
	v29 =	vadd.s32 v12, v22;
	v30 =	vmul.f32 v62, v20;
	v23 =	vadd.f32 v23, v31  }
0x22e: {  	v54 =	vadd.s32 v11, v9;
	[tilespmem:s11+$0xFFFFE140] =	vst v24;
	v24 =	vmul.f32 v26, v17;
	v26 =	vmul.f32 v48, v20  }
0x22f: {  	v53 =	vmul.f32 v34, v17;
	v31 =	vld.idx.msk [tilespmem:v49+s3+$0x0], $0xffff;
	[tilespmem:s11+$0xFFFFE100] =	vst v23;
	v23 =	vmul.f32 v36, v17  }
0x230: {  	v33 =	vld.idx.msk [tilespmem:v50+s3+$0x0], $0xffff;
	v24 =	vadd.f32 v24, v26;
	v26 =	vmul.f32 v32, v20;
	[tilespmem:s11+$0xFFFFE270] =	vst v25  }
0x231: {  	v25 =	vld.idx.msk [tilespmem:v27+s3+$0x0], $0xffff;
	v23 =	vadd.f32 v23, v30;
	v27 =	vadd.s32 v12, v21;
	[tilespmem:s11+$0xFFFFE220] =	vst v28  }
0x232: {  	v28 =	vadd.s32 v12, v7;
	[tilespmem:s11+$0xFFFFE150] =	vst v24;
	v24 =	vadd.f32 v53, v26;
	v26 =	vld.idx.msk [tilespmem:v29+s3+$0x0], $0xffff  }
0x233: {  	v29 =	vld.idx.msk [tilespmem:v51+s3+$0x0], $0xffff;
	[tilespmem:s11+$0xFFFFE130] =	vst v23;
	v23 =	vadd.s32 v12, v14  }
0x234: {  	v56 =	vadd.s32 v10, v22;
	[tilespmem:s11+$0xFFFFE110] =	vst v24;
	v24 =	vld.idx.msk [tilespmem:v52+s3+$0x0], $0xffff  }
0x235: {  	v30 =	vadd.s32 v12, v5;
	[tilespmem:s11+$0xFFFFE200] =	vst v33;
	v55 =	vld.idx.msk [tilespmem:v54+s3+$0x0], $0xffff  }
0x236: {  	v57 =	vadd.s32 v12, v13;
	v27 =	vld.idx.msk [tilespmem:v27+s3+$0x0], $0xffff;
	[tilespmem:s11+$0xFFFFE240] =	vst v25  }
0x237: {  	[tilespmem:s11+$0xFFFFE260] =	vst v31;
	v25 =	vadd.s32 v12, v9;
	v28 =	vld.idx.msk [tilespmem:v28+s3+$0x0], $0xffff  }
0x238: {  	v31 =	vadd.s32 v10, v21;
	[tilespmem:s11+$0xFFFFE370] =	vst v26;
	v23 =	vld.idx.msk [tilespmem:v23+s3+$0x0], $0xffff  }
0x239: {  	v58 =	vadd.s32 v10, v7;
	[tilespmem:s11+$0xFFFFE250] =	vst v29;
	v59 =	vld.idx.msk [tilespmem:v56+s3+$0x0], $0xffff  }
0x23a: {  	v30 =	vld.idx.msk [tilespmem:v30+s3+$0x0], $0xffff;
	[tilespmem:s11+$0xFFFFE230] =	vst v24;
	v24 =	vadd.s32 v10, v14  }
0x23b: {  	v61 =	vadd.s32 v10, v5;
	[tilespmem:s11+$0xFFFFE210] =	vst v55;
	v60 =	vld.idx.msk [tilespmem:v57+s3+$0x0], $0xffff  }
0x23c: {  	[tilespmem:s11+$0xFFFFE300] =	vst v27;
	v62 =	vld.idx.msk [tilespmem:v25+s3+$0x0], $0xffff;
	v25 =	vadd.s32 v12, v3  }
0x23d: {  	v63 =	vadd.s32 v10, v13;
	v29 =	vld.idx.msk [tilespmem:v31+s3+$0x0], $0xffff;
	[tilespmem:s11+$0xFFFFE340] =	vst v28  }
0x23e: {  	v34 =	vadd.s32 v4, v22;
	v26 =	vld.idx.msk [tilespmem:v58+s3+$0x0], $0xffff;
	[tilespmem:s11+$0xFFFFE360] =	vst v23  }
0x23f: {  	v33 =	vadd.s32 v4, v21;
	[tilespmem:s11+$0xFFFFE350] =	vst v30;
	v23 =	vld.idx.msk [tilespmem:v24+s3+$0x0], $0xffff  }
0x240: {  	v31 =	vadd.s32 v4, v7;
	[tilespmem:s11+$0x70] =	vst v59;
	v27 =	vld.idx.msk [tilespmem:v61+s3+$0x0], $0xffff  }
0x241: {  	v35 =	vadd.s32 v4, v5;
	v28 =	vadd.s32 v10, v3;
	[tilespmem:s11+$0xFFFFE330] =	vst v60;
	v30 =	vld.idx.msk [tilespmem:v25+s3+$0x0], $0xffff  }
0x242: {  	s12 =	simm.s32 $0x0;
	s13 =	simm.s32 $0x17000;
	s10 =	sadd.s32 s5, s9;
	v24 =	vadd.s32 v2, v21;
	v21 =	vadd.s32 $0x80, v21;
	v25 =	vadd.s32 v2, v22;
	[tilespmem:s11+$0xFFFFE310] =	vst v62;
	v32 =	vld.idx.msk [tilespmem:v63+s3+$0x0], $0xffff  }
.LBB2_30:
0x243: {  	v36 =	vadd.s32 v6, v21;
	v37 =	vadd.s32 $0x40, v21;
	v22 =	vadd.s32 $0x70, v21;
	s12 =	sadd.s32 $0x8, s12;
	[tilespmem:s11+$0x0] =	vst v29;
	v29 =	vld.idx.msk [tilespmem:v34+s3+$0x0], $0xffff;
	s13 =	sadd.s32 $0x400, s13  }
0x244: {  	v34 =	vadd.s32 $0x10, v21;
	v39 =	vadd.s32 $0x50, v21;
	v38 =	vadd.s32 v15, v37;
	p1 =	slt.u32 s12, $0x38;
	v33 =	vld.idx.msk [tilespmem:v33+s3+$0x0], $0xffff;
	[tilespmem:s11+$0x40] =	vst v26  }
0x245: {  	v26 =	vadd.s32 v6, v34;
	v40 =	vadd.s32 v15, v39;
	v41 =	vadd.s32 v6, v22;
	v31 =	vld.idx.msk [tilespmem:v31+s3+$0x0], $0xffff  }
0x246: {  	v43 =	vadd.s32 $0x20, v21;
	v42 =	vadd.s32 v15, v34;
	v44 =	vadd.s32 v15, v22;
	[tilespmem:s11+$0x50] =	vst v27  }
0x247: {  	v27 =	vadd.s32 v6, v43;
	[tilespmem:s11+$0xFFFFE320] =	vst v30;
	v30 =	vadd.s32 v4, v13;
	v35 =	vld.idx.msk [tilespmem:v35+s3+$0x0], $0xffff  }
0x248: {  	v46 =	vadd.s32 $0x30, v21;
	v45 =	vadd.s32 v15, v43;
	v36 =	vld.idx.msk [tilespmem:v36+s3+$0x0], $0xffff;
	[tilespmem:s11+$0x30] =	vst v32  }
0x249: {  	v47 =	vadd.s32 v2, v5;
	v5 =	vmov v39;
	v32 =	vadd.s32 v6, v46;
	v28 =	vld.idx.msk [tilespmem:v28+s3+$0x0], $0xffff;
	[tilespmem:s11+$0x170] =	vst v29  }
0x24a: {  	v29 =	vadd.s32 v15, v46;
	[tilespmem:s11+$0x100] =	vst v33;
	v33 =	vadd.s32 v2, v7;
	v25 =	vld.idx.msk [tilespmem:v25+s3+$0x0], $0xffff;
	v7 =	vmov v37  }
0x24b: {  	v39 =	vadd.s32 v4, v3;
	v37 =	vadd.s32 v6, v7;
	v24 =	vld.idx.msk [tilespmem:v24+s3+$0x0], $0xffff;
	[tilespmem:s11+$0x140] =	vst v31  }
0x24c: {  	v30 =	vld.idx.msk [tilespmem:v30+s3+$0x0], $0xffff  }
0x24d: {  	v31 =	vadd.s32 $0x60, v21;
	v44 =	vld.idx.msk [tilespmem:v44+s3+$0x0], $0xffff;
	[tilespmem:s11+$0x150] =	vst v35  }
0x24e: {  	v35 =	vadd.s32 v6, v31;
	v47 =	vld.idx.msk [tilespmem:v47+s3+$0x0], $0xffff  }
0x24f: {  	v48 =	vadd.s32 v6, v5;
	[tilespmem:s11+$0x20] =	vst v28;
	v28 =	vld.idx.msk [tilespmem:v33+s3+$0x0], $0xffff  }
0x250: {  	v33 =	vadd.s32 v15, v31;
	v39 =	vld.idx.msk [tilespmem:v39+s3+$0x0], $0xffff;
	[tilespmem:s11+$0x60] =	vst v23  }
0x251: {  	v49 =	vadd.s32 v15, v21;
	v41 =	vld.idx.msk [tilespmem:v41+s3+$0x0], $0xffff;
	[tilespmem:s11+$0x200] =	vst v24  }
0x252: {  	v24 =	vld.idx.msk [tilespmem:v40+s3+$0x0], $0xffff;
	[tilespmem:s11+$0x130] =	vst v30  }
0x253: {  	v23 =	vadd.s32 v8, v34;
	v30 =	vld.idx.msk [tilespmem:v35+s3+$0x0], $0xffff;
	v35 =	vadd.s32 v10, v9;
	[tilespmem:s11+$0x270] =	vst v25  }
0x254: {  	v25 =	vadd.s32 v8, v43;
	v38 =	vld.idx.msk [tilespmem:v38+s3+$0x0], $0xffff;
	[tilespmem:s11+$0x250] =	vst v47  }
0x255: {  	v40 =	vld.idx.msk [tilespmem:v45+s3+$0x0], $0xffff;
	[tilespmem:s11+$0x240] =	vst v28  }
0x256: {  	v28 =	vld.idx.msk [tilespmem:v32+s3+$0x0], $0xffff;
	v32 =	vadd.s32 v8, v46;
	[tilespmem:s11+$0x120] =	vst v39  }
0x257: {  	v39 =	vld.idx.msk [tilespmem:v49+s3+$0x0], $0xffff  }
0x258: {  	v35 =	vld.idx.msk [tilespmem:v35+s3+$0x0], $0xffff  }
0x259: {  	v27 =	vld.idx.msk [tilespmem:v27+s3+$0x0], $0xffff  }
0x25a: {  	v45 =	vadd.s32 v4, v9;
	v24 =	vmul.f32 v24, v16;
	v29 =	vld.idx.msk [tilespmem:v29+s3+$0x0], $0xffff  }
0x25b: {  	v47 =	vadd.s32 v4, v14;
	v26 =	vld.idx.msk [tilespmem:v26+s3+$0x0], $0xffff  }
0x25c: {  	v50 =	vadd.s32 v2, v3;
	v3 =	vmovc v43;
	v49 =	vadd.s32 v2, v9;
	v9 =	vmov v34;
	v48 =	vld.idx.msk [tilespmem:v48+s3+$0x0], $0xffff  }
0x25d: {  	v43 =	vadd.s32 v2, v13;
	v34 =	vmul.f32 v40, v16;
	v40 =	vmul.f32 v44, v16;
	v33 =	vld.idx.msk [tilespmem:v33+s3+$0x0], $0xffff  }
0x25e: {  	v13 =	vmov v46;
	v38 =	vmul.f32 v38, v16;
	v42 =	vld.idx.msk [tilespmem:v42+s3+$0x0], $0xffff;
	[tilespmem:s11+$0x10] =	vst v35;
	v35 =	vadd.s32 v2, v14  }
0x25f: {  	v44 =	vadd.s32 v8, v21;
	v14 =	vmul.f32 v27, v18;
	v27 =	vmul.f32 v41, v18;
	v41 =	vld.idx.msk [tilespmem:v45+s3+$0x0], $0xffff  }
0x260: {  	v46 =	vadd.s32 v8, v22;
	v30 =	vmul.f32 v30, v18;
	v45 =	vadd.s32 v8, v7;
	v47 =	vld.idx.msk [tilespmem:v47+s3+$0x0], $0xffff  }
0x261: {  	v28 =	vmul.f32 v28, v18;
	v52 =	vadd.f32 v34, v14;
	v27 =	vadd.f32 v40, v27;
	v34 =	vld.idx.msk [tilespmem:v37+s3+$0x0], $0xffff  }
0x262: {  	v36 =	vmul.f32 v36, v18;
	v40 =	vadd.s32 v19, v22;
	v37 =	vadd.s32 v19, v3;
	v43 =	vld.idx.msk [tilespmem:v43+s3+$0x0], $0xffff  }
0x263: {  	v51 =	vadd.s32 v19, v31;
	v29 =	vmul.f32 v29, v16;
	v14 =	vmov v31;
	[tilespmem:s13+$0xFFFFE020] =	vst v52;
	v50 =	vld.idx.msk [tilespmem:v50+s3+$0x0], $0xffff  }
0x264: {  	v26 =	vmul.f32 v26, v18;
	v31 =	vmul.f32 v48, v18;
	v25 =	vld.idx.msk [tilespmem:v25+s3+$0x0], $0xffff;
	[tilespmem:s13+$0xFFFFE070] =	vst v27  }
0x265: {  	v27 =	vadd.f32 v29, v28;
	v28 =	vmul.f32 v33, v16;
	v29 =	vld.idx.msk [tilespmem:v46+s3+$0x0], $0xffff;
	[tilespmem:s11+$0x110] =	vst v41  }
0x266: {  	v24 =	vadd.f32 v24, v31;
	v31 =	vadd.s32 v8, v14;
	v33 =	vld.idx.msk [tilespmem:v49+s3+$0x0], $0xffff;
	[tilespmem:s11+$0x160] =	vst v47  }
0x267: {  	v39 =	vmul.f32 v39, v16;
	v37 =	vld.idx.msk [tilespmem:v37+s3+$0x0], $0xffff;
	[tilespmem:s13+$0xFFFFE030] =	vst v27;
	v27 =	vadd.f32 v28, v30  }
0x268: {  	v28 =	vmul.f32 v42, v16;
	v30 =	vmul.f32 v34, v18;
	[tilespmem:s11+$0x230] =	vst v43;
	v34 =	vld.idx.msk [tilespmem:v35+s3+$0x0], $0xffff  }
0x269: {  	v35 =	vadd.f32 v39, v36;
	v36 =	vadd.s32 v19, v7;
	v39 =	vld.idx.msk [tilespmem:v40+s3+$0x0], $0xffff;
	[tilespmem:s11+$0x220] =	vst v50  }
0x26a: {  	v26 =	vadd.f32 v28, v26;
	v30 =	vadd.f32 v38, v30;
	v28 =	vld.idx.msk [tilespmem:v32+s3+$0x0], $0xffff;
	[tilespmem:s13+$0xFFFFE060] =	vst v27  }
0x26b: {  	v27 =	vadd.s32 v19, v21;
	[tilespmem:s13+$0xFFFFE000] =	vst v35;
	v31 =	vld.idx.msk [tilespmem:v31+s3+$0x0], $0xffff  }
0x26c: {  	[tilespmem:s13+$0xFFFFE040] =	vst v30;
	v30 =	vadd.s32 v19, v5;
	v32 =	vld.idx.msk [tilespmem:v51+s3+$0x0], $0xffff  }
0x26d: {  	v25 =	vmul.f32 v25, v20;
	v35 =	vmul.f32 v37, v17;
	v37 =	vld.idx.msk [tilespmem:v45+s3+$0x0], $0xffff;
	[tilespmem:s11+$0x210] =	vst v33  }
0x26e: {  	v29 =	vmul.f32 v29, v20;
	v33 =	vld.idx.msk [tilespmem:v36+s3+$0x0], $0xffff;
	v36 =	vadd.s32 v8, v5;
	[tilespmem:s11+$0x260] =	vst v34;
	s11 =	smov.u32 s13  }
0x26f: {  	v25 =	vadd.f32 v35, v25;
	v35 =	vadd.s32 v19, v13;
	v38 =	vmul.f32 v39, v17;
	v34 =	vld.idx.msk [tilespmem:v44+s3+$0x0], $0xffff  }
0x270: {  	v40 =	vadd.s32 v11, v7;
	v39 =	vadd.s32 v19, v9;
	v27 =	vld.idx.msk [tilespmem:v27+s3+$0x0], $0xffff;
	[tilespmem:s13+$0xFFFFE050] =	vst v24  }
0x271: {  	[tilespmem:s13+$0xFFFFE010] =	vst v26;
	v24 =	vld.idx.msk [tilespmem:v30+s3+$0x0], $0xffff;
	v26 =	vadd.f32 v38, v29;
	v29 =	vadd.s32 v11, v22  }
0x272: {  	v31 =	vmul.f32 v31, v20;
	v30 =	vadd.s32 v11, v3;
	v32 =	vmul.f32 v32, v17;
	v23 =	vld.idx.msk [tilespmem:v23+s3+$0x0], $0xffff  }
0x273: {  	[tilespmem:s13+$0xFFFFE120] =	vst v25;
	v25 =	vmul.f32 v37, v20;
	v36 =	vld.idx.msk [tilespmem:v36+s3+$0x0], $0xffff;
	v37 =	vadd.s32 v11, v14  }
0x274: {  	v28 =	vmul.f32 v28, v20;
	v33 =	vmul.f32 v33, v17;
	v31 =	vadd.f32 v32, v31;
	v35 =	vld.idx.msk [tilespmem:v35+s3+$0x0], $0xffff  }
0x275: {  	v32 =	vmul.f32 v34, v20;
	v34 =	vadd.s32 v11, v21;
	v38 =	vld.idx.msk [tilespmem:v39+s3+$0x0], $0xffff;
	[tilespmem:s13+$0xFFFFE170] =	vst v26  }
0x276: {  	v26 =	vmul.f32 v27, v17;
	v25 =	vadd.f32 v33, v25;
	[tilespmem:s13+$0xFFFFE160] =	vst v31;
	v27 =	vld.idx.msk [tilespmem:v29+s3+$0x0], $0xffff  }
0x277: {  	v29 =	vld.idx.msk [tilespmem:v30+s3+$0x0], $0xffff;
	v30 =	vadd.s32 v12, v22  }
0x278: {  	v24 =	vmul.f32 v24, v17;
	v26 =	vadd.f32 v26, v32;
	[tilespmem:s13+$0xFFFFE140] =	vst v25;
	v25 =	vld.idx.msk [tilespmem:v37+s3+$0x0], $0xffff  }
0x279: {  	v33 =	vadd.s32 v11, v5;
	v32 =	vmul.f32 v36, v20;
	v31 =	vld.idx.msk [tilespmem:v40+s3+$0x0], $0xffff  }
0x27a: {  	[tilespmem:s13+$0xFFFFE100] =	vst v26;
	v26 =	vmul.f32 v35, v17;
	v35 =	vadd.s32 v11, v13  }
0x27b: {  	v23 =	vmul.f32 v23, v20;
	v36 =	vmul.f32 v38, v17;
	v24 =	vadd.f32 v24, v32;
	v34 =	vld.idx.msk [tilespmem:v34+s3+$0x0], $0xffff  }
0x27c: {  	v32 =	vadd.s32 v11, v9;
	v26 =	vadd.f32 v26, v28;
	[tilespmem:s13+$0xFFFFE270] =	vst v27  }
0x27d: {  	v27 =	vadd.s32 v12, v21;
	v23 =	vadd.f32 v36, v23;
	[tilespmem:s13+$0xFFFFE150] =	vst v24;
	v24 =	vld.idx.msk [tilespmem:v30+s3+$0x0], $0xffff  }
0x27e: {  	v28 =	vadd.s32 v12, v7;
	[tilespmem:s13+$0xFFFFE220] =	vst v29;
	v29 =	vld.idx.msk [tilespmem:v33+s3+$0x0], $0xffff  }
0x27f: {  	[tilespmem:s13+$0xFFFFE130] =	vst v26;
	v26 =	vadd.s32 v12, v14  }
0x280: {  	v30 =	vadd.s32 v12, v5;
	[tilespmem:s13+$0xFFFFE110] =	vst v23;
	v23 =	vld.idx.msk [tilespmem:v35+s3+$0x0], $0xffff  }
0x281: {  	v33 =	vadd.s32 v10, v22;
	[tilespmem:s13+$0xFFFFE200] =	vst v34;
	v32 =	vld.idx.msk [tilespmem:v32+s3+$0x0], $0xffff  }
0x282: {  	v34 =	vadd.s32 v12, v13;
	v27 =	vld.idx.msk [tilespmem:v27+s3+$0x0], $0xffff;
	[tilespmem:s13+$0xFFFFE240] =	vst v31  }
0x283: {  	v31 =	vadd.s32 v12, v9;
	v28 =	vld.idx.msk [tilespmem:v28+s3+$0x0], $0xffff;
	[tilespmem:s13+$0xFFFFE260] =	vst v25  }
0x284: {  	v25 =	vadd.s32 v10, v21;
	[tilespmem:s13+$0xFFFFE250] =	vst v29;
	v35 =	vld.idx.msk [tilespmem:v26+s3+$0x0], $0xffff  }
0x285: {  	v26 =	vadd.s32 v10, v7;
	v30 =	vld.idx.msk [tilespmem:v30+s3+$0x0], $0xffff;
	[tilespmem:s13+$0xFFFFE370] =	vst v24  }
0x286: {  	[tilespmem:s13+$0xFFFFE230] =	vst v23;
	v23 =	vadd.s32 v10, v14;
	v24 =	vld.idx.msk [tilespmem:v33+s3+$0x0], $0xffff  }
0x287: {  	v36 =	vadd.s32 v10, v5;
	[tilespmem:s13+$0xFFFFE210] =	vst v32;
	v32 =	vld.idx.msk [tilespmem:v34+s3+$0x0], $0xffff  }
0x288: {  	v38 =	vadd.s32 v12, v3;
	[tilespmem:s13+$0xFFFFE300] =	vst v27;
	v37 =	vld.idx.msk [tilespmem:v31+s3+$0x0], $0xffff  }
0x289: {  	v39 =	vadd.s32 v10, v13;
	v29 =	vld.idx.msk [tilespmem:v25+s3+$0x0], $0xffff;
	[tilespmem:s13+$0xFFFFE340] =	vst v28  }
.Ltmp14:
0x28a: {  	v34 =	vadd.s32 v4, v22;
	v26 =	vld.idx.msk [tilespmem:v26+s3+$0x0], $0xffff;
	[tilespmem:s13+$0xFFFFE360] =	vst v35;
	(pc) =	sbr.rel @p1 .LBB2_30-.Ltmp14, $4  }
0x28b: {  	v33 =	vadd.s32 v4, v21;
	[tilespmem:s13+$0xFFFFE350] =	vst v30;
	v23 =	vld.idx.msk [tilespmem:v23+s3+$0x0], $0xffff  }
0x28c: {  	v31 =	vadd.s32 v4, v7;
	v27 =	vld.idx.msk [tilespmem:v36+s3+$0x0], $0xffff;
	[tilespmem:s13+$0x70] =	vst v24  }
0x28d: {  	v25 =	vadd.s32 v2, v22;
	v24 =	vadd.s32 v2, v21;
	v30 =	vld.idx.msk [tilespmem:v38+s3+$0x0], $0xffff;
	[tilespmem:s13+$0xFFFFE330] =	vst v32  }
0x28e: {  	v28 =	vadd.s32 v10, v3;
	v35 =	vadd.s32 v4, v5;
	v21 =	vadd.s32 $0x80, v21;
	[tilespmem:s13+$0xFFFFE310] =	vst v37;
	v32 =	vld.idx.msk [tilespmem:v39+s3+$0x0], $0xffff  }
0x28f: {  	_ =	sdelay $0x3  }
0x290: {  	[tilespmem:s11+$0x0] =	vst v29;
	v6 =	vld.idx.msk [tilespmem:v34+s3+$0x0], $0xffff;
	v8 =	vadd.s32 v10, v9  }
0x291: {  	[tilespmem:s11+$0x40] =	vst v26;
	v10 =	vld.idx.msk [tilespmem:v33+s3+$0x0], $0xffff  }
0x292: {  	v12 =	vadd.s32 v4, v13;
	v11 =	vld.idx.msk [tilespmem:v31+s3+$0x0], $0xffff;
	[tilespmem:s11+$0x50] =	vst v27  }
0x293: {  	[tilespmem:s11+$0xFFFFE320] =	vst v30  }
0x294: {  	[tilespmem:s11+$0x30] =	vst v32;
	v16 =	vld.idx.msk [tilespmem:v28+s3+$0x0], $0xffff  }
0x295: {  	[tilespmem:s11+$0x170] =	vst v6;
	v6 =	vadd.s32 v4, v3;
	v8 =	vld.idx.msk [tilespmem:v8+s3+$0x0], $0xffff  }
0x296: {  	v15 =	vld.idx.msk [tilespmem:v35+s3+$0x0], $0xffff;
	[tilespmem:s11+$0x100] =	vst v10;
	v10 =	vadd.s32 v4, v9  }
0x297: {  	[tilespmem:s11+$0x140] =	vst v11;
	v4 =	vadd.s32 v4, v14;
	v11 =	vld.idx.msk [tilespmem:v12+s3+$0x0], $0xffff  }
0x298: {  	v7 =	vadd.s32 v2, v7;
	[tilespmem:s11+$0x60] =	vst v23;
	v12 =	vld.idx.msk [tilespmem:v25+s3+$0x0], $0xffff  }
0x299: {  	v5 =	vadd.s32 v2, v5;
	v17 =	vld.idx.msk [tilespmem:v24+s3+$0x0], $0xffff;
	[tilespmem:s11+$0x20] =	vst v16  }
0x29a: {  	v13 =	vadd.s32 v2, v13;
	v6 =	vld.idx.msk [tilespmem:v6+s3+$0x0], $0xffff;
	[tilespmem:s11+$0x10] =	vst v8  }
0x29b: {  	v3 =	vadd.s32 v2, v3;
	[tilespmem:s11+$0x150] =	vst v15;
	v8 =	vld.idx.msk [tilespmem:v10+s3+$0x0], $0xffff  }
0x29c: {  	v9 =	vadd.s32 v2, v9;
	v4 =	vld.idx.msk [tilespmem:v4+s3+$0x0], $0xffff;
	[tilespmem:s11+$0x130] =	vst v11  }
0x29d: {  	v2 =	vadd.s32 v2, v14;
	v7 =	vld.idx.msk [tilespmem:v7+s3+$0x0], $0xffff;
	[tilespmem:s11+$0x270] =	vst v12  }
0x29e: {  	v5 =	vld.idx.msk [tilespmem:v5+s3+$0x0], $0xffff;
	[tilespmem:s11+$0x200] =	vst v17  }
0x29f: {  	[tilespmem:s11+$0x120] =	vst v6;
	v6 =	vld.idx.msk [tilespmem:v13+s3+$0x0], $0xffff  }
0x2a0: {  	v3 =	vld.idx.msk [tilespmem:v3+s3+$0x0], $0xffff;
	[tilespmem:s11+$0x110] =	vst v8  }
0x2a1: {  	[tilespmem:s11+$0x160] =	vst v4;
	v8 =	vld.idx.msk [tilespmem:v9+s3+$0x0], $0xffff  }
0x2a2: {  	s12 =	sor.u32 $0x1, s9;
	[tilespmem:s11+$0x240] =	vst v7;
	v2 =	vld.idx.msk [tilespmem:v2+s3+$0x0], $0xffff  }
0x2a3: {  	v7 =	vmov s12;
	[tilespmem:s11+$0x250] =	vst v5  }
0x2a4: {  	[tilespmem:s11+$0x230] =	vst v6  }
0x2a5: {  	v4 =	vor.u32 $0x100, v7;
	[tilespmem:s11+$0x220] =	vst v3  }
0x2a6: {  	v5 =	vor.u32 $0x200, v7;
	[tilespmem:s11+$0x210] =	vst v8  }
0x2a7: {  	v9 =	vor.u32 $0x280, v7;
	[tilespmem:s11+$0x260] =	vst v2  }
0x2a8: {  	v6 =	vld.idx.msk [tilespmem:v7+s31+$0x0], $0xffff  }
0x2a9: {  	v3 =	vor.u32 $0x80, v7  }
0x2aa: {  	v11 =	vld.idx.msk [tilespmem:v4+s31+$0x0], $0xffff  }
0x2ab: {  	v2 =	vor.u32 $0x180, v7;
	v10 =	vld.idx.msk [tilespmem:v5+s31+$0x0], $0xffff  }
0x2ac: {  	v21 =	vlaneseq.u32;
	v13 =	vor.u32 $0x300, v7;
	v4 =	vld.idx.msk [tilespmem:v9+s31+$0x0], $0xffff  }
0x2ad: {  	v22 =	vadd.s32 $0x70, v21;
	v16 =	vld.idx.msk [tilespmem:v7+s0+$0x0], $0xffff;
	v18 =	vadd.s32 v6, v21  }
0x2ae: {  	v14 =	vadd.s32 $0x60, v21;
	v8 =	vld.idx.msk [tilespmem:v3+s31+$0x0], $0xffff;
	v19 =	vadd.s32 v6, v22  }
0x2af: {  	v17 =	vld.idx.msk [tilespmem:v3+s0+$0x0], $0xffff;
	v3 =	vadd.s32 $0x20, v21;
	v23 =	vadd.s32 v6, v14  }
0x2b0: {  	v5 =	vadd.s32 $0x50, v21;
	v12 =	vld.idx.msk [tilespmem:v2+s31+$0x0], $0xffff;
	v25 =	vadd.s32 v6, v3  }
0x2b1: {  	v2 =	vld.idx.msk [tilespmem:v13+s31+$0x0], $0xffff;
	v15 =	vadd.s32 $0x400, v6;
	v37 =	vadd.s32 v6, v5  }
0x2b2: {  	v9 =	vadd.s32 v15, v22;
	v24 =	vld.idx.msk [tilespmem:v18+s3+$0x0], $0xffff  }
0x2b3: {  	v7 =	vadd.s32 $0x40, v21;
	v20 =	vadd.s32 v15, v5;
	v28 =	vld.idx.msk [tilespmem:v19+s3+$0x0], $0xffff  }
0x2b4: {  	v27 =	vadd.s32 v15, v7;
	v23 =	vld.idx.msk [tilespmem:v23+s3+$0x0], $0xffff  }
0x2b5: {  	v13 =	vadd.s32 $0x30, v21;
	v18 =	vadd.s32 v15, v3;
	v25 =	vld.idx.msk [tilespmem:v25+s3+$0x0], $0xffff  }
0x2b6: {  	v30 =	vadd.s32 v15, v13;
	v37 =	vld.idx.msk [tilespmem:v37+s3+$0x0], $0xffff  }
0x2b7: {  	v55 =	vadd.s32 v15, v14;
	v26 =	vld.idx.msk [tilespmem:v9+s3+$0x0], $0xffff  }
0x2b8: {  	v19 =	vadd.s32 v6, v13;
	v20 =	vld.idx.msk [tilespmem:v20+s3+$0x0], $0xffff;
	v9 =	vadd.s32 $0x10, v21  }
0x2b9: {  	v27 =	vld.idx.msk [tilespmem:v27+s3+$0x0], $0xffff;
	v56 =	vadd.s32 v6, v9  }
0x2ba: {  	v36 =	vadd.s32 v15, v9;
	v31 =	vld.idx.msk [tilespmem:v18+s3+$0x0], $0xffff  }
0x2bb: {  	v29 =	vadd.s32 v15, v21;
	v30 =	vld.idx.msk [tilespmem:v30+s3+$0x0], $0xffff;
	v18 =	vsub.f32 $1.000000000e+00, v16  }
0x2bc: {  	v57 =	vadd.s32 v6, v7;
	v39 =	vadd.s32 v8, v3;
	v41 =	vadd.s32 v8, v22;
	v32 =	vld.idx.msk [tilespmem:v55+s3+$0x0], $0xffff  }
0x2bd: {  	v60 =	vadd.s32 v8, v14;
	v58 =	vld.idx.msk [tilespmem:v19+s3+$0x0], $0xffff;
	v26 =	vmul.f32 v26, v16;
	v28 =	vmul.f32 v28, v18  }
0x2be: {  	v61 =	vadd.s32 v8, v7;
	v19 =	vadd.s32 $0x400, v8;
	v25 =	vmul.f32 v25, v18;
	v33 =	vld.idx.msk [tilespmem:v56+s3+$0x0], $0xffff  }
0x2bf: {  	v36 =	vld.idx.msk [tilespmem:v36+s3+$0x0], $0xffff;
	v26 =	vadd.f32 v26, v28;
	v28 =	vadd.s32 v19, v22;
	v31 =	vmul.f32 v31, v16  }
0x2c0: {  	v29 =	vld.idx.msk [tilespmem:v29+s3+$0x0], $0xffff;
	v38 =	vadd.s32 v8, v9;
	v40 =	vmul.f32 v20, v16;
	v20 =	vadd.s32 v8, v13  }
0x2c1: {  	s11 =	simm.s32 $0x17080;
	v27 =	vmul.f32 v27, v16;
	v59 =	vadd.s32 v19, v3;
	v25 =	vadd.f32 v31, v25;
	v31 =	vld.idx.msk [tilespmem:v57+s3+$0x0], $0xffff  }
0x2c2: {  	v42 =	vadd.s32 v19, v14;
	v23 =	vmul.f32 v23, v18;
	[tilespmem:s11+$0xFFFFE070] =	vst v26;
	v26 =	vmul.f32 v32, v16  }
0x2c3: {  	v35 =	vmul.f32 v58, v18;
	v62 =	vld.idx.msk [tilespmem:v41+s3+$0x0], $0xffff;
	[tilespmem:s11+$0xFFFFE020] =	vst v25;
	v25 =	vmul.f32 v30, v16  }
0x2c4: {  	v43 =	vmul.f32 v33, v18;
	v36 =	vmul.f32 v36, v16;
	v23 =	vadd.f32 v26, v23;
	v28 =	vld.idx.msk [tilespmem:v28+s3+$0x0], $0xffff  }
0x2c5: {  	v29 =	vmul.f32 v29, v16;
	v24 =	vmul.f32 v24, v18;
	v30 =	vld.idx.msk [tilespmem:v39+s3+$0x0], $0xffff;
	v25 =	vadd.f32 v25, v35  }
0x2c6: {  	v32 =	vadd.f32 v36, v43;
	v34 =	vld.idx.msk [tilespmem:v59+s3+$0x0], $0xffff;
	[tilespmem:s11+$0xFFFFE060] =	vst v23;
	v26 =	vmul.f32 v31, v18  }
0x2c7: {  	v24 =	vadd.f32 v29, v24;
	v29 =	vld.idx.msk [tilespmem:v60+s3+$0x0], $0xffff;
	[tilespmem:s11+$0xFFFFE030] =	vst v25;
	v25 =	vadd.s32 v19, v7  }
0x2c8: {  	v44 =	vld.idx.msk [tilespmem:v42+s3+$0x0], $0xffff;
	[tilespmem:s11+$0xFFFFE010] =	vst v32;
	v31 =	vadd.s32 v8, v21;
	v26 =	vadd.f32 v27, v26  }
0x2c9: {  	v23 =	vmul.f32 v37, v18;
	v32 =	vld.idx.msk [tilespmem:v38+s3+$0x0], $0xffff;
	v27 =	vadd.s32 v19, v21  }
0x2ca: {  	v46 =	vadd.s32 v19, v13;
	v63 =	vld.idx.msk [tilespmem:v20+s3+$0x0], $0xffff;
	[tilespmem:s11+$0xFFFFE040] =	vst v26  }
0x2cb: {  	v45 =	vadd.s32 v8, v5;
	[tilespmem:s11+$0xFFFFE000] =	vst v24;
	v23 =	vadd.f32 v40, v23;
	v20 =	vsub.f32 $1.000000000e+00, v17;
	v24 =	vld.idx.msk [tilespmem:v61+s3+$0x0], $0xffff  }
0x2cc: {  	v47 =	vadd.s32 v19, v9;
	v26 =	vadd.s32 v19, v5;
	v25 =	vld.idx.msk [tilespmem:v25+s3+$0x0], $0xffff  }
0x2cd: {  	[tilespmem:s11+$0xFFFFE050] =	vst v23;
	v23 =	vmul.f32 v28, v17;
	v35 =	vmul.f32 v62, v20;
	v31 =	vld.idx.msk [tilespmem:v31+s3+$0x0], $0xffff  }
0x2ce: {  	v28 =	vadd.s32 v11, v22;
	v34 =	vmul.f32 v34, v17;
	v30 =	vmul.f32 v30, v20;
	v27 =	vld.idx.msk [tilespmem:v27+s3+$0x0], $0xffff  }
0x2cf: {  	v48 =	vadd.s32 v11, v3;
	v50 =	vadd.s32 v11, v14;
	v36 =	vld.idx.msk [tilespmem:v46+s3+$0x0], $0xffff;
	v23 =	vadd.f32 v23, v35  }
0x2d0: {  	v49 =	vld.idx.msk [tilespmem:v45+s3+$0x0], $0xffff;
	v29 =	vmul.f32 v29, v20;
	v33 =	vmul.f32 v44, v17;
	v30 =	vadd.f32 v34, v30  }
0x2d1: {  	[tilespmem:s11+$0xFFFFE170] =	vst v23;
	v26 =	vld.idx.msk [tilespmem:v26+s3+$0x0], $0xffff;
	v24 =	vmul.f32 v24, v20;
	v25 =	vmul.f32 v25, v17  }
0x2d2: {  	v51 =	vadd.s32 v11, v21;
	v29 =	vadd.f32 v33, v29;
	v34 =	vld.idx.msk [tilespmem:v47+s3+$0x0], $0xffff;
	[tilespmem:s11+$0xFFFFE120] =	vst v30  }
0x2d3: {  	v31 =	vmul.f32 v31, v20;
	v23 =	vmul.f32 v27, v17;
	v24 =	vadd.f32 v25, v24;
	v25 =	vld.idx.msk [tilespmem:v28+s3+$0x0], $0xffff  }
0x2d4: {  	v52 =	vadd.s32 v11, v5;
	v53 =	vadd.s32 v11, v13;
	v27 =	vadd.s32 v11, v7;
	v28 =	vld.idx.msk [tilespmem:v48+s3+$0x0], $0xffff  }
0x2d5: {  	[tilespmem:s11+$0xFFFFE160] =	vst v29;
	v29 =	vadd.s32 v12, v22;
	v30 =	vmul.f32 v63, v20;
	v23 =	vadd.f32 v23, v31  }
0x2d6: {  	v55 =	vadd.s32 v11, v9;
	[tilespmem:s11+$0xFFFFE140] =	vst v24;
	v24 =	vmul.f32 v26, v17;
	v26 =	vmul.f32 v49, v20  }
0x2d7: {  	v54 =	vmul.f32 v34, v17;
	v31 =	vld.idx.msk [tilespmem:v50+s3+$0x0], $0xffff;
	[tilespmem:s11+$0xFFFFE100] =	vst v23;
	v23 =	vmul.f32 v36, v17  }
0x2d8: {  	v33 =	vld.idx.msk [tilespmem:v51+s3+$0x0], $0xffff;
	v24 =	vadd.f32 v24, v26;
	v26 =	vmul.f32 v32, v20;
	[tilespmem:s11+$0xFFFFE270] =	vst v25  }
0x2d9: {  	v25 =	vld.idx.msk [tilespmem:v27+s3+$0x0], $0xffff;
	v23 =	vadd.f32 v23, v30;
	v27 =	vadd.s32 v12, v21;
	[tilespmem:s11+$0xFFFFE220] =	vst v28  }
0x2da: {  	v28 =	vadd.s32 v12, v7;
	[tilespmem:s11+$0xFFFFE150] =	vst v24;
	v24 =	vadd.f32 v54, v26;
	v26 =	vld.idx.msk [tilespmem:v29+s3+$0x0], $0xffff  }
0x2db: {  	v29 =	vld.idx.msk [tilespmem:v52+s3+$0x0], $0xffff;
	[tilespmem:s11+$0xFFFFE130] =	vst v23;
	v23 =	vadd.s32 v12, v14  }
0x2dc: {  	v57 =	vadd.s32 v10, v22;
	[tilespmem:s11+$0xFFFFE110] =	vst v24;
	v24 =	vld.idx.msk [tilespmem:v53+s3+$0x0], $0xffff  }
0x2dd: {  	v30 =	vadd.s32 v12, v5;
	[tilespmem:s11+$0xFFFFE200] =	vst v33;
	v56 =	vld.idx.msk [tilespmem:v55+s3+$0x0], $0xffff  }
0x2de: {  	v58 =	vadd.s32 v12, v13;
	v27 =	vld.idx.msk [tilespmem:v27+s3+$0x0], $0xffff;
	[tilespmem:s11+$0xFFFFE240] =	vst v25  }
0x2df: {  	[tilespmem:s11+$0xFFFFE260] =	vst v31;
	v25 =	vadd.s32 v12, v9;
	v28 =	vld.idx.msk [tilespmem:v28+s3+$0x0], $0xffff  }
0x2e0: {  	v31 =	vadd.s32 v10, v21;
	[tilespmem:s11+$0xFFFFE370] =	vst v26;
	v23 =	vld.idx.msk [tilespmem:v23+s3+$0x0], $0xffff  }
0x2e1: {  	v59 =	vadd.s32 v10, v7;
	[tilespmem:s11+$0xFFFFE250] =	vst v29;
	v60 =	vld.idx.msk [tilespmem:v57+s3+$0x0], $0xffff  }
0x2e2: {  	v30 =	vld.idx.msk [tilespmem:v30+s3+$0x0], $0xffff;
	[tilespmem:s11+$0xFFFFE230] =	vst v24;
	v24 =	vadd.s32 v10, v14  }
0x2e3: {  	v62 =	vadd.s32 v10, v5;
	[tilespmem:s11+$0xFFFFE210] =	vst v56;
	v61 =	vld.idx.msk [tilespmem:v58+s3+$0x0], $0xffff  }
0x2e4: {  	[tilespmem:s11+$0xFFFFE300] =	vst v27;
	v27 =	vld.idx.msk [tilespmem:v25+s3+$0x0], $0xffff;
	v25 =	vadd.s32 v12, v3  }
0x2e5: {  	v63 =	vadd.s32 v10, v13;
	v29 =	vld.idx.msk [tilespmem:v31+s3+$0x0], $0xffff;
	[tilespmem:s11+$0xFFFFE340] =	vst v28  }
0x2e6: {  	v34 =	vadd.s32 v4, v22;
	v26 =	vld.idx.msk [tilespmem:v59+s3+$0x0], $0xffff;
	[tilespmem:s11+$0xFFFFE360] =	vst v23  }
0x2e7: {  	v33 =	vadd.s32 v4, v21;
	[tilespmem:s11+$0xFFFFE350] =	vst v30;
	v23 =	vld.idx.msk [tilespmem:v24+s3+$0x0], $0xffff  }
0x2e8: {  	v31 =	vadd.s32 v4, v7;
	[tilespmem:s11+$0x70] =	vst v60;
	v28 =	vld.idx.msk [tilespmem:v62+s3+$0x0], $0xffff  }
0x2e9: {  	v35 =	vadd.s32 v4, v5;
	v24 =	vadd.s32 v2, v21;
	[tilespmem:s11+$0xFFFFE330] =	vst v61;
	v30 =	vld.idx.msk [tilespmem:v25+s3+$0x0], $0xffff  }
0x2ea: {  	s13 =	simm.s32 $0x17080;
	s12 =	simm.s32 $0x0;
	v21 =	vadd.s32 $0x80, v21;
	v25 =	vadd.s32 v2, v22;
	[tilespmem:s11+$0xFFFFE310] =	vst v27;
	v27 =	vadd.s32 v10, v3;
	v32 =	vld.idx.msk [tilespmem:v63+s3+$0x0], $0xffff  }
.LBB2_32:
0x2eb: {  	v36 =	vadd.s32 v6, v21;
	v37 =	vadd.s32 $0x40, v21;
	v22 =	vadd.s32 $0x70, v21;
	s12 =	sadd.s32 $0x8, s12;
	[tilespmem:s11+$0x0] =	vst v29;
	v29 =	vld.idx.msk [tilespmem:v34+s3+$0x0], $0xffff;
	s13 =	sadd.s32 $0x400, s13  }
0x2ec: {  	v34 =	vadd.s32 $0x10, v21;
	v39 =	vadd.s32 $0x50, v21;
	v38 =	vadd.s32 v15, v37;
	p1 =	slt.u32 s12, $0x38;
	v33 =	vld.idx.msk [tilespmem:v33+s3+$0x0], $0xffff;
	[tilespmem:s11+$0x40] =	vst v26  }
0x2ed: {  	v26 =	vadd.s32 v6, v34;
	v40 =	vadd.s32 v15, v39;
	v41 =	vadd.s32 v6, v22;
	v31 =	vld.idx.msk [tilespmem:v31+s3+$0x0], $0xffff  }
0x2ee: {  	v43 =	vadd.s32 $0x20, v21;
	v42 =	vadd.s32 v15, v34;
	v44 =	vadd.s32 v15, v22;
	[tilespmem:s11+$0x50] =	vst v28  }
0x2ef: {  	v28 =	vadd.s32 v6, v43;
	[tilespmem:s11+$0xFFFFE320] =	vst v30;
	v30 =	vadd.s32 v4, v13;
	v35 =	vld.idx.msk [tilespmem:v35+s3+$0x0], $0xffff  }
0x2f0: {  	v46 =	vadd.s32 $0x30, v21;
	v45 =	vadd.s32 v15, v43;
	v36 =	vld.idx.msk [tilespmem:v36+s3+$0x0], $0xffff;
	[tilespmem:s11+$0x30] =	vst v32  }
0x2f1: {  	v47 =	vadd.s32 v2, v5;
	v5 =	vmov v39;
	v32 =	vadd.s32 v6, v46;
	v27 =	vld.idx.msk [tilespmem:v27+s3+$0x0], $0xffff;
	[tilespmem:s11+$0x170] =	vst v29  }
0x2f2: {  	v29 =	vadd.s32 v15, v46;
	[tilespmem:s11+$0x100] =	vst v33;
	v33 =	vadd.s32 v2, v7;
	v25 =	vld.idx.msk [tilespmem:v25+s3+$0x0], $0xffff;
	v7 =	vmov v37  }
0x2f3: {  	v39 =	vadd.s32 v4, v3;
	v37 =	vadd.s32 v6, v7;
	v24 =	vld.idx.msk [tilespmem:v24+s3+$0x0], $0xffff;
	[tilespmem:s11+$0x140] =	vst v31  }
0x2f4: {  	v30 =	vld.idx.msk [tilespmem:v30+s3+$0x0], $0xffff  }
0x2f5: {  	v31 =	vadd.s32 $0x60, v21;
	v44 =	vld.idx.msk [tilespmem:v44+s3+$0x0], $0xffff;
	[tilespmem:s11+$0x150] =	vst v35  }
0x2f6: {  	v35 =	vadd.s32 v6, v31;
	v47 =	vld.idx.msk [tilespmem:v47+s3+$0x0], $0xffff  }
0x2f7: {  	v48 =	vadd.s32 v6, v5;
	[tilespmem:s11+$0x20] =	vst v27;
	v27 =	vld.idx.msk [tilespmem:v33+s3+$0x0], $0xffff  }
0x2f8: {  	v33 =	vadd.s32 v15, v31;
	v39 =	vld.idx.msk [tilespmem:v39+s3+$0x0], $0xffff;
	[tilespmem:s11+$0x60] =	vst v23  }
0x2f9: {  	v49 =	vadd.s32 v15, v21;
	v41 =	vld.idx.msk [tilespmem:v41+s3+$0x0], $0xffff;
	[tilespmem:s11+$0x200] =	vst v24  }
0x2fa: {  	v24 =	vld.idx.msk [tilespmem:v40+s3+$0x0], $0xffff;
	[tilespmem:s11+$0x130] =	vst v30  }
0x2fb: {  	v23 =	vadd.s32 v8, v34;
	v30 =	vld.idx.msk [tilespmem:v35+s3+$0x0], $0xffff;
	v35 =	vadd.s32 v10, v9;
	[tilespmem:s11+$0x270] =	vst v25  }
0x2fc: {  	v25 =	vadd.s32 v8, v43;
	v38 =	vld.idx.msk [tilespmem:v38+s3+$0x0], $0xffff;
	[tilespmem:s11+$0x250] =	vst v47  }
0x2fd: {  	v40 =	vld.idx.msk [tilespmem:v45+s3+$0x0], $0xffff;
	[tilespmem:s11+$0x240] =	vst v27  }
0x2fe: {  	v27 =	vld.idx.msk [tilespmem:v32+s3+$0x0], $0xffff;
	v32 =	vadd.s32 v8, v46;
	[tilespmem:s11+$0x120] =	vst v39  }
0x2ff: {  	v39 =	vld.idx.msk [tilespmem:v49+s3+$0x0], $0xffff  }
0x300: {  	v35 =	vld.idx.msk [tilespmem:v35+s3+$0x0], $0xffff  }
0x301: {  	v28 =	vld.idx.msk [tilespmem:v28+s3+$0x0], $0xffff  }
0x302: {  	v45 =	vadd.s32 v4, v9;
	v24 =	vmul.f32 v24, v16;
	v29 =	vld.idx.msk [tilespmem:v29+s3+$0x0], $0xffff  }
0x303: {  	v47 =	vadd.s32 v4, v14;
	v26 =	vld.idx.msk [tilespmem:v26+s3+$0x0], $0xffff  }
0x304: {  	v50 =	vadd.s32 v2, v3;
	v3 =	vmovc v43;
	v49 =	vadd.s32 v2, v9;
	v9 =	vmov v34;
	v48 =	vld.idx.msk [tilespmem:v48+s3+$0x0], $0xffff  }
0x305: {  	v43 =	vadd.s32 v2, v13;
	v34 =	vmul.f32 v40, v16;
	v40 =	vmul.f32 v44, v16;
	v33 =	vld.idx.msk [tilespmem:v33+s3+$0x0], $0xffff  }
0x306: {  	v13 =	vmov v46;
	v38 =	vmul.f32 v38, v16;
	v42 =	vld.idx.msk [tilespmem:v42+s3+$0x0], $0xffff;
	[tilespmem:s11+$0x10] =	vst v35;
	v35 =	vadd.s32 v2, v14  }
0x307: {  	v44 =	vadd.s32 v8, v21;
	v14 =	vmul.f32 v28, v18;
	v28 =	vmul.f32 v41, v18;
	v41 =	vld.idx.msk [tilespmem:v45+s3+$0x0], $0xffff  }
0x308: {  	v46 =	vadd.s32 v8, v22;
	v30 =	vmul.f32 v30, v18;
	v45 =	vadd.s32 v8, v7;
	v47 =	vld.idx.msk [tilespmem:v47+s3+$0x0], $0xffff  }
0x309: {  	v27 =	vmul.f32 v27, v18;
	v52 =	vadd.f32 v34, v14;
	v28 =	vadd.f32 v40, v28;
	v34 =	vld.idx.msk [tilespmem:v37+s3+$0x0], $0xffff  }
0x30a: {  	v36 =	vmul.f32 v36, v18;
	v40 =	vadd.s32 v19, v22;
	v37 =	vadd.s32 v19, v3;
	v43 =	vld.idx.msk [tilespmem:v43+s3+$0x0], $0xffff  }
0x30b: {  	v51 =	vadd.s32 v19, v31;
	v29 =	vmul.f32 v29, v16;
	v14 =	vmov v31;
	[tilespmem:s13+$0xFFFFE020] =	vst v52;
	v50 =	vld.idx.msk [tilespmem:v50+s3+$0x0], $0xffff  }
0x30c: {  	v26 =	vmul.f32 v26, v18;
	v31 =	vmul.f32 v48, v18;
	v25 =	vld.idx.msk [tilespmem:v25+s3+$0x0], $0xffff;
	[tilespmem:s13+$0xFFFFE070] =	vst v28  }
0x30d: {  	v27 =	vadd.f32 v29, v27;
	v28 =	vmul.f32 v33, v16;
	v29 =	vld.idx.msk [tilespmem:v46+s3+$0x0], $0xffff;
	[tilespmem:s11+$0x110] =	vst v41  }
0x30e: {  	v24 =	vadd.f32 v24, v31;
	v31 =	vadd.s32 v8, v14;
	v33 =	vld.idx.msk [tilespmem:v49+s3+$0x0], $0xffff;
	[tilespmem:s11+$0x160] =	vst v47  }
0x30f: {  	v39 =	vmul.f32 v39, v16;
	v37 =	vld.idx.msk [tilespmem:v37+s3+$0x0], $0xffff;
	[tilespmem:s13+$0xFFFFE030] =	vst v27;
	v27 =	vadd.f32 v28, v30  }
0x310: {  	v28 =	vmul.f32 v42, v16;
	v30 =	vmul.f32 v34, v18;
	[tilespmem:s11+$0x230] =	vst v43;
	v34 =	vld.idx.msk [tilespmem:v35+s3+$0x0], $0xffff  }
0x311: {  	v35 =	vadd.f32 v39, v36;
	v36 =	vadd.s32 v19, v7;
	v39 =	vld.idx.msk [tilespmem:v40+s3+$0x0], $0xffff;
	[tilespmem:s11+$0x220] =	vst v50  }
0x312: {  	v26 =	vadd.f32 v28, v26;
	v30 =	vadd.f32 v38, v30;
	v28 =	vld.idx.msk [tilespmem:v32+s3+$0x0], $0xffff;
	[tilespmem:s13+$0xFFFFE060] =	vst v27  }
0x313: {  	v27 =	vadd.s32 v19, v21;
	[tilespmem:s13+$0xFFFFE000] =	vst v35;
	v31 =	vld.idx.msk [tilespmem:v31+s3+$0x0], $0xffff  }
0x314: {  	[tilespmem:s13+$0xFFFFE040] =	vst v30;
	v30 =	vadd.s32 v19, v5;
	v32 =	vld.idx.msk [tilespmem:v51+s3+$0x0], $0xffff  }
0x315: {  	v25 =	vmul.f32 v25, v20;
	v35 =	vmul.f32 v37, v17;
	v37 =	vld.idx.msk [tilespmem:v45+s3+$0x0], $0xffff;
	[tilespmem:s11+$0x210] =	vst v33  }
0x316: {  	v29 =	vmul.f32 v29, v20;
	v33 =	vld.idx.msk [tilespmem:v36+s3+$0x0], $0xffff;
	v36 =	vadd.s32 v8, v5;
	[tilespmem:s11+$0x260] =	vst v34;
	s11 =	smov.u32 s13  }
0x317: {  	v25 =	vadd.f32 v35, v25;
	v35 =	vadd.s32 v19, v13;
	v38 =	vmul.f32 v39, v17;
	v34 =	vld.idx.msk [tilespmem:v44+s3+$0x0], $0xffff  }
0x318: {  	v40 =	vadd.s32 v11, v7;
	v39 =	vadd.s32 v19, v9;
	v27 =	vld.idx.msk [tilespmem:v27+s3+$0x0], $0xffff;
	[tilespmem:s13+$0xFFFFE050] =	vst v24  }
0x319: {  	[tilespmem:s13+$0xFFFFE010] =	vst v26;
	v24 =	vld.idx.msk [tilespmem:v30+s3+$0x0], $0xffff;
	v26 =	vadd.f32 v38, v29;
	v29 =	vadd.s32 v11, v22  }
0x31a: {  	v31 =	vmul.f32 v31, v20;
	v30 =	vadd.s32 v11, v3;
	v32 =	vmul.f32 v32, v17;
	v23 =	vld.idx.msk [tilespmem:v23+s3+$0x0], $0xffff  }
0x31b: {  	[tilespmem:s13+$0xFFFFE120] =	vst v25;
	v25 =	vmul.f32 v37, v20;
	v36 =	vld.idx.msk [tilespmem:v36+s3+$0x0], $0xffff;
	v37 =	vadd.s32 v11, v14  }
0x31c: {  	v28 =	vmul.f32 v28, v20;
	v33 =	vmul.f32 v33, v17;
	v31 =	vadd.f32 v32, v31;
	v35 =	vld.idx.msk [tilespmem:v35+s3+$0x0], $0xffff  }
0x31d: {  	v32 =	vmul.f32 v34, v20;
	v34 =	vadd.s32 v11, v21;
	v38 =	vld.idx.msk [tilespmem:v39+s3+$0x0], $0xffff;
	[tilespmem:s13+$0xFFFFE170] =	vst v26  }
0x31e: {  	v26 =	vmul.f32 v27, v17;
	v25 =	vadd.f32 v33, v25;
	[tilespmem:s13+$0xFFFFE160] =	vst v31;
	v27 =	vld.idx.msk [tilespmem:v29+s3+$0x0], $0xffff  }
0x31f: {  	v29 =	vld.idx.msk [tilespmem:v30+s3+$0x0], $0xffff;
	v30 =	vadd.s32 v12, v22  }
0x320: {  	v24 =	vmul.f32 v24, v17;
	v26 =	vadd.f32 v26, v32;
	[tilespmem:s13+$0xFFFFE140] =	vst v25;
	v25 =	vld.idx.msk [tilespmem:v37+s3+$0x0], $0xffff  }
0x321: {  	v33 =	vadd.s32 v11, v5;
	v32 =	vmul.f32 v36, v20;
	v31 =	vld.idx.msk [tilespmem:v40+s3+$0x0], $0xffff  }
0x322: {  	[tilespmem:s13+$0xFFFFE100] =	vst v26;
	v26 =	vmul.f32 v35, v17;
	v35 =	vadd.s32 v11, v13  }
0x323: {  	v23 =	vmul.f32 v23, v20;
	v36 =	vmul.f32 v38, v17;
	v24 =	vadd.f32 v24, v32;
	v34 =	vld.idx.msk [tilespmem:v34+s3+$0x0], $0xffff  }
0x324: {  	v32 =	vadd.s32 v11, v9;
	v26 =	vadd.f32 v26, v28;
	[tilespmem:s13+$0xFFFFE270] =	vst v27  }
0x325: {  	v27 =	vadd.s32 v12, v21;
	v23 =	vadd.f32 v36, v23;
	[tilespmem:s13+$0xFFFFE150] =	vst v24;
	v24 =	vld.idx.msk [tilespmem:v30+s3+$0x0], $0xffff  }
0x326: {  	v28 =	vadd.s32 v12, v7;
	[tilespmem:s13+$0xFFFFE220] =	vst v29;
	v29 =	vld.idx.msk [tilespmem:v33+s3+$0x0], $0xffff  }
0x327: {  	[tilespmem:s13+$0xFFFFE130] =	vst v26;
	v26 =	vadd.s32 v12, v14  }
0x328: {  	v30 =	vadd.s32 v12, v5;
	[tilespmem:s13+$0xFFFFE110] =	vst v23;
	v23 =	vld.idx.msk [tilespmem:v35+s3+$0x0], $0xffff  }
0x329: {  	v33 =	vadd.s32 v10, v22;
	[tilespmem:s13+$0xFFFFE200] =	vst v34;
	v32 =	vld.idx.msk [tilespmem:v32+s3+$0x0], $0xffff  }
0x32a: {  	v34 =	vadd.s32 v12, v13;
	v27 =	vld.idx.msk [tilespmem:v27+s3+$0x0], $0xffff;
	[tilespmem:s13+$0xFFFFE240] =	vst v31  }
0x32b: {  	v31 =	vadd.s32 v12, v9;
	v28 =	vld.idx.msk [tilespmem:v28+s3+$0x0], $0xffff;
	[tilespmem:s13+$0xFFFFE260] =	vst v25  }
0x32c: {  	v25 =	vadd.s32 v10, v21;
	[tilespmem:s13+$0xFFFFE250] =	vst v29;
	v35 =	vld.idx.msk [tilespmem:v26+s3+$0x0], $0xffff  }
0x32d: {  	v26 =	vadd.s32 v10, v7;
	v30 =	vld.idx.msk [tilespmem:v30+s3+$0x0], $0xffff;
	[tilespmem:s13+$0xFFFFE370] =	vst v24  }
0x32e: {  	[tilespmem:s13+$0xFFFFE230] =	vst v23;
	v23 =	vadd.s32 v10, v14;
	v24 =	vld.idx.msk [tilespmem:v33+s3+$0x0], $0xffff  }
0x32f: {  	v36 =	vadd.s32 v10, v5;
	[tilespmem:s13+$0xFFFFE210] =	vst v32;
	v32 =	vld.idx.msk [tilespmem:v34+s3+$0x0], $0xffff  }
0x330: {  	v37 =	vadd.s32 v12, v3;
	[tilespmem:s13+$0xFFFFE300] =	vst v27;
	v27 =	vld.idx.msk [tilespmem:v31+s3+$0x0], $0xffff  }
0x331: {  	v38 =	vadd.s32 v10, v13;
	v29 =	vld.idx.msk [tilespmem:v25+s3+$0x0], $0xffff;
	[tilespmem:s13+$0xFFFFE340] =	vst v28  }
.Ltmp15:
0x332: {  	v34 =	vadd.s32 v4, v22;
	v26 =	vld.idx.msk [tilespmem:v26+s3+$0x0], $0xffff;
	[tilespmem:s13+$0xFFFFE360] =	vst v35;
	(pc) =	sbr.rel @p1 .LBB2_32-.Ltmp15, $4  }
0x333: {  	v33 =	vadd.s32 v4, v21;
	[tilespmem:s13+$0xFFFFE350] =	vst v30;
	v23 =	vld.idx.msk [tilespmem:v23+s3+$0x0], $0xffff  }
0x334: {  	v31 =	vadd.s32 v4, v7;
	v28 =	vld.idx.msk [tilespmem:v36+s3+$0x0], $0xffff;
	[tilespmem:s13+$0x70] =	vst v24  }
0x335: {  	v25 =	vadd.s32 v2, v22;
	v24 =	vadd.s32 v2, v21;
	v30 =	vld.idx.msk [tilespmem:v37+s3+$0x0], $0xffff;
	[tilespmem:s13+$0xFFFFE330] =	vst v32  }
0x336: {  	v35 =	vadd.s32 v4, v5;
	v21 =	vadd.s32 $0x80, v21;
	[tilespmem:s13+$0xFFFFE310] =	vst v27;
	v27 =	vadd.s32 v10, v3;
	v32 =	vld.idx.msk [tilespmem:v38+s3+$0x0], $0xffff  }
0x337: {  	_ =	sdelay $0x3  }
0x338: {  	[tilespmem:s11+$0x0] =	vst v29;
	v6 =	vld.idx.msk [tilespmem:v34+s3+$0x0], $0xffff;
	v8 =	vadd.s32 v10, v9  }
0x339: {  	[tilespmem:s11+$0x40] =	vst v26;
	v10 =	vld.idx.msk [tilespmem:v33+s3+$0x0], $0xffff  }
0x33a: {  	v12 =	vadd.s32 v4, v13;
	v11 =	vld.idx.msk [tilespmem:v31+s3+$0x0], $0xffff;
	[tilespmem:s11+$0x50] =	vst v28  }
0x33b: {  	[tilespmem:s11+$0xFFFFE320] =	vst v30  }
0x33c: {  	[tilespmem:s11+$0x30] =	vst v32;
	v16 =	vld.idx.msk [tilespmem:v27+s3+$0x0], $0xffff  }
0x33d: {  	[tilespmem:s11+$0x170] =	vst v6;
	v6 =	vadd.s32 v4, v3;
	v8 =	vld.idx.msk [tilespmem:v8+s3+$0x0], $0xffff  }
0x33e: {  	v15 =	vld.idx.msk [tilespmem:v35+s3+$0x0], $0xffff;
	[tilespmem:s11+$0x100] =	vst v10;
	v10 =	vadd.s32 v4, v9  }
0x33f: {  	[tilespmem:s11+$0x140] =	vst v11;
	v4 =	vadd.s32 v4, v14;
	v11 =	vld.idx.msk [tilespmem:v12+s3+$0x0], $0xffff  }
0x340: {  	v7 =	vadd.s32 v2, v7;
	[tilespmem:s11+$0x60] =	vst v23;
	v12 =	vld.idx.msk [tilespmem:v25+s3+$0x0], $0xffff  }
0x341: {  	v5 =	vadd.s32 v2, v5;
	v17 =	vld.idx.msk [tilespmem:v24+s3+$0x0], $0xffff;
	[tilespmem:s11+$0x20] =	vst v16  }
0x342: {  	v13 =	vadd.s32 v2, v13;
	v6 =	vld.idx.msk [tilespmem:v6+s3+$0x0], $0xffff;
	[tilespmem:s11+$0x10] =	vst v8  }
0x343: {  	v3 =	vadd.s32 v2, v3;
	[tilespmem:s11+$0x150] =	vst v15;
	v8 =	vld.idx.msk [tilespmem:v10+s3+$0x0], $0xffff  }
0x344: {  	v9 =	vadd.s32 v2, v9;
	v4 =	vld.idx.msk [tilespmem:v4+s3+$0x0], $0xffff;
	[tilespmem:s11+$0x130] =	vst v11  }
0x345: {  	v2 =	vadd.s32 v2, v14;
	v7 =	vld.idx.msk [tilespmem:v7+s3+$0x0], $0xffff;
	[tilespmem:s11+$0x270] =	vst v12  }
0x346: {  	v5 =	vld.idx.msk [tilespmem:v5+s3+$0x0], $0xffff;
	[tilespmem:s11+$0x200] =	vst v17  }
0x347: {  	[tilespmem:s11+$0x120] =	vst v6;
	v6 =	vld.idx.msk [tilespmem:v13+s3+$0x0], $0xffff  }
0x348: {  	v3 =	vld.idx.msk [tilespmem:v3+s3+$0x0], $0xffff;
	[tilespmem:s11+$0x110] =	vst v8  }
0x349: {  	[tilespmem:s11+$0x160] =	vst v4;
	v8 =	vld.idx.msk [tilespmem:v9+s3+$0x0], $0xffff  }
0x34a: {  	[tilespmem:s11+$0x240] =	vst v7;
	v2 =	vld.idx.msk [tilespmem:v2+s3+$0x0], $0xffff  }
0x34b: {  	s10 =	sshll.u32 s10, $0xA;
	s12 =	sshll.u32 s8, $0x9;
	[tilespmem:s11+$0x250] =	vst v5  }
0x34c: {  	s10 =	sand.u32 $0x3FE000, s10;
	s12 =	sand.u32 $0x200, s12;
	[tilespmem:s11+$0x230] =	vst v6  }
0x34d: {  	s12 =	sor.u32 s12, s10;
	[tilespmem:s11+$0x220] =	vst v3  }
0x34e: {  	s12 =	sshrl.u32 s12, $0x3;
	[tilespmem:s11+$0x210] =	vst v8  }
0x34f: {  	s13 =	simm.s32 $0x15000;
	[tilespmem:s11+$0x260] =	vst v2;
	s11 =	sadd.s32 s1, s12  }
0x350: {  	[hbm4b:s11+s3] =	stream.linear.scatter [tilespmem:s13], [sflag:$0x1], $0x100, $0x38;
	[tilespmem:$0x1F400] =	vst v63  }
0x351: {  	s20 =	simm.s32 $0x15400;
	s13 =	sadd.s32 $0x80, s11  }
0x352: {  	[hbm4b:s13+s3] =	stream.linear.scatter [tilespmem:s20], [sflag:$0x1], $0x100, $0x38;
	[tilespmem:$0x1F400] =	vst v63  }
0x353: {  	s13 =	sadd.s32 $0x100, s11;
	s20 =	simm.s32 $0x15800  }
0x354: {  	[hbm4b:s13+s3] =	stream.linear.scatter [tilespmem:s20], [sflag:$0x1], $0x100, $0x38;
	[tilespmem:$0x1F400] =	vst v63  }
0x355: {  	s13 =	sadd.s32 $0x180, s11;
	s20 =	simm.s32 $0x15C00  }
0x356: {  	[hbm4b:s13+s3] =	stream.linear.scatter [tilespmem:s20], [sflag:$0x1], $0x100, $0x38;
	[tilespmem:$0x1F400] =	vst v63  }
0x357: {  	s13 =	sadd.s32 $0x200, s11;
	s20 =	simm.s32 $0x16000  }
0x358: {  	[hbm4b:s13+s3] =	stream.linear.scatter [tilespmem:s20], [sflag:$0x1], $0x100, $0x38;
	[tilespmem:$0x1F400] =	vst v63  }
0x359: {  	s13 =	sadd.s32 $0x280, s11;
	s20 =	simm.s32 $0x16400  }
0x35a: {  	[hbm4b:s13+s3] =	stream.linear.scatter [tilespmem:s20], [sflag:$0x1], $0x100, $0x38;
	[tilespmem:$0x1F400] =	vst v63  }
0x35b: {  	s13 =	sadd.s32 $0x300, s11;
	s20 =	simm.s32 $0x16800  }
0x35c: {  	[hbm4b:s13+s3] =	stream.linear.scatter [tilespmem:s20], [sflag:$0x1], $0x100, $0x38;
	[tilespmem:$0x1F400] =	vst v63  }
0x35d: {  	s11 =	sadd.s32 $0x380, s11;
	s20 =	simm.s32 $0x16C00  }
0x35e: {  	[hbm4b:s11+s3] =	stream.linear.scatter [tilespmem:s20], [sflag:$0x1], $0x100, $0x38;
	[tilespmem:$0x1F400] =	vst v63  }
0x35f: {  	s11 =	sadd.s32 s12, s14;
	s20 =	simm.s32 $0x15100  }
0x360: {  	[hbm4b:s11+s3] =	stream.linear.scatter [tilespmem:s20], [sflag:$0x1], $0x100, $0x38;
	[tilespmem:$0x1F400] =	vst v63  }
0x361: {  	s13 =	sadd.s32 $0x80, s11;
	s20 =	simm.s32 $0x15500  }
0x362: {  	[hbm4b:s13+s3] =	stream.linear.scatter [tilespmem:s20], [sflag:$0x1], $0x100, $0x38;
	[tilespmem:$0x1F400] =	vst v63  }
0x363: {  	s13 =	sadd.s32 $0x100, s11;
	s20 =	simm.s32 $0x15900  }
0x364: {  	[hbm4b:s13+s3] =	stream.linear.scatter [tilespmem:s20], [sflag:$0x1], $0x100, $0x38;
	[tilespmem:$0x1F400] =	vst v63  }
0x365: {  	s13 =	sadd.s32 $0x180, s11;
	s20 =	simm.s32 $0x15D00  }
0x366: {  	[hbm4b:s13+s3] =	stream.linear.scatter [tilespmem:s20], [sflag:$0x1], $0x100, $0x38;
	[tilespmem:$0x1F400] =	vst v63  }
0x367: {  	s13 =	sadd.s32 $0x200, s11;
	s20 =	simm.s32 $0x16100  }
0x368: {  	[hbm4b:s13+s3] =	stream.linear.scatter [tilespmem:s20], [sflag:$0x1], $0x100, $0x38;
	[tilespmem:$0x1F400] =	vst v63  }
0x369: {  	s13 =	sadd.s32 $0x280, s11;
	s20 =	simm.s32 $0x16500  }
0x36a: {  	[hbm4b:s13+s3] =	stream.linear.scatter [tilespmem:s20], [sflag:$0x1], $0x100, $0x38;
	[tilespmem:$0x1F400] =	vst v63  }
0x36b: {  	s13 =	sadd.s32 $0x300, s11;
	s20 =	simm.s32 $0x16900  }
0x36c: {  	[hbm4b:s13+s3] =	stream.linear.scatter [tilespmem:s20], [sflag:$0x1], $0x100, $0x38;
	[tilespmem:$0x1F400] =	vst v63  }
0x36d: {  	s11 =	sadd.s32 $0x380, s11;
	s20 =	simm.s32 $0x16D00  }
0x36e: {  	[hbm4b:s11+s3] =	stream.linear.scatter [tilespmem:s20], [sflag:$0x1], $0x100, $0x38;
	[tilespmem:$0x1F400] =	vst v63  }
0x36f: {  	s11 =	sadd.s32 s12, s15;
	s20 =	simm.s32 $0x15200  }
0x370: {  	[hbm4b:s11+s3] =	stream.linear.scatter [tilespmem:s20], [sflag:$0x1], $0x100, $0x38;
	[tilespmem:$0x1F400] =	vst v63  }
0x371: {  	s13 =	sadd.s32 $0x80, s11;
	s20 =	simm.s32 $0x15600  }
0x372: {  	[hbm4b:s13+s3] =	stream.linear.scatter [tilespmem:s20], [sflag:$0x1], $0x100, $0x38;
	[tilespmem:$0x1F400] =	vst v63  }
0x373: {  	s13 =	sadd.s32 $0x100, s11;
	s20 =	simm.s32 $0x15A00  }
0x374: {  	[hbm4b:s13+s3] =	stream.linear.scatter [tilespmem:s20], [sflag:$0x1], $0x100, $0x38;
	[tilespmem:$0x1F400] =	vst v63  }
0x375: {  	s13 =	sadd.s32 $0x180, s11;
	s20 =	simm.s32 $0x15E00  }
0x376: {  	[hbm4b:s13+s3] =	stream.linear.scatter [tilespmem:s20], [sflag:$0x1], $0x100, $0x38;
	[tilespmem:$0x1F400] =	vst v63  }
0x377: {  	s13 =	sadd.s32 $0x200, s11;
	s20 =	simm.s32 $0x16200  }
0x378: {  	[hbm4b:s13+s3] =	stream.linear.scatter [tilespmem:s20], [sflag:$0x1], $0x100, $0x38;
	[tilespmem:$0x1F400] =	vst v63  }
0x379: {  	s13 =	sadd.s32 $0x280, s11;
	s20 =	simm.s32 $0x16600  }
0x37a: {  	[hbm4b:s13+s3] =	stream.linear.scatter [tilespmem:s20], [sflag:$0x1], $0x100, $0x38;
	[tilespmem:$0x1F400] =	vst v63  }
0x37b: {  	s13 =	sadd.s32 $0x300, s11;
	s20 =	simm.s32 $0x16A00  }
0x37c: {  	[hbm4b:s13+s3] =	stream.linear.scatter [tilespmem:s20], [sflag:$0x1], $0x100, $0x38;
	[tilespmem:$0x1F400] =	vst v63  }
0x37d: {  	s11 =	sadd.s32 $0x380, s11;
	s20 =	simm.s32 $0x16E00  }
0x37e: {  	[hbm4b:s11+s3] =	stream.linear.scatter [tilespmem:s20], [sflag:$0x1], $0x100, $0x38;
	[tilespmem:$0x1F400] =	vst v63  }
0x37f: {  	s11 =	sadd.s32 s12, s16;
	s20 =	simm.s32 $0x15300  }
0x380: {  	[hbm4b:s11+s3] =	stream.linear.scatter [tilespmem:s20], [sflag:$0x1], $0x100, $0x38;
	[tilespmem:$0x1F400] =	vst v63  }
0x381: {  	s13 =	sadd.s32 $0x80, s11;
	s20 =	simm.s32 $0x15700  }
0x382: {  	[hbm4b:s13+s3] =	stream.linear.scatter [tilespmem:s20], [sflag:$0x1], $0x100, $0x38;
	[tilespmem:$0x1F400] =	vst v63  }
0x383: {  	s13 =	sadd.s32 $0x100, s11;
	s20 =	simm.s32 $0x15B00  }
0x384: {  	[hbm4b:s13+s3] =	stream.linear.scatter [tilespmem:s20], [sflag:$0x1], $0x100, $0x38;
	[tilespmem:$0x1F400] =	vst v63  }
0x385: {  	s13 =	sadd.s32 $0x180, s11;
	s20 =	simm.s32 $0x15F00  }
0x386: {  	[hbm4b:s13+s3] =	stream.linear.scatter [tilespmem:s20], [sflag:$0x1], $0x100, $0x38;
	[tilespmem:$0x1F400] =	vst v63  }
0x387: {  	s13 =	sadd.s32 $0x200, s11;
	s20 =	simm.s32 $0x16300  }
0x388: {  	[hbm4b:s13+s3] =	stream.linear.scatter [tilespmem:s20], [sflag:$0x1], $0x100, $0x38;
	[tilespmem:$0x1F400] =	vst v63  }
0x389: {  	s13 =	sadd.s32 $0x280, s11;
	s20 =	simm.s32 $0x16700  }
0x38a: {  	[hbm4b:s13+s3] =	stream.linear.scatter [tilespmem:s20], [sflag:$0x1], $0x100, $0x38;
	[tilespmem:$0x1F400] =	vst v63  }
0x38b: {  	s13 =	sadd.s32 $0x300, s11;
	s20 =	simm.s32 $0x16B00  }
0x38c: {  	[hbm4b:s13+s3] =	stream.linear.scatter [tilespmem:s20], [sflag:$0x1], $0x100, $0x38;
	[tilespmem:$0x1F400] =	vst v63  }
0x38d: {  	s11 =	sadd.s32 $0x380, s11;
	s20 =	simm.s32 $0x16F00  }
0x38e: {  	[hbm4b:s11+s3] =	stream.linear.scatter [tilespmem:s20], [sflag:$0x1], $0x100, $0x38;
	[tilespmem:$0x1F400] =	vst v63  }
0x38f: {  	s11 =	sadd.s32 s12, s17;
	s20 =	simm.s32 $0x17000  }
0x390: {  	[hbm4b:s11+s3] =	stream.linear.scatter [tilespmem:s20], [sflag:$0x1], $0x100, $0x38;
	[tilespmem:$0x1F400] =	vst v63  }
0x391: {  	s13 =	sadd.s32 $0x80, s11;
	s20 =	simm.s32 $0x17400  }
0x392: {  	[hbm4b:s13+s3] =	stream.linear.scatter [tilespmem:s20], [sflag:$0x1], $0x100, $0x38;
	[tilespmem:$0x1F400] =	vst v63  }
0x393: {  	s13 =	sadd.s32 $0x100, s11;
	s20 =	simm.s32 $0x17800  }
0x394: {  	[hbm4b:s13+s3] =	stream.linear.scatter [tilespmem:s20], [sflag:$0x1], $0x100, $0x38;
	[tilespmem:$0x1F400] =	vst v63  }
0x395: {  	s13 =	sadd.s32 $0x180, s11;
	s20 =	simm.s32 $0x17C00  }
0x396: {  	[hbm4b:s13+s3] =	stream.linear.scatter [tilespmem:s20], [sflag:$0x1], $0x100, $0x38;
	[tilespmem:$0x1F400] =	vst v63  }
0x397: {  	s13 =	sadd.s32 $0x200, s11;
	s20 =	simm.s32 $0x18000  }
0x398: {  	[hbm4b:s13+s3] =	stream.linear.scatter [tilespmem:s20], [sflag:$0x1], $0x100, $0x38;
	[tilespmem:$0x1F400] =	vst v63  }
0x399: {  	s13 =	sadd.s32 $0x280, s11;
	s20 =	simm.s32 $0x18400  }
0x39a: {  	[hbm4b:s13+s3] =	stream.linear.scatter [tilespmem:s20], [sflag:$0x1], $0x100, $0x38;
	[tilespmem:$0x1F400] =	vst v63  }
0x39b: {  	s13 =	sadd.s32 $0x300, s11;
	s20 =	simm.s32 $0x18800  }
0x39c: {  	[hbm4b:s13+s3] =	stream.linear.scatter [tilespmem:s20], [sflag:$0x1], $0x100, $0x38;
	[tilespmem:$0x1F400] =	vst v63  }
0x39d: {  	s11 =	sadd.s32 $0x380, s11;
	s20 =	simm.s32 $0x18C00  }
0x39e: {  	[hbm4b:s11+s3] =	stream.linear.scatter [tilespmem:s20], [sflag:$0x1], $0x100, $0x38;
	[tilespmem:$0x1F400] =	vst v63  }
0x39f: {  	s11 =	sadd.s32 s12, s18;
	s20 =	simm.s32 $0x17100  }
0x3a0: {  	[hbm4b:s11+s3] =	stream.linear.scatter [tilespmem:s20], [sflag:$0x1], $0x100, $0x38;
	[tilespmem:$0x1F400] =	vst v63  }
0x3a1: {  	s13 =	sadd.s32 $0x80, s11;
	s20 =	simm.s32 $0x17500  }
0x3a2: {  	[hbm4b:s13+s3] =	stream.linear.scatter [tilespmem:s20], [sflag:$0x1], $0x100, $0x38;
	[tilespmem:$0x1F400] =	vst v63  }
0x3a3: {  	s13 =	sadd.s32 $0x100, s11;
	s20 =	simm.s32 $0x17900  }
0x3a4: {  	[hbm4b:s13+s3] =	stream.linear.scatter [tilespmem:s20], [sflag:$0x1], $0x100, $0x38;
	[tilespmem:$0x1F400] =	vst v63  }
0x3a5: {  	s13 =	sadd.s32 $0x180, s11;
	s20 =	simm.s32 $0x17D00  }
0x3a6: {  	[hbm4b:s13+s3] =	stream.linear.scatter [tilespmem:s20], [sflag:$0x1], $0x100, $0x38;
	[tilespmem:$0x1F400] =	vst v63  }
0x3a7: {  	s13 =	sadd.s32 $0x200, s11;
	s20 =	simm.s32 $0x18100  }
0x3a8: {  	[hbm4b:s13+s3] =	stream.linear.scatter [tilespmem:s20], [sflag:$0x1], $0x100, $0x38;
	[tilespmem:$0x1F400] =	vst v63  }
0x3a9: {  	s13 =	sadd.s32 $0x280, s11;
	s20 =	simm.s32 $0x18500  }
0x3aa: {  	[hbm4b:s13+s3] =	stream.linear.scatter [tilespmem:s20], [sflag:$0x1], $0x100, $0x38;
	[tilespmem:$0x1F400] =	vst v63  }
0x3ab: {  	s13 =	sadd.s32 $0x300, s11;
	s20 =	simm.s32 $0x18900  }
0x3ac: {  	[hbm4b:s13+s3] =	stream.linear.scatter [tilespmem:s20], [sflag:$0x1], $0x100, $0x38;
	[tilespmem:$0x1F400] =	vst v63  }
0x3ad: {  	s11 =	sadd.s32 $0x380, s11;
	s20 =	simm.s32 $0x18D00  }
0x3ae: {  	[hbm4b:s11+s3] =	stream.linear.scatter [tilespmem:s20], [sflag:$0x1], $0x100, $0x38;
	[tilespmem:$0x1F400] =	vst v63  }
0x3af: {  	s11 =	sadd.s32 s12, s19;
	s20 =	simm.s32 $0x17200  }
0x3b0: {  	[hbm4b:s11+s3] =	stream.linear.scatter [tilespmem:s20], [sflag:$0x1], $0x100, $0x38;
	[tilespmem:$0x1F400] =	vst v63  }
0x3b1: {  	s13 =	sadd.s32 $0x80, s11;
	s20 =	simm.s32 $0x17600  }
0x3b2: {  	[hbm4b:s13+s3] =	stream.linear.scatter [tilespmem:s20], [sflag:$0x1], $0x100, $0x38;
	[tilespmem:$0x1F400] =	vst v63  }
0x3b3: {  	s13 =	sadd.s32 $0x100, s11;
	s20 =	simm.s32 $0x17A00  }
0x3b4: {  	[hbm4b:s13+s3] =	stream.linear.scatter [tilespmem:s20], [sflag:$0x1], $0x100, $0x38;
	[tilespmem:$0x1F400] =	vst v63  }
0x3b5: {  	s13 =	sadd.s32 $0x180, s11;
	s20 =	simm.s32 $0x17E00  }
0x3b6: {  	[hbm4b:s13+s3] =	stream.linear.scatter [tilespmem:s20], [sflag:$0x1], $0x100, $0x38;
	[tilespmem:$0x1F400] =	vst v63  }
0x3b7: {  	s13 =	sadd.s32 $0x200, s11;
	s20 =	simm.s32 $0x18200  }
0x3b8: {  	[hbm4b:s13+s3] =	stream.linear.scatter [tilespmem:s20], [sflag:$0x1], $0x100, $0x38;
	[tilespmem:$0x1F400] =	vst v63  }
0x3b9: {  	s13 =	sadd.s32 $0x280, s11;
	s20 =	simm.s32 $0x18600  }
0x3ba: {  	[hbm4b:s13+s3] =	stream.linear.scatter [tilespmem:s20], [sflag:$0x1], $0x100, $0x38;
	[tilespmem:$0x1F400] =	vst v63  }
0x3bb: {  	s13 =	sadd.s32 $0x300, s11;
	s20 =	simm.s32 $0x18A00  }
0x3bc: {  	[hbm4b:s13+s3] =	stream.linear.scatter [tilespmem:s20], [sflag:$0x1], $0x100, $0x38;
	[tilespmem:$0x1F400] =	vst v63  }
0x3bd: {  	s12 =	simm.s32 @!p0 $0x2;
	s11 =	sadd.s32 $0x380, s11;
	s20 =	simm.s32 $0x18E00  }
0x3be: {  	[hbm4b:s11+s3] =	stream.linear.scatter [tilespmem:s20], [sflag:$0x1], $0x100, $0x38;
	[tilespmem:$0x1F400] =	vst v63  }
0x3bf: {  	_ =	swait.ge @!p0 [sflag:s12], $0x800  }
0x3c0: {  	[sflag:s12] =	ssyncset.done @!p0 $0x0  }
0x3c1: {  	[sflag:s12] =	ssyncadd.s32 @!p0 $0xFFFFF800  }
0x3c2: {  	_ =	swait.ge @!p0 [sflag:s12], $0x800  }
0x3c3: {  	[sflag:s12] =	ssyncset.done @!p0 $0x0  }
0x3c4: {  	[sflag:s12] =	ssyncadd.s32 @!p0 $0xFFFFF800  }
0x3c5: {  	_ =	swait.ge @!p0 [sflag:s12], $0x800  }
0x3c6: {  	[sflag:s12] =	ssyncset.done @!p0 $0x0  }
0x3c7: {  	[sflag:s12] =	ssyncadd.s32 @!p0 $0xFFFFF800  }
0x3c8: {  	_ =	swait.ge @!p0 [sflag:s12], $0x800  }
0x3c9: {  	[sflag:s12] =	ssyncset.done @!p0 $0x0  }
0x3ca: {  	[sflag:s12] =	ssyncadd.s32 @!p0 $0xFFFFF800  }
0x3cb: {  	_ =	swait.ge @!p0 [sflag:s12], $0x800  }
0x3cc: {  	[sflag:s12] =	ssyncset.done @!p0 $0x0  }
0x3cd: {  	[sflag:s12] =	ssyncadd.s32 @!p0 $0xFFFFF800  }
0x3ce: {  	s11 =	sor.u32 $0x2, s9;
	_ =	swait.ge @!p0 [sflag:s12], $0x800  }
0x3cf: {  	v3 =	vmov s11;
	[sflag:s12] =	ssyncset.done @!p0 $0x0  }
0x3d0: {  	[sflag:s12] =	ssyncadd.s32 @!p0 $0xFFFFF800  }
0x3d1: {  	v7 =	vor.u32 $0x80, v3;
	_ =	swait.ge @!p0 [sflag:s12], $0x800  }
0x3d2: {  	v2 =	vor.u32 $0x100, v3;
	[sflag:s12] =	ssyncset.done @!p0 $0x0  }
0x3d3: {  	v4 =	vor.u32 $0x180, v3;
	[sflag:s12] =	ssyncadd.s32 @!p0 $0xFFFFF800  }
0x3d4: {  	v5 =	vor.u32 $0x200, v3;
	v6 =	vld.idx.msk [tilespmem:v3+s31+$0x0], $0xffff  }
0x3d5: {  	v9 =	vor.u32 $0x280, v3  }
0x3d6: {  	v8 =	vld.idx.msk [tilespmem:v7+s31+$0x0], $0xffff  }
0x3d7: {  	v13 =	vor.u32 $0x300, v3;
	v11 =	vld.idx.msk [tilespmem:v2+s31+$0x0], $0xffff  }
0x3d8: {  	v21 =	vlaneseq.u32;
	v12 =	vld.idx.msk [tilespmem:v4+s31+$0x0], $0xffff  }
0x3d9: {  	v22 =	vadd.s32 $0x70, v21;
	v10 =	vld.idx.msk [tilespmem:v5+s31+$0x0], $0xffff;
	v18 =	vadd.s32 v6, v21  }
0x3da: {  	v14 =	vadd.s32 $0x60, v21;
	v4 =	vld.idx.msk [tilespmem:v9+s31+$0x0], $0xffff;
	v19 =	vadd.s32 v6, v22  }
0x3db: {  	v16 =	vld.idx.msk [tilespmem:v3+s0+$0x0], $0xffff;
	v3 =	vadd.s32 $0x20, v21;
	v23 =	vadd.s32 v6, v14  }
0x3dc: {  	v2 =	vld.idx.msk [tilespmem:v13+s31+$0x0], $0xffff;
	v5 =	vadd.s32 $0x50, v21;
	v25 =	vadd.s32 v6, v3  }
0x3dd: {  	v17 =	vld.idx.msk [tilespmem:v7+s0+$0x0], $0xffff;
	v15 =	vadd.s32 $0x400, v6;
	v37 =	vadd.s32 v6, v5  }
0x3de: {  	v9 =	vadd.s32 v15, v22;
	v24 =	vld.idx.msk [tilespmem:v18+s3+$0x0], $0xffff  }
0x3df: {  	v7 =	vadd.s32 $0x40, v21;
	v20 =	vadd.s32 v15, v5;
	v28 =	vld.idx.msk [tilespmem:v19+s3+$0x0], $0xffff  }
0x3e0: {  	v27 =	vadd.s32 v15, v7;
	v23 =	vld.idx.msk [tilespmem:v23+s3+$0x0], $0xffff  }
0x3e1: {  	v13 =	vadd.s32 $0x30, v21;
	v18 =	vadd.s32 v15, v3;
	v25 =	vld.idx.msk [tilespmem:v25+s3+$0x0], $0xffff  }
0x3e2: {  	v30 =	vadd.s32 v15, v13;
	v37 =	vld.idx.msk [tilespmem:v37+s3+$0x0], $0xffff  }
0x3e3: {  	v55 =	vadd.s32 v15, v14;
	v26 =	vld.idx.msk [tilespmem:v9+s3+$0x0], $0xffff  }
0x3e4: {  	v19 =	vadd.s32 v6, v13;
	v20 =	vld.idx.msk [tilespmem:v20+s3+$0x0], $0xffff;
	v9 =	vadd.s32 $0x10, v21  }
0x3e5: {  	v27 =	vld.idx.msk [tilespmem:v27+s3+$0x0], $0xffff;
	v56 =	vadd.s32 v6, v9  }
0x3e6: {  	v36 =	vadd.s32 v15, v9;
	v31 =	vld.idx.msk [tilespmem:v18+s3+$0x0], $0xffff  }
0x3e7: {  	v29 =	vadd.s32 v15, v21;
	v30 =	vld.idx.msk [tilespmem:v30+s3+$0x0], $0xffff;
	v18 =	vsub.f32 $1.000000000e+00, v16  }
0x3e8: {  	v57 =	vadd.s32 v6, v7;
	v39 =	vadd.s32 v8, v3;
	v41 =	vadd.s32 v8, v22;
	v32 =	vld.idx.msk [tilespmem:v55+s3+$0x0], $0xffff  }
0x3e9: {  	v60 =	vadd.s32 v8, v14;
	v58 =	vld.idx.msk [tilespmem:v19+s3+$0x0], $0xffff;
	v26 =	vmul.f32 v26, v16;
	v28 =	vmul.f32 v28, v18  }
0x3ea: {  	v61 =	vadd.s32 v8, v7;
	v19 =	vadd.s32 $0x400, v8;
	v25 =	vmul.f32 v25, v18;
	v33 =	vld.idx.msk [tilespmem:v56+s3+$0x0], $0xffff  }
0x3eb: {  	v36 =	vld.idx.msk [tilespmem:v36+s3+$0x0], $0xffff;
	v26 =	vadd.f32 v26, v28;
	v28 =	vadd.s32 v19, v22;
	v31 =	vmul.f32 v31, v16  }
0x3ec: {  	v29 =	vld.idx.msk [tilespmem:v29+s3+$0x0], $0xffff;
	v38 =	vadd.s32 v8, v9;
	v40 =	vmul.f32 v20, v16;
	v20 =	vadd.s32 v8, v13  }
0x3ed: {  	s12 =	simm.s32 $0x19000;
	v27 =	vmul.f32 v27, v16;
	v59 =	vadd.s32 v19, v3;
	v25 =	vadd.f32 v31, v25;
	v31 =	vld.idx.msk [tilespmem:v57+s3+$0x0], $0xffff  }
0x3ee: {  	v42 =	vadd.s32 v19, v14;
	v23 =	vmul.f32 v23, v18;
	[tilespmem:s12+$0xFFFFE370] =	vst v26;
	v26 =	vmul.f32 v32, v16  }
0x3ef: {  	v35 =	vmul.f32 v58, v18;
	v62 =	vld.idx.msk [tilespmem:v41+s3+$0x0], $0xffff;
	[tilespmem:s12+$0xFFFFE320] =	vst v25;
	v25 =	vmul.f32 v30, v16  }
0x3f0: {  	v43 =	vmul.f32 v33, v18;
	v36 =	vmul.f32 v36, v16;
	v23 =	vadd.f32 v26, v23;
	v28 =	vld.idx.msk [tilespmem:v28+s3+$0x0], $0xffff  }
0x3f1: {  	v29 =	vmul.f32 v29, v16;
	v24 =	vmul.f32 v24, v18;
	v30 =	vld.idx.msk [tilespmem:v39+s3+$0x0], $0xffff;
	v25 =	vadd.f32 v25, v35  }
0x3f2: {  	v32 =	vadd.f32 v36, v43;
	v34 =	vld.idx.msk [tilespmem:v59+s3+$0x0], $0xffff;
	[tilespmem:s12+$0xFFFFE360] =	vst v23;
	v26 =	vmul.f32 v31, v18  }
0x3f3: {  	v24 =	vadd.f32 v29, v24;
	v29 =	vld.idx.msk [tilespmem:v60+s3+$0x0], $0xffff;
	[tilespmem:s12+$0xFFFFE330] =	vst v25;
	v25 =	vadd.s32 v19, v7  }
0x3f4: {  	v44 =	vld.idx.msk [tilespmem:v42+s3+$0x0], $0xffff;
	[tilespmem:s12+$0xFFFFE310] =	vst v32;
	v31 =	vadd.s32 v8, v21;
	v26 =	vadd.f32 v27, v26  }
0x3f5: {  	v23 =	vmul.f32 v37, v18;
	v32 =	vld.idx.msk [tilespmem:v38+s3+$0x0], $0xffff;
	v27 =	vadd.s32 v19, v21  }
0x3f6: {  	v46 =	vadd.s32 v19, v13;
	v63 =	vld.idx.msk [tilespmem:v20+s3+$0x0], $0xffff;
	[tilespmem:s12+$0xFFFFE340] =	vst v26  }
0x3f7: {  	v45 =	vadd.s32 v8, v5;
	[tilespmem:s12+$0xFFFFE300] =	vst v24;
	v23 =	vadd.f32 v40, v23;
	v20 =	vsub.f32 $1.000000000e+00, v17;
	v24 =	vld.idx.msk [tilespmem:v61+s3+$0x0], $0xffff  }
0x3f8: {  	v47 =	vadd.s32 v19, v9;
	v26 =	vadd.s32 v19, v5;
	v25 =	vld.idx.msk [tilespmem:v25+s3+$0x0], $0xffff  }
0x3f9: {  	[tilespmem:s12+$0xFFFFE350] =	vst v23;
	v23 =	vmul.f32 v28, v17;
	v35 =	vmul.f32 v62, v20;
	v31 =	vld.idx.msk [tilespmem:v31+s3+$0x0], $0xffff  }
0x3fa: {  	v28 =	vadd.s32 v11, v22;
	v34 =	vmul.f32 v34, v17;
	v30 =	vmul.f32 v30, v20;
	v27 =	vld.idx.msk [tilespmem:v27+s3+$0x0], $0xffff  }
0x3fb: {  	v48 =	vadd.s32 v11, v3;
	v50 =	vadd.s32 v11, v14;
	v36 =	vld.idx.msk [tilespmem:v46+s3+$0x0], $0xffff;
	v23 =	vadd.f32 v23, v35  }
0x3fc: {  	v49 =	vld.idx.msk [tilespmem:v45+s3+$0x0], $0xffff;
	v29 =	vmul.f32 v29, v20;
	v33 =	vmul.f32 v44, v17;
	v30 =	vadd.f32 v34, v30  }
0x3fd: {  	[tilespmem:s12+$0x70] =	vst v23;
	v26 =	vld.idx.msk [tilespmem:v26+s3+$0x0], $0xffff;
	v24 =	vmul.f32 v24, v20;
	v25 =	vmul.f32 v25, v17  }
0x3fe: {  	v51 =	vadd.s32 v11, v21;
	v29 =	vadd.f32 v33, v29;
	v34 =	vld.idx.msk [tilespmem:v47+s3+$0x0], $0xffff;
	[tilespmem:s12+$0x20] =	vst v30  }
0x3ff: {  	v31 =	vmul.f32 v31, v20;
	v23 =	vmul.f32 v27, v17;
	v24 =	vadd.f32 v25, v24;
	v25 =	vld.idx.msk [tilespmem:v28+s3+$0x0], $0xffff  }
0x400: {  	v52 =	vadd.s32 v11, v5;
	v53 =	vadd.s32 v11, v13;
	v27 =	vadd.s32 v11, v7;
	v28 =	vld.idx.msk [tilespmem:v48+s3+$0x0], $0xffff  }
0x401: {  	[tilespmem:s12+$0x60] =	vst v29;
	v29 =	vadd.s32 v12, v22;
	v30 =	vmul.f32 v63, v20;
	v23 =	vadd.f32 v23, v31  }
0x402: {  	v55 =	vadd.s32 v11, v9;
	[tilespmem:s12+$0x40] =	vst v24;
	v24 =	vmul.f32 v26, v17;
	v26 =	vmul.f32 v49, v20  }
0x403: {  	v54 =	vmul.f32 v34, v17;
	v31 =	vld.idx.msk [tilespmem:v50+s3+$0x0], $0xffff;
	[tilespmem:s12+$0x0] =	vst v23;
	v23 =	vmul.f32 v36, v17  }
0x404: {  	v33 =	vld.idx.msk [tilespmem:v51+s3+$0x0], $0xffff;
	v24 =	vadd.f32 v24, v26;
	v26 =	vmul.f32 v32, v20;
	[tilespmem:s12+$0x170] =	vst v25  }
0x405: {  	v25 =	vld.idx.msk [tilespmem:v27+s3+$0x0], $0xffff;
	v23 =	vadd.f32 v23, v30;
	v27 =	vadd.s32 v12, v21;
	[tilespmem:s12+$0x120] =	vst v28  }
0x406: {  	v28 =	vadd.s32 v12, v7;
	[tilespmem:s12+$0x50] =	vst v24;
	v24 =	vadd.f32 v54, v26;
	v26 =	vld.idx.msk [tilespmem:v29+s3+$0x0], $0xffff  }
0x407: {  	v29 =	vld.idx.msk [tilespmem:v52+s3+$0x0], $0xffff;
	[tilespmem:s12+$0x30] =	vst v23;
	v23 =	vadd.s32 v12, v14  }
0x408: {  	v57 =	vadd.s32 v10, v22;
	[tilespmem:s12+$0x10] =	vst v24;
	v24 =	vld.idx.msk [tilespmem:v53+s3+$0x0], $0xffff  }
0x409: {  	v30 =	vadd.s32 v12, v5;
	[tilespmem:s12+$0x100] =	vst v33;
	v56 =	vld.idx.msk [tilespmem:v55+s3+$0x0], $0xffff  }
0x40a: {  	v58 =	vadd.s32 v12, v13;
	v27 =	vld.idx.msk [tilespmem:v27+s3+$0x0], $0xffff;
	[tilespmem:s12+$0x140] =	vst v25  }
0x40b: {  	[tilespmem:s12+$0x160] =	vst v31;
	v25 =	vadd.s32 v12, v9;
	v28 =	vld.idx.msk [tilespmem:v28+s3+$0x0], $0xffff  }
0x40c: {  	v31 =	vadd.s32 v10, v21;
	[tilespmem:s12+$0x270] =	vst v26;
	v23 =	vld.idx.msk [tilespmem:v23+s3+$0x0], $0xffff  }
0x40d: {  	v59 =	vadd.s32 v10, v7;
	[tilespmem:s12+$0x150] =	vst v29;
	v60 =	vld.idx.msk [tilespmem:v57+s3+$0x0], $0xffff  }
0x40e: {  	v30 =	vld.idx.msk [tilespmem:v30+s3+$0x0], $0xffff;
	[tilespmem:s12+$0x130] =	vst v24;
	v24 =	vadd.s32 v10, v14  }
0x40f: {  	v62 =	vadd.s32 v10, v5;
	[tilespmem:s12+$0x110] =	vst v56;
	v61 =	vld.idx.msk [tilespmem:v58+s3+$0x0], $0xffff  }
0x410: {  	[tilespmem:s12+$0x200] =	vst v27;
	v27 =	vld.idx.msk [tilespmem:v25+s3+$0x0], $0xffff;
	v25 =	vadd.s32 v12, v3  }
0x411: {  	v63 =	vadd.s32 v10, v13;
	v29 =	vld.idx.msk [tilespmem:v31+s3+$0x0], $0xffff;
	[tilespmem:s12+$0x240] =	vst v28  }
0x412: {  	v34 =	vadd.s32 v4, v22;
	v26 =	vld.idx.msk [tilespmem:v59+s3+$0x0], $0xffff;
	[tilespmem:s12+$0x260] =	vst v23  }
0x413: {  	v33 =	vadd.s32 v4, v21;
	[tilespmem:s12+$0x250] =	vst v30;
	v23 =	vld.idx.msk [tilespmem:v24+s3+$0x0], $0xffff  }
0x414: {  	v31 =	vadd.s32 v4, v7;
	[tilespmem:s12+$0x370] =	vst v60;
	v28 =	vld.idx.msk [tilespmem:v62+s3+$0x0], $0xffff  }
0x415: {  	v35 =	vadd.s32 v4, v5;
	v24 =	vadd.s32 v2, v21;
	[tilespmem:s12+$0x230] =	vst v61;
	v30 =	vld.idx.msk [tilespmem:v25+s3+$0x0], $0xffff  }
0x416: {  	s13 =	simm.s32 $0x0;
	s20 =	simm.s32 $0x19000;
	v21 =	vadd.s32 $0x80, v21;
	v25 =	vadd.s32 v2, v22;
	[tilespmem:s12+$0x210] =	vst v27;
	v27 =	vadd.s32 v10, v3;
	v32 =	vld.idx.msk [tilespmem:v63+s3+$0x0], $0xffff  }
.LBB2_34:
0x417: {  	v36 =	vadd.s32 v6, v21;
	v37 =	vadd.s32 $0x40, v21;
	v22 =	vadd.s32 $0x70, v21;
	s13 =	sadd.s32 $0x8, s13;
	[tilespmem:s12+$0x300] =	vst v29;
	v29 =	vld.idx.msk [tilespmem:v34+s3+$0x0], $0xffff;
	s20 =	sadd.s32 $0x400, s20  }
0x418: {  	v34 =	vadd.s32 $0x10, v21;
	v39 =	vadd.s32 $0x50, v21;
	v38 =	vadd.s32 v15, v37;
	p0 =	slt.u32 s13, $0x38;
	v33 =	vld.idx.msk [tilespmem:v33+s3+$0x0], $0xffff;
	[tilespmem:s12+$0x340] =	vst v26  }
0x419: {  	v26 =	vadd.s32 v6, v34;
	v40 =	vadd.s32 v15, v39;
	v41 =	vadd.s32 v6, v22;
	v31 =	vld.idx.msk [tilespmem:v31+s3+$0x0], $0xffff  }
0x41a: {  	v43 =	vadd.s32 $0x20, v21;
	v42 =	vadd.s32 v15, v34;
	v44 =	vadd.s32 v15, v22;
	[tilespmem:s12+$0x350] =	vst v28  }
0x41b: {  	v28 =	vadd.s32 v6, v43;
	[tilespmem:s12+$0x220] =	vst v30;
	v30 =	vadd.s32 v4, v13;
	v35 =	vld.idx.msk [tilespmem:v35+s3+$0x0], $0xffff  }
0x41c: {  	v46 =	vadd.s32 $0x30, v21;
	v45 =	vadd.s32 v15, v43;
	v36 =	vld.idx.msk [tilespmem:v36+s3+$0x0], $0xffff;
	[tilespmem:s12+$0x330] =	vst v32  }
0x41d: {  	v47 =	vadd.s32 v2, v5;
	v5 =	vmov v39;
	v32 =	vadd.s32 v6, v46;
	v27 =	vld.idx.msk [tilespmem:v27+s3+$0x0], $0xffff;
	[tilespmem:s12+$0x2070] =	vst v29  }
0x41e: {  	v29 =	vadd.s32 v15, v46;
	[tilespmem:s12+$0x2000] =	vst v33;
	v33 =	vadd.s32 v2, v7;
	v25 =	vld.idx.msk [tilespmem:v25+s3+$0x0], $0xffff;
	v7 =	vmov v37  }
0x41f: {  	v39 =	vadd.s32 v4, v3;
	v37 =	vadd.s32 v6, v7;
	v24 =	vld.idx.msk [tilespmem:v24+s3+$0x0], $0xffff;
	[tilespmem:s12+$0x2040] =	vst v31  }
0x420: {  	v30 =	vld.idx.msk [tilespmem:v30+s3+$0x0], $0xffff  }
0x421: {  	v31 =	vadd.s32 $0x60, v21;
	v44 =	vld.idx.msk [tilespmem:v44+s3+$0x0], $0xffff;
	[tilespmem:s12+$0x2050] =	vst v35  }
0x422: {  	v35 =	vadd.s32 v6, v31;
	v47 =	vld.idx.msk [tilespmem:v47+s3+$0x0], $0xffff  }
0x423: {  	v48 =	vadd.s32 v6, v5;
	[tilespmem:s12+$0x320] =	vst v27;
	v27 =	vld.idx.msk [tilespmem:v33+s3+$0x0], $0xffff  }
0x424: {  	v33 =	vadd.s32 v15, v31;
	v39 =	vld.idx.msk [tilespmem:v39+s3+$0x0], $0xffff;
	[tilespmem:s12+$0x360] =	vst v23  }
0x425: {  	v49 =	vadd.s32 v15, v21;
	v41 =	vld.idx.msk [tilespmem:v41+s3+$0x0], $0xffff;
	[tilespmem:s12+$0x2100] =	vst v24  }
0x426: {  	v24 =	vld.idx.msk [tilespmem:v40+s3+$0x0], $0xffff;
	[tilespmem:s12+$0x2030] =	vst v30  }
0x427: {  	v23 =	vadd.s32 v8, v34;
	v30 =	vld.idx.msk [tilespmem:v35+s3+$0x0], $0xffff;
	v35 =	vadd.s32 v10, v9;
	[tilespmem:s12+$0x2170] =	vst v25  }
0x428: {  	v25 =	vadd.s32 v8, v43;
	v38 =	vld.idx.msk [tilespmem:v38+s3+$0x0], $0xffff;
	[tilespmem:s12+$0x2150] =	vst v47  }
0x429: {  	v40 =	vld.idx.msk [tilespmem:v45+s3+$0x0], $0xffff;
	[tilespmem:s12+$0x2140] =	vst v27  }
0x42a: {  	v27 =	vld.idx.msk [tilespmem:v32+s3+$0x0], $0xffff;
	v32 =	vadd.s32 v8, v46;
	[tilespmem:s12+$0x2020] =	vst v39  }
0x42b: {  	v39 =	vld.idx.msk [tilespmem:v49+s3+$0x0], $0xffff  }
0x42c: {  	v35 =	vld.idx.msk [tilespmem:v35+s3+$0x0], $0xffff  }
0x42d: {  	v28 =	vld.idx.msk [tilespmem:v28+s3+$0x0], $0xffff  }
0x42e: {  	v45 =	vadd.s32 v4, v9;
	v24 =	vmul.f32 v24, v16;
	v29 =	vld.idx.msk [tilespmem:v29+s3+$0x0], $0xffff  }
0x42f: {  	v47 =	vadd.s32 v4, v14;
	v26 =	vld.idx.msk [tilespmem:v26+s3+$0x0], $0xffff  }
0x430: {  	v50 =	vadd.s32 v2, v3;
	v3 =	vmovc v43;
	v49 =	vadd.s32 v2, v9;
	v9 =	vmov v34;
	v48 =	vld.idx.msk [tilespmem:v48+s3+$0x0], $0xffff  }
0x431: {  	v43 =	vadd.s32 v2, v13;
	v34 =	vmul.f32 v40, v16;
	v40 =	vmul.f32 v44, v16;
	v33 =	vld.idx.msk [tilespmem:v33+s3+$0x0], $0xffff  }
0x432: {  	v13 =	vmov v46;
	v38 =	vmul.f32 v38, v16;
	v42 =	vld.idx.msk [tilespmem:v42+s3+$0x0], $0xffff;
	[tilespmem:s12+$0x310] =	vst v35;
	v35 =	vadd.s32 v2, v14  }
0x433: {  	v44 =	vadd.s32 v8, v21;
	v14 =	vmul.f32 v28, v18;
	v28 =	vmul.f32 v41, v18;
	v41 =	vld.idx.msk [tilespmem:v45+s3+$0x0], $0xffff  }
0x434: {  	v46 =	vadd.s32 v8, v22;
	v30 =	vmul.f32 v30, v18;
	v45 =	vadd.s32 v8, v7;
	v47 =	vld.idx.msk [tilespmem:v47+s3+$0x0], $0xffff  }
0x435: {  	v27 =	vmul.f32 v27, v18;
	v52 =	vadd.f32 v34, v14;
	v28 =	vadd.f32 v40, v28;
	v34 =	vld.idx.msk [tilespmem:v37+s3+$0x0], $0xffff  }
0x436: {  	v36 =	vmul.f32 v36, v18;
	v40 =	vadd.s32 v19, v22;
	v37 =	vadd.s32 v19, v3;
	v43 =	vld.idx.msk [tilespmem:v43+s3+$0x0], $0xffff  }
0x437: {  	v51 =	vadd.s32 v19, v31;
	v29 =	vmul.f32 v29, v16;
	v14 =	vmov v31;
	[tilespmem:s20+$0xFFFFE320] =	vst v52;
	v50 =	vld.idx.msk [tilespmem:v50+s3+$0x0], $0xffff  }
0x438: {  	v26 =	vmul.f32 v26, v18;
	v31 =	vmul.f32 v48, v18;
	v25 =	vld.idx.msk [tilespmem:v25+s3+$0x0], $0xffff;
	[tilespmem:s20+$0xFFFFE370] =	vst v28  }
0x439: {  	v27 =	vadd.f32 v29, v27;
	v28 =	vmul.f32 v33, v16;
	v29 =	vld.idx.msk [tilespmem:v46+s3+$0x0], $0xffff;
	[tilespmem:s12+$0x2010] =	vst v41  }
0x43a: {  	v24 =	vadd.f32 v24, v31;
	v31 =	vadd.s32 v8, v14;
	v33 =	vld.idx.msk [tilespmem:v49+s3+$0x0], $0xffff;
	[tilespmem:s12+$0x2060] =	vst v47  }
0x43b: {  	v39 =	vmul.f32 v39, v16;
	v37 =	vld.idx.msk [tilespmem:v37+s3+$0x0], $0xffff;
	[tilespmem:s20+$0xFFFFE330] =	vst v27;
	v27 =	vadd.f32 v28, v30  }
0x43c: {  	v28 =	vmul.f32 v42, v16;
	v30 =	vmul.f32 v34, v18;
	[tilespmem:s12+$0x2130] =	vst v43;
	v34 =	vld.idx.msk [tilespmem:v35+s3+$0x0], $0xffff  }
0x43d: {  	v35 =	vadd.f32 v39, v36;
	v36 =	vadd.s32 v19, v7;
	v39 =	vld.idx.msk [tilespmem:v40+s3+$0x0], $0xffff;
	[tilespmem:s12+$0x2120] =	vst v50  }
0x43e: {  	v26 =	vadd.f32 v28, v26;
	v30 =	vadd.f32 v38, v30;
	v28 =	vld.idx.msk [tilespmem:v32+s3+$0x0], $0xffff;
	[tilespmem:s20+$0xFFFFE360] =	vst v27  }
0x43f: {  	v27 =	vadd.s32 v19, v21;
	[tilespmem:s20+$0xFFFFE300] =	vst v35;
	v31 =	vld.idx.msk [tilespmem:v31+s3+$0x0], $0xffff  }
0x440: {  	[tilespmem:s20+$0xFFFFE340] =	vst v30;
	v30 =	vadd.s32 v19, v5;
	v32 =	vld.idx.msk [tilespmem:v51+s3+$0x0], $0xffff  }
0x441: {  	v25 =	vmul.f32 v25, v20;
	v35 =	vmul.f32 v37, v17;
	v37 =	vld.idx.msk [tilespmem:v45+s3+$0x0], $0xffff;
	[tilespmem:s12+$0x2110] =	vst v33  }
0x442: {  	v29 =	vmul.f32 v29, v20;
	v33 =	vld.idx.msk [tilespmem:v36+s3+$0x0], $0xffff;
	v36 =	vadd.s32 v8, v5;
	[tilespmem:s12+$0x2160] =	vst v34;
	s12 =	smov.u32 s20  }
0x443: {  	v25 =	vadd.f32 v35, v25;
	v35 =	vadd.s32 v19, v13;
	v38 =	vmul.f32 v39, v17;
	v34 =	vld.idx.msk [tilespmem:v44+s3+$0x0], $0xffff  }
0x444: {  	v40 =	vadd.s32 v11, v7;
	v39 =	vadd.s32 v19, v9;
	v27 =	vld.idx.msk [tilespmem:v27+s3+$0x0], $0xffff;
	[tilespmem:s20+$0xFFFFE350] =	vst v24  }
0x445: {  	[tilespmem:s20+$0xFFFFE310] =	vst v26;
	v24 =	vld.idx.msk [tilespmem:v30+s3+$0x0], $0xffff;
	v26 =	vadd.f32 v38, v29;
	v29 =	vadd.s32 v11, v22  }
0x446: {  	v31 =	vmul.f32 v31, v20;
	v30 =	vadd.s32 v11, v3;
	v32 =	vmul.f32 v32, v17;
	v23 =	vld.idx.msk [tilespmem:v23+s3+$0x0], $0xffff  }
0x447: {  	[tilespmem:s20+$0x20] =	vst v25;
	v25 =	vmul.f32 v37, v20;
	v36 =	vld.idx.msk [tilespmem:v36+s3+$0x0], $0xffff;
	v37 =	vadd.s32 v11, v14  }
0x448: {  	v28 =	vmul.f32 v28, v20;
	v33 =	vmul.f32 v33, v17;
	v31 =	vadd.f32 v32, v31;
	v35 =	vld.idx.msk [tilespmem:v35+s3+$0x0], $0xffff  }
0x449: {  	v32 =	vmul.f32 v34, v20;
	v34 =	vadd.s32 v11, v21;
	v38 =	vld.idx.msk [tilespmem:v39+s3+$0x0], $0xffff;
	[tilespmem:s20+$0x70] =	vst v26  }
0x44a: {  	v26 =	vmul.f32 v27, v17;
	v25 =	vadd.f32 v33, v25;
	[tilespmem:s20+$0x60] =	vst v31;
	v27 =	vld.idx.msk [tilespmem:v29+s3+$0x0], $0xffff  }
0x44b: {  	v29 =	vld.idx.msk [tilespmem:v30+s3+$0x0], $0xffff;
	v30 =	vadd.s32 v12, v22  }
0x44c: {  	v24 =	vmul.f32 v24, v17;
	v26 =	vadd.f32 v26, v32;
	[tilespmem:s20+$0x40] =	vst v25;
	v25 =	vld.idx.msk [tilespmem:v37+s3+$0x0], $0xffff  }
0x44d: {  	v33 =	vadd.s32 v11, v5;
	v32 =	vmul.f32 v36, v20;
	v31 =	vld.idx.msk [tilespmem:v40+s3+$0x0], $0xffff  }
0x44e: {  	[tilespmem:s20+$0x0] =	vst v26;
	v26 =	vmul.f32 v35, v17;
	v35 =	vadd.s32 v11, v13  }
0x44f: {  	v23 =	vmul.f32 v23, v20;
	v36 =	vmul.f32 v38, v17;
	v24 =	vadd.f32 v24, v32;
	v34 =	vld.idx.msk [tilespmem:v34+s3+$0x0], $0xffff  }
0x450: {  	v32 =	vadd.s32 v11, v9;
	v26 =	vadd.f32 v26, v28;
	[tilespmem:s20+$0x170] =	vst v27  }
0x451: {  	v27 =	vadd.s32 v12, v21;
	v23 =	vadd.f32 v36, v23;
	[tilespmem:s20+$0x50] =	vst v24;
	v24 =	vld.idx.msk [tilespmem:v30+s3+$0x0], $0xffff  }
0x452: {  	v28 =	vadd.s32 v12, v7;
	[tilespmem:s20+$0x120] =	vst v29;
	v29 =	vld.idx.msk [tilespmem:v33+s3+$0x0], $0xffff  }
0x453: {  	[tilespmem:s20+$0x30] =	vst v26;
	v26 =	vadd.s32 v12, v14  }
0x454: {  	v30 =	vadd.s32 v12, v5;
	[tilespmem:s20+$0x10] =	vst v23;
	v23 =	vld.idx.msk [tilespmem:v35+s3+$0x0], $0xffff  }
0x455: {  	v33 =	vadd.s32 v10, v22;
	[tilespmem:s20+$0x100] =	vst v34;
	v32 =	vld.idx.msk [tilespmem:v32+s3+$0x0], $0xffff  }
0x456: {  	v34 =	vadd.s32 v12, v13;
	v27 =	vld.idx.msk [tilespmem:v27+s3+$0x0], $0xffff;
	[tilespmem:s20+$0x140] =	vst v31  }
0x457: {  	v31 =	vadd.s32 v12, v9;
	v28 =	vld.idx.msk [tilespmem:v28+s3+$0x0], $0xffff;
	[tilespmem:s20+$0x160] =	vst v25  }
0x458: {  	v25 =	vadd.s32 v10, v21;
	[tilespmem:s20+$0x150] =	vst v29;
	v35 =	vld.idx.msk [tilespmem:v26+s3+$0x0], $0xffff  }
0x459: {  	v26 =	vadd.s32 v10, v7;
	v30 =	vld.idx.msk [tilespmem:v30+s3+$0x0], $0xffff;
	[tilespmem:s20+$0x270] =	vst v24  }
0x45a: {  	[tilespmem:s20+$0x130] =	vst v23;
	v23 =	vadd.s32 v10, v14;
	v24 =	vld.idx.msk [tilespmem:v33+s3+$0x0], $0xffff  }
0x45b: {  	v36 =	vadd.s32 v10, v5;
	[tilespmem:s20+$0x110] =	vst v32;
	v32 =	vld.idx.msk [tilespmem:v34+s3+$0x0], $0xffff  }
0x45c: {  	v37 =	vadd.s32 v12, v3;
	[tilespmem:s20+$0x200] =	vst v27;
	v27 =	vld.idx.msk [tilespmem:v31+s3+$0x0], $0xffff  }
0x45d: {  	v38 =	vadd.s32 v10, v13;
	v29 =	vld.idx.msk [tilespmem:v25+s3+$0x0], $0xffff;
	[tilespmem:s20+$0x240] =	vst v28  }
.Ltmp16:
0x45e: {  	v34 =	vadd.s32 v4, v22;
	v26 =	vld.idx.msk [tilespmem:v26+s3+$0x0], $0xffff;
	[tilespmem:s20+$0x260] =	vst v35;
	(pc) =	sbr.rel @p0 .LBB2_34-.Ltmp16, $4  }
0x45f: {  	v33 =	vadd.s32 v4, v21;
	[tilespmem:s20+$0x250] =	vst v30;
	v23 =	vld.idx.msk [tilespmem:v23+s3+$0x0], $0xffff  }
0x460: {  	v31 =	vadd.s32 v4, v7;
	v28 =	vld.idx.msk [tilespmem:v36+s3+$0x0], $0xffff;
	[tilespmem:s20+$0x370] =	vst v24  }
0x461: {  	v25 =	vadd.s32 v2, v22;
	v24 =	vadd.s32 v2, v21;
	v30 =	vld.idx.msk [tilespmem:v37+s3+$0x0], $0xffff;
	[tilespmem:s20+$0x230] =	vst v32  }
0x462: {  	v35 =	vadd.s32 v4, v5;
	v21 =	vadd.s32 $0x80, v21;
	[tilespmem:s20+$0x210] =	vst v27;
	v27 =	vadd.s32 v10, v3;
	v32 =	vld.idx.msk [tilespmem:v38+s3+$0x0], $0xffff  }
0x463: {  	_ =	sdelay $0x3  }
0x464: {  	[tilespmem:s12+$0x300] =	vst v29;
	v6 =	vld.idx.msk [tilespmem:v34+s3+$0x0], $0xffff;
	v8 =	vadd.s32 v10, v9  }
0x465: {  	[tilespmem:s12+$0x340] =	vst v26;
	v10 =	vld.idx.msk [tilespmem:v33+s3+$0x0], $0xffff  }
0x466: {  	v12 =	vadd.s32 v4, v13;
	v11 =	vld.idx.msk [tilespmem:v31+s3+$0x0], $0xffff;
	[tilespmem:s12+$0x350] =	vst v28  }
0x467: {  	[tilespmem:s12+$0x220] =	vst v30  }
0x468: {  	[tilespmem:s12+$0x330] =	vst v32;
	v16 =	vld.idx.msk [tilespmem:v27+s3+$0x0], $0xffff  }
0x469: {  	[tilespmem:s12+$0x2070] =	vst v6;
	v6 =	vadd.s32 v4, v3;
	v8 =	vld.idx.msk [tilespmem:v8+s3+$0x0], $0xffff  }
0x46a: {  	v15 =	vld.idx.msk [tilespmem:v35+s3+$0x0], $0xffff;
	[tilespmem:s12+$0x2000] =	vst v10;
	v10 =	vadd.s32 v4, v9  }
0x46b: {  	[tilespmem:s12+$0x2040] =	vst v11;
	v4 =	vadd.s32 v4, v14;
	v11 =	vld.idx.msk [tilespmem:v12+s3+$0x0], $0xffff  }
0x46c: {  	v7 =	vadd.s32 v2, v7;
	[tilespmem:s12+$0x360] =	vst v23;
	v12 =	vld.idx.msk [tilespmem:v25+s3+$0x0], $0xffff  }
0x46d: {  	v5 =	vadd.s32 v2, v5;
	v17 =	vld.idx.msk [tilespmem:v24+s3+$0x0], $0xffff;
	[tilespmem:s12+$0x320] =	vst v16  }
0x46e: {  	v13 =	vadd.s32 v2, v13;
	v6 =	vld.idx.msk [tilespmem:v6+s3+$0x0], $0xffff;
	[tilespmem:s12+$0x310] =	vst v8  }
0x46f: {  	v3 =	vadd.s32 v2, v3;
	[tilespmem:s12+$0x2050] =	vst v15;
	v8 =	vld.idx.msk [tilespmem:v10+s3+$0x0], $0xffff  }
0x470: {  	v9 =	vadd.s32 v2, v9;
	v4 =	vld.idx.msk [tilespmem:v4+s3+$0x0], $0xffff;
	[tilespmem:s12+$0x2030] =	vst v11  }
0x471: {  	v2 =	vadd.s32 v2, v14;
	v7 =	vld.idx.msk [tilespmem:v7+s3+$0x0], $0xffff;
	[tilespmem:s12+$0x2170] =	vst v12  }
0x472: {  	v5 =	vld.idx.msk [tilespmem:v5+s3+$0x0], $0xffff;
	[tilespmem:s12+$0x2100] =	vst v17  }
0x473: {  	[tilespmem:s12+$0x2020] =	vst v6;
	v6 =	vld.idx.msk [tilespmem:v13+s3+$0x0], $0xffff  }
0x474: {  	v3 =	vld.idx.msk [tilespmem:v3+s3+$0x0], $0xffff;
	[tilespmem:s12+$0x2010] =	vst v8  }
0x475: {  	[tilespmem:s12+$0x2060] =	vst v4;
	v8 =	vld.idx.msk [tilespmem:v9+s3+$0x0], $0xffff  }
0x476: {  	s9 =	sor.u32 $0x3, s9;
	[tilespmem:s12+$0x2140] =	vst v7;
	v2 =	vld.idx.msk [tilespmem:v2+s3+$0x0], $0xffff  }
0x477: {  	v7 =	vmov s9;
	[tilespmem:s12+$0x2150] =	vst v5  }
0x478: {  	[tilespmem:s12+$0x2130] =	vst v6  }
0x479: {  	v4 =	vor.u32 $0x100, v7;
	[tilespmem:s12+$0x2120] =	vst v3  }
0x47a: {  	v5 =	vor.u32 $0x200, v7;
	[tilespmem:s12+$0x2110] =	vst v8  }
0x47b: {  	v9 =	vor.u32 $0x280, v7;
	[tilespmem:s12+$0x2160] =	vst v2  }
0x47c: {  	v6 =	vld.idx.msk [tilespmem:v7+s31+$0x0], $0xffff  }
0x47d: {  	v3 =	vor.u32 $0x80, v7  }
0x47e: {  	v11 =	vld.idx.msk [tilespmem:v4+s31+$0x0], $0xffff  }
0x47f: {  	v2 =	vor.u32 $0x180, v7;
	v10 =	vld.idx.msk [tilespmem:v5+s31+$0x0], $0xffff  }
0x480: {  	v21 =	vlaneseq.u32;
	v13 =	vor.u32 $0x300, v7;
	v4 =	vld.idx.msk [tilespmem:v9+s31+$0x0], $0xffff  }
0x481: {  	v22 =	vadd.s32 $0x70, v21;
	v16 =	vld.idx.msk [tilespmem:v7+s0+$0x0], $0xffff;
	v18 =	vadd.s32 v6, v21  }
0x482: {  	v14 =	vadd.s32 $0x60, v21;
	v8 =	vld.idx.msk [tilespmem:v3+s31+$0x0], $0xffff;
	v19 =	vadd.s32 v6, v22  }
0x483: {  	v17 =	vld.idx.msk [tilespmem:v3+s0+$0x0], $0xffff;
	v3 =	vadd.s32 $0x20, v21;
	v23 =	vadd.s32 v6, v14  }
0x484: {  	v5 =	vadd.s32 $0x50, v21;
	v12 =	vld.idx.msk [tilespmem:v2+s31+$0x0], $0xffff;
	v25 =	vadd.s32 v6, v3  }
0x485: {  	v2 =	vld.idx.msk [tilespmem:v13+s31+$0x0], $0xffff;
	v15 =	vadd.s32 $0x400, v6;
	v37 =	vadd.s32 v6, v5  }
0x486: {  	v9 =	vadd.s32 v15, v22;
	v24 =	vld.idx.msk [tilespmem:v18+s3+$0x0], $0xffff  }
0x487: {  	v7 =	vadd.s32 $0x40, v21;
	v20 =	vadd.s32 v15, v5;
	v28 =	vld.idx.msk [tilespmem:v19+s3+$0x0], $0xffff  }
0x488: {  	v27 =	vadd.s32 v15, v7;
	v23 =	vld.idx.msk [tilespmem:v23+s3+$0x0], $0xffff  }
0x489: {  	v13 =	vadd.s32 $0x30, v21;
	v18 =	vadd.s32 v15, v3;
	v25 =	vld.idx.msk [tilespmem:v25+s3+$0x0], $0xffff  }
0x48a: {  	v30 =	vadd.s32 v15, v13;
	v37 =	vld.idx.msk [tilespmem:v37+s3+$0x0], $0xffff  }
0x48b: {  	v55 =	vadd.s32 v15, v14;
	v26 =	vld.idx.msk [tilespmem:v9+s3+$0x0], $0xffff  }
0x48c: {  	v19 =	vadd.s32 v6, v13;
	v20 =	vld.idx.msk [tilespmem:v20+s3+$0x0], $0xffff;
	v9 =	vadd.s32 $0x10, v21  }
0x48d: {  	v27 =	vld.idx.msk [tilespmem:v27+s3+$0x0], $0xffff;
	v56 =	vadd.s32 v6, v9  }
0x48e: {  	v36 =	vadd.s32 v15, v9;
	v31 =	vld.idx.msk [tilespmem:v18+s3+$0x0], $0xffff  }
0x48f: {  	v29 =	vadd.s32 v15, v21;
	v30 =	vld.idx.msk [tilespmem:v30+s3+$0x0], $0xffff;
	v18 =	vsub.f32 $1.000000000e+00, v16  }
0x490: {  	v57 =	vadd.s32 v6, v7;
	v39 =	vadd.s32 v8, v3;
	v41 =	vadd.s32 v8, v22;
	v32 =	vld.idx.msk [tilespmem:v55+s3+$0x0], $0xffff  }
0x491: {  	v60 =	vadd.s32 v8, v14;
	v58 =	vld.idx.msk [tilespmem:v19+s3+$0x0], $0xffff;
	v26 =	vmul.f32 v26, v16;
	v28 =	vmul.f32 v28, v18  }
0x492: {  	v61 =	vadd.s32 v8, v7;
	v19 =	vadd.s32 $0x400, v8;
	v25 =	vmul.f32 v25, v18;
	v33 =	vld.idx.msk [tilespmem:v56+s3+$0x0], $0xffff  }
0x493: {  	v36 =	vld.idx.msk [tilespmem:v36+s3+$0x0], $0xffff;
	v26 =	vadd.f32 v26, v28;
	v28 =	vadd.s32 v19, v22;
	v31 =	vmul.f32 v31, v16  }
0x494: {  	v29 =	vld.idx.msk [tilespmem:v29+s3+$0x0], $0xffff;
	v38 =	vadd.s32 v8, v9;
	v40 =	vmul.f32 v20, v16;
	v20 =	vadd.s32 v8, v13  }
0x495: {  	s9 =	simm.s32 $0x19080;
	v27 =	vmul.f32 v27, v16;
	v59 =	vadd.s32 v19, v3;
	v25 =	vadd.f32 v31, v25;
	v31 =	vld.idx.msk [tilespmem:v57+s3+$0x0], $0xffff  }
0x496: {  	v42 =	vadd.s32 v19, v14;
	v23 =	vmul.f32 v23, v18;
	[tilespmem:s9+$0xFFFFE370] =	vst v26;
	v26 =	vmul.f32 v32, v16  }
0x497: {  	v35 =	vmul.f32 v58, v18;
	v62 =	vld.idx.msk [tilespmem:v41+s3+$0x0], $0xffff;
	[tilespmem:s9+$0xFFFFE320] =	vst v25;
	v25 =	vmul.f32 v30, v16  }
0x498: {  	v43 =	vmul.f32 v33, v18;
	v36 =	vmul.f32 v36, v16;
	v23 =	vadd.f32 v26, v23;
	v28 =	vld.idx.msk [tilespmem:v28+s3+$0x0], $0xffff  }
0x499: {  	v29 =	vmul.f32 v29, v16;
	v24 =	vmul.f32 v24, v18;
	v30 =	vld.idx.msk [tilespmem:v39+s3+$0x0], $0xffff;
	v25 =	vadd.f32 v25, v35  }
0x49a: {  	v32 =	vadd.f32 v36, v43;
	v34 =	vld.idx.msk [tilespmem:v59+s3+$0x0], $0xffff;
	[tilespmem:s9+$0xFFFFE360] =	vst v23;
	v26 =	vmul.f32 v31, v18  }
0x49b: {  	v24 =	vadd.f32 v29, v24;
	v29 =	vld.idx.msk [tilespmem:v60+s3+$0x0], $0xffff;
	[tilespmem:s9+$0xFFFFE330] =	vst v25;
	v25 =	vadd.s32 v19, v7  }
0x49c: {  	v44 =	vld.idx.msk [tilespmem:v42+s3+$0x0], $0xffff;
	[tilespmem:s9+$0xFFFFE310] =	vst v32;
	v31 =	vadd.s32 v8, v21;
	v26 =	vadd.f32 v27, v26  }
0x49d: {  	v23 =	vmul.f32 v37, v18;
	v32 =	vld.idx.msk [tilespmem:v38+s3+$0x0], $0xffff;
	v27 =	vadd.s32 v19, v21  }
0x49e: {  	v46 =	vadd.s32 v19, v13;
	v63 =	vld.idx.msk [tilespmem:v20+s3+$0x0], $0xffff;
	[tilespmem:s9+$0xFFFFE340] =	vst v26  }
0x49f: {  	v45 =	vadd.s32 v8, v5;
	[tilespmem:s9+$0xFFFFE300] =	vst v24;
	v23 =	vadd.f32 v40, v23;
	v20 =	vsub.f32 $1.000000000e+00, v17;
	v24 =	vld.idx.msk [tilespmem:v61+s3+$0x0], $0xffff  }
0x4a0: {  	v47 =	vadd.s32 v19, v9;
	v26 =	vadd.s32 v19, v5;
	v25 =	vld.idx.msk [tilespmem:v25+s3+$0x0], $0xffff  }
0x4a1: {  	[tilespmem:s9+$0xFFFFE350] =	vst v23;
	v23 =	vmul.f32 v28, v17;
	v35 =	vmul.f32 v62, v20;
	v31 =	vld.idx.msk [tilespmem:v31+s3+$0x0], $0xffff  }
0x4a2: {  	v28 =	vadd.s32 v11, v22;
	v34 =	vmul.f32 v34, v17;
	v30 =	vmul.f32 v30, v20;
	v27 =	vld.idx.msk [tilespmem:v27+s3+$0x0], $0xffff  }
0x4a3: {  	v48 =	vadd.s32 v11, v3;
	v50 =	vadd.s32 v11, v14;
	v36 =	vld.idx.msk [tilespmem:v46+s3+$0x0], $0xffff;
	v23 =	vadd.f32 v23, v35  }
0x4a4: {  	v49 =	vld.idx.msk [tilespmem:v45+s3+$0x0], $0xffff;
	v29 =	vmul.f32 v29, v20;
	v33 =	vmul.f32 v44, v17;
	v30 =	vadd.f32 v34, v30  }
0x4a5: {  	[tilespmem:s9+$0x70] =	vst v23;
	v26 =	vld.idx.msk [tilespmem:v26+s3+$0x0], $0xffff;
	v24 =	vmul.f32 v24, v20;
	v25 =	vmul.f32 v25, v17  }
0x4a6: {  	v51 =	vadd.s32 v11, v21;
	v29 =	vadd.f32 v33, v29;
	v34 =	vld.idx.msk [tilespmem:v47+s3+$0x0], $0xffff;
	[tilespmem:s9+$0x20] =	vst v30  }
0x4a7: {  	v31 =	vmul.f32 v31, v20;
	v23 =	vmul.f32 v27, v17;
	v24 =	vadd.f32 v25, v24;
	v25 =	vld.idx.msk [tilespmem:v28+s3+$0x0], $0xffff  }
0x4a8: {  	v52 =	vadd.s32 v11, v5;
	v53 =	vadd.s32 v11, v13;
	v27 =	vadd.s32 v11, v7;
	v28 =	vld.idx.msk [tilespmem:v48+s3+$0x0], $0xffff  }
0x4a9: {  	[tilespmem:s9+$0x60] =	vst v29;
	v29 =	vadd.s32 v12, v22;
	v30 =	vmul.f32 v63, v20;
	v23 =	vadd.f32 v23, v31  }
0x4aa: {  	v55 =	vadd.s32 v11, v9;
	[tilespmem:s9+$0x40] =	vst v24;
	v24 =	vmul.f32 v26, v17;
	v26 =	vmul.f32 v49, v20  }
0x4ab: {  	v54 =	vmul.f32 v34, v17;
	v31 =	vld.idx.msk [tilespmem:v50+s3+$0x0], $0xffff;
	[tilespmem:s9+$0x0] =	vst v23;
	v23 =	vmul.f32 v36, v17  }
0x4ac: {  	v33 =	vld.idx.msk [tilespmem:v51+s3+$0x0], $0xffff;
	v24 =	vadd.f32 v24, v26;
	v26 =	vmul.f32 v32, v20;
	[tilespmem:s9+$0x170] =	vst v25  }
0x4ad: {  	v25 =	vld.idx.msk [tilespmem:v27+s3+$0x0], $0xffff;
	v23 =	vadd.f32 v23, v30;
	v27 =	vadd.s32 v12, v21;
	[tilespmem:s9+$0x120] =	vst v28  }
0x4ae: {  	v28 =	vadd.s32 v12, v7;
	[tilespmem:s9+$0x50] =	vst v24;
	v24 =	vadd.f32 v54, v26;
	v26 =	vld.idx.msk [tilespmem:v29+s3+$0x0], $0xffff  }
0x4af: {  	v29 =	vld.idx.msk [tilespmem:v52+s3+$0x0], $0xffff;
	[tilespmem:s9+$0x30] =	vst v23;
	v23 =	vadd.s32 v12, v14  }
0x4b0: {  	v57 =	vadd.s32 v10, v22;
	[tilespmem:s9+$0x10] =	vst v24;
	v24 =	vld.idx.msk [tilespmem:v53+s3+$0x0], $0xffff  }
0x4b1: {  	v30 =	vadd.s32 v12, v5;
	[tilespmem:s9+$0x100] =	vst v33;
	v56 =	vld.idx.msk [tilespmem:v55+s3+$0x0], $0xffff  }
0x4b2: {  	v58 =	vadd.s32 v12, v13;
	v27 =	vld.idx.msk [tilespmem:v27+s3+$0x0], $0xffff;
	[tilespmem:s9+$0x140] =	vst v25  }
0x4b3: {  	[tilespmem:s9+$0x160] =	vst v31;
	v25 =	vadd.s32 v12, v9;
	v28 =	vld.idx.msk [tilespmem:v28+s3+$0x0], $0xffff  }
0x4b4: {  	v31 =	vadd.s32 v10, v21;
	[tilespmem:s9+$0x270] =	vst v26;
	v23 =	vld.idx.msk [tilespmem:v23+s3+$0x0], $0xffff  }
0x4b5: {  	v59 =	vadd.s32 v10, v7;
	[tilespmem:s9+$0x150] =	vst v29;
	v60 =	vld.idx.msk [tilespmem:v57+s3+$0x0], $0xffff  }
0x4b6: {  	v30 =	vld.idx.msk [tilespmem:v30+s3+$0x0], $0xffff;
	[tilespmem:s9+$0x130] =	vst v24;
	v24 =	vadd.s32 v10, v14  }
0x4b7: {  	v62 =	vadd.s32 v10, v5;
	[tilespmem:s9+$0x110] =	vst v56;
	v61 =	vld.idx.msk [tilespmem:v58+s3+$0x0], $0xffff  }
0x4b8: {  	[tilespmem:s9+$0x200] =	vst v27;
	v27 =	vld.idx.msk [tilespmem:v25+s3+$0x0], $0xffff;
	v25 =	vadd.s32 v12, v3  }
0x4b9: {  	v63 =	vadd.s32 v10, v13;
	v29 =	vld.idx.msk [tilespmem:v31+s3+$0x0], $0xffff;
	[tilespmem:s9+$0x240] =	vst v28  }
0x4ba: {  	v34 =	vadd.s32 v4, v22;
	v26 =	vld.idx.msk [tilespmem:v59+s3+$0x0], $0xffff;
	[tilespmem:s9+$0x260] =	vst v23  }
0x4bb: {  	v33 =	vadd.s32 v4, v21;
	[tilespmem:s9+$0x250] =	vst v30;
	v23 =	vld.idx.msk [tilespmem:v24+s3+$0x0], $0xffff  }
0x4bc: {  	v31 =	vadd.s32 v4, v7;
	[tilespmem:s9+$0x370] =	vst v60;
	v28 =	vld.idx.msk [tilespmem:v62+s3+$0x0], $0xffff  }
0x4bd: {  	v35 =	vadd.s32 v4, v5;
	v24 =	vadd.s32 v2, v21;
	[tilespmem:s9+$0x230] =	vst v61;
	v30 =	vld.idx.msk [tilespmem:v25+s3+$0x0], $0xffff  }
0x4be: {  	s13 =	simm.s32 $0x19080;
	s12 =	simm.s32 $0x0;
	v21 =	vadd.s32 $0x80, v21;
	v25 =	vadd.s32 v2, v22;
	[tilespmem:s9+$0x210] =	vst v27;
	v27 =	vadd.s32 v10, v3;
	v32 =	vld.idx.msk [tilespmem:v63+s3+$0x0], $0xffff  }
.LBB2_36:
0x4bf: {  	v36 =	vadd.s32 v6, v21;
	v37 =	vadd.s32 $0x40, v21;
	v22 =	vadd.s32 $0x70, v21;
	s12 =	sadd.s32 $0x8, s12;
	[tilespmem:s9+$0x300] =	vst v29;
	v29 =	vld.idx.msk [tilespmem:v34+s3+$0x0], $0xffff;
	s13 =	sadd.s32 $0x400, s13  }
0x4c0: {  	v34 =	vadd.s32 $0x10, v21;
	v39 =	vadd.s32 $0x50, v21;
	v38 =	vadd.s32 v15, v37;
	p0 =	slt.u32 s12, $0x38;
	v33 =	vld.idx.msk [tilespmem:v33+s3+$0x0], $0xffff;
	[tilespmem:s9+$0x340] =	vst v26  }
0x4c1: {  	v26 =	vadd.s32 v6, v34;
	v40 =	vadd.s32 v15, v39;
	v41 =	vadd.s32 v6, v22;
	v31 =	vld.idx.msk [tilespmem:v31+s3+$0x0], $0xffff  }
0x4c2: {  	v43 =	vadd.s32 $0x20, v21;
	v42 =	vadd.s32 v15, v34;
	v44 =	vadd.s32 v15, v22;
	[tilespmem:s9+$0x350] =	vst v28  }
0x4c3: {  	v28 =	vadd.s32 v6, v43;
	[tilespmem:s9+$0x220] =	vst v30;
	v30 =	vadd.s32 v4, v13;
	v35 =	vld.idx.msk [tilespmem:v35+s3+$0x0], $0xffff  }
0x4c4: {  	v46 =	vadd.s32 $0x30, v21;
	v45 =	vadd.s32 v15, v43;
	v36 =	vld.idx.msk [tilespmem:v36+s3+$0x0], $0xffff;
	[tilespmem:s9+$0x330] =	vst v32  }
0x4c5: {  	v47 =	vadd.s32 v2, v5;
	v5 =	vmov v39;
	v32 =	vadd.s32 v6, v46;
	v27 =	vld.idx.msk [tilespmem:v27+s3+$0x0], $0xffff;
	[tilespmem:s9+$0x2070] =	vst v29  }
0x4c6: {  	v29 =	vadd.s32 v15, v46;
	[tilespmem:s9+$0x2000] =	vst v33;
	v33 =	vadd.s32 v2, v7;
	v25 =	vld.idx.msk [tilespmem:v25+s3+$0x0], $0xffff;
	v7 =	vmov v37  }
0x4c7: {  	v39 =	vadd.s32 v4, v3;
	v37 =	vadd.s32 v6, v7;
	v24 =	vld.idx.msk [tilespmem:v24+s3+$0x0], $0xffff;
	[tilespmem:s9+$0x2040] =	vst v31  }
0x4c8: {  	v30 =	vld.idx.msk [tilespmem:v30+s3+$0x0], $0xffff  }
0x4c9: {  	v31 =	vadd.s32 $0x60, v21;
	v44 =	vld.idx.msk [tilespmem:v44+s3+$0x0], $0xffff;
	[tilespmem:s9+$0x2050] =	vst v35  }
0x4ca: {  	v35 =	vadd.s32 v6, v31;
	v47 =	vld.idx.msk [tilespmem:v47+s3+$0x0], $0xffff  }
0x4cb: {  	v48 =	vadd.s32 v6, v5;
	[tilespmem:s9+$0x320] =	vst v27;
	v27 =	vld.idx.msk [tilespmem:v33+s3+$0x0], $0xffff  }
0x4cc: {  	v33 =	vadd.s32 v15, v31;
	v39 =	vld.idx.msk [tilespmem:v39+s3+$0x0], $0xffff;
	[tilespmem:s9+$0x360] =	vst v23  }
0x4cd: {  	v49 =	vadd.s32 v15, v21;
	v41 =	vld.idx.msk [tilespmem:v41+s3+$0x0], $0xffff;
	[tilespmem:s9+$0x2100] =	vst v24  }
0x4ce: {  	v24 =	vld.idx.msk [tilespmem:v40+s3+$0x0], $0xffff;
	[tilespmem:s9+$0x2030] =	vst v30  }
0x4cf: {  	v23 =	vadd.s32 v8, v34;
	v30 =	vld.idx.msk [tilespmem:v35+s3+$0x0], $0xffff;
	v35 =	vadd.s32 v10, v9;
	[tilespmem:s9+$0x2170] =	vst v25  }
0x4d0: {  	v25 =	vadd.s32 v8, v43;
	v38 =	vld.idx.msk [tilespmem:v38+s3+$0x0], $0xffff;
	[tilespmem:s9+$0x2150] =	vst v47  }
0x4d1: {  	v40 =	vld.idx.msk [tilespmem:v45+s3+$0x0], $0xffff;
	[tilespmem:s9+$0x2140] =	vst v27  }
0x4d2: {  	v27 =	vld.idx.msk [tilespmem:v32+s3+$0x0], $0xffff;
	v32 =	vadd.s32 v8, v46;
	[tilespmem:s9+$0x2020] =	vst v39  }
0x4d3: {  	v39 =	vld.idx.msk [tilespmem:v49+s3+$0x0], $0xffff  }
0x4d4: {  	v35 =	vld.idx.msk [tilespmem:v35+s3+$0x0], $0xffff  }
0x4d5: {  	v28 =	vld.idx.msk [tilespmem:v28+s3+$0x0], $0xffff  }
0x4d6: {  	v45 =	vadd.s32 v4, v9;
	v24 =	vmul.f32 v24, v16;
	v29 =	vld.idx.msk [tilespmem:v29+s3+$0x0], $0xffff  }
0x4d7: {  	v47 =	vadd.s32 v4, v14;
	v26 =	vld.idx.msk [tilespmem:v26+s3+$0x0], $0xffff  }
0x4d8: {  	v50 =	vadd.s32 v2, v3;
	v3 =	vmovc v43;
	v49 =	vadd.s32 v2, v9;
	v9 =	vmov v34;
	v48 =	vld.idx.msk [tilespmem:v48+s3+$0x0], $0xffff  }
0x4d9: {  	v43 =	vadd.s32 v2, v13;
	v34 =	vmul.f32 v40, v16;
	v40 =	vmul.f32 v44, v16;
	v33 =	vld.idx.msk [tilespmem:v33+s3+$0x0], $0xffff  }
0x4da: {  	v13 =	vmov v46;
	v38 =	vmul.f32 v38, v16;
	v42 =	vld.idx.msk [tilespmem:v42+s3+$0x0], $0xffff;
	[tilespmem:s9+$0x310] =	vst v35;
	v35 =	vadd.s32 v2, v14  }
0x4db: {  	v44 =	vadd.s32 v8, v21;
	v14 =	vmul.f32 v28, v18;
	v28 =	vmul.f32 v41, v18;
	v41 =	vld.idx.msk [tilespmem:v45+s3+$0x0], $0xffff  }
0x4dc: {  	v46 =	vadd.s32 v8, v22;
	v30 =	vmul.f32 v30, v18;
	v45 =	vadd.s32 v8, v7;
	v47 =	vld.idx.msk [tilespmem:v47+s3+$0x0], $0xffff  }
0x4dd: {  	v27 =	vmul.f32 v27, v18;
	v52 =	vadd.f32 v34, v14;
	v28 =	vadd.f32 v40, v28;
	v34 =	vld.idx.msk [tilespmem:v37+s3+$0x0], $0xffff  }
0x4de: {  	v36 =	vmul.f32 v36, v18;
	v40 =	vadd.s32 v19, v22;
	v37 =	vadd.s32 v19, v3;
	v43 =	vld.idx.msk [tilespmem:v43+s3+$0x0], $0xffff  }
0x4df: {  	v51 =	vadd.s32 v19, v31;
	v29 =	vmul.f32 v29, v16;
	v14 =	vmov v31;
	[tilespmem:s13+$0xFFFFE320] =	vst v52;
	v50 =	vld.idx.msk [tilespmem:v50+s3+$0x0], $0xffff  }
0x4e0: {  	v26 =	vmul.f32 v26, v18;
	v31 =	vmul.f32 v48, v18;
	v25 =	vld.idx.msk [tilespmem:v25+s3+$0x0], $0xffff;
	[tilespmem:s13+$0xFFFFE370] =	vst v28  }
0x4e1: {  	v27 =	vadd.f32 v29, v27;
	v28 =	vmul.f32 v33, v16;
	v29 =	vld.idx.msk [tilespmem:v46+s3+$0x0], $0xffff;
	[tilespmem:s9+$0x2010] =	vst v41  }
0x4e2: {  	v24 =	vadd.f32 v24, v31;
	v31 =	vadd.s32 v8, v14;
	v33 =	vld.idx.msk [tilespmem:v49+s3+$0x0], $0xffff;
	[tilespmem:s9+$0x2060] =	vst v47  }
0x4e3: {  	v39 =	vmul.f32 v39, v16;
	v37 =	vld.idx.msk [tilespmem:v37+s3+$0x0], $0xffff;
	[tilespmem:s13+$0xFFFFE330] =	vst v27;
	v27 =	vadd.f32 v28, v30  }
0x4e4: {  	v28 =	vmul.f32 v42, v16;
	v30 =	vmul.f32 v34, v18;
	[tilespmem:s9+$0x2130] =	vst v43;
	v34 =	vld.idx.msk [tilespmem:v35+s3+$0x0], $0xffff  }
0x4e5: {  	v35 =	vadd.f32 v39, v36;
	v36 =	vadd.s32 v19, v7;
	v39 =	vld.idx.msk [tilespmem:v40+s3+$0x0], $0xffff;
	[tilespmem:s9+$0x2120] =	vst v50  }
0x4e6: {  	v26 =	vadd.f32 v28, v26;
	v30 =	vadd.f32 v38, v30;
	v28 =	vld.idx.msk [tilespmem:v32+s3+$0x0], $0xffff;
	[tilespmem:s13+$0xFFFFE360] =	vst v27  }
0x4e7: {  	v27 =	vadd.s32 v19, v21;
	[tilespmem:s13+$0xFFFFE300] =	vst v35;
	v31 =	vld.idx.msk [tilespmem:v31+s3+$0x0], $0xffff  }
0x4e8: {  	[tilespmem:s13+$0xFFFFE340] =	vst v30;
	v30 =	vadd.s32 v19, v5;
	v32 =	vld.idx.msk [tilespmem:v51+s3+$0x0], $0xffff  }
0x4e9: {  	v25 =	vmul.f32 v25, v20;
	v35 =	vmul.f32 v37, v17;
	v37 =	vld.idx.msk [tilespmem:v45+s3+$0x0], $0xffff;
	[tilespmem:s9+$0x2110] =	vst v33  }
0x4ea: {  	v29 =	vmul.f32 v29, v20;
	v33 =	vld.idx.msk [tilespmem:v36+s3+$0x0], $0xffff;
	v36 =	vadd.s32 v8, v5;
	[tilespmem:s9+$0x2160] =	vst v34;
	s9 =	smov.u32 s13  }
0x4eb: {  	v25 =	vadd.f32 v35, v25;
	v35 =	vadd.s32 v19, v13;
	v38 =	vmul.f32 v39, v17;
	v34 =	vld.idx.msk [tilespmem:v44+s3+$0x0], $0xffff  }
0x4ec: {  	v40 =	vadd.s32 v11, v7;
	v39 =	vadd.s32 v19, v9;
	v27 =	vld.idx.msk [tilespmem:v27+s3+$0x0], $0xffff;
	[tilespmem:s13+$0xFFFFE350] =	vst v24  }
0x4ed: {  	[tilespmem:s13+$0xFFFFE310] =	vst v26;
	v24 =	vld.idx.msk [tilespmem:v30+s3+$0x0], $0xffff;
	v26 =	vadd.f32 v38, v29;
	v29 =	vadd.s32 v11, v22  }
0x4ee: {  	v31 =	vmul.f32 v31, v20;
	v30 =	vadd.s32 v11, v3;
	v32 =	vmul.f32 v32, v17;
	v23 =	vld.idx.msk [tilespmem:v23+s3+$0x0], $0xffff  }
0x4ef: {  	[tilespmem:s13+$0x20] =	vst v25;
	v25 =	vmul.f32 v37, v20;
	v36 =	vld.idx.msk [tilespmem:v36+s3+$0x0], $0xffff;
	v37 =	vadd.s32 v11, v14  }
0x4f0: {  	v28 =	vmul.f32 v28, v20;
	v33 =	vmul.f32 v33, v17;
	v31 =	vadd.f32 v32, v31;
	v35 =	vld.idx.msk [tilespmem:v35+s3+$0x0], $0xffff  }
0x4f1: {  	v32 =	vmul.f32 v34, v20;
	v34 =	vadd.s32 v11, v21;
	v38 =	vld.idx.msk [tilespmem:v39+s3+$0x0], $0xffff;
	[tilespmem:s13+$0x70] =	vst v26  }
0x4f2: {  	v26 =	vmul.f32 v27, v17;
	v25 =	vadd.f32 v33, v25;
	[tilespmem:s13+$0x60] =	vst v31;
	v27 =	vld.idx.msk [tilespmem:v29+s3+$0x0], $0xffff  }
0x4f3: {  	v29 =	vld.idx.msk [tilespmem:v30+s3+$0x0], $0xffff;
	v30 =	vadd.s32 v12, v22  }
0x4f4: {  	v24 =	vmul.f32 v24, v17;
	v26 =	vadd.f32 v26, v32;
	[tilespmem:s13+$0x40] =	vst v25;
	v25 =	vld.idx.msk [tilespmem:v37+s3+$0x0], $0xffff  }
0x4f5: {  	v33 =	vadd.s32 v11, v5;
	v32 =	vmul.f32 v36, v20;
	v31 =	vld.idx.msk [tilespmem:v40+s3+$0x0], $0xffff  }
0x4f6: {  	[tilespmem:s13+$0x0] =	vst v26;
	v26 =	vmul.f32 v35, v17;
	v35 =	vadd.s32 v11, v13  }
0x4f7: {  	v23 =	vmul.f32 v23, v20;
	v36 =	vmul.f32 v38, v17;
	v24 =	vadd.f32 v24, v32;
	v34 =	vld.idx.msk [tilespmem:v34+s3+$0x0], $0xffff  }
0x4f8: {  	v32 =	vadd.s32 v11, v9;
	v26 =	vadd.f32 v26, v28;
	[tilespmem:s13+$0x170] =	vst v27  }
0x4f9: {  	v27 =	vadd.s32 v12, v21;
	v23 =	vadd.f32 v36, v23;
	[tilespmem:s13+$0x50] =	vst v24;
	v24 =	vld.idx.msk [tilespmem:v30+s3+$0x0], $0xffff  }
0x4fa: {  	v28 =	vadd.s32 v12, v7;
	[tilespmem:s13+$0x120] =	vst v29;
	v29 =	vld.idx.msk [tilespmem:v33+s3+$0x0], $0xffff  }
0x4fb: {  	[tilespmem:s13+$0x30] =	vst v26;
	v26 =	vadd.s32 v12, v14  }
0x4fc: {  	v30 =	vadd.s32 v12, v5;
	[tilespmem:s13+$0x10] =	vst v23;
	v23 =	vld.idx.msk [tilespmem:v35+s3+$0x0], $0xffff  }
0x4fd: {  	v33 =	vadd.s32 v10, v22;
	[tilespmem:s13+$0x100] =	vst v34;
	v32 =	vld.idx.msk [tilespmem:v32+s3+$0x0], $0xffff  }
0x4fe: {  	v34 =	vadd.s32 v12, v13;
	v27 =	vld.idx.msk [tilespmem:v27+s3+$0x0], $0xffff;
	[tilespmem:s13+$0x140] =	vst v31  }
0x4ff: {  	v31 =	vadd.s32 v12, v9;
	v28 =	vld.idx.msk [tilespmem:v28+s3+$0x0], $0xffff;
	[tilespmem:s13+$0x160] =	vst v25  }
0x500: {  	v25 =	vadd.s32 v10, v21;
	[tilespmem:s13+$0x150] =	vst v29;
	v35 =	vld.idx.msk [tilespmem:v26+s3+$0x0], $0xffff  }
0x501: {  	v26 =	vadd.s32 v10, v7;
	v30 =	vld.idx.msk [tilespmem:v30+s3+$0x0], $0xffff;
	[tilespmem:s13+$0x270] =	vst v24  }
0x502: {  	[tilespmem:s13+$0x130] =	vst v23;
	v23 =	vadd.s32 v10, v14;
	v24 =	vld.idx.msk [tilespmem:v33+s3+$0x0], $0xffff  }
0x503: {  	v36 =	vadd.s32 v10, v5;
	[tilespmem:s13+$0x110] =	vst v32;
	v32 =	vld.idx.msk [tilespmem:v34+s3+$0x0], $0xffff  }
0x504: {  	v37 =	vadd.s32 v12, v3;
	[tilespmem:s13+$0x200] =	vst v27;
	v27 =	vld.idx.msk [tilespmem:v31+s3+$0x0], $0xffff  }
0x505: {  	v38 =	vadd.s32 v10, v13;
	v29 =	vld.idx.msk [tilespmem:v25+s3+$0x0], $0xffff;
	[tilespmem:s13+$0x240] =	vst v28  }
.Ltmp17:
0x506: {  	v34 =	vadd.s32 v4, v22;
	v26 =	vld.idx.msk [tilespmem:v26+s3+$0x0], $0xffff;
	[tilespmem:s13+$0x260] =	vst v35;
	(pc) =	sbr.rel @p0 .LBB2_36-.Ltmp17, $4  }
0x507: {  	v33 =	vadd.s32 v4, v21;
	[tilespmem:s13+$0x250] =	vst v30;
	v23 =	vld.idx.msk [tilespmem:v23+s3+$0x0], $0xffff  }
0x508: {  	v31 =	vadd.s32 v4, v7;
	v28 =	vld.idx.msk [tilespmem:v36+s3+$0x0], $0xffff;
	[tilespmem:s13+$0x370] =	vst v24  }
0x509: {  	v25 =	vadd.s32 v2, v22;
	v24 =	vadd.s32 v2, v21;
	v30 =	vld.idx.msk [tilespmem:v37+s3+$0x0], $0xffff;
	[tilespmem:s13+$0x230] =	vst v32  }
0x50a: {  	v35 =	vadd.s32 v4, v5;
	v21 =	vadd.s32 $0x80, v21;
	[tilespmem:s13+$0x210] =	vst v27;
	v27 =	vadd.s32 v10, v3;
	v32 =	vld.idx.msk [tilespmem:v38+s3+$0x0], $0xffff  }
0x50b: {  	_ =	sdelay $0x2  }
0x50c: {  	[tilespmem:s9+$0x300] =	vst v29  }
0x50d: {  	v6 =	vld.idx.msk [tilespmem:v34+s3+$0x0], $0xffff;
	v8 =	vadd.s32 v10, v9;
	[tilespmem:s9+$0x340] =	vst v26  }
0x50e: {  	v12 =	vadd.s32 v4, v13;
	v55 =	vld.idx.msk [tilespmem:v33+s3+$0x0], $0xffff;
	[tilespmem:s9+$0x360] =	vst v23  }
0x50f: {  	v58 =	vadd.s32 v4, v14;
	v11 =	vld.idx.msk [tilespmem:v31+s3+$0x0], $0xffff;
	[tilespmem:s9+$0x350] =	vst v28  }
0x510: {  	[tilespmem:s9+$0x220] =	vst v30;
	v15 =	vld.idx.msk [tilespmem:v35+s3+$0x0], $0xffff  }
0x511: {  	[tilespmem:s9+$0x330] =	vst v32;
	v16 =	vld.idx.msk [tilespmem:v27+s3+$0x0], $0xffff  }
0x512: {  	v56 =	vadd.s32 v4, v3;
	[tilespmem:s9+$0x2070] =	vst v6;
	v8 =	vld.idx.msk [tilespmem:v8+s3+$0x0], $0xffff  }
0x513: {  	v57 =	vadd.s32 v4, v9;
	v59 =	vld.idx.msk [tilespmem:v12+s3+$0x0], $0xffff;
	[tilespmem:s9+$0x2000] =	vst v55  }
0x514: {  	v7 =	vadd.s32 v2, v7;
	v4 =	vld.idx.msk [tilespmem:v58+s3+$0x0], $0xffff;
	[tilespmem:s9+$0x2040] =	vst v11  }
0x515: {  	v5 =	vadd.s32 v2, v5;
	v60 =	vld.idx.msk [tilespmem:v25+s3+$0x0], $0xffff;
	[tilespmem:s9+$0x2050] =	vst v15  }
0x516: {  	v61 =	vadd.s32 v2, v13;
	v3 =	vadd.s32 v2, v3;
	v17 =	vld.idx.msk [tilespmem:v24+s3+$0x0], $0xffff;
	[tilespmem:s9+$0x320] =	vst v16  }
0x517: {  	v62 =	vadd.s32 v2, v9;
	v2 =	vadd.s32 v2, v14;
	v6 =	vld.idx.msk [tilespmem:v56+s3+$0x0], $0xffff;
	[tilespmem:s9+$0x310] =	vst v8  }
0x518: {  	[tilespmem:s9+$0x2030] =	vst v59;
	v8 =	vld.idx.msk [tilespmem:v57+s3+$0x0], $0xffff  }
0x519: {  	v7 =	vld.idx.msk [tilespmem:v7+s3+$0x0], $0xffff;
	[tilespmem:s9+$0x2060] =	vst v4  }
0x51a: {  	v5 =	vld.idx.msk [tilespmem:v5+s3+$0x0], $0xffff;
	[tilespmem:s9+$0x2170] =	vst v60  }
0x51b: {  	v63 =	vld.idx.msk [tilespmem:v61+s3+$0x0], $0xffff;
	[tilespmem:s9+$0x2100] =	vst v17  }
0x51c: {  	v2 =	vld.idx.msk [tilespmem:v2+s3+$0x0], $0xffff;
	[tilespmem:s9+$0x2020] =	vst v6  }
0x51d: {  	v3 =	vld.idx.msk [tilespmem:v3+s3+$0x0], $0xffff;
	[tilespmem:s9+$0x2010] =	vst v8  }
0x51e: {  	[tilespmem:s9+$0x2140] =	vst v7;
	v8 =	vld.idx.msk [tilespmem:v62+s3+$0x0], $0xffff  }
0x51f: {  	s11 =	sshll.u32 s11, $0x7;
	[tilespmem:s9+$0x2150] =	vst v5  }
0x520: {  	s11 =	sand.u32 $0x300, s11;
	[tilespmem:s9+$0x2130] =	vst v63  }
0x521: {  	s10 =	sor.u32 s11, s10;
	[tilespmem:s9+$0x2160] =	vst v2  }
0x522: {  	s10 =	sshrl.u32 s10, $0x3;
	[tilespmem:s9+$0x2120] =	vst v3  }
0x523: {  	s13 =	simm.s32 $0x17300;
	[tilespmem:s9+$0x2110] =	vst v8;
	s9 =	sadd.s32 s1, s10  }
0x524: {  	[hbm4b:s9+s3] =	stream.linear.scatter [tilespmem:s13], [sflag:$0x2], $0x100, $0x38;
	[tilespmem:$0x1F400] =	vst v63  }
0x525: {  	s12 =	simm.s32 $0x17700;
	s20 =	sadd.s32 $0x80, s9  }
0x526: {  	[hbm4b:s20+s3] =	stream.linear.scatter [tilespmem:s12], [sflag:$0x2], $0x100, $0x38;
	[tilespmem:$0x1F400] =	vst v63  }
0x527: {  	s13 =	sadd.s32 $0x100, s9;
	s20 =	simm.s32 $0x17B00  }
0x528: {  	[hbm4b:s13+s3] =	stream.linear.scatter [tilespmem:s20], [sflag:$0x2], $0x100, $0x38;
	[tilespmem:$0x1F400] =	vst v63  }
0x529: {  	s13 =	sadd.s32 $0x180, s9;
	s20 =	simm.s32 $0x17F00  }
0x52a: {  	[hbm4b:s13+s3] =	stream.linear.scatter [tilespmem:s20], [sflag:$0x2], $0x100, $0x38;
	[tilespmem:$0x1F400] =	vst v63  }
0x52b: {  	s13 =	sadd.s32 $0x200, s9;
	s20 =	simm.s32 $0x18300  }
0x52c: {  	[hbm4b:s13+s3] =	stream.linear.scatter [tilespmem:s20], [sflag:$0x2], $0x100, $0x38;
	[tilespmem:$0x1F400] =	vst v63  }
0x52d: {  	s13 =	sadd.s32 $0x280, s9;
	s20 =	simm.s32 $0x18700  }
0x52e: {  	[hbm4b:s13+s3] =	stream.linear.scatter [tilespmem:s20], [sflag:$0x2], $0x100, $0x38;
	[tilespmem:$0x1F400] =	vst v63  }
0x52f: {  	s12 =	sadd.s32 $0x300, s9;
	s13 =	simm.s32 $0x18B00  }
0x530: {  	[hbm4b:s12+s3] =	stream.linear.scatter [tilespmem:s13], [sflag:$0x2], $0x100, $0x38;
	[tilespmem:$0x1F400] =	vst v63  }
0x531: {  	s9 =	sadd.s32 $0x380, s9;
	s20 =	simm.s32 $0x18F00  }
0x532: {  	[hbm4b:s9+s3] =	stream.linear.scatter [tilespmem:s20], [sflag:$0x2], $0x100, $0x38;
	[tilespmem:$0x1F400] =	vst v63  }
0x533: {  	s12 =	simm.s32 $0x19000;
	s9 =	sadd.s32 s10, s14  }
0x534: {  	[hbm4b:s9+s3] =	stream.linear.scatter [tilespmem:s12], [sflag:$0x2], $0x100, $0x38;
	[tilespmem:$0x1F400] =	vst v63  }
0x535: {  	s20 =	simm.s32 $0x19400;
	s13 =	sadd.s32 $0x80, s9  }
0x536: {  	[hbm4b:s13+s3] =	stream.linear.scatter [tilespmem:s20], [sflag:$0x2], $0x100, $0x38;
	[tilespmem:$0x1F400] =	vst v63  }
0x537: {  	s13 =	sadd.s32 $0x100, s9;
	s20 =	simm.s32 $0x19800  }
0x538: {  	[hbm4b:s13+s3] =	stream.linear.scatter [tilespmem:s20], [sflag:$0x2], $0x100, $0x38;
	[tilespmem:$0x1F400] =	vst v63  }
0x539: {  	s13 =	sadd.s32 $0x180, s9;
	s20 =	simm.s32 $0x19C00  }
0x53a: {  	[hbm4b:s13+s3] =	stream.linear.scatter [tilespmem:s20], [sflag:$0x2], $0x100, $0x38;
	[tilespmem:$0x1F400] =	vst v63  }
0x53b: {  	s13 =	sadd.s32 $0x200, s9;
	s20 =	simm.s32 $0x1A000  }
0x53c: {  	[hbm4b:s13+s3] =	stream.linear.scatter [tilespmem:s20], [sflag:$0x2], $0x100, $0x38;
	[tilespmem:$0x1F400] =	vst v63  }
0x53d: {  	s13 =	sadd.s32 $0x280, s9;
	s20 =	simm.s32 $0x1A400  }
0x53e: {  	[hbm4b:s13+s3] =	stream.linear.scatter [tilespmem:s20], [sflag:$0x2], $0x100, $0x38;
	[tilespmem:$0x1F400] =	vst v63  }
0x53f: {  	s12 =	sadd.s32 $0x300, s9;
	s13 =	simm.s32 $0x1A800  }
0x540: {  	[hbm4b:s12+s3] =	stream.linear.scatter [tilespmem:s13], [sflag:$0x2], $0x100, $0x38;
	[tilespmem:$0x1F400] =	vst v63  }
0x541: {  	s9 =	sadd.s32 $0x380, s9;
	s20 =	simm.s32 $0x1AC00  }
0x542: {  	[hbm4b:s9+s3] =	stream.linear.scatter [tilespmem:s20], [sflag:$0x2], $0x100, $0x38;
	[tilespmem:$0x1F400] =	vst v63  }
0x543: {  	s12 =	simm.s32 $0x19100;
	s9 =	sadd.s32 s10, s15  }
0x544: {  	[hbm4b:s9+s3] =	stream.linear.scatter [tilespmem:s12], [sflag:$0x2], $0x100, $0x38;
	[tilespmem:$0x1F400] =	vst v63  }
0x545: {  	s20 =	simm.s32 $0x19500;
	s13 =	sadd.s32 $0x80, s9  }
0x546: {  	[hbm4b:s13+s3] =	stream.linear.scatter [tilespmem:s20], [sflag:$0x2], $0x100, $0x38;
	[tilespmem:$0x1F400] =	vst v63  }
0x547: {  	s13 =	sadd.s32 $0x100, s9;
	s20 =	simm.s32 $0x19900  }
0x548: {  	[hbm4b:s13+s3] =	stream.linear.scatter [tilespmem:s20], [sflag:$0x2], $0x100, $0x38;
	[tilespmem:$0x1F400] =	vst v63  }
0x549: {  	s13 =	sadd.s32 $0x180, s9;
	s20 =	simm.s32 $0x19D00  }
0x54a: {  	[hbm4b:s13+s3] =	stream.linear.scatter [tilespmem:s20], [sflag:$0x2], $0x100, $0x38;
	[tilespmem:$0x1F400] =	vst v63  }
0x54b: {  	s13 =	sadd.s32 $0x200, s9;
	s20 =	simm.s32 $0x1A100  }
0x54c: {  	[hbm4b:s13+s3] =	stream.linear.scatter [tilespmem:s20], [sflag:$0x2], $0x100, $0x38;
	[tilespmem:$0x1F400] =	vst v63  }
0x54d: {  	s13 =	sadd.s32 $0x280, s9;
	s20 =	simm.s32 $0x1A500  }
0x54e: {  	[hbm4b:s13+s3] =	stream.linear.scatter [tilespmem:s20], [sflag:$0x2], $0x100, $0x38;
	[tilespmem:$0x1F400] =	vst v63  }
0x54f: {  	s12 =	sadd.s32 $0x300, s9;
	s13 =	simm.s32 $0x1A900  }
0x550: {  	[hbm4b:s12+s3] =	stream.linear.scatter [tilespmem:s13], [sflag:$0x2], $0x100, $0x38;
	[tilespmem:$0x1F400] =	vst v63  }
0x551: {  	s9 =	sadd.s32 $0x380, s9;
	s20 =	simm.s32 $0x1AD00  }
0x552: {  	[hbm4b:s9+s3] =	stream.linear.scatter [tilespmem:s20], [sflag:$0x2], $0x100, $0x38;
	[tilespmem:$0x1F400] =	vst v63  }
0x553: {  	s12 =	simm.s32 $0x19200;
	s9 =	sadd.s32 s10, s16  }
0x554: {  	[hbm4b:s9+s3] =	stream.linear.scatter [tilespmem:s12], [sflag:$0x2], $0x100, $0x38;
	[tilespmem:$0x1F400] =	vst v63  }
0x555: {  	s20 =	simm.s32 $0x19600;
	s13 =	sadd.s32 $0x80, s9  }
0x556: {  	[hbm4b:s13+s3] =	stream.linear.scatter [tilespmem:s20], [sflag:$0x2], $0x100, $0x38;
	[tilespmem:$0x1F400] =	vst v63  }
0x557: {  	s13 =	sadd.s32 $0x100, s9;
	s20 =	simm.s32 $0x19A00  }
0x558: {  	[hbm4b:s13+s3] =	stream.linear.scatter [tilespmem:s20], [sflag:$0x2], $0x100, $0x38;
	[tilespmem:$0x1F400] =	vst v63  }
0x559: {  	s13 =	sadd.s32 $0x180, s9;
	s20 =	simm.s32 $0x19E00  }
0x55a: {  	[hbm4b:s13+s3] =	stream.linear.scatter [tilespmem:s20], [sflag:$0x2], $0x100, $0x38;
	[tilespmem:$0x1F400] =	vst v63  }
0x55b: {  	s13 =	sadd.s32 $0x200, s9;
	s20 =	simm.s32 $0x1A200  }
0x55c: {  	[hbm4b:s13+s3] =	stream.linear.scatter [tilespmem:s20], [sflag:$0x2], $0x100, $0x38;
	[tilespmem:$0x1F400] =	vst v63  }
0x55d: {  	s13 =	sadd.s32 $0x280, s9;
	s20 =	simm.s32 $0x1A600  }
0x55e: {  	[hbm4b:s13+s3] =	stream.linear.scatter [tilespmem:s20], [sflag:$0x2], $0x100, $0x38;
	[tilespmem:$0x1F400] =	vst v63  }
0x55f: {  	s12 =	sadd.s32 $0x300, s9;
	s13 =	simm.s32 $0x1AA00  }
0x560: {  	[hbm4b:s12+s3] =	stream.linear.scatter [tilespmem:s13], [sflag:$0x2], $0x100, $0x38;
	[tilespmem:$0x1F400] =	vst v63  }
0x561: {  	s9 =	sadd.s32 $0x380, s9;
	s20 =	simm.s32 $0x1AE00  }
0x562: {  	[hbm4b:s9+s3] =	stream.linear.scatter [tilespmem:s20], [sflag:$0x2], $0x100, $0x38;
	[tilespmem:$0x1F400] =	vst v63  }
0x563: {  	s12 =	simm.s32 $0x19300;
	s9 =	sadd.s32 s10, s17  }
0x564: {  	[hbm4b:s9+s3] =	stream.linear.scatter [tilespmem:s12], [sflag:$0x2], $0x100, $0x38;
	[tilespmem:$0x1F400] =	vst v63  }
0x565: {  	s20 =	simm.s32 $0x19700;
	s13 =	sadd.s32 $0x80, s9  }
0x566: {  	[hbm4b:s13+s3] =	stream.linear.scatter [tilespmem:s20], [sflag:$0x2], $0x100, $0x38;
	[tilespmem:$0x1F400] =	vst v63  }
0x567: {  	s13 =	sadd.s32 $0x100, s9;
	s20 =	simm.s32 $0x19B00  }
0x568: {  	[hbm4b:s13+s3] =	stream.linear.scatter [tilespmem:s20], [sflag:$0x2], $0x100, $0x38;
	[tilespmem:$0x1F400] =	vst v63  }
0x569: {  	s13 =	sadd.s32 $0x180, s9;
	s20 =	simm.s32 $0x19F00  }
0x56a: {  	[hbm4b:s13+s3] =	stream.linear.scatter [tilespmem:s20], [sflag:$0x2], $0x100, $0x38;
	[tilespmem:$0x1F400] =	vst v63  }
0x56b: {  	s13 =	sadd.s32 $0x200, s9;
	s20 =	simm.s32 $0x1A300  }
0x56c: {  	[hbm4b:s13+s3] =	stream.linear.scatter [tilespmem:s20], [sflag:$0x2], $0x100, $0x38;
	[tilespmem:$0x1F400] =	vst v63  }
0x56d: {  	s13 =	sadd.s32 $0x280, s9;
	s20 =	simm.s32 $0x1A700  }
0x56e: {  	[hbm4b:s13+s3] =	stream.linear.scatter [tilespmem:s20], [sflag:$0x2], $0x100, $0x38;
	[tilespmem:$0x1F400] =	vst v63  }
0x56f: {  	s12 =	sadd.s32 $0x300, s9;
	s13 =	simm.s32 $0x1AB00  }
0x570: {  	[hbm4b:s12+s3] =	stream.linear.scatter [tilespmem:s13], [sflag:$0x2], $0x100, $0x38;
	[tilespmem:$0x1F400] =	vst v63  }
0x571: {  	s9 =	sadd.s32 $0x380, s9;
	s20 =	simm.s32 $0x1AF00  }
0x572: {  	[hbm4b:s9+s3] =	stream.linear.scatter [tilespmem:s20], [sflag:$0x2], $0x100, $0x38;
	[tilespmem:$0x1F400] =	vst v63  }
0x573: {  	s12 =	simm.s32 $0x1B000;
	s9 =	sadd.s32 s10, s18  }
0x574: {  	[hbm4b:s9+s3] =	stream.linear.scatter [tilespmem:s12], [sflag:$0x2], $0x100, $0x38;
	[tilespmem:$0x1F400] =	vst v63  }
0x575: {  	s20 =	simm.s32 $0x1B400;
	s13 =	sadd.s32 $0x80, s9  }
0x576: {  	[hbm4b:s13+s3] =	stream.linear.scatter [tilespmem:s20], [sflag:$0x2], $0x100, $0x38;
	[tilespmem:$0x1F400] =	vst v63  }
0x577: {  	s13 =	sadd.s32 $0x100, s9;
	s20 =	simm.s32 $0x1B800  }
0x578: {  	[hbm4b:s13+s3] =	stream.linear.scatter [tilespmem:s20], [sflag:$0x2], $0x100, $0x38;
	[tilespmem:$0x1F400] =	vst v63  }
0x579: {  	s13 =	sadd.s32 $0x180, s9  }
0x57a: {  	[hbm4b:s13+s3] =	stream.linear.scatter [tilespmem:s21], [sflag:$0x2], $0x100, $0x38;
	[tilespmem:$0x1F400] =	vst v63  }
0x57b: {  	s20 =	sadd.s32 $0x200, s9  }
0x57c: {  	[hbm4b:s20+s3] =	stream.linear.scatter [tilespmem:s2], [sflag:$0x2], $0x100, $0x38;
	[tilespmem:$0x1F400] =	vst v63  }
0x57d: {  	s12 =	sadd.s32 $0x280, s9  }
0x57e: {  	[hbm4b:s12+s3] =	stream.linear.scatter [tilespmem:s22], [sflag:$0x2], $0x100, $0x38;
	[tilespmem:$0x1F400] =	vst v63  }
0x57f: {  	s13 =	sadd.s32 $0x300, s9  }
0x580: {  	[hbm4b:s13+s3] =	stream.linear.scatter [tilespmem:s23], [sflag:$0x2], $0x100, $0x38;
	[tilespmem:$0x1F400] =	vst v63  }
0x581: {  	s9 =	sadd.s32 $0x380, s9  }
0x582: {  	[hbm4b:s9+s3] =	stream.linear.scatter [tilespmem:s24], [sflag:$0x2], $0x100, $0x38;
	[tilespmem:$0x1F400] =	vst v63  }
0x583: {  	s9 =	sadd.s32 s10, s19  }
0x584: {  	[hbm4b:s9+s3] =	stream.linear.scatter [tilespmem:s25], [sflag:$0x2], $0x100, $0x38;
	[tilespmem:$0x1F400] =	vst v63  }
0x585: {  	s10 =	sadd.s32 $0x80, s9  }
0x586: {  	[hbm4b:s10+s3] =	stream.linear.scatter [tilespmem:s26], [sflag:$0x2], $0x100, $0x38;
	[tilespmem:$0x1F400] =	vst v63  }
0x587: {  	s20 =	sadd.s32 $0x100, s9  }
0x588: {  	[hbm4b:s20+s3] =	stream.linear.scatter [tilespmem:s28], [sflag:$0x2], $0x100, $0x38;
	[tilespmem:$0x1F400] =	vst v63  }
0x589: {  	s11 =	sadd.s32 $0x180, s9  }
0x58a: {  	[hbm4b:s11+s3] =	stream.linear.scatter [tilespmem:s29], [sflag:$0x2], $0x100, $0x38;
	[tilespmem:$0x1F400] =	vst v63  }
0x58b: {  	s8 =	sadd.s32 $0x1, s8;
	s12 =	sadd.s32 $0x200, s9  }
0x58c: {  	[hbm4b:s12+s3] =	stream.linear.scatter [tilespmem:s30], [sflag:$0x2], $0x100, $0x38;
	[tilespmem:$0x1F400] =	vst v63  }
0x58d: {  	p0 =	sne.s32 s8, $0x20;
	s13 =	sadd.s32 $0x280, s9  }
0x58e: {  	[hbm4b:s13+s3] =	stream.linear.scatter [tilespmem:s4], [sflag:$0x2], $0x100, $0x38;
	[tilespmem:$0x1F400] =	vst v63  }
.Ltmp18:
0x58f: {  	_ = 	snop;
	(pc) =	sbr.rel @p0 .LBB2_29-.Ltmp18, $4  }
0x590: {  	s20 =	sadd.s32 $0x300, s9  }
0x591: {  	[hbm4b:s20+s3] =	stream.linear.scatter [tilespmem:s6], [sflag:$0x2], $0x100, $0x38;
	[tilespmem:$0x1F400] =	vst v63  }
0x592: {  	s9 =	sadd.s32 $0x380, s9  }
0x593: {  	[hbm4b:s9+s3] =	stream.linear.scatter [tilespmem:s7], [sflag:$0x2], $0x100, $0x38;
	[tilespmem:$0x1F400] =	vst v63  }
0x594: {  	s8 =	simm.s32 $0x1  }
0x595: {  	_ =	swait.ge [sflag:s8], $0x800  }
0x596: {  	[sflag:s8] =	ssyncset.done $0x0  }
0x597: {  	[sflag:s8] =	ssyncadd.s32 $0xFFFFF800  }
0x598: {  	_ =	swait.ge [sflag:s8], $0x800  }
0x599: {  	[sflag:s8] =	ssyncset.done $0x0  }
0x59a: {  	[sflag:s8] =	ssyncadd.s32 $0xFFFFF800  }
0x59b: {  	_ =	swait.ge [sflag:s8], $0x800  }
0x59c: {  	[sflag:s8] =	ssyncset.done $0x0  }
0x59d: {  	[sflag:s8] =	ssyncadd.s32 $0xFFFFF800  }
0x59e: {  	_ =	swait.ge [sflag:s8], $0x800  }
0x59f: {  	[sflag:s8] =	ssyncset.done $0x0  }
0x5a0: {  	[sflag:s8] =	ssyncadd.s32 $0xFFFFF800  }
0x5a1: {  	_ =	swait.ge [sflag:s8], $0x800  }
0x5a2: {  	[sflag:s8] =	ssyncset.done $0x0  }
0x5a3: {  	[sflag:s8] =	ssyncadd.s32 $0xFFFFF800  }
0x5a4: {  	_ =	swait.ge [sflag:s8], $0x800  }
0x5a5: {  	[sflag:s8] =	ssyncset.done $0x0  }
0x5a6: {  	[sflag:s8] =	ssyncadd.s32 $0xFFFFF800  }
0x5a7: {  	_ =	swait.ge [sflag:s8], $0x800  }
0x5a8: {  	[sflag:s8] =	ssyncset.done $0x0  }
0x5a9: {  	s9 =	simm.s32 $0x2;
	[sflag:s8] =	ssyncadd.s32 $0xFFFFF800  }
0x5aa: {  	_ =	swait.ge [sflag:s9], $0x800  }
0x5ab: {  	[sflag:s9] =	ssyncset.done $0x0  }
0x5ac: {  	[sflag:s9] =	ssyncadd.s32 $0xFFFFF800  }
0x5ad: {  	_ =	swait.ge [sflag:s9], $0x800  }
0x5ae: {  	[sflag:s9] =	ssyncset.done $0x0  }
0x5af: {  	[sflag:s9] =	ssyncadd.s32 $0xFFFFF800  }
0x5b0: {  	_ =	swait.ge [sflag:s9], $0x800  }
0x5b1: {  	[sflag:s9] =	ssyncset.done $0x0  }
0x5b2: {  	[sflag:s9] =	ssyncadd.s32 $0xFFFFF800  }
0x5b3: {  	_ =	swait.ge [sflag:s9], $0x800  }
0x5b4: {  	[sflag:s9] =	ssyncset.done $0x0  }
0x5b5: {  	[sflag:s9] =	ssyncadd.s32 $0xFFFFF800  }
0x5b6: {  	_ =	swait.ge [sflag:s9], $0x800  }
0x5b7: {  	[sflag:s9] =	ssyncset.done $0x0  }
0x5b8: {  	[sflag:s9] =	ssyncadd.s32 $0xFFFFF800  }
0x5b9: {  	_ =	swait.ge [sflag:s9], $0x800  }
0x5ba: {  	[sflag:s9] =	ssyncset.done $0x0  }
0x5bb: {  	[sflag:s9] =	ssyncadd.s32 $0xFFFFF800  }
0x5bc: {  	_ =	swait.ge [sflag:s9], $0x800  }
0x5bd: {  	s10 =	rddreg [dreg:$0x14]  }
0x5be: {  	s20 =	rddreg [dreg:$0x13];
	s10 =	sadd.s32 $0x1, s10  }
0x5bf: {  	p0 =	sne.s32 s10, s20  }
.Ltmp19:
0x5c0: {  	_ = 	snop;
	(pc) =	sbr.rel @p0 .LBB2_1-.Ltmp19, $3  }
0x5c1: {  	_ =	sdelay $0x1  }
0x5c2: {  	[sflag:s9] =	ssyncset.done $0x0  }
0x5c3: {  	[sflag:s9] =	ssyncadd.s32 $0xFFFFF800  }
0x5c4: {  	_ =	sfence.sel $0x180000  }
0x5c5: {  	[bflag:$0x0] =	sbarrier.arrive $0xFFFF  }
0x5c6: {  	_ =	strace $0x90000047  }
0x5c7: {  	s0 =	stileid.u32;
	[bflag:$0x2] =	sbarrier.arrive $0xFFFF  }
0x5c8: {  	p0 =	sne.s32 s0, $0x0;
	s0 =	rddreg [dreg:$0x9]  }
0x5c9: {  	s0 =	sadd.s32 @!p0 $0x100000, s0  }
0x5ca: {  	[sflag:s0] =	ssyncadd.tile.s32 @!p0 $0x1;
	_ =	shalt  }
.Lfunc_end2:
_tile_overlayer_lowered:
.L_overlay_start_2:
0x5cb: {  	(tag) =	ssettag $0x2  }
0x5cc: {  	s0 =	rddreg [dreg:$0x0];
	s2 =	stileid.u32  }
0x5cd: {  	s1 =	rddreg [dreg:$0x1];
	p0 =	sne.s32 s2, $0x0  }
0x5ce: {  	s3 =	rddreg [dreg:$0x2];
	[bflag:$0x3] =	sbarrier.arrive $0xFFFF;
	s2 =	simm.s32 @!p0 $0x1C03  }
0x5cf: {  	[timem:s3], [sflag:s2] =	dma.local @!p0 [hbm:s0], s1  }
0x5d0: {  	s0 =	simm.s32 @!p0 $0x3  }
0x5d1: {  	_ =	swait.ge @!p0 [sflag:s0], s1  }
0x5d2: {  	s1 =	ssub.s32 @!p0 $0x0, s1;
	[sflag:s0] =	ssyncset.done @!p0 $0x0  }
0x5d3: {  	[sflag:s0] =	ssyncadd.s32 @!p0 s1  }
0x5d4: {  	[bflag:$0x3] =	sbarrier.arrive $0xFFFF  }
0x5d5: {  	_ =	shalt  }

</sc_bundles>
